<compile_context>
chip_gen: v7x
topology: tpu7x:2x2x1
jax: 0.10.2.dev20260603
libtpu: 0.0.44.dev20260713+nightly
codegen_flags: <defaults>
</compile_context>

<pallas_src>
import functools

import jax
import jax.numpy as jnp
from jax import lax
from jax.experimental import pallas as pl
from jax.experimental.pallas import tpu as pltpu
from jax.experimental.pallas import tpu_sc as plsc

_NC = 2
_NS = 16
_NW = _NC * _NS

_B = 80
_CBS = 25
_RPW = 640
_ZC = 80
_NPAD = _NS * _RPW


def _scatter_kernel(d, n_chunks):
    def body(x_hbm, src_hbm, dst_hbm, rowidx_hbm, zrow_hbm, s_out,
             src_v, dst_v, ridx_v, rows0_v, rows1_v,
             shared_s, sem_g0, sem_g1, sem_s0, sem_s1):
        cid = lax.axis_index("c")
        sid = lax.axis_index("s")
        wid = sid * _NC + cid
        r0 = pl.multiple_of(sid * _RPW, 8)
        rows = (rows0_v, rows1_v)
        sem_g = (sem_g0, sem_g1)
        sem_s = (sem_s0, sem_s1)

        pltpu.sync_copy(rowidx_hbm.at[sid], ridx_v)
        pltpu.sync_copy(zrow_hbm, rows0_v)
        for t in range(_RPW // _ZC):
            pltpu.sync_copy(rows0_v, shared_s.at[ridx_v.at[t]])
        plsc.subcore_barrier()

        def block(b, carry):
            pltpu.sync_copy(src_hbm.at[wid, b], src_v)
            pltpu.sync_copy(dst_hbm.at[wid, b], dst_v)
            gd = [None, None]
            sd = [None, None]
            gd[0] = pltpu.async_copy(x_hbm.at[src_v.at[0]], rows[0],
                                     sem_g[0])
            for j in range(_CBS):
                p = j % 2
                gd[p].wait()
                if j + 1 < _CBS:
                    q = (j + 1) % 2
                    if sd[q] is not None:
                        sd[q].wait()
                    gd[q] = pltpu.async_copy(x_hbm.at[src_v.at[j + 1]],
                                             rows[q], sem_g[q])
                sd[p] = pltpu.async_copy(rows[p],
                                         shared_s.at[dst_v.at[j]],
                                         sem_s[p], add=True)
            for p in range(2):
                if sd[p] is not None:
                    sd[p].wait()
            return carry

        lax.fori_loop(0, n_chunks // _CBS, block, 0)
        plsc.subcore_barrier()

        for t in range(_RPW // _ZC):
            rs = pl.multiple_of(r0 + t * _ZC, 8)
            pltpu.async_copy(shared_s.at[ridx_v.at[t]], rows0_v,
                             sem_g0).wait()
            pltpu.sync_copy(rows0_v, s_out.at[cid, pl.ds(rs, _ZC)])

    return pl.kernel(
        body,
        out_type=jax.ShapeDtypeStruct((_NC, _NPAD, d), jnp.float32),
        mesh=plsc.VectorSubcoreMesh(core_axis_name="c", subcore_axis_name="s"),
        scratch_types=(
            pltpu.VMEM((_CBS, _B), jnp.int32),
            pltpu.VMEM((_CBS, _B), jnp.int32),
            pltpu.VMEM((_RPW // _ZC, _ZC), jnp.int32),
            pltpu.VMEM((_B, d), jnp.float32),
            pltpu.VMEM((_B, d), jnp.float32),
            pltpu.VMEM_SHARED((_NPAD, d), jnp.float32),
            pltpu.SemaphoreType.DMA,
            pltpu.SemaphoreType.DMA,
            pltpu.SemaphoreType.DMA,
            pltpu.SemaphoreType.DMA,
        ),
    )


def _deg_kernel(d, n_chunks):
    def body(dst_hbm, rowidx_hbm, zrow_hbm, ones_hbm, deg_out,
             dst_v, ridx_v, rows_v, ones_v, shared_deg, sem):
        cid = lax.axis_index("c")
        sid = lax.axis_index("s")
        wid = sid * _NC + cid
        r0 = pl.multiple_of(sid * _RPW, 8)

        pltpu.sync_copy(rowidx_hbm.at[sid], ridx_v)
        pltpu.sync_copy(zrow_hbm, rows_v)
        for t in range(_RPW // _ZC):
            pltpu.sync_copy(rows_v, shared_deg.at[ridx_v.at[t]])
        pltpu.sync_copy(ones_hbm, ones_v)
        plsc.subcore_barrier()

        def block(b, carry):
            pltpu.sync_copy(dst_hbm.at[wid, b], dst_v)
            for g in range(_CBS // 5):
                descs = [
                    pltpu.async_copy(ones_v,
                                     shared_deg.at[dst_v.at[5 * g + j]],
                                     sem, add=True)
                    for j in range(5)
                ]
                for dsc in descs:
                    dsc.wait()
            return carry

        lax.fori_loop(0, n_chunks // _CBS, block, 0)
        plsc.subcore_barrier()

        for t in range(_RPW // _ZC):
            rs = pl.multiple_of(r0 + t * _ZC, 8)
            pltpu.async_copy(shared_deg.at[ridx_v.at[t]], rows_v,
                             sem).wait()
            pltpu.sync_copy(rows_v, deg_out.at[cid, pl.ds(rs, _ZC)])

    return pl.kernel(
        body,
        out_type=jax.ShapeDtypeStruct((_NC, _NPAD, d), jnp.float32),
        mesh=plsc.VectorSubcoreMesh(core_axis_name="c", subcore_axis_name="s"),
        scratch_types=(
            pltpu.VMEM((_CBS, _B), jnp.int32),
            pltpu.VMEM((_RPW // _ZC, _ZC), jnp.int32),
            pltpu.VMEM((_B, d), jnp.float32),
            pltpu.VMEM((_B, d), jnp.float32),
            pltpu.VMEM_SHARED((_NPAD, d), jnp.float32),
            pltpu.SemaphoreType.DMA,
        ),
    )


def _leaky(t):
    return jnp.where(t >= 0, t, 0.01 * t)


def _dense_body(x_ref, s_ref, deg_ref, wself_ref, wnbr_ref, bg_ref, w1_ref,
                b1_ref, w2_ref, b2_ref, wk_ref, bk_ref, ww_ref, bw_ref,
                z_ref, keys_ref, wout_ref):
    x = x_ref[...]
    s = s_ref[0] + s_ref[1]
    deg = deg_ref[0, :, 0:1] + deg_ref[1, :, 0:1]
    agg = s / jnp.maximum(deg, 1.0)
    dot = functools.partial(jnp.dot, preferred_element_type=jnp.float32)
    h = dot(x, wself_ref[...]) + dot(agg, wnbr_ref[...]) + bg_ref[...]
    z1 = dot(_leaky(h), w1_ref[...]) + b1_ref[...]
    z_ref[...] = dot(_leaky(z1), w2_ref[...]) + b2_ref[...]
    keys_ref[...] = dot(x, wk_ref[...]) + bk_ref[...]
    wout_ref[...] = dot(x, ww_ref[...]) + bw_ref[...]


def kernel(x, edge, W_self, W_nbr, b_gnn, W1, b1, W2, b2, Wk, bk, Ww, bw):
    n, d = x.shape
    e = edge.shape[1]
    epw = e // _NW
    assert e % _NW == 0 and epw % (_B * _CBS) == 0
    assert n <= _NPAD
    n_chunks = epw // _B

    src_rs = edge[0].reshape(_NW, n_chunks // _CBS, _CBS, _B)
    dst_rs = edge[1].reshape(_NW, n_chunks // _CBS, _CBS, _B)
    rowidx = jnp.arange(_NPAD, dtype=jnp.int32).reshape(
        _NS, _RPW // _ZC, _ZC)
    zrow = jnp.zeros((_ZC, d), jnp.float32)
    ones = jnp.ones((_B, d), jnp.float32)

    s_part = _scatter_kernel(d, n_chunks)(x, src_rs, dst_rs, rowidx, zrow)
    deg_part = _deg_kernel(d, n_chunks)(dst_rs, rowidx, zrow, ones)

    d_z = W2.shape[1]
    blk = 1000
    grid = (n // blk,)
    full = lambda a: pl.BlockSpec(a.shape, lambda i: (0,) * a.ndim)
    z, keys, wout = pl.pallas_call(
        _dense_body,
        grid=grid,
        in_specs=[
            pl.BlockSpec((blk, d), lambda i: (i, 0)),
            pl.BlockSpec((_NC, blk, d), lambda i: (0, i, 0)),
            pl.BlockSpec((_NC, blk, d), lambda i: (0, i, 0)),
            full(W_self), full(W_nbr),
            pl.BlockSpec((1, d), lambda i: (0, 0)),
            full(W1),
            pl.BlockSpec((1, d), lambda i: (0, 0)),
            full(W2),
            pl.BlockSpec((1, d_z), lambda i: (0, 0)),
            full(Wk),
            pl.BlockSpec((1, d_z), lambda i: (0, 0)),
            full(Ww),
            pl.BlockSpec((1, 1), lambda i: (0, 0)),
        ],
        out_specs=[
            pl.BlockSpec((blk, d_z), lambda i: (i, 0)),
            pl.BlockSpec((blk, d_z), lambda i: (i, 0)),
            pl.BlockSpec((blk, 1), lambda i: (i, 0)),
        ],
        out_shape=[
            jax.ShapeDtypeStruct((n, d_z), jnp.float32),
            jax.ShapeDtypeStruct((n, d_z), jnp.float32),
            jax.ShapeDtypeStruct((n, 1), jnp.float32),
        ],
    )(x, s_part, deg_part, W_self, W_nbr, b_gnn.reshape(1, d), W1,
      b1.reshape(1, d), W2, b2.reshape(1, d_z), Wk, bk.reshape(1, d_z), Ww,
      bw.reshape(1, 1))
    return (z, keys, wout)

# --- scband reference (transcript-rebuilt; emitter-appended) ---
"""Pipeline reference for scband-gnnencoder-70531952935634 (READ-ONLY COPY).

The authoritative reference and input builder live on the scoring server;
editing this copy changes nothing except your own understanding.
"""

import jax, jax.numpy as jnp
import numpy as np

N = 10000
E = 320000
D_IN = 128
D_H = 128
D_Z = 64


def setup_inputs(seed: int = 0) -> dict:
    key = jax.random.key(seed)
    ks = jax.random.split(key, 13)
    x = jax.random.normal(ks[0], (N, D_IN), dtype=jnp.float32)
    edge = jax.random.randint(ks[1], (2, E), 0, N, dtype=jnp.int32)
    s_in = 1.0 / np.sqrt(D_IN)
    s_h = 1.0 / np.sqrt(D_H)
    W_self = jax.random.normal(ks[2], (D_IN, D_H), dtype=jnp.float32) * s_in
    W_nbr = jax.random.normal(ks[3], (D_IN, D_H), dtype=jnp.float32) * s_in
    b_gnn = jax.random.normal(ks[4], (D_H,), dtype=jnp.float32) * s_in
    W1 = jax.random.normal(ks[5], (D_H, D_H), dtype=jnp.float32) * s_h
    b1 = jax.random.normal(ks[6], (D_H,), dtype=jnp.float32) * s_h
    W2 = jax.random.normal(ks[7], (D_H, D_Z), dtype=jnp.float32) * s_h
    b2 = jax.random.normal(ks[8], (D_Z,), dtype=jnp.float32) * s_h
    Wk = jax.random.normal(ks[9], (D_IN, D_Z), dtype=jnp.float32) * s_in
    bk = jax.random.normal(ks[10], (D_Z,), dtype=jnp.float32) * s_in
    Ww = jax.random.normal(ks[11], (D_IN, 1), dtype=jnp.float32) * s_in
    bw = jax.random.normal(ks[12], (1,), dtype=jnp.float32) * s_in
    return {"x": x, "edge": edge, "W_self": W_self, "W_nbr": W_nbr, "b_gnn": b_gnn,
            "W1": W1, "b1": b1, "W2": W2, "b2": b2, "Wk": Wk, "bk": bk, "Ww": Ww, "bw": bw}


def _act(t):
    return jax.nn.leaky_relu(t, negative_slope=0.01)


def reference(x, edge, W_self, W_nbr, b_gnn, W1, b1, W2, b2, Wk, bk, Ww, bw):
    src = edge[0]
    dst = edge[1]
    # gnn: mean-aggregation SAGE-style conv (x, edge) -> hidden
    msgs = jnp.take(x, src, axis=0)
    agg = jax.ops.segment_sum(msgs, dst, num_segments=N)
    deg = jax.ops.segment_sum(jnp.ones((E,), dtype=x.dtype), dst, num_segments=N)
    agg = agg / jnp.clip(deg, 1.0)[:, None]
    h = x @ W_self + agg @ W_nbr + b_gnn
    # mlp: act -> Linear(hidden,hidden) -> act -> Linear(hidden,latent)
    z = _act(h) @ W1 + b1
    z = _act(z) @ W2 + b2
    keys = x @ Wk + bk
    weights = x @ Ww + bw
    return (z, keys, weights)

if __name__ == "__main__":
    import jax
    _d = setup_inputs()
    print(jax.jit(kernel)(*tuple(_d.values())))

</pallas_src>

<mosaic_0001>
#map = affine_map<(d0, d1) -> (0, 0)>
#map1 = affine_map<(d0, d1) -> (0, 0, 0, 0)>
#map2 = affine_map<(d0, d1) -> (0, 0, 0)>
module attributes {stable_mosaic.version = 14 : i64} {
  func.func @body(%arg0: i32, %arg1: i32, %arg2: memref<10000x128xf32, #tpu.memory_space<hbm>>, %arg3: memref<32x5x25x80xi32, #tpu.memory_space<hbm>>, %arg4: memref<32x5x25x80xi32, #tpu.memory_space<hbm>>, %arg5: memref<16x8x80xi32, #tpu.memory_space<hbm>>, %arg6: memref<80x128xf32, #tpu.memory_space<hbm>>, %arg7: memref<2x10240x128xf32, #tpu.memory_space<hbm>>, %arg8: memref<25x80xi32, #tpu.memory_space<vmem>>, %arg9: memref<25x80xi32, #tpu.memory_space<vmem>>, %arg10: memref<8x80xi32, #tpu.memory_space<vmem>>, %arg11: memref<80x128xf32, #tpu.memory_space<vmem>>, %arg12: memref<80x128xf32, #tpu.memory_space<vmem>>, %arg13: memref<10240x128xf32, #tpu.memory_space<vmem_shared>>, %arg14: memref<!tpu.dma_semaphore, #tpu.memory_space<semaphore_mem>>, %arg15: memref<!tpu.dma_semaphore, #tpu.memory_space<semaphore_mem>>, %arg16: memref<!tpu.dma_semaphore, #tpu.memory_space<semaphore_mem>>, %arg17: memref<!tpu.dma_semaphore, #tpu.memory_space<semaphore_mem>>) attributes {dimension_semantics = [#tpu.dimension_semantics<core_parallel>, #tpu.dimension_semantics<subcore_parallel>], iteration_bounds = array<i64: 2, 16>, scalar_prefetch = 0 : i64, scratch_operands = 10 : i64, tpu.core_type = #tpu.core_type<sc_vector_subcore>, window_params = [{transform_indices = #map}, {transform_indices = #map1}, {transform_indices = #map1}, {transform_indices = #map2}, {transform_indices = #map}, {transform_indices = #map2}]} {
    %mul3A = arith.constant 2 : i32
    %mul3A_0 = arith.muli %arg1, %mul3A : i32
    %add3A = arith.addi %mul3A_0, %arg0 : i32
    %mul3A_1 = arith.constant 640 : i32
    %mul3A_2 = arith.muli %arg1, %mul3A_1 : i32
    %multiple_of3A = tpu.assume_multiple %mul3A_2, 8 : i32
    "tpu.region"() ({
      %run_scoped3A_150 = tpu.sem_alloc : memref<!tpu.dma_semaphore, #tpu.memory_space<semaphore_mem>>
      %dma_start3A_151 = arith.constant 0 : i32
      %dma_start3A_152 = arith.constant 0 : i32
      %dma_start3A_153 = tpu.memref_slice %arg5[%arg1, %dma_start3A_151, %dma_start3A_152] : memref<16x8x80xi32, #tpu.memory_space<hbm>> -> memref<1x8x80xi32, #tpu.memory_space<hbm>>
      %dma_start3A_154 = tpu.memref_squeeze %dma_start3A_153 : memref<1x8x80xi32, #tpu.memory_space<hbm>> -> memref<8x80xi32, #tpu.memory_space<hbm>>
      %dma_start3A_155 = arith.constant 0 : i32
      %dma_start3A_156 = arith.constant 0 : i32
      %dma_start3A_157 = tpu.memref_slice %arg5[%arg1, %dma_start3A_155, %dma_start3A_156] : memref<16x8x80xi32, #tpu.memory_space<hbm>> -> memref<1x8x80xi32, #tpu.memory_space<hbm>>
      %dma_start3A_158 = tpu.memref_squeeze %dma_start3A_157 : memref<1x8x80xi32, #tpu.memory_space<hbm>> -> memref<8x80xi32, #tpu.memory_space<hbm>>
      tpu.enqueue_dma source(%dma_start3A_158 : memref<8x80xi32, #tpu.memory_space<hbm>>) target(%arg10 : memref<8x80xi32, #tpu.memory_space<vmem>>) target_semaphore(%run_scoped3A_150 : memref<!tpu.dma_semaphore, #tpu.memory_space<semaphore_mem>>)
      %dma_wait3A_159 = arith.constant 0 : i32
      %dma_wait3A_160 = arith.constant 0 : i32
      %dma_wait3A_161 = tpu.memref_slice %arg5[%arg1, %dma_wait3A_159, %dma_wait3A_160] : memref<16x8x80xi32, #tpu.memory_space<hbm>> -> memref<1x8x80xi32, #tpu.memory_space<hbm>>
      %dma_wait3A_162 = tpu.memref_squeeze %dma_wait3A_161 : memref<1x8x80xi32, #tpu.memory_space<hbm>> -> memref<8x80xi32, #tpu.memory_space<hbm>>
      %dma_wait3A_163 = arith.constant 0 : i32
      %dma_wait3A_164 = arith.constant 0 : i32
      %dma_wait3A_165 = tpu.memref_slice %arg5[%arg1, %dma_wait3A_163, %dma_wait3A_164] : memref<16x8x80xi32, #tpu.memory_space<hbm>> -> memref<1x8x80xi32, #tpu.memory_space<hbm>>
      %dma_wait3A_166 = tpu.memref_squeeze %dma_wait3A_165 : memref<1x8x80xi32, #tpu.memory_space<hbm>> -> memref<8x80xi32, #tpu.memory_space<hbm>>
      tpu.wait_dma2 semaphore(%run_scoped3A_150 : memref<!tpu.dma_semaphore, #tpu.memory_space<semaphore_mem>>) src(%dma_wait3A_166 : memref<8x80xi32, #tpu.memory_space<hbm>>) dst(%arg10 : memref<8x80xi32, #tpu.memory_space<vmem>>)
      tpu.yield
    }) : () -> ()
    "tpu.region"() ({
      %run_scoped3A_150 = tpu.sem_alloc : memref<!tpu.dma_semaphore, #tpu.memory_space<semaphore_mem>>
      tpu.enqueue_dma source(%arg6 : memref<80x128xf32, #tpu.memory_space<hbm>>) target(%arg11 : memref<80x128xf32, #tpu.memory_space<vmem>>) target_semaphore(%run_scoped3A_150 : memref<!tpu.dma_semaphore, #tpu.memory_space<semaphore_mem>>)
      tpu.wait_dma2 semaphore(%run_scoped3A_150 : memref<!tpu.dma_semaphore, #tpu.memory_space<semaphore_mem>>) src(%arg6 : memref<80x128xf32, #tpu.memory_space<hbm>>) dst(%arg11 : memref<80x128xf32, #tpu.memory_space<vmem>>)
      tpu.yield
    }) : () -> ()
    %run_scoped3A = arith.constant 0 : i32
    "tpu.region"() ({
      %run_scoped3A_150 = tpu.sem_alloc : memref<!tpu.dma_semaphore, #tpu.memory_space<semaphore_mem>>
      %dma_start3A_151 = arith.constant 0 : i32
      %dma_start3A_152 = tpu.memref_slice %arg10[%run_scoped3A, %dma_start3A_151] : memref<8x80xi32, #tpu.memory_space<vmem>> -> memref<1x80xi32, #tpu.memory_space<vmem>>
      %dma_start3A_153 = tpu.memref_squeeze %dma_start3A_152 : memref<1x80xi32, #tpu.memory_space<vmem>> -> memref<80xi32, #tpu.memory_space<vmem>>
      %dma_start3A_154 = arith.constant 0 : i32
      %dma_start3A_155 = arith.constant 0 : i32
      %dma_start3A_156 = tpu.memref_slice %arg13[%dma_start3A_154, %dma_start3A_155] : memref<10240x128xf32, #tpu.memory_space<vmem_shared>> -> memref<10240x128xf32, #tpu.memory_space<vmem_shared>>
      tpu.enqueue_indirect_dma source(%arg11 : memref<80x128xf32, #tpu.memory_space<vmem>>) target(%dma_start3A_156 : memref<10240x128xf32, #tpu.memory_space<vmem_shared>>) offsets(%dma_start3A_153 : memref<80xi32, #tpu.memory_space<vmem>>) semaphore(%run_scoped3A_150 : memref<!tpu.dma_semaphore, #tpu.memory_space<semaphore_mem>>)
      %dma_wait3A_157 = arith.constant 0 : i32
      %dma_wait3A_158 = tpu.memref_slice %arg10[%run_scoped3A, %dma_wait3A_157] : memref<8x80xi32, #tpu.memory_space<vmem>> -> memref<1x80xi32, #tpu.memory_space<vmem>>
      %dma_wait3A_159 = tpu.memref_squeeze %dma_wait3A_158 : memref<1x80xi32, #tpu.memory_space<vmem>> -> memref<80xi32, #tpu.memory_space<vmem>>
      %dma_wait3A_160 = arith.constant 0 : i32
      %dma_wait3A_161 = arith.constant 0 : i32
      %dma_wait3A_162 = tpu.memref_slice %arg13[%dma_wait3A_160, %dma_wait3A_161] : memref<10240x128xf32, #tpu.memory_space<vmem_shared>> -> memref<10240x128xf32, #tpu.memory_space<vmem_shared>>
      tpu.wait_indirect_dma semaphore(%run_scoped3A_150 : memref<!tpu.dma_semaphore, #tpu.memory_space<semaphore_mem>>) src(%arg11 : memref<80x128xf32, #tpu.memory_space<vmem>>) dst(%dma_wait3A_162 : memref<10240x128xf32, #tpu.memory_space<vmem_shared>>)
      tpu.yield
    }) : () -> ()
    %run_scoped3A_3 = arith.constant 1 : i32
    "tpu.region"() ({
      %run_scoped3A_150 = tpu.sem_alloc : memref<!tpu.dma_semaphore, #tpu.memory_space<semaphore_mem>>
      %dma_start3A_151 = arith.constant 0 : i32
      %dma_start3A_152 = tpu.memref_slice %arg10[%run_scoped3A_3, %dma_start3A_151] : memref<8x80xi32, #tpu.memory_space<vmem>> -> memref<1x80xi32, #tpu.memory_space<vmem>>
      %dma_start3A_153 = tpu.memref_squeeze %dma_start3A_152 : memref<1x80xi32, #tpu.memory_space<vmem>> -> memref<80xi32, #tpu.memory_space<vmem>>
      %dma_start3A_154 = arith.constant 0 : i32
      %dma_start3A_155 = arith.constant 0 : i32
      %dma_start3A_156 = tpu.memref_slice %arg13[%dma_start3A_154, %dma_start3A_155] : memref<10240x128xf32, #tpu.memory_space<vmem_shared>> -> memref<10240x128xf32, #tpu.memory_space<vmem_shared>>
      tpu.enqueue_indirect_dma source(%arg11 : memref<80x128xf32, #tpu.memory_space<vmem>>) target(%dma_start3A_156 : memref<10240x128xf32, #tpu.memory_space<vmem_shared>>) offsets(%dma_start3A_153 : memref<80xi32, #tpu.memory_space<vmem>>) semaphore(%run_scoped3A_150 : memref<!tpu.dma_semaphore, #tpu.memory_space<semaphore_mem>>)
      %dma_wait3A_157 = arith.constant 0 : i32
      %dma_wait3A_158 = tpu.memref_slice %arg10[%run_scoped3A_3, %dma_wait3A_157] : memref<8x80xi32, #tpu.memory_space<vmem>> -> memref<1x80xi32, #tpu.memory_space<vmem>>
      %dma_wait3A_159 = tpu.memref_squeeze %dma_wait3A_158 : memref<1x80xi32, #tpu.memory_space<vmem>> -> memref<80xi32, #tpu.memory_space<vmem>>
      %dma_wait3A_160 = arith.constant 0 : i32
      %dma_wait3A_161 = arith.constant 0 : i32
      %dma_wait3A_162 = tpu.memref_slice %arg13[%dma_wait3A_160, %dma_wait3A_161] : memref<10240x128xf32, #tpu.memory_space<vmem_shared>> -> memref<10240x128xf32, #tpu.memory_space<vmem_shared>>
      tpu.wait_indirect_dma semaphore(%run_scoped3A_150 : memref<!tpu.dma_semaphore, #tpu.memory_space<semaphore_mem>>) src(%arg11 : memref<80x128xf32, #tpu.memory_space<vmem>>) dst(%dma_wait3A_162 : memref<10240x128xf32, #tpu.memory_space<vmem_shared>>)
      tpu.yield
    }) : () -> ()
    %run_scoped3A_4 = arith.constant 2 : i32
    "tpu.region"() ({
      %run_scoped3A_150 = tpu.sem_alloc : memref<!tpu.dma_semaphore, #tpu.memory_space<semaphore_mem>>
      %dma_start3A_151 = arith.constant 0 : i32
      %dma_start3A_152 = tpu.memref_slice %arg10[%run_scoped3A_4, %dma_start3A_151] : memref<8x80xi32, #tpu.memory_space<vmem>> -> memref<1x80xi32, #tpu.memory_space<vmem>>
      %dma_start3A_153 = tpu.memref_squeeze %dma_start3A_152 : memref<1x80xi32, #tpu.memory_space<vmem>> -> memref<80xi32, #tpu.memory_space<vmem>>
      %dma_start3A_154 = arith.constant 0 : i32
      %dma_start3A_155 = arith.constant 0 : i32
      %dma_start3A_156 = tpu.memref_slice %arg13[%dma_start3A_154, %dma_start3A_155] : memref<10240x128xf32, #tpu.memory_space<vmem_shared>> -> memref<10240x128xf32, #tpu.memory_space<vmem_shared>>
      tpu.enqueue_indirect_dma source(%arg11 : memref<80x128xf32, #tpu.memory_space<vmem>>) target(%dma_start3A_156 : memref<10240x128xf32, #tpu.memory_space<vmem_shared>>) offsets(%dma_start3A_153 : memref<80xi32, #tpu.memory_space<vmem>>) semaphore(%run_scoped3A_150 : memref<!tpu.dma_semaphore, #tpu.memory_space<semaphore_mem>>)
      %dma_wait3A_157 = arith.constant 0 : i32
      %dma_wait3A_158 = tpu.memref_slice %arg10[%run_scoped3A_4, %dma_wait3A_157] : memref<8x80xi32, #tpu.memory_space<vmem>> -> memref<1x80xi32, #tpu.memory_space<vmem>>
      %dma_wait3A_159 = tpu.memref_squeeze %dma_wait3A_158 : memref<1x80xi32, #tpu.memory_space<vmem>> -> memref<80xi32, #tpu.memory_space<vmem>>
      %dma_wait3A_160 = arith.constant 0 : i32
      %dma_wait3A_161 = arith.constant 0 : i32
      %dma_wait3A_162 = tpu.memref_slice %arg13[%dma_wait3A_160, %dma_wait3A_161] : memref<10240x128xf32, #tpu.memory_space<vmem_shared>> -> memref<10240x128xf32, #tpu.memory_space<vmem_shared>>
      tpu.wait_indirect_dma semaphore(%run_scoped3A_150 : memref<!tpu.dma_semaphore, #tpu.memory_space<semaphore_mem>>) src(%arg11 : memref<80x128xf32, #tpu.memory_space<vmem>>) dst(%dma_wait3A_162 : memref<10240x128xf32, #tpu.memory_space<vmem_shared>>)
      tpu.yield
    }) : () -> ()
    %run_scoped3A_5 = arith.constant 3 : i32
    "tpu.region"() ({
      %run_scoped3A_150 = tpu.sem_alloc : memref<!tpu.dma_semaphore, #tpu.memory_space<semaphore_mem>>
      %dma_start3A_151 = arith.constant 0 : i32
      %dma_start3A_152 = tpu.memref_slice %arg10[%run_scoped3A_5, %dma_start3A_151] : memref<8x80xi32, #tpu.memory_space<vmem>> -> memref<1x80xi32, #tpu.memory_space<vmem>>
      %dma_start3A_153 = tpu.memref_squeeze %dma_start3A_152 : memref<1x80xi32, #tpu.memory_space<vmem>> -> memref<80xi32, #tpu.memory_space<vmem>>
      %dma_start3A_154 = arith.constant 0 : i32
      %dma_start3A_155 = arith.constant 0 : i32
      %dma_start3A_156 = tpu.memref_slice %arg13[%dma_start3A_154, %dma_start3A_155] : memref<10240x128xf32, #tpu.memory_space<vmem_shared>> -> memref<10240x128xf32, #tpu.memory_space<vmem_shared>>
      tpu.enqueue_indirect_dma source(%arg11 : memref<80x128xf32, #tpu.memory_space<vmem>>) target(%dma_start3A_156 : memref<10240x128xf32, #tpu.memory_space<vmem_shared>>) offsets(%dma_start3A_153 : memref<80xi32, #tpu.memory_space<vmem>>) semaphore(%run_scoped3A_150 : memref<!tpu.dma_semaphore, #tpu.memory_space<semaphore_mem>>)
      %dma_wait3A_157 = arith.constant 0 : i32
      %dma_wait3A_158 = tpu.memref_slice %arg10[%run_scoped3A_5, %dma_wait3A_157] : memref<8x80xi32, #tpu.memory_space<vmem>> -> memref<1x80xi32, #tpu.memory_space<vmem>>
      %dma_wait3A_159 = tpu.memref_squeeze %dma_wait3A_158 : memref<1x80xi32, #tpu.memory_space<vmem>> -> memref<80xi32, #tpu.memory_space<vmem>>
      %dma_wait3A_160 = arith.constant 0 : i32
      %dma_wait3A_161 = arith.constant 0 : i32
      %dma_wait3A_162 = tpu.memref_slice %arg13[%dma_wait3A_160, %dma_wait3A_161] : memref<10240x128xf32, #tpu.memory_space<vmem_shared>> -> memref<10240x128xf32, #tpu.memory_space<vmem_shared>>
      tpu.wait_indirect_dma semaphore(%run_scoped3A_150 : memref<!tpu.dma_semaphore, #tpu.memory_space<semaphore_mem>>) src(%arg11 : memref<80x128xf32, #tpu.memory_space<vmem>>) dst(%dma_wait3A_162 : memref<10240x128xf32, #tpu.memory_space<vmem_shared>>)
      tpu.yield
    }) : () -> ()
    %run_scoped3A_6 = arith.constant 4 : i32
    "tpu.region"() ({
      %run_scoped3A_150 = tpu.sem_alloc : memref<!tpu.dma_semaphore, #tpu.memory_space<semaphore_mem>>
      %dma_start3A_151 = arith.constant 0 : i32
      %dma_start3A_152 = tpu.memref_slice %arg10[%run_scoped3A_6, %dma_start3A_151] : memref<8x80xi32, #tpu.memory_space<vmem>> -> memref<1x80xi32, #tpu.memory_space<vmem>>
      %dma_start3A_153 = tpu.memref_squeeze %dma_start3A_152 : memref<1x80xi32, #tpu.memory_space<vmem>> -> memref<80xi32, #tpu.memory_space<vmem>>
      %dma_start3A_154 = arith.constant 0 : i32
      %dma_start3A_155 = arith.constant 0 : i32
      %dma_start3A_156 = tpu.memref_slice %arg13[%dma_start3A_154, %dma_start3A_155] : memref<10240x128xf32, #tpu.memory_space<vmem_shared>> -> memref<10240x128xf32, #tpu.memory_space<vmem_shared>>
      tpu.enqueue_indirect_dma source(%arg11 : memref<80x128xf32, #tpu.memory_space<vmem>>) target(%dma_start3A_156 : memref<10240x128xf32, #tpu.memory_space<vmem_shared>>) offsets(%dma_start3A_153 : memref<80xi32, #tpu.memory_space<vmem>>) semaphore(%run_scoped3A_150 : memref<!tpu.dma_semaphore, #tpu.memory_space<semaphore_mem>>)
      %dma_wait3A_157 = arith.constant 0 : i32
      %dma_wait3A_158 = tpu.memref_slice %arg10[%run_scoped3A_6, %dma_wait3A_157] : memref<8x80xi32, #tpu.memory_space<vmem>> -> memref<1x80xi32, #tpu.memory_space<vmem>>
      %dma_wait3A_159 = tpu.memref_squeeze %dma_wait3A_158 : memref<1x80xi32, #tpu.memory_space<vmem>> -> memref<80xi32, #tpu.memory_space<vmem>>
      %dma_wait3A_160 = arith.constant 0 : i32
      %dma_wait3A_161 = arith.constant 0 : i32
      %dma_wait3A_162 = tpu.memref_slice %arg13[%dma_wait3A_160, %dma_wait3A_161] : memref<10240x128xf32, #tpu.memory_space<vmem_shared>> -> memref<10240x128xf32, #tpu.memory_space<vmem_shared>>
      tpu.wait_indirect_dma semaphore(%run_scoped3A_150 : memref<!tpu.dma_semaphore, #tpu.memory_space<semaphore_mem>>) src(%arg11 : memref<80x128xf32, #tpu.memory_space<vmem>>) dst(%dma_wait3A_162 : memref<10240x128xf32, #tpu.memory_space<vmem_shared>>)
      tpu.yield
    }) : () -> ()
    %run_scoped3A_7 = arith.constant 5 : i32
    "tpu.region"() ({
      %run_scoped3A_150 = tpu.sem_alloc : memref<!tpu.dma_semaphore, #tpu.memory_space<semaphore_mem>>
      %dma_start3A_151 = arith.constant 0 : i32
      %dma_start3A_152 = tpu.memref_slice %arg10[%run_scoped3A_7, %dma_start3A_151] : memref<8x80xi32, #tpu.memory_space<vmem>> -> memref<1x80xi32, #tpu.memory_space<vmem>>
      %dma_start3A_153 = tpu.memref_squeeze %dma_start3A_152 : memref<1x80xi32, #tpu.memory_space<vmem>> -> memref<80xi32, #tpu.memory_space<vmem>>
      %dma_start3A_154 = arith.constant 0 : i32
      %dma_start3A_155 = arith.constant 0 : i32
      %dma_start3A_156 = tpu.memref_slice %arg13[%dma_start3A_154, %dma_start3A_155] : memref<10240x128xf32, #tpu.memory_space<vmem_shared>> -> memref<10240x128xf32, #tpu.memory_space<vmem_shared>>
      tpu.enqueue_indirect_dma source(%arg11 : memref<80x128xf32, #tpu.memory_space<vmem>>) target(%dma_start3A_156 : memref<10240x128xf32, #tpu.memory_space<vmem_shared>>) offsets(%dma_start3A_153 : memref<80xi32, #tpu.memory_space<vmem>>) semaphore(%run_scoped3A_150 : memref<!tpu.dma_semaphore, #tpu.memory_space<semaphore_mem>>)
      %dma_wait3A_157 = arith.constant 0 : i32
      %dma_wait3A_158 = tpu.memref_slice %arg10[%run_scoped3A_7, %dma_wait3A_157] : memref<8x80xi32, #tpu.memory_space<vmem>> -> memref<1x80xi32, #tpu.memory_space<vmem>>
      %dma_wait3A_159 = tpu.memref_squeeze %dma_wait3A_158 : memref<1x80xi32, #tpu.memory_space<vmem>> -> memref<80xi32, #tpu.memory_space<vmem>>
      %dma_wait3A_160 = arith.constant 0 : i32
      %dma_wait3A_161 = arith.constant 0 : i32
      %dma_wait3A_162 = tpu.memref_slice %arg13[%dma_wait3A_160, %dma_wait3A_161] : memref<10240x128xf32, #tpu.memory_space<vmem_shared>> -> memref<10240x128xf32, #tpu.memory_space<vmem_shared>>
      tpu.wait_indirect_dma semaphore(%run_scoped3A_150 : memref<!tpu.dma_semaphore, #tpu.memory_space<semaphore_mem>>) src(%arg11 : memref<80x128xf32, #tpu.memory_space<vmem>>) dst(%dma_wait3A_162 : memref<10240x128xf32, #tpu.memory_space<vmem_shared>>)
      tpu.yield
    }) : () -> ()
    %run_scoped3A_8 = arith.constant 6 : i32
    "tpu.region"() ({
      %run_scoped3A_150 = tpu.sem_alloc : memref<!tpu.dma_semaphore, #tpu.memory_space<semaphore_mem>>
      %dma_start3A_151 = arith.constant 0 : i32
      %dma_start3A_152 = tpu.memref_slice %arg10[%run_scoped3A_8, %dma_start3A_151] : memref<8x80xi32, #tpu.memory_space<vmem>> -> memref<1x80xi32, #tpu.memory_space<vmem>>
      %dma_start3A_153 = tpu.memref_squeeze %dma_start3A_152 : memref<1x80xi32, #tpu.memory_space<vmem>> -> memref<80xi32, #tpu.memory_space<vmem>>
      %dma_start3A_154 = arith.constant 0 : i32
      %dma_start3A_155 = arith.constant 0 : i32
      %dma_start3A_156 = tpu.memref_slice %arg13[%dma_start3A_154, %dma_start3A_155] : memref<10240x128xf32, #tpu.memory_space<vmem_shared>> -> memref<10240x128xf32, #tpu.memory_space<vmem_shared>>
      tpu.enqueue_indirect_dma source(%arg11 : memref<80x128xf32, #tpu.memory_space<vmem>>) target(%dma_start3A_156 : memref<10240x128xf32, #tpu.memory_space<vmem_shared>>) offsets(%dma_start3A_153 : memref<80xi32, #tpu.memory_space<vmem>>) semaphore(%run_scoped3A_150 : memref<!tpu.dma_semaphore, #tpu.memory_space<semaphore_mem>>)
      %dma_wait3A_157 = arith.constant 0 : i32
      %dma_wait3A_158 = tpu.memref_slice %arg10[%run_scoped3A_8, %dma_wait3A_157] : memref<8x80xi32, #tpu.memory_space<vmem>> -> memref<1x80xi32, #tpu.memory_space<vmem>>
      %dma_wait3A_159 = tpu.memref_squeeze %dma_wait3A_158 : memref<1x80xi32, #tpu.memory_space<vmem>> -> memref<80xi32, #tpu.memory_space<vmem>>
      %dma_wait3A_160 = arith.constant 0 : i32
      %dma_wait3A_161 = arith.constant 0 : i32
      %dma_wait3A_162 = tpu.memref_slice %arg13[%dma_wait3A_160, %dma_wait3A_161] : memref<10240x128xf32, #tpu.memory_space<vmem_shared>> -> memref<10240x128xf32, #tpu.memory_space<vmem_shared>>
      tpu.wait_indirect_dma semaphore(%run_scoped3A_150 : memref<!tpu.dma_semaphore, #tpu.memory_space<semaphore_mem>>) src(%arg11 : memref<80x128xf32, #tpu.memory_space<vmem>>) dst(%dma_wait3A_162 : memref<10240x128xf32, #tpu.memory_space<vmem_shared>>)
      tpu.yield
    }) : () -> ()
    %run_scoped3A_9 = arith.constant 7 : i32
    "tpu.region"() ({
      %run_scoped3A_150 = tpu.sem_alloc : memref<!tpu.dma_semaphore, #tpu.memory_space<semaphore_mem>>
      %dma_start3A_151 = arith.constant 0 : i32
      %dma_start3A_152 = tpu.memref_slice %arg10[%run_scoped3A_9, %dma_start3A_151] : memref<8x80xi32, #tpu.memory_space<vmem>> -> memref<1x80xi32, #tpu.memory_space<vmem>>
      %dma_start3A_153 = tpu.memref_squeeze %dma_start3A_152 : memref<1x80xi32, #tpu.memory_space<vmem>> -> memref<80xi32, #tpu.memory_space<vmem>>
      %dma_start3A_154 = arith.constant 0 : i32
      %dma_start3A_155 = arith.constant 0 : i32
      %dma_start3A_156 = tpu.memref_slice %arg13[%dma_start3A_154, %dma_start3A_155] : memref<10240x128xf32, #tpu.memory_space<vmem_shared>> -> memref<10240x128xf32, #tpu.memory_space<vmem_shared>>
      tpu.enqueue_indirect_dma source(%arg11 : memref<80x128xf32, #tpu.memory_space<vmem>>) target(%dma_start3A_156 : memref<10240x128xf32, #tpu.memory_space<vmem_shared>>) offsets(%dma_start3A_153 : memref<80xi32, #tpu.memory_space<vmem>>) semaphore(%run_scoped3A_150 : memref<!tpu.dma_semaphore, #tpu.memory_space<semaphore_mem>>)
      %dma_wait3A_157 = arith.constant 0 : i32
      %dma_wait3A_158 = tpu.memref_slice %arg10[%run_scoped3A_9, %dma_wait3A_157] : memref<8x80xi32, #tpu.memory_space<vmem>> -> memref<1x80xi32, #tpu.memory_space<vmem>>
      %dma_wait3A_159 = tpu.memref_squeeze %dma_wait3A_158 : memref<1x80xi32, #tpu.memory_space<vmem>> -> memref<80xi32, #tpu.memory_space<vmem>>
      %dma_wait3A_160 = arith.constant 0 : i32
      %dma_wait3A_161 = arith.constant 0 : i32
      %dma_wait3A_162 = tpu.memref_slice %arg13[%dma_wait3A_160, %dma_wait3A_161] : memref<10240x128xf32, #tpu.memory_space<vmem_shared>> -> memref<10240x128xf32, #tpu.memory_space<vmem_shared>>
      tpu.wait_indirect_dma semaphore(%run_scoped3A_150 : memref<!tpu.dma_semaphore, #tpu.memory_space<semaphore_mem>>) src(%arg11 : memref<80x128xf32, #tpu.memory_space<vmem>>) dst(%dma_wait3A_162 : memref<10240x128xf32, #tpu.memory_space<vmem_shared>>)
      tpu.yield
    }) : () -> ()
    %barrier3A = arith.constant 0 : index
    tpu.barrier barrier_id(%barrier3A)
    %scan3A = arith.constant 0 : i32
    %scan3A_10 = arith.constant 0 : i32
    %scan3A_11 = arith.constant 5 : i32
    %scan3A_12 = arith.addi %scan3A_10, %scan3A_11 : i32
    %scan3A_13 = arith.constant 1 : i32
    scf.for %scan3A_150 = %scan3A_10 to %scan3A_12 step %scan3A_13  : i32 {
      "tpu.region"() ({
        %run_scoped3A_851 = tpu.sem_alloc : memref<!tpu.dma_semaphore, #tpu.memory_space<semaphore_mem>>
        %dma_start3A_852 = arith.constant 0 : i32
        %dma_start3A_853 = arith.constant 0 : i32
        %dma_start3A_854 = tpu.memref_slice %arg3[%add3A, %scan3A_150, %dma_start3A_852, %dma_start3A_853] : memref<32x5x25x80xi32, #tpu.memory_space<hbm>> -> memref<1x1x25x80xi32, #tpu.memory_space<hbm>>
        %dma_start3A_855 = tpu.memref_squeeze %dma_start3A_854 : memref<1x1x25x80xi32, #tpu.memory_space<hbm>> -> memref<25x80xi32, #tpu.memory_space<hbm>>
        %dma_start3A_856 = arith.constant 0 : i32
        %dma_start3A_857 = arith.constant 0 : i32
        %dma_start3A_858 = tpu.memref_slice %arg3[%add3A, %scan3A_150, %dma_start3A_856, %dma_start3A_857] : memref<32x5x25x80xi32, #tpu.memory_space<hbm>> -> memref<1x1x25x80xi32, #tpu.memory_space<hbm>>
        %dma_start3A_859 = tpu.memref_squeeze %dma_start3A_858 : memref<1x1x25x80xi32, #tpu.memory_space<hbm>> -> memref<25x80xi32, #tpu.memory_space<hbm>>
        tpu.enqueue_dma source(%dma_start3A_859 : memref<25x80xi32, #tpu.memory_space<hbm>>) target(%arg8 : memref<25x80xi32, #tpu.memory_space<vmem>>) target_semaphore(%run_scoped3A_851 : memref<!tpu.dma_semaphore, #tpu.memory_space<semaphore_mem>>)
        %dma_wait3A_860 = arith.constant 0 : i32
        %dma_wait3A_861 = arith.constant 0 : i32
        %dma_wait3A_862 = tpu.memref_slice %arg3[%add3A, %scan3A_150, %dma_wait3A_860, %dma_wait3A_861] : memref<32x5x25x80xi32, #tpu.memory_space<hbm>> -> memref<1x1x25x80xi32, #tpu.memory_space<hbm>>
        %dma_wait3A_863 = tpu.memref_squeeze %dma_wait3A_862 : memref<1x1x25x80xi32, #tpu.memory_space<hbm>> -> memref<25x80xi32, #tpu.memory_space<hbm>>
        %dma_wait3A_864 = arith.constant 0 : i32
        %dma_wait3A_865 = arith.constant 0 : i32
        %dma_wait3A_866 = tpu.memref_slice %arg3[%add3A, %scan3A_150, %dma_wait3A_864, %dma_wait3A_865] : memref<32x5x25x80xi32, #tpu.memory_space<hbm>> -> memref<1x1x25x80xi32, #tpu.memory_space<hbm>>
        %dma_wait3A_867 = tpu.memref_squeeze %dma_wait3A_866 : memref<1x1x25x80xi32, #tpu.memory_space<hbm>> -> memref<25x80xi32, #tpu.memory_space<hbm>>
        tpu.wait_dma2 semaphore(%run_scoped3A_851 : memref<!tpu.dma_semaphore, #tpu.memory_space<semaphore_mem>>) src(%dma_wait3A_867 : memref<25x80xi32, #tpu.memory_space<hbm>>) dst(%arg8 : memref<25x80xi32, #tpu.memory_space<vmem>>)
        tpu.yield
      }) : () -> ()
      "tpu.region"() ({
        %run_scoped3A_851 = tpu.sem_alloc : memref<!tpu.dma_semaphore, #tpu.memory_space<semaphore_mem>>
        %dma_start3A_852 = arith.constant 0 : i32
        %dma_start3A_853 = arith.constant 0 : i32
        %dma_start3A_854 = tpu.memref_slice %arg4[%add3A, %scan3A_150, %dma_start3A_852, %dma_start3A_853] : memref<32x5x25x80xi32, #tpu.memory_space<hbm>> -> memref<1x1x25x80xi32, #tpu.memory_space<hbm>>
        %dma_start3A_855 = tpu.memref_squeeze %dma_start3A_854 : memref<1x1x25x80xi32, #tpu.memory_space<hbm>> -> memref<25x80xi32, #tpu.memory_space<hbm>>
        %dma_start3A_856 = arith.constant 0 : i32
        %dma_start3A_857 = arith.constant 0 : i32
        %dma_start3A_858 = tpu.memref_slice %arg4[%add3A, %scan3A_150, %dma_start3A_856, %dma_start3A_857] : memref<32x5x25x80xi32, #tpu.memory_space<hbm>> -> memref<1x1x25x80xi32, #tpu.memory_space<hbm>>
        %dma_start3A_859 = tpu.memref_squeeze %dma_start3A_858 : memref<1x1x25x80xi32, #tpu.memory_space<hbm>> -> memref<25x80xi32, #tpu.memory_space<hbm>>
        tpu.enqueue_dma source(%dma_start3A_859 : memref<25x80xi32, #tpu.memory_space<hbm>>) target(%arg9 : memref<25x80xi32, #tpu.memory_space<vmem>>) target_semaphore(%run_scoped3A_851 : memref<!tpu.dma_semaphore, #tpu.memory_space<semaphore_mem>>)
        %dma_wait3A_860 = arith.constant 0 : i32
        %dma_wait3A_861 = arith.constant 0 : i32
        %dma_wait3A_862 = tpu.memref_slice %arg4[%add3A, %scan3A_150, %dma_wait3A_860, %dma_wait3A_861] : memref<32x5x25x80xi32, #tpu.memory_space<hbm>> -> memref<1x1x25x80xi32, #tpu.memory_space<hbm>>
        %dma_wait3A_863 = tpu.memref_squeeze %dma_wait3A_862 : memref<1x1x25x80xi32, #tpu.memory_space<hbm>> -> memref<25x80xi32, #tpu.memory_space<hbm>>
        %dma_wait3A_864 = arith.constant 0 : i32
        %dma_wait3A_865 = arith.constant 0 : i32
        %dma_wait3A_866 = tpu.memref_slice %arg4[%add3A, %scan3A_150, %dma_wait3A_864, %dma_wait3A_865] : memref<32x5x25x80xi32, #tpu.memory_space<hbm>> -> memref<1x1x25x80xi32, #tpu.memory_space<hbm>>
        %dma_wait3A_867 = tpu.memref_squeeze %dma_wait3A_866 : memref<1x1x25x80xi32, #tpu.memory_space<hbm>> -> memref<25x80xi32, #tpu.memory_space<hbm>>
        tpu.wait_dma2 semaphore(%run_scoped3A_851 : memref<!tpu.dma_semaphore, #tpu.memory_space<semaphore_mem>>) src(%dma_wait3A_867 : memref<25x80xi32, #tpu.memory_space<hbm>>) dst(%arg9 : memref<25x80xi32, #tpu.memory_space<vmem>>)
        tpu.yield
      }) : () -> ()
      %dma_start3A_151 = arith.constant 0 : i32
      %dma_start3A_152 = arith.constant 0 : i32
      %dma_start3A_153 = tpu.memref_slice %arg8[%dma_start3A_151, %dma_start3A_152] : memref<25x80xi32, #tpu.memory_space<vmem>> -> memref<1x80xi32, #tpu.memory_space<vmem>>
      %dma_start3A_154 = tpu.memref_squeeze %dma_start3A_153 : memref<1x80xi32, #tpu.memory_space<vmem>> -> memref<80xi32, #tpu.memory_space<vmem>>
      %dma_start3A_155 = arith.constant 0 : i32
      %dma_start3A_156 = arith.constant 0 : i32
      %dma_start3A_157 = tpu.memref_slice %arg2[%dma_start3A_155, %dma_start3A_156] : memref<10000x128xf32, #tpu.memory_space<hbm>> -> memref<10000x128xf32, #tpu.memory_space<hbm>>
      tpu.enqueue_indirect_dma source(%dma_start3A_157 : memref<10000x128xf32, #tpu.memory_space<hbm>>) target(%arg11 : memref<80x128xf32, #tpu.memory_space<vmem>>) offsets(%dma_start3A_154 : memref<80xi32, #tpu.memory_space<vmem>>) semaphore(%arg14 : memref<!tpu.dma_semaphore, #tpu.memory_space<semaphore_mem>>)
      %dma_wait3A_158 = arith.constant 0 : i32
      %dma_wait3A_159 = arith.constant 0 : i32
      %dma_wait3A_160 = tpu.memref_slice %arg8[%dma_wait3A_158, %dma_wait3A_159] : memref<25x80xi32, #tpu.memory_space<vmem>> -> memref<1x80xi32, #tpu.memory_space<vmem>>
      %dma_wait3A_161 = tpu.memref_squeeze %dma_wait3A_160 : memref<1x80xi32, #tpu.memory_space<vmem>> -> memref<80xi32, #tpu.memory_space<vmem>>
      %dma_wait3A_162 = arith.constant 0 : i32
      %dma_wait3A_163 = arith.constant 0 : i32
      %dma_wait3A_164 = tpu.memref_slice %arg2[%dma_wait3A_162, %dma_wait3A_163] : memref<10000x128xf32, #tpu.memory_space<hbm>> -> memref<10000x128xf32, #tpu.memory_space<hbm>>
      tpu.wait_indirect_dma semaphore(%arg14 : memref<!tpu.dma_semaphore, #tpu.memory_space<semaphore_mem>>) src(%dma_wait3A_164 : memref<10000x128xf32, #tpu.memory_space<hbm>>) dst(%arg11 : memref<80x128xf32, #tpu.memory_space<vmem>>)
      %dma_start3A_165 = arith.constant 1 : i32
      %dma_start3A_166 = arith.constant 0 : i32
      %dma_start3A_167 = tpu.memref_slice %arg8[%dma_start3A_165, %dma_start3A_166] : memref<25x80xi32, #tpu.memory_space<vmem>> -> memref<1x80xi32, #tpu.memory_space<vmem>>
      %dma_start3A_168 = tpu.memref_squeeze %dma_start3A_167 : memref<1x80xi32, #tpu.memory_space<vmem>> -> memref<80xi32, #tpu.memory_space<vmem>>
      %dma_start3A_169 = arith.constant 0 : i32
      %dma_start3A_170 = arith.constant 0 : i32
      %dma_start3A_171 = tpu.memref_slice %arg2[%dma_start3A_169, %dma_start3A_170] : memref<10000x128xf32, #tpu.memory_space<hbm>> -> memref<10000x128xf32, #tpu.memory_space<hbm>>
      tpu.enqueue_indirect_dma source(%dma_start3A_171 : memref<10000x128xf32, #tpu.memory_space<hbm>>) target(%arg12 : memref<80x128xf32, #tpu.memory_space<vmem>>) offsets(%dma_start3A_168 : memref<80xi32, #tpu.memory_space<vmem>>) semaphore(%arg15 : memref<!tpu.dma_semaphore, #tpu.memory_space<semaphore_mem>>)
      %dma_start3A_172 = arith.constant 0 : i32
      %dma_start3A_173 = arith.constant 0 : i32
      %dma_start3A_174 = tpu.memref_slice %arg9[%dma_start3A_172, %dma_start3A_173] : memref<25x80xi32, #tpu.memory_space<vmem>> -> memref<1x80xi32, #tpu.memory_space<vmem>>
      %dma_start3A_175 = tpu.memref_squeeze %dma_start3A_174 : memref<1x80xi32, #tpu.memory_space<vmem>> -> memref<80xi32, #tpu.memory_space<vmem>>
      %dma_start3A_176 = arith.constant 0 : i32
      %dma_start3A_177 = arith.constant 0 : i32
      %dma_start3A_178 = tpu.memref_slice %arg13[%dma_start3A_176, %dma_start3A_177] : memref<10240x128xf32, #tpu.memory_space<vmem_shared>> -> memref<10240x128xf32, #tpu.memory_space<vmem_shared>>
      tpu.enqueue_indirect_dma source(%arg11 : memref<80x128xf32, #tpu.memory_space<vmem>>) target(%dma_start3A_178 : memref<10240x128xf32, #tpu.memory_space<vmem_shared>>) offsets(%dma_start3A_175 : memref<80xi32, #tpu.memory_space<vmem>>) semaphore(%arg16 : memref<!tpu.dma_semaphore, #tpu.memory_space<semaphore_mem>>) {add = true}
      %dma_wait3A_179 = arith.constant 1 : i32
      %dma_wait3A_180 = arith.constant 0 : i32
      %dma_wait3A_181 = tpu.memref_slice %arg8[%dma_wait3A_179, %dma_wait3A_180] : memref<25x80xi32, #tpu.memory_space<vmem>> -> memref<1x80xi32, #tpu.memory_space<vmem>>
      %dma_wait3A_182 = tpu.memref_squeeze %dma_wait3A_181 : memref<1x80xi32, #tpu.memory_space<vmem>> -> memref<80xi32, #tpu.memory_space<vmem>>
      %dma_wait3A_183 = arith.constant 0 : i32
      %dma_wait3A_184 = arith.constant 0 : i32
      %dma_wait3A_185 = tpu.memref_slice %arg2[%dma_wait3A_183, %dma_wait3A_184] : memref<10000x128xf32, #tpu.memory_space<hbm>> -> memref<10000x128xf32, #tpu.memory_space<hbm>>
      tpu.wait_indirect_dma semaphore(%arg15 : memref<!tpu.dma_semaphore, #tpu.memory_space<semaphore_mem>>) src(%dma_wait3A_185 : memref<10000x128xf32, #tpu.memory_space<hbm>>) dst(%arg12 : memref<80x128xf32, #tpu.memory_space<vmem>>)
      %dma_wait3A_186 = arith.constant 0 : i32
      %dma_wait3A_187 = arith.constant 0 : i32
      %dma_wait3A_188 = tpu.memref_slice %arg9[%dma_wait3A_186, %dma_wait3A_187] : memref<25x80xi32, #tpu.memory_space<vmem>> -> memref<1x80xi32, #tpu.memory_space<vmem>>
      %dma_wait3A_189 = tpu.memref_squeeze %dma_wait3A_188 : memref<1x80xi32, #tpu.memory_space<vmem>> -> memref<80xi32, #tpu.memory_space<vmem>>
      %dma_wait3A_190 = arith.constant 0 : i32
      %dma_wait3A_191 = arith.constant 0 : i32
      %dma_wait3A_192 = tpu.memref_slice %arg13[%dma_wait3A_190, %dma_wait3A_191] : memref<10240x128xf32, #tpu.memory_space<vmem_shared>> -> memref<10240x128xf32, #tpu.memory_space<vmem_shared>>
      tpu.wait_indirect_dma semaphore(%arg16 : memref<!tpu.dma_semaphore, #tpu.memory_space<semaphore_mem>>) src(%arg11 : memref<80x128xf32, #tpu.memory_space<vmem>>) dst(%dma_wait3A_192 : memref<10240x128xf32, #tpu.memory_space<vmem_shared>>)
      %dma_start3A_193 = arith.constant 2 : i32
      %dma_start3A_194 = arith.constant 0 : i32
      %dma_start3A_195 = tpu.memref_slice %arg8[%dma_start3A_193, %dma_start3A_194] : memref<25x80xi32, #tpu.memory_space<vmem>> -> memref<1x80xi32, #tpu.memory_space<vmem>>
      %dma_start3A_196 = tpu.memref_squeeze %dma_start3A_195 : memref<1x80xi32, #tpu.memory_space<vmem>> -> memref<80xi32, #tpu.memory_space<vmem>>
      %dma_start3A_197 = arith.constant 0 : i32
      %dma_start3A_198 = arith.constant 0 : i32
      %dma_start3A_199 = tpu.memref_slice %arg2[%dma_start3A_197, %dma_start3A_198] : memref<10000x128xf32, #tpu.memory_space<hbm>> -> memref<10000x128xf32, #tpu.memory_space<hbm>>
      tpu.enqueue_indirect_dma source(%dma_start3A_199 : memref<10000x128xf32, #tpu.memory_space<hbm>>) target(%arg11 : memref<80x128xf32, #tpu.memory_space<vmem>>) offsets(%dma_start3A_196 : memref<80xi32, #tpu.memory_space<vmem>>) semaphore(%arg14 : memref<!tpu.dma_semaphore, #tpu.memory_space<semaphore_mem>>)
      %dma_start3A_200 = arith.constant 1 : i32
      %dma_start3A_201 = arith.constant 0 : i32
      %dma_start3A_202 = tpu.memref_slice %arg9[%dma_start3A_200, %dma_start3A_201] : memref<25x80xi32, #tpu.memory_space<vmem>> -> memref<1x80xi32, #tpu.memory_space<vmem>>
      %dma_start3A_203 = tpu.memref_squeeze %dma_start3A_202 : memref<1x80xi32, #tpu.memory_space<vmem>> -> memref<80xi32, #tpu.memory_space<vmem>>
      %dma_start3A_204 = arith.constant 0 : i32
      %dma_start3A_205 = arith.constant 0 : i32
      %dma_start3A_206 = tpu.memref_slice %arg13[%dma_start3A_204, %dma_start3A_205] : memref<10240x128xf32, #tpu.memory_space<vmem_shared>> -> memref<10240x128xf32, #tpu.memory_space<vmem_shared>>
      tpu.enqueue_indirect_dma source(%arg12 : memref<80x128xf32, #tpu.memory_space<vmem>>) target(%dma_start3A_206 : memref<10240x128xf32, #tpu.memory_space<vmem_shared>>) offsets(%dma_start3A_203 : memref<80xi32, #tpu.memory_space<vmem>>) semaphore(%arg17 : memref<!tpu.dma_semaphore, #tpu.memory_space<semaphore_mem>>) {add = true}
      %dma_wait3A_207 = arith.constant 2 : i32
      %dma_wait3A_208 = arith.constant 0 : i32
      %dma_wait3A_209 = tpu.memref_slice %arg8[%dma_wait3A_207, %dma_wait3A_208] : memref<25x80xi32, #tpu.memory_space<vmem>> -> memref<1x80xi32, #tpu.memory_space<vmem>>
      %dma_wait3A_210 = tpu.memref_squeeze %dma_wait3A_209 : memref<1x80xi32, #tpu.memory_space<vmem>> -> memref<80xi32, #tpu.memory_space<vmem>>
      %dma_wait3A_211 = arith.constant 0 : i32
      %dma_wait3A_212 = arith.constant 0 : i32
      %dma_wait3A_213 = tpu.memref_slice %arg2[%dma_wait3A_211, %dma_wait3A_212] : memref<10000x128xf32, #tpu.memory_space<hbm>> -> memref<10000x128xf32, #tpu.memory_space<hbm>>
      tpu.wait_indirect_dma semaphore(%arg14 : memref<!tpu.dma_semaphore, #tpu.memory_space<semaphore_mem>>) src(%dma_wait3A_213 : memref<10000x128xf32, #tpu.memory_space<hbm>>) dst(%arg11 : memref<80x128xf32, #tpu.memory_space<vmem>>)
      %dma_wait3A_214 = arith.constant 1 : i32
      %dma_wait3A_215 = arith.constant 0 : i32
      %dma_wait3A_216 = tpu.memref_slice %arg9[%dma_wait3A_214, %dma_wait3A_215] : memref<25x80xi32, #tpu.memory_space<vmem>> -> memref<1x80xi32, #tpu.memory_space<vmem>>
      %dma_wait3A_217 = tpu.memref_squeeze %dma_wait3A_216 : memref<1x80xi32, #tpu.memory_space<vmem>> -> memref<80xi32, #tpu.memory_space<vmem>>
      %dma_wait3A_218 = arith.constant 0 : i32
      %dma_wait3A_219 = arith.constant 0 : i32
      %dma_wait3A_220 = tpu.memref_slice %arg13[%dma_wait3A_218, %dma_wait3A_219] : memref<10240x128xf32, #tpu.memory_space<vmem_shared>> -> memref<10240x128xf32, #tpu.memory_space<vmem_shared>>
      tpu.wait_indirect_dma semaphore(%arg17 : memref<!tpu.dma_semaphore, #tpu.memory_space<semaphore_mem>>) src(%arg12 : memref<80x128xf32, #tpu.memory_space<vmem>>) dst(%dma_wait3A_220 : memref<10240x128xf32, #tpu.memory_space<vmem_shared>>)
      %dma_start3A_221 = arith.constant 3 : i32
      %dma_start3A_222 = arith.constant 0 : i32
      %dma_start3A_223 = tpu.memref_slice %arg8[%dma_start3A_221, %dma_start3A_222] : memref<25x80xi32, #tpu.memory_space<vmem>> -> memref<1x80xi32, #tpu.memory_space<vmem>>
      %dma_start3A_224 = tpu.memref_squeeze %dma_start3A_223 : memref<1x80xi32, #tpu.memory_space<vmem>> -> memref<80xi32, #tpu.memory_space<vmem>>
      %dma_start3A_225 = arith.constant 0 : i32
      %dma_start3A_226 = arith.constant 0 : i32
      %dma_start3A_227 = tpu.memref_slice %arg2[%dma_start3A_225, %dma_start3A_226] : memref<10000x128xf32, #tpu.memory_space<hbm>> -> memref<10000x128xf32, #tpu.memory_space<hbm>>
      tpu.enqueue_indirect_dma source(%dma_start3A_227 : memref<10000x128xf32, #tpu.memory_space<hbm>>) target(%arg12 : memref<80x128xf32, #tpu.memory_space<vmem>>) offsets(%dma_start3A_224 : memref<80xi32, #tpu.memory_space<vmem>>) semaphore(%arg15 : memref<!tpu.dma_semaphore, #tpu.memory_space<semaphore_mem>>)
      %dma_start3A_228 = arith.constant 2 : i32
      %dma_start3A_229 = arith.constant 0 : i32
      %dma_start3A_230 = tpu.memref_slice %arg9[%dma_start3A_228, %dma_start3A_229] : memref<25x80xi32, #tpu.memory_space<vmem>> -> memref<1x80xi32, #tpu.memory_space<vmem>>
      %dma_start3A_231 = tpu.memref_squeeze %dma_start3A_230 : memref<1x80xi32, #tpu.memory_space<vmem>> -> memref<80xi32, #tpu.memory_space<vmem>>
      %dma_start3A_232 = arith.constant 0 : i32
      %dma_start3A_233 = arith.constant 0 : i32
      %dma_start3A_234 = tpu.memref_slice %arg13[%dma_start3A_232, %dma_start3A_233] : memref<10240x128xf32, #tpu.memory_space<vmem_shared>> -> memref<10240x128xf32, #tpu.memory_space<vmem_shared>>
      tpu.enqueue_indirect_dma source(%arg11 : memref<80x128xf32, #tpu.memory_space<vmem>>) target(%dma_start3A_234 : memref<10240x128xf32, #tpu.memory_space<vmem_shared>>) offsets(%dma_start3A_231 : memref<80xi32, #tpu.memory_space<vmem>>) semaphore(%arg16 : memref<!tpu.dma_semaphore, #tpu.memory_space<semaphore_mem>>) {add = true}
      %dma_wait3A_235 = arith.constant 3 : i32
      %dma_wait3A_236 = arith.constant 0 : i32
      %dma_wait3A_237 = tpu.memref_slice %arg8[%dma_wait3A_235, %dma_wait3A_236] : memref<25x80xi32, #tpu.memory_space<vmem>> -> memref<1x80xi32, #tpu.memory_space<vmem>>
      %dma_wait3A_238 = tpu.memref_squeeze %dma_wait3A_237 : memref<1x80xi32, #tpu.memory_space<vmem>> -> memref<80xi32, #tpu.memory_space<vmem>>
      %dma_wait3A_239 = arith.constant 0 : i32
      %dma_wait3A_240 = arith.constant 0 : i32
      %dma_wait3A_241 = tpu.memref_slice %arg2[%dma_wait3A_239, %dma_wait3A_240] : memref<10000x128xf32, #tpu.memory_space<hbm>> -> memref<10000x128xf32, #tpu.memory_space<hbm>>
      tpu.wait_indirect_dma semaphore(%arg15 : memref<!tpu.dma_semaphore, #tpu.memory_space<semaphore_mem>>) src(%dma_wait3A_241 : memref<10000x128xf32, #tpu.memory_space<hbm>>) dst(%arg12 : memref<80x128xf32, #tpu.memory_space<vmem>>)
      %dma_wait3A_242 = arith.constant 2 : i32
      %dma_wait3A_243 = arith.constant 0 : i32
      %dma_wait3A_244 = tpu.memref_slice %arg9[%dma_wait3A_242, %dma_wait3A_243] : memref<25x80xi32, #tpu.memory_space<vmem>> -> memref<1x80xi32, #tpu.memory_space<vmem>>
      %dma_wait3A_245 = tpu.memref_squeeze %dma_wait3A_244 : memref<1x80xi32, #tpu.memory_space<vmem>> -> memref<80xi32, #tpu.memory_space<vmem>>
      %dma_wait3A_246 = arith.constant 0 : i32
      %dma_wait3A_247 = arith.constant 0 : i32
      %dma_wait3A_248 = tpu.memref_slice %arg13[%dma_wait3A_246, %dma_wait3A_247] : memref<10240x128xf32, #tpu.memory_space<vmem_shared>> -> memref<10240x128xf32, #tpu.memory_space<vmem_shared>>
      tpu.wait_indirect_dma semaphore(%arg16 : memref<!tpu.dma_semaphore, #tpu.memory_space<semaphore_mem>>) src(%arg11 : memref<80x128xf32, #tpu.memory_space<vmem>>) dst(%dma_wait3A_248 : memref<10240x128xf32, #tpu.memory_space<vmem_shared>>)
      %dma_start3A_249 = arith.constant 4 : i32
      %dma_start3A_250 = arith.constant 0 : i32
      %dma_start3A_251 = tpu.memref_slice %arg8[%dma_start3A_249, %dma_start3A_250] : memref<25x80xi32, #tpu.memory_space<vmem>> -> memref<1x80xi32, #tpu.memory_space<vmem>>
      %dma_start3A_252 = tpu.memref_squeeze %dma_start3A_251 : memref<1x80xi32, #tpu.memory_space<vmem>> -> memref<80xi32, #tpu.memory_space<vmem>>
      %dma_start3A_253 = arith.constant 0 : i32
      %dma_start3A_254 = arith.constant 0 : i32
      %dma_start3A_255 = tpu.memref_slice %arg2[%dma_start3A_253, %dma_start3A_254] : memref<10000x128xf32, #tpu.memory_space<hbm>> -> memref<10000x128xf32, #tpu.memory_space<hbm>>
      tpu.enqueue_indirect_dma source(%dma_start3A_255 : memref<10000x128xf32, #tpu.memory_space<hbm>>) target(%arg11 : memref<80x128xf32, #tpu.memory_space<vmem>>) offsets(%dma_start3A_252 : memref<80xi32, #tpu.memory_space<vmem>>) semaphore(%arg14 : memref<!tpu.dma_semaphore, #tpu.memory_space<semaphore_mem>>)
      %dma_start3A_256 = arith.constant 3 : i32
      %dma_start3A_257 = arith.constant 0 : i32
      %dma_start3A_258 = tpu.memref_slice %arg9[%dma_start3A_256, %dma_start3A_257] : memref<25x80xi32, #tpu.memory_space<vmem>> -> memref<1x80xi32, #tpu.memory_space<vmem>>
      %dma_start3A_259 = tpu.memref_squeeze %dma_start3A_258 : memref<1x80xi32, #tpu.memory_space<vmem>> -> memref<80xi32, #tpu.memory_space<vmem>>
      %dma_start3A_260 = arith.constant 0 : i32
      %dma_start3A_261 = arith.constant 0 : i32
      %dma_start3A_262 = tpu.memref_slice %arg13[%dma_start3A_260, %dma_start3A_261] : memref<10240x128xf32, #tpu.memory_space<vmem_shared>> -> memref<10240x128xf32, #tpu.memory_space<vmem_shared>>
      tpu.enqueue_indirect_dma source(%arg12 : memref<80x128xf32, #tpu.memory_space<vmem>>) target(%dma_start3A_262 : memref<10240x128xf32, #tpu.memory_space<vmem_shared>>) offsets(%dma_start3A_259 : memref<80xi32, #tpu.memory_space<vmem>>) semaphore(%arg17 : memref<!tpu.dma_semaphore, #tpu.memory_space<semaphore_mem>>) {add = true}
      %dma_wait3A_263 = arith.constant 4 : i32
      %dma_wait3A_264 = arith.constant 0 : i32
      %dma_wait3A_265 = tpu.memref_slice %arg8[%dma_wait3A_263, %dma_wait3A_264] : memref<25x80xi32, #tpu.memory_space<vmem>> -> memref<1x80xi32, #tpu.memory_space<vmem>>
      %dma_wait3A_266 = tpu.memref_squeeze %dma_wait3A_265 : memref<1x80xi32, #tpu.memory_space<vmem>> -> memref<80xi32, #tpu.memory_space<vmem>>
      %dma_wait3A_267 = arith.constant 0 : i32
      %dma_wait3A_268 = arith.constant 0 : i32
      %dma_wait3A_269 = tpu.memref_slice %arg2[%dma_wait3A_267, %dma_wait3A_268] : memref<10000x128xf32, #tpu.memory_space<hbm>> -> memref<10000x128xf32, #tpu.memory_space<hbm>>
      tpu.wait_indirect_dma semaphore(%arg14 : memref<!tpu.dma_semaphore, #tpu.memory_space<semaphore_mem>>) src(%dma_wait3A_269 : memref<10000x128xf32, #tpu.memory_space<hbm>>) dst(%arg11 : memref<80x128xf32, #tpu.memory_space<vmem>>)
      %dma_wait3A_270 = arith.constant 3 : i32
      %dma_wait3A_271 = arith.constant 0 : i32
      %dma_wait3A_272 = tpu.memref_slice %arg9[%dma_wait3A_270, %dma_wait3A_271] : memref<25x80xi32, #tpu.memory_space<vmem>> -> memref<1x80xi32, #tpu.memory_space<vmem>>
      %dma_wait3A_273 = tpu.memref_squeeze %dma_wait3A_272 : memref<1x80xi32, #tpu.memory_space<vmem>> -> memref<80xi32, #tpu.memory_space<vmem>>
      %dma_wait3A_274 = arith.constant 0 : i32
      %dma_wait3A_275 = arith.constant 0 : i32
      %dma_wait3A_276 = tpu.memref_slice %arg13[%dma_wait3A_274, %dma_wait3A_275] : memref<10240x128xf32, #tpu.memory_space<vmem_shared>> -> memref<10240x128xf32, #tpu.memory_space<vmem_shared>>
      tpu.wait_indirect_dma semaphore(%arg17 : memref<!tpu.dma_semaphore, #tpu.memory_space<semaphore_mem>>) src(%arg12 : memref<80x128xf32, #tpu.memory_space<vmem>>) dst(%dma_wait3A_276 : memref<10240x128xf32, #tpu.memory_space<vmem_shared>>)
      %dma_start3A_277 = arith.constant 5 : i32
      %dma_start3A_278 = arith.constant 0 : i32
      %dma_start3A_279 = tpu.memref_slice %arg8[%dma_start3A_277, %dma_start3A_278] : memref<25x80xi32, #tpu.memory_space<vmem>> -> memref<1x80xi32, #tpu.memory_space<vmem>>
      %dma_start3A_280 = tpu.memref_squeeze %dma_start3A_279 : memref<1x80xi32, #tpu.memory_space<vmem>> -> memref<80xi32, #tpu.memory_space<vmem>>
      %dma_start3A_281 = arith.constant 0 : i32
      %dma_start3A_282 = arith.constant 0 : i32
      %dma_start3A_283 = tpu.memref_slice %arg2[%dma_start3A_281, %dma_start3A_282] : memref<10000x128xf32, #tpu.memory_space<hbm>> -> memref<10000x128xf32, #tpu.memory_space<hbm>>
      tpu.enqueue_indirect_dma source(%dma_start3A_283 : memref<10000x128xf32, #tpu.memory_space<hbm>>) target(%arg12 : memref<80x128xf32, #tpu.memory_space<vmem>>) offsets(%dma_start3A_280 : memref<80xi32, #tpu.memory_space<vmem>>) semaphore(%arg15 : memref<!tpu.dma_semaphore, #tpu.memory_space<semaphore_mem>>)
      %dma_start3A_284 = arith.constant 4 : i32
      %dma_start3A_285 = arith.constant 0 : i32
      %dma_start3A_286 = tpu.memref_slice %arg9[%dma_start3A_284, %dma_start3A_285] : memref<25x80xi32, #tpu.memory_space<vmem>> -> memref<1x80xi32, #tpu.memory_space<vmem>>
      %dma_start3A_287 = tpu.memref_squeeze %dma_start3A_286 : memref<1x80xi32, #tpu.memory_space<vmem>> -> memref<80xi32, #tpu.memory_space<vmem>>
      %dma_start3A_288 = arith.constant 0 : i32
      %dma_start3A_289 = arith.constant 0 : i32
      %dma_start3A_290 = tpu.memref_slice %arg13[%dma_start3A_288, %dma_start3A_289] : memref<10240x128xf32, #tpu.memory_space<vmem_shared>> -> memref<10240x128xf32, #tpu.memory_space<vmem_shared>>
      tpu.enqueue_indirect_dma source(%arg11 : memref<80x128xf32, #tpu.memory_space<vmem>>) target(%dma_start3A_290 : memref<10240x128xf32, #tpu.memory_space<vmem_shared>>) offsets(%dma_start3A_287 : memref<80xi32, #tpu.memory_space<vmem>>) semaphore(%arg16 : memref<!tpu.dma_semaphore, #tpu.memory_space<semaphore_mem>>) {add = true}
      %dma_wait3A_291 = arith.constant 5 : i32
      %dma_wait3A_292 = arith.constant 0 : i32
      %dma_wait3A_293 = tpu.memref_slice %arg8[%dma_wait3A_291, %dma_wait3A_292] : memref<25x80xi32, #tpu.memory_space<vmem>> -> memref<1x80xi32, #tpu.memory_space<vmem>>
      %dma_wait3A_294 = tpu.memref_squeeze %dma_wait3A_293 : memref<1x80xi32, #tpu.memory_space<vmem>> -> memref<80xi32, #tpu.memory_space<vmem>>
      %dma_wait3A_295 = arith.constant 0 : i32
      %dma_wait3A_296 = arith.constant 0 : i32
      %dma_wait3A_297 = tpu.memref_slice %arg2[%dma_wait3A_295, %dma_wait3A_296] : memref<10000x128xf32, #tpu.memory_space<hbm>> -> memref<10000x128xf32, #tpu.memory_space<hbm>>
      tpu.wait_indirect_dma semaphore(%arg15 : memref<!tpu.dma_semaphore, #tpu.memory_space<semaphore_mem>>) src(%dma_wait3A_297 : memref<10000x128xf32, #tpu.memory_space<hbm>>) dst(%arg12 : memref<80x128xf32, #tpu.memory_space<vmem>>)
      %dma_wait3A_298 = arith.constant 4 : i32
      %dma_wait3A_299 = arith.constant 0 : i32
      %dma_wait3A_300 = tpu.memref_slice %arg9[%dma_wait3A_298, %dma_wait3A_299] : memref<25x80xi32, #tpu.memory_space<vmem>> -> memref<1x80xi32, #tpu.memory_space<vmem>>
      %dma_wait3A_301 = tpu.memref_squeeze %dma_wait3A_300 : memref<1x80xi32, #tpu.memory_space<vmem>> -> memref<80xi32, #tpu.memory_space<vmem>>
      %dma_wait3A_302 = arith.constant 0 : i32
      %dma_wait3A_303 = arith.constant 0 : i32
      %dma_wait3A_304 = tpu.memref_slice %arg13[%dma_wait3A_302, %dma_wait3A_303] : memref<10240x128xf32, #tpu.memory_space<vmem_shared>> -> memref<10240x128xf32, #tpu.memory_space<vmem_shared>>
      tpu.wait_indirect_dma semaphore(%arg16 : memref<!tpu.dma_semaphore, #tpu.memory_space<semaphore_mem>>) src(%arg11 : memref<80x128xf32, #tpu.memory_space<vmem>>) dst(%dma_wait3A_304 : memref<10240x128xf32, #tpu.memory_space<vmem_shared>>)
      %dma_start3A_305 = arith.constant 6 : i32
      %dma_start3A_306 = arith.constant 0 : i32
      %dma_start3A_307 = tpu.memref_slice %arg8[%dma_start3A_305, %dma_start3A_306] : memref<25x80xi32, #tpu.memory_space<vmem>> -> memref<1x80xi32, #tpu.memory_space<vmem>>
      %dma_start3A_308 = tpu.memref_squeeze %dma_start3A_307 : memref<1x80xi32, #tpu.memory_space<vmem>> -> memref<80xi32, #tpu.memory_space<vmem>>
      %dma_start3A_309 = arith.constant 0 : i32
      %dma_start3A_310 = arith.constant 0 : i32
      %dma_start3A_311 = tpu.memref_slice %arg2[%dma_start3A_309, %dma_start3A_310] : memref<10000x128xf32, #tpu.memory_space<hbm>> -> memref<10000x128xf32, #tpu.memory_space<hbm>>
      tpu.enqueue_indirect_dma source(%dma_start3A_311 : memref<10000x128xf32, #tpu.memory_space<hbm>>) target(%arg11 : memref<80x128xf32, #tpu.memory_space<vmem>>) offsets(%dma_start3A_308 : memref<80xi32, #tpu.memory_space<vmem>>) semaphore(%arg14 : memref<!tpu.dma_semaphore, #tpu.memory_space<semaphore_mem>>)
      %dma_start3A_312 = arith.constant 5 : i32
      %dma_start3A_313 = arith.constant 0 : i32
      %dma_start3A_314 = tpu.memref_slice %arg9[%dma_start3A_312, %dma_start3A_313] : memref<25x80xi32, #tpu.memory_space<vmem>> -> memref<1x80xi32, #tpu.memory_space<vmem>>
      %dma_start3A_315 = tpu.memref_squeeze %dma_start3A_314 : memref<1x80xi32, #tpu.memory_space<vmem>> -> memref<80xi32, #tpu.memory_space<vmem>>
      %dma_start3A_316 = arith.constant 0 : i32
      %dma_start3A_317 = arith.constant 0 : i32
      %dma_start3A_318 = tpu.memref_slice %arg13[%dma_start3A_316, %dma_start3A_317] : memref<10240x128xf32, #tpu.memory_space<vmem_shared>> -> memref<10240x128xf32, #tpu.memory_space<vmem_shared>>
      tpu.enqueue_indirect_dma source(%arg12 : memref<80x128xf32, #tpu.memory_space<vmem>>) target(%dma_start3A_318 : memref<10240x128xf32, #tpu.memory_space<vmem_shared>>) offsets(%dma_start3A_315 : memref<80xi32, #tpu.memory_space<vmem>>) semaphore(%arg17 : memref<!tpu.dma_semaphore, #tpu.memory_space<semaphore_mem>>) {add = true}
      %dma_wait3A_319 = arith.constant 6 : i32
      %dma_wait3A_320 = arith.constant 0 : i32
      %dma_wait3A_321 = tpu.memref_slice %arg8[%dma_wait3A_319, %dma_wait3A_320] : memref<25x80xi32, #tpu.memory_space<vmem>> -> memref<1x80xi32, #tpu.memory_space<vmem>>
      %dma_wait3A_322 = tpu.memref_squeeze %dma_wait3A_321 : memref<1x80xi32, #tpu.memory_space<vmem>> -> memref<80xi32, #tpu.memory_space<vmem>>
      %dma_wait3A_323 = arith.constant 0 : i32
      %dma_wait3A_324 = arith.constant 0 : i32
      %dma_wait3A_325 = tpu.memref_slice %arg2[%dma_wait3A_323, %dma_wait3A_324] : memref<10000x128xf32, #tpu.memory_space<hbm>> -> memref<10000x128xf32, #tpu.memory_space<hbm>>
      tpu.wait_indirect_dma semaphore(%arg14 : memref<!tpu.dma_semaphore, #tpu.memory_space<semaphore_mem>>) src(%dma_wait3A_325 : memref<10000x128xf32, #tpu.memory_space<hbm>>) dst(%arg11 : memref<80x128xf32, #tpu.memory_space<vmem>>)
      %dma_wait3A_326 = arith.constant 5 : i32
      %dma_wait3A_327 = arith.constant 0 : i32
      %dma_wait3A_328 = tpu.memref_slice %arg9[%dma_wait3A_326, %dma_wait3A_327] : memref<25x80xi32, #tpu.memory_space<vmem>> -> memref<1x80xi32, #tpu.memory_space<vmem>>
      %dma_wait3A_329 = tpu.memref_squeeze %dma_wait3A_328 : memref<1x80xi32, #tpu.memory_space<vmem>> -> memref<80xi32, #tpu.memory_space<vmem>>
      %dma_wait3A_330 = arith.constant 0 : i32
      %dma_wait3A_331 = arith.constant 0 : i32
      %dma_wait3A_332 = tpu.memref_slice %arg13[%dma_wait3A_330, %dma_wait3A_331] : memref<10240x128xf32, #tpu.memory_space<vmem_shared>> -> memref<10240x128xf32, #tpu.memory_space<vmem_shared>>
      tpu.wait_indirect_dma semaphore(%arg17 : memref<!tpu.dma_semaphore, #tpu.memory_space<semaphore_mem>>) src(%arg12 : memref<80x128xf32, #tpu.memory_space<vmem>>) dst(%dma_wait3A_332 : memref<10240x128xf32, #tpu.memory_space<vmem_shared>>)
      %dma_start3A_333 = arith.constant 7 : i32
      %dma_start3A_334 = arith.constant 0 : i32
      %dma_start3A_335 = tpu.memref_slice %arg8[%dma_start3A_333, %dma_start3A_334] : memref<25x80xi32, #tpu.memory_space<vmem>> -> memref<1x80xi32, #tpu.memory_space<vmem>>
      %dma_start3A_336 = tpu.memref_squeeze %dma_start3A_335 : memref<1x80xi32, #tpu.memory_space<vmem>> -> memref<80xi32, #tpu.memory_space<vmem>>
      %dma_start3A_337 = arith.constant 0 : i32
      %dma_start3A_338 = arith.constant 0 : i32
      %dma_start3A_339 = tpu.memref_slice %arg2[%dma_start3A_337, %dma_start3A_338] : memref<10000x128xf32, #tpu.memory_space<hbm>> -> memref<10000x128xf32, #tpu.memory_space<hbm>>
      tpu.enqueue_indirect_dma source(%dma_start3A_339 : memref<10000x128xf32, #tpu.memory_space<hbm>>) target(%arg12 : memref<80x128xf32, #tpu.memory_space<vmem>>) offsets(%dma_start3A_336 : memref<80xi32, #tpu.memory_space<vmem>>) semaphore(%arg15 : memref<!tpu.dma_semaphore, #tpu.memory_space<semaphore_mem>>)
      %dma_start3A_340 = arith.constant 6 : i32
      %dma_start3A_341 = arith.constant 0 : i32
      %dma_start3A_342 = tpu.memref_slice %arg9[%dma_start3A_340, %dma_start3A_341] : memref<25x80xi32, #tpu.memory_space<vmem>> -> memref<1x80xi32, #tpu.memory_space<vmem>>
      %dma_start3A_343 = tpu.memref_squeeze %dma_start3A_342 : memref<1x80xi32, #tpu.memory_space<vmem>> -> memref<80xi32, #tpu.memory_space<vmem>>
      %dma_start3A_344 = arith.constant 0 : i32
      %dma_start3A_345 = arith.constant 0 : i32
      %dma_start3A_346 = tpu.memref_slice %arg13[%dma_start3A_344, %dma_start3A_345] : memref<10240x128xf32, #tpu.memory_space<vmem_shared>> -> memref<10240x128xf32, #tpu.memory_space<vmem_shared>>
      tpu.enqueue_indirect_dma source(%arg11 : memref<80x128xf32, #tpu.memory_space<vmem>>) target(%dma_start3A_346 : memref<10240x128xf32, #tpu.memory_space<vmem_shared>>) offsets(%dma_start3A_343 : memref<80xi32, #tpu.memory_space<vmem>>) semaphore(%arg16 : memref<!tpu.dma_semaphore, #tpu.memory_space<semaphore_mem>>) {add = true}
      %dma_wait3A_347 = arith.constant 7 : i32
      %dma_wait3A_348 = arith.constant 0 : i32
      %dma_wait3A_349 = tpu.memref_slice %arg8[%dma_wait3A_347, %dma_wait3A_348] : memref<25x80xi32, #tpu.memory_space<vmem>> -> memref<1x80xi32, #tpu.memory_space<vmem>>
      %dma_wait3A_350 = tpu.memref_squeeze %dma_wait3A_349 : memref<1x80xi32, #tpu.memory_space<vmem>> -> memref<80xi32, #tpu.memory_space<vmem>>
      %dma_wait3A_351 = arith.constant 0 : i32
      %dma_wait3A_352 = arith.constant 0 : i32
      %dma_wait3A_353 = tpu.memref_slice %arg2[%dma_wait3A_351, %dma_wait3A_352] : memref<10000x128xf32, #tpu.memory_space<hbm>> -> memref<10000x128xf32, #tpu.memory_space<hbm>>
      tpu.wait_indirect_dma semaphore(%arg15 : memref<!tpu.dma_semaphore, #tpu.memory_space<semaphore_mem>>) src(%dma_wait3A_353 : memref<10000x128xf32, #tpu.memory_space<hbm>>) dst(%arg12 : memref<80x128xf32, #tpu.memory_space<vmem>>)
      %dma_wait3A_354 = arith.constant 6 : i32
      %dma_wait3A_355 = arith.constant 0 : i32
      %dma_wait3A_356 = tpu.memref_slice %arg9[%dma_wait3A_354, %dma_wait3A_355] : memref<25x80xi32, #tpu.memory_space<vmem>> -> memref<1x80xi32, #tpu.memory_space<vmem>>
      %dma_wait3A_357 = tpu.memref_squeeze %dma_wait3A_356 : memref<1x80xi32, #tpu.memory_space<vmem>> -> memref<80xi32, #tpu.memory_space<vmem>>
      %dma_wait3A_358 = arith.constant 0 : i32
      %dma_wait3A_359 = arith.constant 0 : i32
      %dma_wait3A_360 = tpu.memref_slice %arg13[%dma_wait3A_358, %dma_wait3A_359] : memref<10240x128xf32, #tpu.memory_space<vmem_shared>> -> memref<10240x128xf32, #tpu.memory_space<vmem_shared>>
      tpu.wait_indirect_dma semaphore(%arg16 : memref<!tpu.dma_semaphore, #tpu.memory_space<semaphore_mem>>) src(%arg11 : memref<80x128xf32, #tpu.memory_space<vmem>>) dst(%dma_wait3A_360 : memref<10240x128xf32, #tpu.memory_space<vmem_shared>>)
      %dma_start3A_361 = arith.constant 8 : i32
      %dma_start3A_362 = arith.constant 0 : i32
      %dma_start3A_363 = tpu.memref_slice %arg8[%dma_start3A_361, %dma_start3A_362] : memref<25x80xi32, #tpu.memory_space<vmem>> -> memref<1x80xi32, #tpu.memory_space<vmem>>
      %dma_start3A_364 = tpu.memref_squeeze %dma_start3A_363 : memref<1x80xi32, #tpu.memory_space<vmem>> -> memref<80xi32, #tpu.memory_space<vmem>>
      %dma_start3A_365 = arith.constant 0 : i32
      %dma_start3A_366 = arith.constant 0 : i32
      %dma_start3A_367 = tpu.memref_slice %arg2[%dma_start3A_365, %dma_start3A_366] : memref<10000x128xf32, #tpu.memory_space<hbm>> -> memref<10000x128xf32, #tpu.memory_space<hbm>>
      tpu.enqueue_indirect_dma source(%dma_start3A_367 : memref<10000x128xf32, #tpu.memory_space<hbm>>) target(%arg11 : memref<80x128xf32, #tpu.memory_space<vmem>>) offsets(%dma_start3A_364 : memref<80xi32, #tpu.memory_space<vmem>>) semaphore(%arg14 : memref<!tpu.dma_semaphore, #tpu.memory_space<semaphore_mem>>)
      %dma_start3A_368 = arith.constant 7 : i32
      %dma_start3A_369 = arith.constant 0 : i32
      %dma_start3A_370 = tpu.memref_slice %arg9[%dma_start3A_368, %dma_start3A_369] : memref<25x80xi32, #tpu.memory_space<vmem>> -> memref<1x80xi32, #tpu.memory_space<vmem>>
      %dma_start3A_371 = tpu.memref_squeeze %dma_start3A_370 : memref<1x80xi32, #tpu.memory_space<vmem>> -> memref<80xi32, #tpu.memory_space<vmem>>
      %dma_start3A_372 = arith.constant 0 : i32
      %dma_start3A_373 = arith.constant 0 : i32
      %dma_start3A_374 = tpu.memref_slice %arg13[%dma_start3A_372, %dma_start3A_373] : memref<10240x128xf32, #tpu.memory_space<vmem_shared>> -> memref<10240x128xf32, #tpu.memory_space<vmem_shared>>
      tpu.enqueue_indirect_dma source(%arg12 : memref<80x128xf32, #tpu.memory_space<vmem>>) target(%dma_start3A_374 : memref<10240x128xf32, #tpu.memory_space<vmem_shared>>) offsets(%dma_start3A_371 : memref<80xi32, #tpu.memory_space<vmem>>) semaphore(%arg17 : memref<!tpu.dma_semaphore, #tpu.memory_space<semaphore_mem>>) {add = true}
      %dma_wait3A_375 = arith.constant 8 : i32
      %dma_wait3A_376 = arith.constant 0 : i32
      %dma_wait3A_377 = tpu.memref_slice %arg8[%dma_wait3A_375, %dma_wait3A_376] : memref<25x80xi32, #tpu.memory_space<vmem>> -> memref<1x80xi32, #tpu.memory_space<vmem>>
      %dma_wait3A_378 = tpu.memref_squeeze %dma_wait3A_377 : memref<1x80xi32, #tpu.memory_space<vmem>> -> memref<80xi32, #tpu.memory_space<vmem>>
      %dma_wait3A_379 = arith.constant 0 : i32
      %dma_wait3A_380 = arith.constant 0 : i32
      %dma_wait3A_381 = tpu.memref_slice %arg2[%dma_wait3A_379, %dma_wait3A_380] : memref<10000x128xf32, #tpu.memory_space<hbm>> -> memref<10000x128xf32, #tpu.memory_space<hbm>>
      tpu.wait_indirect_dma semaphore(%arg14 : memref<!tpu.dma_semaphore, #tpu.memory_space<semaphore_mem>>) src(%dma_wait3A_381 : memref<10000x128xf32, #tpu.memory_space<hbm>>) dst(%arg11 : memref<80x128xf32, #tpu.memory_space<vmem>>)
      %dma_wait3A_382 = arith.constant 7 : i32
      %dma_wait3A_383 = arith.constant 0 : i32
      %dma_wait3A_384 = tpu.memref_slice %arg9[%dma_wait3A_382, %dma_wait3A_383] : memref<25x80xi32, #tpu.memory_space<vmem>> -> memref<1x80xi32, #tpu.memory_space<vmem>>
      %dma_wait3A_385 = tpu.memref_squeeze %dma_wait3A_384 : memref<1x80xi32, #tpu.memory_space<vmem>> -> memref<80xi32, #tpu.memory_space<vmem>>
      %dma_wait3A_386 = arith.constant 0 : i32
      %dma_wait3A_387 = arith.constant 0 : i32
      %dma_wait3A_388 = tpu.memref_slice %arg13[%dma_wait3A_386, %dma_wait3A_387] : memref<10240x128xf32, #tpu.memory_space<vmem_shared>> -> memref<10240x128xf32, #tpu.memory_space<vmem_shared>>
      tpu.wait_indirect_dma semaphore(%arg17 : memref<!tpu.dma_semaphore, #tpu.memory_space<semaphore_mem>>) src(%arg12 : memref<80x128xf32, #tpu.memory_space<vmem>>) dst(%dma_wait3A_388 : memref<10240x128xf32, #tpu.memory_space<vmem_shared>>)
      %dma_start3A_389 = arith.constant 9 : i32
      %dma_start3A_390 = arith.constant 0 : i32
      %dma_start3A_391 = tpu.memref_slice %arg8[%dma_start3A_389, %dma_start3A_390] : memref<25x80xi32, #tpu.memory_space<vmem>> -> memref<1x80xi32, #tpu.memory_space<vmem>>
      %dma_start3A_392 = tpu.memref_squeeze %dma_start3A_391 : memref<1x80xi32, #tpu.memory_space<vmem>> -> memref<80xi32, #tpu.memory_space<vmem>>
      %dma_start3A_393 = arith.constant 0 : i32
      %dma_start3A_394 = arith.constant 0 : i32
      %dma_start3A_395 = tpu.memref_slice %arg2[%dma_start3A_393, %dma_start3A_394] : memref<10000x128xf32, #tpu.memory_space<hbm>> -> memref<10000x128xf32, #tpu.memory_space<hbm>>
      tpu.enqueue_indirect_dma source(%dma_start3A_395 : memref<10000x128xf32, #tpu.memory_space<hbm>>) target(%arg12 : memref<80x128xf32, #tpu.memory_space<vmem>>) offsets(%dma_start3A_392 : memref<80xi32, #tpu.memory_space<vmem>>) semaphore(%arg15 : memref<!tpu.dma_semaphore, #tpu.memory_space<semaphore_mem>>)
      %dma_start3A_396 = arith.constant 8 : i32
      %dma_start3A_397 = arith.constant 0 : i32
      %dma_start3A_398 = tpu.memref_slice %arg9[%dma_start3A_396, %dma_start3A_397] : memref<25x80xi32, #tpu.memory_space<vmem>> -> memref<1x80xi32, #tpu.memory_space<vmem>>
      %dma_start3A_399 = tpu.memref_squeeze %dma_start3A_398 : memref<1x80xi32, #tpu.memory_space<vmem>> -> memref<80xi32, #tpu.memory_space<vmem>>
      %dma_start3A_400 = arith.constant 0 : i32
      %dma_start3A_401 = arith.constant 0 : i32
      %dma_start3A_402 = tpu.memref_slice %arg13[%dma_start3A_400, %dma_start3A_401] : memref<10240x128xf32, #tpu.memory_space<vmem_shared>> -> memref<10240x128xf32, #tpu.memory_space<vmem_shared>>
      tpu.enqueue_indirect_dma source(%arg11 : memref<80x128xf32, #tpu.memory_space<vmem>>) target(%dma_start3A_402 : memref<10240x128xf32, #tpu.memory_space<vmem_shared>>) offsets(%dma_start3A_399 : memref<80xi32, #tpu.memory_space<vmem>>) semaphore(%arg16 : memref<!tpu.dma_semaphore, #tpu.memory_space<semaphore_mem>>) {add = true}
      %dma_wait3A_403 = arith.constant 9 : i32
      %dma_wait3A_404 = arith.constant 0 : i32
      %dma_wait3A_405 = tpu.memref_slice %arg8[%dma_wait3A_403, %dma_wait3A_404] : memref<25x80xi32, #tpu.memory_space<vmem>> -> memref<1x80xi32, #tpu.memory_space<vmem>>
      %dma_wait3A_406 = tpu.memref_squeeze %dma_wait3A_405 : memref<1x80xi32, #tpu.memory_space<vmem>> -> memref<80xi32, #tpu.memory_space<vmem>>
      %dma_wait3A_407 = arith.constant 0 : i32
      %dma_wait3A_408 = arith.constant 0 : i32
      %dma_wait3A_409 = tpu.memref_slice %arg2[%dma_wait3A_407, %dma_wait3A_408] : memref<10000x128xf32, #tpu.memory_space<hbm>> -> memref<10000x128xf32, #tpu.memory_space<hbm>>
      tpu.wait_indirect_dma semaphore(%arg15 : memref<!tpu.dma_semaphore, #tpu.memory_space<semaphore_mem>>) src(%dma_wait3A_409 : memref<10000x128xf32, #tpu.memory_space<hbm>>) dst(%arg12 : memref<80x128xf32, #tpu.memory_space<vmem>>)
      %dma_wait3A_410 = arith.constant 8 : i32
      %dma_wait3A_411 = arith.constant 0 : i32
      %dma_wait3A_412 = tpu.memref_slice %arg9[%dma_wait3A_410, %dma_wait3A_411] : memref<25x80xi32, #tpu.memory_space<vmem>> -> memref<1x80xi32, #tpu.memory_space<vmem>>
      %dma_wait3A_413 = tpu.memref_squeeze %dma_wait3A_412 : memref<1x80xi32, #tpu.memory_space<vmem>> -> memref<80xi32, #tpu.memory_space<vmem>>
      %dma_wait3A_414 = arith.constant 0 : i32
      %dma_wait3A_415 = arith.constant 0 : i32
      %dma_wait3A_416 = tpu.memref_slice %arg13[%dma_wait3A_414, %dma_wait3A_415] : memref<10240x128xf32, #tpu.memory_space<vmem_shared>> -> memref<10240x128xf32, #tpu.memory_space<vmem_shared>>
      tpu.wait_indirect_dma semaphore(%arg16 : memref<!tpu.dma_semaphore, #tpu.memory_space<semaphore_mem>>) src(%arg11 : memref<80x128xf32, #tpu.memory_space<vmem>>) dst(%dma_wait3A_416 : memref<10240x128xf32, #tpu.memory_space<vmem_shared>>)
      %dma_start3A_417 = arith.constant 10 : i32
      %dma_start3A_418 = arith.constant 0 : i32
      %dma_start3A_419 = tpu.memref_slice %arg8[%dma_start3A_417, %dma_start3A_418] : memref<25x80xi32, #tpu.memory_space<vmem>> -> memref<1x80xi32, #tpu.memory_space<vmem>>
      %dma_start3A_420 = tpu.memref_squeeze %dma_start3A_419 : memref<1x80xi32, #tpu.memory_space<vmem>> -> memref<80xi32, #tpu.memory_space<vmem>>
      %dma_start3A_421 = arith.constant 0 : i32
      %dma_start3A_422 = arith.constant 0 : i32
      %dma_start3A_423 = tpu.memref_slice %arg2[%dma_start3A_421, %dma_start3A_422] : memref<10000x128xf32, #tpu.memory_space<hbm>> -> memref<10000x128xf32, #tpu.memory_space<hbm>>
      tpu.enqueue_indirect_dma source(%dma_start3A_423 : memref<10000x128xf32, #tpu.memory_space<hbm>>) target(%arg11 : memref<80x128xf32, #tpu.memory_space<vmem>>) offsets(%dma_start3A_420 : memref<80xi32, #tpu.memory_space<vmem>>) semaphore(%arg14 : memref<!tpu.dma_semaphore, #tpu.memory_space<semaphore_mem>>)
      %dma_start3A_424 = arith.constant 9 : i32
      %dma_start3A_425 = arith.constant 0 : i32
      %dma_start3A_426 = tpu.memref_slice %arg9[%dma_start3A_424, %dma_start3A_425] : memref<25x80xi32, #tpu.memory_space<vmem>> -> memref<1x80xi32, #tpu.memory_space<vmem>>
      %dma_start3A_427 = tpu.memref_squeeze %dma_start3A_426 : memref<1x80xi32, #tpu.memory_space<vmem>> -> memref<80xi32, #tpu.memory_space<vmem>>
      %dma_start3A_428 = arith.constant 0 : i32
      %dma_start3A_429 = arith.constant 0 : i32
      %dma_start3A_430 = tpu.memref_slice %arg13[%dma_start3A_428, %dma_start3A_429] : memref<10240x128xf32, #tpu.memory_space<vmem_shared>> -> memref<10240x128xf32, #tpu.memory_space<vmem_shared>>
      tpu.enqueue_indirect_dma source(%arg12 : memref<80x128xf32, #tpu.memory_space<vmem>>) target(%dma_start3A_430 : memref<10240x128xf32, #tpu.memory_space<vmem_shared>>) offsets(%dma_start3A_427 : memref<80xi32, #tpu.memory_space<vmem>>) semaphore(%arg17 : memref<!tpu.dma_semaphore, #tpu.memory_space<semaphore_mem>>) {add = true}
      %dma_wait3A_431 = arith.constant 10 : i32
      %dma_wait3A_432 = arith.constant 0 : i32
      %dma_wait3A_433 = tpu.memref_slice %arg8[%dma_wait3A_431, %dma_wait3A_432] : memref<25x80xi32, #tpu.memory_space<vmem>> -> memref<1x80xi32, #tpu.memory_space<vmem>>
      %dma_wait3A_434 = tpu.memref_squeeze %dma_wait3A_433 : memref<1x80xi32, #tpu.memory_space<vmem>> -> memref<80xi32, #tpu.memory_space<vmem>>
      %dma_wait3A_435 = arith.constant 0 : i32
      %dma_wait3A_436 = arith.constant 0 : i32
      %dma_wait3A_437 = tpu.memref_slice %arg2[%dma_wait3A_435, %dma_wait3A_436] : memref<10000x128xf32, #tpu.memory_space<hbm>> -> memref<10000x128xf32, #tpu.memory_space<hbm>>
      tpu.wait_indirect_dma semaphore(%arg14 : memref<!tpu.dma_semaphore, #tpu.memory_space<semaphore_mem>>) src(%dma_wait3A_437 : memref<10000x128xf32, #tpu.memory_space<hbm>>) dst(%arg11 : memref<80x128xf32, #tpu.memory_space<vmem>>)
      %dma_wait3A_438 = arith.constant 9 : i32
      %dma_wait3A_439 = arith.constant 0 : i32
      %dma_wait3A_440 = tpu.memref_slice %arg9[%dma_wait3A_438, %dma_wait3A_439] : memref<25x80xi32, #tpu.memory_space<vmem>> -> memref<1x80xi32, #tpu.memory_space<vmem>>
      %dma_wait3A_441 = tpu.memref_squeeze %dma_wait3A_440 : memref<1x80xi32, #tpu.memory_space<vmem>> -> memref<80xi32, #tpu.memory_space<vmem>>
      %dma_wait3A_442 = arith.constant 0 : i32
      %dma_wait3A_443 = arith.constant 0 : i32
      %dma_wait3A_444 = tpu.memref_slice %arg13[%dma_wait3A_442, %dma_wait3A_443] : memref<10240x128xf32, #tpu.memory_space<vmem_shared>> -> memref<10240x128xf32, #tpu.memory_space<vmem_shared>>
      tpu.wait_indirect_dma semaphore(%arg17 : memref<!tpu.dma_semaphore, #tpu.memory_space<semaphore_mem>>) src(%arg12 : memref<80x128xf32, #tpu.memory_space<vmem>>) dst(%dma_wait3A_444 : memref<10240x128xf32, #tpu.memory_space<vmem_shared>>)
      %dma_start3A_445 = arith.constant 11 : i32
      %dma_start3A_446 = arith.constant 0 : i32
      %dma_start3A_447 = tpu.memref_slice %arg8[%dma_start3A_445, %dma_start3A_446] : memref<25x80xi32, #tpu.memory_space<vmem>> -> memref<1x80xi32, #tpu.memory_space<vmem>>
      %dma_start3A_448 = tpu.memref_squeeze %dma_start3A_447 : memref<1x80xi32, #tpu.memory_space<vmem>> -> memref<80xi32, #tpu.memory_space<vmem>>
      %dma_start3A_449 = arith.constant 0 : i32
      %dma_start3A_450 = arith.constant 0 : i32
      %dma_start3A_451 = tpu.memref_slice %arg2[%dma_start3A_449, %dma_start3A_450] : memref<10000x128xf32, #tpu.memory_space<hbm>> -> memref<10000x128xf32, #tpu.memory_space<hbm>>
      tpu.enqueue_indirect_dma source(%dma_start3A_451 : memref<10000x128xf32, #tpu.memory_space<hbm>>) target(%arg12 : memref<80x128xf32, #tpu.memory_space<vmem>>) offsets(%dma_start3A_448 : memref<80xi32, #tpu.memory_space<vmem>>) semaphore(%arg15 : memref<!tpu.dma_semaphore, #tpu.memory_space<semaphore_mem>>)
      %dma_start3A_452 = arith.constant 10 : i32
      %dma_start3A_453 = arith.constant 0 : i32
      %dma_start3A_454 = tpu.memref_slice %arg9[%dma_start3A_452, %dma_start3A_453] : memref<25x80xi32, #tpu.memory_space<vmem>> -> memref<1x80xi32, #tpu.memory_space<vmem>>
      %dma_start3A_455 = tpu.memref_squeeze %dma_start3A_454 : memref<1x80xi32, #tpu.memory_space<vmem>> -> memref<80xi32, #tpu.memory_space<vmem>>
      %dma_start3A_456 = arith.constant 0 : i32
      %dma_start3A_457 = arith.constant 0 : i32
      %dma_start3A_458 = tpu.memref_slice %arg13[%dma_start3A_456, %dma_start3A_457] : memref<10240x128xf32, #tpu.memory_space<vmem_shared>> -> memref<10240x128xf32, #tpu.memory_space<vmem_shared>>
      tpu.enqueue_indirect_dma source(%arg11 : memref<80x128xf32, #tpu.memory_space<vmem>>) target(%dma_start3A_458 : memref<10240x128xf32, #tpu.memory_space<vmem_shared>>) offsets(%dma_start3A_455 : memref<80xi32, #tpu.memory_space<vmem>>) semaphore(%arg16 : memref<!tpu.dma_semaphore, #tpu.memory_space<semaphore_mem>>) {add = true}
      %dma_wait3A_459 = arith.constant 11 : i32
      %dma_wait3A_460 = arith.constant 0 : i32
      %dma_wait3A_461 = tpu.memref_slice %arg8[%dma_wait3A_459, %dma_wait3A_460] : memref<25x80xi32, #tpu.memory_space<vmem>> -> memref<1x80xi32, #tpu.memory_space<vmem>>
      %dma_wait3A_462 = tpu.memref_squeeze %dma_wait3A_461 : memref<1x80xi32, #tpu.memory_space<vmem>> -> memref<80xi32, #tpu.memory_space<vmem>>
      %dma_wait3A_463 = arith.constant 0 : i32
      %dma_wait3A_464 = arith.constant 0 : i32
      %dma_wait3A_465 = tpu.memref_slice %arg2[%dma_wait3A_463, %dma_wait3A_464] : memref<10000x128xf32, #tpu.memory_space<hbm>> -> memref<10000x128xf32, #tpu.memory_space<hbm>>
      tpu.wait_indirect_dma semaphore(%arg15 : memref<!tpu.dma_semaphore, #tpu.memory_space<semaphore_mem>>) src(%dma_wait3A_465 : memref<10000x128xf32, #tpu.memory_space<hbm>>) dst(%arg12 : memref<80x128xf32, #tpu.memory_space<vmem>>)
      %dma_wait3A_466 = arith.constant 10 : i32
      %dma_wait3A_467 = arith.constant 0 : i32
      %dma_wait3A_468 = tpu.memref_slice %arg9[%dma_wait3A_466, %dma_wait3A_467] : memref<25x80xi32, #tpu.memory_space<vmem>> -> memref<1x80xi32, #tpu.memory_space<vmem>>
      %dma_wait3A_469 = tpu.memref_squeeze %dma_wait3A_468 : memref<1x80xi32, #tpu.memory_space<vmem>> -> memref<80xi32, #tpu.memory_space<vmem>>
      %dma_wait3A_470 = arith.constant 0 : i32
      %dma_wait3A_471 = arith.constant 0 : i32
      %dma_wait3A_472 = tpu.memref_slice %arg13[%dma_wait3A_470, %dma_wait3A_471] : memref<10240x128xf32, #tpu.memory_space<vmem_shared>> -> memref<10240x128xf32, #tpu.memory_space<vmem_shared>>
      tpu.wait_indirect_dma semaphore(%arg16 : memref<!tpu.dma_semaphore, #tpu.memory_space<semaphore_mem>>) src(%arg11 : memref<80x128xf32, #tpu.memory_space<vmem>>) dst(%dma_wait3A_472 : memref<10240x128xf32, #tpu.memory_space<vmem_shared>>)
      %dma_start3A_473 = arith.constant 12 : i32
      %dma_start3A_474 = arith.constant 0 : i32
      %dma_start3A_475 = tpu.memref_slice %arg8[%dma_start3A_473, %dma_start3A_474] : memref<25x80xi32, #tpu.memory_space<vmem>> -> memref<1x80xi32, #tpu.memory_space<vmem>>
      %dma_start3A_476 = tpu.memref_squeeze %dma_start3A_475 : memref<1x80xi32, #tpu.memory_space<vmem>> -> memref<80xi32, #tpu.memory_space<vmem>>
      %dma_start3A_477 = arith.constant 0 : i32
      %dma_start3A_478 = arith.constant 0 : i32
      %dma_start3A_479 = tpu.memref_slice %arg2[%dma_start3A_477, %dma_start3A_478] : memref<10000x128xf32, #tpu.memory_space<hbm>> -> memref<10000x128xf32, #tpu.memory_space<hbm>>
      tpu.enqueue_indirect_dma source(%dma_start3A_479 : memref<10000x128xf32, #tpu.memory_space<hbm>>) target(%arg11 : memref<80x128xf32, #tpu.memory_space<vmem>>) offsets(%dma_start3A_476 : memref<80xi32, #tpu.memory_space<vmem>>) semaphore(%arg14 : memref<!tpu.dma_semaphore, #tpu.memory_space<semaphore_mem>>)
      %dma_start3A_480 = arith.constant 11 : i32
      %dma_start3A_481 = arith.constant 0 : i32
      %dma_start3A_482 = tpu.memref_slice %arg9[%dma_start3A_480, %dma_start3A_481] : memref<25x80xi32, #tpu.memory_space<vmem>> -> memref<1x80xi32, #tpu.memory_space<vmem>>
      %dma_start3A_483 = tpu.memref_squeeze %dma_start3A_482 : memref<1x80xi32, #tpu.memory_space<vmem>> -> memref<80xi32, #tpu.memory_space<vmem>>
      %dma_start3A_484 = arith.constant 0 : i32
      %dma_start3A_485 = arith.constant 0 : i32
      %dma_start3A_486 = tpu.memref_slice %arg13[%dma_start3A_484, %dma_start3A_485] : memref<10240x128xf32, #tpu.memory_space<vmem_shared>> -> memref<10240x128xf32, #tpu.memory_space<vmem_shared>>
      tpu.enqueue_indirect_dma source(%arg12 : memref<80x128xf32, #tpu.memory_space<vmem>>) target(%dma_start3A_486 : memref<10240x128xf32, #tpu.memory_space<vmem_shared>>) offsets(%dma_start3A_483 : memref<80xi32, #tpu.memory_space<vmem>>) semaphore(%arg17 : memref<!tpu.dma_semaphore, #tpu.memory_space<semaphore_mem>>) {add = true}
      %dma_wait3A_487 = arith.constant 12 : i32
      %dma_wait3A_488 = arith.constant 0 : i32
      %dma_wait3A_489 = tpu.memref_slice %arg8[%dma_wait3A_487, %dma_wait3A_488] : memref<25x80xi32, #tpu.memory_space<vmem>> -> memref<1x80xi32, #tpu.memory_space<vmem>>
      %dma_wait3A_490 = tpu.memref_squeeze %dma_wait3A_489 : memref<1x80xi32, #tpu.memory_space<vmem>> -> memref<80xi32, #tpu.memory_space<vmem>>
      %dma_wait3A_491 = arith.constant 0 : i32
      %dma_wait3A_492 = arith.constant 0 : i32
      %dma_wait3A_493 = tpu.memref_slice %arg2[%dma_wait3A_491, %dma_wait3A_492] : memref<10000x128xf32, #tpu.memory_space<hbm>> -> memref<10000x128xf32, #tpu.memory_space<hbm>>
      tpu.wait_indirect_dma semaphore(%arg14 : memref<!tpu.dma_semaphore, #tpu.memory_space<semaphore_mem>>) src(%dma_wait3A_493 : memref<10000x128xf32, #tpu.memory_space<hbm>>) dst(%arg11 : memref<80x128xf32, #tpu.memory_space<vmem>>)
      %dma_wait3A_494 = arith.constant 11 : i32
      %dma_wait3A_495 = arith.constant 0 : i32
      %dma_wait3A_496 = tpu.memref_slice %arg9[%dma_wait3A_494, %dma_wait3A_495] : memref<25x80xi32, #tpu.memory_space<vmem>> -> memref<1x80xi32, #tpu.memory_space<vmem>>
      %dma_wait3A_497 = tpu.memref_squeeze %dma_wait3A_496 : memref<1x80xi32, #tpu.memory_space<vmem>> -> memref<80xi32, #tpu.memory_space<vmem>>
      %dma_wait3A_498 = arith.constant 0 : i32
      %dma_wait3A_499 = arith.constant 0 : i32
      %dma_wait3A_500 = tpu.memref_slice %arg13[%dma_wait3A_498, %dma_wait3A_499] : memref<10240x128xf32, #tpu.memory_space<vmem_shared>> -> memref<10240x128xf32, #tpu.memory_space<vmem_shared>>
      tpu.wait_indirect_dma semaphore(%arg17 : memref<!tpu.dma_semaphore, #tpu.memory_space<semaphore_mem>>) src(%arg12 : memref<80x128xf32, #tpu.memory_space<vmem>>) dst(%dma_wait3A_500 : memref<10240x128xf32, #tpu.memory_space<vmem_shared>>)
      %dma_start3A_501 = arith.constant 13 : i32
      %dma_start3A_502 = arith.constant 0 : i32
      %dma_start3A_503 = tpu.memref_slice %arg8[%dma_start3A_501, %dma_start3A_502] : memref<25x80xi32, #tpu.memory_space<vmem>> -> memref<1x80xi32, #tpu.memory_space<vmem>>
      %dma_start3A_504 = tpu.memref_squeeze %dma_start3A_503 : memref<1x80xi32, #tpu.memory_space<vmem>> -> memref<80xi32, #tpu.memory_space<vmem>>
      %dma_start3A_505 = arith.constant 0 : i32
      %dma_start3A_506 = arith.constant 0 : i32
      %dma_start3A_507 = tpu.memref_slice %arg2[%dma_start3A_505, %dma_start3A_506] : memref<10000x128xf32, #tpu.memory_space<hbm>> -> memref<10000x128xf32, #tpu.memory_space<hbm>>
      tpu.enqueue_indirect_dma source(%dma_start3A_507 : memref<10000x128xf32, #tpu.memory_space<hbm>>) target(%arg12 : memref<80x128xf32, #tpu.memory_space<vmem>>) offsets(%dma_start3A_504 : memref<80xi32, #tpu.memory_space<vmem>>) semaphore(%arg15 : memref<!tpu.dma_semaphore, #tpu.memory_space<semaphore_mem>>)
      %dma_start3A_508 = arith.constant 12 : i32
      %dma_start3A_509 = arith.constant 0 : i32
      %dma_start3A_510 = tpu.memref_slice %arg9[%dma_start3A_508, %dma_start3A_509] : memref<25x80xi32, #tpu.memory_space<vmem>> -> memref<1x80xi32, #tpu.memory_space<vmem>>
      %dma_start3A_511 = tpu.memref_squeeze %dma_start3A_510 : memref<1x80xi32, #tpu.memory_space<vmem>> -> memref<80xi32, #tpu.memory_space<vmem>>
      %dma_start3A_512 = arith.constant 0 : i32
      %dma_start3A_513 = arith.constant 0 : i32
      %dma_start3A_514 = tpu.memref_slice %arg13[%dma_start3A_512, %dma_start3A_513] : memref<10240x128xf32, #tpu.memory_space<vmem_shared>> -> memref<10240x128xf32, #tpu.memory_space<vmem_shared>>
      tpu.enqueue_indirect_dma source(%arg11 : memref<80x128xf32, #tpu.memory_space<vmem>>) target(%dma_start3A_514 : memref<10240x128xf32, #tpu.memory_space<vmem_shared>>) offsets(%dma_start3A_511 : memref<80xi32, #tpu.memory_space<vmem>>) semaphore(%arg16 : memref<!tpu.dma_semaphore, #tpu.memory_space<semaphore_mem>>) {add = true}
      %dma_wait3A_515 = arith.constant 13 : i32
      %dma_wait3A_516 = arith.constant 0 : i32
      %dma_wait3A_517 = tpu.memref_slice %arg8[%dma_wait3A_515, %dma_wait3A_516] : memref<25x80xi32, #tpu.memory_space<vmem>> -> memref<1x80xi32, #tpu.memory_space<vmem>>
      %dma_wait3A_518 = tpu.memref_squeeze %dma_wait3A_517 : memref<1x80xi32, #tpu.memory_space<vmem>> -> memref<80xi32, #tpu.memory_space<vmem>>
      %dma_wait3A_519 = arith.constant 0 : i32
      %dma_wait3A_520 = arith.constant 0 : i32
      %dma_wait3A_521 = tpu.memref_slice %arg2[%dma_wait3A_519, %dma_wait3A_520] : memref<10000x128xf32, #tpu.memory_space<hbm>> -> memref<10000x128xf32, #tpu.memory_space<hbm>>
      tpu.wait_indirect_dma semaphore(%arg15 : memref<!tpu.dma_semaphore, #tpu.memory_space<semaphore_mem>>) src(%dma_wait3A_521 : memref<10000x128xf32, #tpu.memory_space<hbm>>) dst(%arg12 : memref<80x128xf32, #tpu.memory_space<vmem>>)
      %dma_wait3A_522 = arith.constant 12 : i32
      %dma_wait3A_523 = arith.constant 0 : i32
      %dma_wait3A_524 = tpu.memref_slice %arg9[%dma_wait3A_522, %dma_wait3A_523] : memref<25x80xi32, #tpu.memory_space<vmem>> -> memref<1x80xi32, #tpu.memory_space<vmem>>
      %dma_wait3A_525 = tpu.memref_squeeze %dma_wait3A_524 : memref<1x80xi32, #tpu.memory_space<vmem>> -> memref<80xi32, #tpu.memory_space<vmem>>
      %dma_wait3A_526 = arith.constant 0 : i32
      %dma_wait3A_527 = arith.constant 0 : i32
      %dma_wait3A_528 = tpu.memref_slice %arg13[%dma_wait3A_526, %dma_wait3A_527] : memref<10240x128xf32, #tpu.memory_space<vmem_shared>> -> memref<10240x128xf32, #tpu.memory_space<vmem_shared>>
      tpu.wait_indirect_dma semaphore(%arg16 : memref<!tpu.dma_semaphore, #tpu.memory_space<semaphore_mem>>) src(%arg11 : memref<80x128xf32, #tpu.memory_space<vmem>>) dst(%dma_wait3A_528 : memref<10240x128xf32, #tpu.memory_space<vmem_shared>>)
      %dma_start3A_529 = arith.constant 14 : i32
      %dma_start3A_530 = arith.constant 0 : i32
      %dma_start3A_531 = tpu.memref_slice %arg8[%dma_start3A_529, %dma_start3A_530] : memref<25x80xi32, #tpu.memory_space<vmem>> -> memref<1x80xi32, #tpu.memory_space<vmem>>
      %dma_start3A_532 = tpu.memref_squeeze %dma_start3A_531 : memref<1x80xi32, #tpu.memory_space<vmem>> -> memref<80xi32, #tpu.memory_space<vmem>>
      %dma_start3A_533 = arith.constant 0 : i32
      %dma_start3A_534 = arith.constant 0 : i32
      %dma_start3A_535 = tpu.memref_slice %arg2[%dma_start3A_533, %dma_start3A_534] : memref<10000x128xf32, #tpu.memory_space<hbm>> -> memref<10000x128xf32, #tpu.memory_space<hbm>>
      tpu.enqueue_indirect_dma source(%dma_start3A_535 : memref<10000x128xf32, #tpu.memory_space<hbm>>) target(%arg11 : memref<80x128xf32, #tpu.memory_space<vmem>>) offsets(%dma_start3A_532 : memref<80xi32, #tpu.memory_space<vmem>>) semaphore(%arg14 : memref<!tpu.dma_semaphore, #tpu.memory_space<semaphore_mem>>)
      %dma_start3A_536 = arith.constant 13 : i32
      %dma_start3A_537 = arith.constant 0 : i32
      %dma_start3A_538 = tpu.memref_slice %arg9[%dma_start3A_536, %dma_start3A_537] : memref<25x80xi32, #tpu.memory_space<vmem>> -> memref<1x80xi32, #tpu.memory_space<vmem>>
      %dma_start3A_539 = tpu.memref_squeeze %dma_start3A_538 : memref<1x80xi32, #tpu.memory_space<vmem>> -> memref<80xi32, #tpu.memory_space<vmem>>
      %dma_start3A_540 = arith.constant 0 : i32
      %dma_start3A_541 = arith.constant 0 : i32
      %dma_start3A_542 = tpu.memref_slice %arg13[%dma_start3A_540, %dma_start3A_541] : memref<10240x128xf32, #tpu.memory_space<vmem_shared>> -> memref<10240x128xf32, #tpu.memory_space<vmem_shared>>
      tpu.enqueue_indirect_dma source(%arg12 : memref<80x128xf32, #tpu.memory_space<vmem>>) target(%dma_start3A_542 : memref<10240x128xf32, #tpu.memory_space<vmem_shared>>) offsets(%dma_start3A_539 : memref<80xi32, #tpu.memory_space<vmem>>) semaphore(%arg17 : memref<!tpu.dma_semaphore, #tpu.memory_space<semaphore_mem>>) {add = true}
      %dma_wait3A_543 = arith.constant 14 : i32
      %dma_wait3A_544 = arith.constant 0 : i32
      %dma_wait3A_545 = tpu.memref_slice %arg8[%dma_wait3A_543, %dma_wait3A_544] : memref<25x80xi32, #tpu.memory_space<vmem>> -> memref<1x80xi32, #tpu.memory_space<vmem>>
      %dma_wait3A_546 = tpu.memref_squeeze %dma_wait3A_545 : memref<1x80xi32, #tpu.memory_space<vmem>> -> memref<80xi32, #tpu.memory_space<vmem>>
      %dma_wait3A_547 = arith.constant 0 : i32
      %dma_wait3A_548 = arith.constant 0 : i32
      %dma_wait3A_549 = tpu.memref_slice %arg2[%dma_wait3A_547, %dma_wait3A_548] : memref<10000x128xf32, #tpu.memory_space<hbm>> -> memref<10000x128xf32, #tpu.memory_space<hbm>>
      tpu.wait_indirect_dma semaphore(%arg14 : memref<!tpu.dma_semaphore, #tpu.memory_space<semaphore_mem>>) src(%dma_wait3A_549 : memref<10000x128xf32, #tpu.memory_space<hbm>>) dst(%arg11 : memref<80x128xf32, #tpu.memory_space<vmem>>)
      %dma_wait3A_550 = arith.constant 13 : i32
      %dma_wait3A_551 = arith.constant 0 : i32
      %dma_wait3A_552 = tpu.memref_slice %arg9[%dma_wait3A_550, %dma_wait3A_551] : memref<25x80xi32, #tpu.memory_space<vmem>> -> memref<1x80xi32, #tpu.memory_space<vmem>>
      %dma_wait3A_553 = tpu.memref_squeeze %dma_wait3A_552 : memref<1x80xi32, #tpu.memory_space<vmem>> -> memref<80xi32, #tpu.memory_space<vmem>>
      %dma_wait3A_554 = arith.constant 0 : i32
      %dma_wait3A_555 = arith.constant 0 : i32
      %dma_wait3A_556 = tpu.memref_slice %arg13[%dma_wait3A_554, %dma_wait3A_555] : memref<10240x128xf32, #tpu.memory_space<vmem_shared>> -> memref<10240x128xf32, #tpu.memory_space<vmem_shared>>
      tpu.wait_indirect_dma semaphore(%arg17 : memref<!tpu.dma_semaphore, #tpu.memory_space<semaphore_mem>>) src(%arg12 : memref<80x128xf32, #tpu.memory_space<vmem>>) dst(%dma_wait3A_556 : memref<10240x128xf32, #tpu.memory_space<vmem_shared>>)
      %dma_start3A_557 = arith.constant 15 : i32
      %dma_start3A_558 = arith.constant 0 : i32
      %dma_start3A_559 = tpu.memref_slice %arg8[%dma_start3A_557, %dma_start3A_558] : memref<25x80xi32, #tpu.memory_space<vmem>> -> memref<1x80xi32, #tpu.memory_space<vmem>>
      %dma_start3A_560 = tpu.memref_squeeze %dma_start3A_559 : memref<1x80xi32, #tpu.memory_space<vmem>> -> memref<80xi32, #tpu.memory_space<vmem>>
      %dma_start3A_561 = arith.constant 0 : i32
      %dma_start3A_562 = arith.constant 0 : i32
      %dma_start3A_563 = tpu.memref_slice %arg2[%dma_start3A_561, %dma_start3A_562] : memref<10000x128xf32, #tpu.memory_space<hbm>> -> memref<10000x128xf32, #tpu.memory_space<hbm>>
      tpu.enqueue_indirect_dma source(%dma_start3A_563 : memref<10000x128xf32, #tpu.memory_space<hbm>>) target(%arg12 : memref<80x128xf32, #tpu.memory_space<vmem>>) offsets(%dma_start3A_560 : memref<80xi32, #tpu.memory_space<vmem>>) semaphore(%arg15 : memref<!tpu.dma_semaphore, #tpu.memory_space<semaphore_mem>>)
      %dma_start3A_564 = arith.constant 14 : i32
      %dma_start3A_565 = arith.constant 0 : i32
      %dma_start3A_566 = tpu.memref_slice %arg9[%dma_start3A_564, %dma_start3A_565] : memref<25x80xi32, #tpu.memory_space<vmem>> -> memref<1x80xi32, #tpu.memory_space<vmem>>
      %dma_start3A_567 = tpu.memref_squeeze %dma_start3A_566 : memref<1x80xi32, #tpu.memory_space<vmem>> -> memref<80xi32, #tpu.memory_space<vmem>>
      %dma_start3A_568 = arith.constant 0 : i32
      %dma_start3A_569 = arith.constant 0 : i32
      %dma_start3A_570 = tpu.memref_slice %arg13[%dma_start3A_568, %dma_start3A_569] : memref<10240x128xf32, #tpu.memory_space<vmem_shared>> -> memref<10240x128xf32, #tpu.memory_space<vmem_shared>>
      tpu.enqueue_indirect_dma source(%arg11 : memref<80x128xf32, #tpu.memory_space<vmem>>) target(%dma_start3A_570 : memref<10240x128xf32, #tpu.memory_space<vmem_shared>>) offsets(%dma_start3A_567 : memref<80xi32, #tpu.memory_space<vmem>>) semaphore(%arg16 : memref<!tpu.dma_semaphore, #tpu.memory_space<semaphore_mem>>) {add = true}
      %dma_wait3A_571 = arith.constant 15 : i32
      %dma_wait3A_572 = arith.constant 0 : i32
      %dma_wait3A_573 = tpu.memref_slice %arg8[%dma_wait3A_571, %dma_wait3A_572] : memref<25x80xi32, #tpu.memory_space<vmem>> -> memref<1x80xi32, #tpu.memory_space<vmem>>
      %dma_wait3A_574 = tpu.memref_squeeze %dma_wait3A_573 : memref<1x80xi32, #tpu.memory_space<vmem>> -> memref<80xi32, #tpu.memory_space<vmem>>
      %dma_wait3A_575 = arith.constant 0 : i32
      %dma_wait3A_576 = arith.constant 0 : i32
      %dma_wait3A_577 = tpu.memref_slice %arg2[%dma_wait3A_575, %dma_wait3A_576] : memref<10000x128xf32, #tpu.memory_space<hbm>> -> memref<10000x128xf32, #tpu.memory_space<hbm>>
      tpu.wait_indirect_dma semaphore(%arg15 : memref<!tpu.dma_semaphore, #tpu.memory_space<semaphore_mem>>) src(%dma_wait3A_577 : memref<10000x128xf32, #tpu.memory_space<hbm>>) dst(%arg12 : memref<80x128xf32, #tpu.memory_space<vmem>>)
      %dma_wait3A_578 = arith.constant 14 : i32
      %dma_wait3A_579 = arith.constant 0 : i32
      %dma_wait3A_580 = tpu.memref_slice %arg9[%dma_wait3A_578, %dma_wait3A_579] : memref<25x80xi32, #tpu.memory_space<vmem>> -> memref<1x80xi32, #tpu.memory_space<vmem>>
      %dma_wait3A_581 = tpu.memref_squeeze %dma_wait3A_580 : memref<1x80xi32, #tpu.memory_space<vmem>> -> memref<80xi32, #tpu.memory_space<vmem>>
      %dma_wait3A_582 = arith.constant 0 : i32
      %dma_wait3A_583 = arith.constant 0 : i32
      %dma_wait3A_584 = tpu.memref_slice %arg13[%dma_wait3A_582, %dma_wait3A_583] : memref<10240x128xf32, #tpu.memory_space<vmem_shared>> -> memref<10240x128xf32, #tpu.memory_space<vmem_shared>>
      tpu.wait_indirect_dma semaphore(%arg16 : memref<!tpu.dma_semaphore, #tpu.memory_space<semaphore_mem>>) src(%arg11 : memref<80x128xf32, #tpu.memory_space<vmem>>) dst(%dma_wait3A_584 : memref<10240x128xf32, #tpu.memory_space<vmem_shared>>)
      %dma_start3A_585 = arith.constant 16 : i32
      %dma_start3A_586 = arith.constant 0 : i32
      %dma_start3A_587 = tpu.memref_slice %arg8[%dma_start3A_585, %dma_start3A_586] : memref<25x80xi32, #tpu.memory_space<vmem>> -> memref<1x80xi32, #tpu.memory_space<vmem>>
      %dma_start3A_588 = tpu.memref_squeeze %dma_start3A_587 : memref<1x80xi32, #tpu.memory_space<vmem>> -> memref<80xi32, #tpu.memory_space<vmem>>
      %dma_start3A_589 = arith.constant 0 : i32
      %dma_start3A_590 = arith.constant 0 : i32
      %dma_start3A_591 = tpu.memref_slice %arg2[%dma_start3A_589, %dma_start3A_590] : memref<10000x128xf32, #tpu.memory_space<hbm>> -> memref<10000x128xf32, #tpu.memory_space<hbm>>
      tpu.enqueue_indirect_dma source(%dma_start3A_591 : memref<10000x128xf32, #tpu.memory_space<hbm>>) target(%arg11 : memref<80x128xf32, #tpu.memory_space<vmem>>) offsets(%dma_start3A_588 : memref<80xi32, #tpu.memory_space<vmem>>) semaphore(%arg14 : memref<!tpu.dma_semaphore, #tpu.memory_space<semaphore_mem>>)
      %dma_start3A_592 = arith.constant 15 : i32
      %dma_start3A_593 = arith.constant 0 : i32
      %dma_start3A_594 = tpu.memref_slice %arg9[%dma_start3A_592, %dma_start3A_593] : memref<25x80xi32, #tpu.memory_space<vmem>> -> memref<1x80xi32, #tpu.memory_space<vmem>>
      %dma_start3A_595 = tpu.memref_squeeze %dma_start3A_594 : memref<1x80xi32, #tpu.memory_space<vmem>> -> memref<80xi32, #tpu.memory_space<vmem>>
      %dma_start3A_596 = arith.constant 0 : i32
      %dma_start3A_597 = arith.constant 0 : i32
      %dma_start3A_598 = tpu.memref_slice %arg13[%dma_start3A_596, %dma_start3A_597] : memref<10240x128xf32, #tpu.memory_space<vmem_shared>> -> memref<10240x128xf32, #tpu.memory_space<vmem_shared>>
      tpu.enqueue_indirect_dma source(%arg12 : memref<80x128xf32, #tpu.memory_space<vmem>>) target(%dma_start3A_598 : memref<10240x128xf32, #tpu.memory_space<vmem_shared>>) offsets(%dma_start3A_595 : memref<80xi32, #tpu.memory_space<vmem>>) semaphore(%arg17 : memref<!tpu.dma_semaphore, #tpu.memory_space<semaphore_mem>>) {add = true}
      %dma_wait3A_599 = arith.constant 16 : i32
      %dma_wait3A_600 = arith.constant 0 : i32
      %dma_wait3A_601 = tpu.memref_slice %arg8[%dma_wait3A_599, %dma_wait3A_600] : memref<25x80xi32, #tpu.memory_space<vmem>> -> memref<1x80xi32, #tpu.memory_space<vmem>>
      %dma_wait3A_602 = tpu.memref_squeeze %dma_wait3A_601 : memref<1x80xi32, #tpu.memory_space<vmem>> -> memref<80xi32, #tpu.memory_space<vmem>>
      %dma_wait3A_603 = arith.constant 0 : i32
      %dma_wait3A_604 = arith.constant 0 : i32
      %dma_wait3A_605 = tpu.memref_slice %arg2[%dma_wait3A_603, %dma_wait3A_604] : memref<10000x128xf32, #tpu.memory_space<hbm>> -> memref<10000x128xf32, #tpu.memory_space<hbm>>
      tpu.wait_indirect_dma semaphore(%arg14 : memref<!tpu.dma_semaphore, #tpu.memory_space<semaphore_mem>>) src(%dma_wait3A_605 : memref<10000x128xf32, #tpu.memory_space<hbm>>) dst(%arg11 : memref<80x128xf32, #tpu.memory_space<vmem>>)
      %dma_wait3A_606 = arith.constant 15 : i32
      %dma_wait3A_607 = arith.constant 0 : i32
      %dma_wait3A_608 = tpu.memref_slice %arg9[%dma_wait3A_606, %dma_wait3A_607] : memref<25x80xi32, #tpu.memory_space<vmem>> -> memref<1x80xi32, #tpu.memory_space<vmem>>
      %dma_wait3A_609 = tpu.memref_squeeze %dma_wait3A_608 : memref<1x80xi32, #tpu.memory_space<vmem>> -> memref<80xi32, #tpu.memory_space<vmem>>
      %dma_wait3A_610 = arith.constant 0 : i32
      %dma_wait3A_611 = arith.constant 0 : i32
      %dma_wait3A_612 = tpu.memref_slice %arg13[%dma_wait3A_610, %dma_wait3A_611] : memref<10240x128xf32, #tpu.memory_space<vmem_shared>> -> memref<10240x128xf32, #tpu.memory_space<vmem_shared>>
      tpu.wait_indirect_dma semaphore(%arg17 : memref<!tpu.dma_semaphore, #tpu.memory_space<semaphore_mem>>) src(%arg12 : memref<80x128xf32, #tpu.memory_space<vmem>>) dst(%dma_wait3A_612 : memref<10240x128xf32, #tpu.memory_space<vmem_shared>>)
      %dma_start3A_613 = arith.constant 17 : i32
      %dma_start3A_614 = arith.constant 0 : i32
      %dma_start3A_615 = tpu.memref_slice %arg8[%dma_start3A_613, %dma_start3A_614] : memref<25x80xi32, #tpu.memory_space<vmem>> -> memref<1x80xi32, #tpu.memory_space<vmem>>
      %dma_start3A_616 = tpu.memref_squeeze %dma_start3A_615 : memref<1x80xi32, #tpu.memory_space<vmem>> -> memref<80xi32, #tpu.memory_space<vmem>>
      %dma_start3A_617 = arith.constant 0 : i32
      %dma_start3A_618 = arith.constant 0 : i32
      %dma_start3A_619 = tpu.memref_slice %arg2[%dma_start3A_617, %dma_start3A_618] : memref<10000x128xf32, #tpu.memory_space<hbm>> -> memref<10000x128xf32, #tpu.memory_space<hbm>>
      tpu.enqueue_indirect_dma source(%dma_start3A_619 : memref<10000x128xf32, #tpu.memory_space<hbm>>) target(%arg12 : memref<80x128xf32, #tpu.memory_space<vmem>>) offsets(%dma_start3A_616 : memref<80xi32, #tpu.memory_space<vmem>>) semaphore(%arg15 : memref<!tpu.dma_semaphore, #tpu.memory_space<semaphore_mem>>)
      %dma_start3A_620 = arith.constant 16 : i32
      %dma_start3A_621 = arith.constant 0 : i32
      %dma_start3A_622 = tpu.memref_slice %arg9[%dma_start3A_620, %dma_start3A_621] : memref<25x80xi32, #tpu.memory_space<vmem>> -> memref<1x80xi32, #tpu.memory_space<vmem>>
      %dma_start3A_623 = tpu.memref_squeeze %dma_start3A_622 : memref<1x80xi32, #tpu.memory_space<vmem>> -> memref<80xi32, #tpu.memory_space<vmem>>
      %dma_start3A_624 = arith.constant 0 : i32
      %dma_start3A_625 = arith.constant 0 : i32
      %dma_start3A_626 = tpu.memref_slice %arg13[%dma_start3A_624, %dma_start3A_625] : memref<10240x128xf32, #tpu.memory_space<vmem_shared>> -> memref<10240x128xf32, #tpu.memory_space<vmem_shared>>
      tpu.enqueue_indirect_dma source(%arg11 : memref<80x128xf32, #tpu.memory_space<vmem>>) target(%dma_start3A_626 : memref<10240x128xf32, #tpu.memory_space<vmem_shared>>) offsets(%dma_start3A_623 : memref<80xi32, #tpu.memory_space<vmem>>) semaphore(%arg16 : memref<!tpu.dma_semaphore, #tpu.memory_space<semaphore_mem>>) {add = true}
      %dma_wait3A_627 = arith.constant 17 : i32
      %dma_wait3A_628 = arith.constant 0 : i32
      %dma_wait3A_629 = tpu.memref_slice %arg8[%dma_wait3A_627, %dma_wait3A_628] : memref<25x80xi32, #tpu.memory_space<vmem>> -> memref<1x80xi32, #tpu.memory_space<vmem>>
      %dma_wait3A_630 = tpu.memref_squeeze %dma_wait3A_629 : memref<1x80xi32, #tpu.memory_space<vmem>> -> memref<80xi32, #tpu.memory_space<vmem>>
      %dma_wait3A_631 = arith.constant 0 : i32
      %dma_wait3A_632 = arith.constant 0 : i32
      %dma_wait3A_633 = tpu.memref_slice %arg2[%dma_wait3A_631, %dma_wait3A_632] : memref<10000x128xf32, #tpu.memory_space<hbm>> -> memref<10000x128xf32, #tpu.memory_space<hbm>>
      tpu.wait_indirect_dma semaphore(%arg15 : memref<!tpu.dma_semaphore, #tpu.memory_space<semaphore_mem>>) src(%dma_wait3A_633 : memref<10000x128xf32, #tpu.memory_space<hbm>>) dst(%arg12 : memref<80x128xf32, #tpu.memory_space<vmem>>)
      %dma_wait3A_634 = arith.constant 16 : i32
      %dma_wait3A_635 = arith.constant 0 : i32
      %dma_wait3A_636 = tpu.memref_slice %arg9[%dma_wait3A_634, %dma_wait3A_635] : memref<25x80xi32, #tpu.memory_space<vmem>> -> memref<1x80xi32, #tpu.memory_space<vmem>>
      %dma_wait3A_637 = tpu.memref_squeeze %dma_wait3A_636 : memref<1x80xi32, #tpu.memory_space<vmem>> -> memref<80xi32, #tpu.memory_space<vmem>>
      %dma_wait3A_638 = arith.constant 0 : i32
      %dma_wait3A_639 = arith.constant 0 : i32
      %dma_wait3A_640 = tpu.memref_slice %arg13[%dma_wait3A_638, %dma_wait3A_639] : memref<10240x128xf32, #tpu.memory_space<vmem_shared>> -> memref<10240x128xf32, #tpu.memory_space<vmem_shared>>
      tpu.wait_indirect_dma semaphore(%arg16 : memref<!tpu.dma_semaphore, #tpu.memory_space<semaphore_mem>>) src(%arg11 : memref<80x128xf32, #tpu.memory_space<vmem>>) dst(%dma_wait3A_640 : memref<10240x128xf32, #tpu.memory_space<vmem_shared>>)
      %dma_start3A_641 = arith.constant 18 : i32
      %dma_start3A_642 = arith.constant 0 : i32
      %dma_start3A_643 = tpu.memref_slice %arg8[%dma_start3A_641, %dma_start3A_642] : memref<25x80xi32, #tpu.memory_space<vmem>> -> memref<1x80xi32, #tpu.memory_space<vmem>>
      %dma_start3A_644 = tpu.memref_squeeze %dma_start3A_643 : memref<1x80xi32, #tpu.memory_space<vmem>> -> memref<80xi32, #tpu.memory_space<vmem>>
      %dma_start3A_645 = arith.constant 0 : i32
      %dma_start3A_646 = arith.constant 0 : i32
      %dma_start3A_647 = tpu.memref_slice %arg2[%dma_start3A_645, %dma_start3A_646] : memref<10000x128xf32, #tpu.memory_space<hbm>> -> memref<10000x128xf32, #tpu.memory_space<hbm>>
      tpu.enqueue_indirect_dma source(%dma_start3A_647 : memref<10000x128xf32, #tpu.memory_space<hbm>>) target(%arg11 : memref<80x128xf32, #tpu.memory_space<vmem>>) offsets(%dma_start3A_644 : memref<80xi32, #tpu.memory_space<vmem>>) semaphore(%arg14 : memref<!tpu.dma_semaphore, #tpu.memory_space<semaphore_mem>>)
      %dma_start3A_648 = arith.constant 17 : i32
      %dma_start3A_649 = arith.constant 0 : i32
      %dma_start3A_650 = tpu.memref_slice %arg9[%dma_start3A_648, %dma_start3A_649] : memref<25x80xi32, #tpu.memory_space<vmem>> -> memref<1x80xi32, #tpu.memory_space<vmem>>
      %dma_start3A_651 = tpu.memref_squeeze %dma_start3A_650 : memref<1x80xi32, #tpu.memory_space<vmem>> -> memref<80xi32, #tpu.memory_space<vmem>>
      %dma_start3A_652 = arith.constant 0 : i32
      %dma_start3A_653 = arith.constant 0 : i32
      %dma_start3A_654 = tpu.memref_slice %arg13[%dma_start3A_652, %dma_start3A_653] : memref<10240x128xf32, #tpu.memory_space<vmem_shared>> -> memref<10240x128xf32, #tpu.memory_space<vmem_shared>>
      tpu.enqueue_indirect_dma source(%arg12 : memref<80x128xf32, #tpu.memory_space<vmem>>) target(%dma_start3A_654 : memref<10240x128xf32, #tpu.memory_space<vmem_shared>>) offsets(%dma_start3A_651 : memref<80xi32, #tpu.memory_space<vmem>>) semaphore(%arg17 : memref<!tpu.dma_semaphore, #tpu.memory_space<semaphore_mem>>) {add = true}
      %dma_wait3A_655 = arith.constant 18 : i32
      %dma_wait3A_656 = arith.constant 0 : i32
      %dma_wait3A_657 = tpu.memref_slice %arg8[%dma_wait3A_655, %dma_wait3A_656] : memref<25x80xi32, #tpu.memory_space<vmem>> -> memref<1x80xi32, #tpu.memory_space<vmem>>
      %dma_wait3A_658 = tpu.memref_squeeze %dma_wait3A_657 : memref<1x80xi32, #tpu.memory_space<vmem>> -> memref<80xi32, #tpu.memory_space<vmem>>
      %dma_wait3A_659 = arith.constant 0 : i32
      %dma_wait3A_660 = arith.constant 0 : i32
      %dma_wait3A_661 = tpu.memref_slice %arg2[%dma_wait3A_659, %dma_wait3A_660] : memref<10000x128xf32, #tpu.memory_space<hbm>> -> memref<10000x128xf32, #tpu.memory_space<hbm>>
      tpu.wait_indirect_dma semaphore(%arg14 : memref<!tpu.dma_semaphore, #tpu.memory_space<semaphore_mem>>) src(%dma_wait3A_661 : memref<10000x128xf32, #tpu.memory_space<hbm>>) dst(%arg11 : memref<80x128xf32, #tpu.memory_space<vmem>>)
      %dma_wait3A_662 = arith.constant 17 : i32
      %dma_wait3A_663 = arith.constant 0 : i32
      %dma_wait3A_664 = tpu.memref_slice %arg9[%dma_wait3A_662, %dma_wait3A_663] : memref<25x80xi32, #tpu.memory_space<vmem>> -> memref<1x80xi32, #tpu.memory_space<vmem>>
      %dma_wait3A_665 = tpu.memref_squeeze %dma_wait3A_664 : memref<1x80xi32, #tpu.memory_space<vmem>> -> memref<80xi32, #tpu.memory_space<vmem>>
      %dma_wait3A_666 = arith.constant 0 : i32
      %dma_wait3A_667 = arith.constant 0 : i32
      %dma_wait3A_668 = tpu.memref_slice %arg13[%dma_wait3A_666, %dma_wait3A_667] : memref<10240x128xf32, #tpu.memory_space<vmem_shared>> -> memref<10240x128xf32, #tpu.memory_space<vmem_shared>>
      tpu.wait_indirect_dma semaphore(%arg17 : memref<!tpu.dma_semaphore, #tpu.memory_space<semaphore_mem>>) src(%arg12 : memref<80x128xf32, #tpu.memory_space<vmem>>) dst(%dma_wait3A_668 : memref<10240x128xf32, #tpu.memory_space<vmem_shared>>)
      %dma_start3A_669 = arith.constant 19 : i32
      %dma_start3A_670 = arith.constant 0 : i32
      %dma_start3A_671 = tpu.memref_slice %arg8[%dma_start3A_669, %dma_start3A_670] : memref<25x80xi32, #tpu.memory_space<vmem>> -> memref<1x80xi32, #tpu.memory_space<vmem>>
      %dma_start3A_672 = tpu.memref_squeeze %dma_start3A_671 : memref<1x80xi32, #tpu.memory_space<vmem>> -> memref<80xi32, #tpu.memory_space<vmem>>
      %dma_start3A_673 = arith.constant 0 : i32
      %dma_start3A_674 = arith.constant 0 : i32
      %dma_start3A_675 = tpu.memref_slice %arg2[%dma_start3A_673, %dma_start3A_674] : memref<10000x128xf32, #tpu.memory_space<hbm>> -> memref<10000x128xf32, #tpu.memory_space<hbm>>
      tpu.enqueue_indirect_dma source(%dma_start3A_675 : memref<10000x128xf32, #tpu.memory_space<hbm>>) target(%arg12 : memref<80x128xf32, #tpu.memory_space<vmem>>) offsets(%dma_start3A_672 : memref<80xi32, #tpu.memory_space<vmem>>) semaphore(%arg15 : memref<!tpu.dma_semaphore, #tpu.memory_space<semaphore_mem>>)
      %dma_start3A_676 = arith.constant 18 : i32
      %dma_start3A_677 = arith.constant 0 : i32
      %dma_start3A_678 = tpu.memref_slice %arg9[%dma_start3A_676, %dma_start3A_677] : memref<25x80xi32, #tpu.memory_space<vmem>> -> memref<1x80xi32, #tpu.memory_space<vmem>>
      %dma_start3A_679 = tpu.memref_squeeze %dma_start3A_678 : memref<1x80xi32, #tpu.memory_space<vmem>> -> memref<80xi32, #tpu.memory_space<vmem>>
      %dma_start3A_680 = arith.constant 0 : i32
      %dma_start3A_681 = arith.constant 0 : i32
      %dma_start3A_682 = tpu.memref_slice %arg13[%dma_start3A_680, %dma_start3A_681] : memref<10240x128xf32, #tpu.memory_space<vmem_shared>> -> memref<10240x128xf32, #tpu.memory_space<vmem_shared>>
      tpu.enqueue_indirect_dma source(%arg11 : memref<80x128xf32, #tpu.memory_space<vmem>>) target(%dma_start3A_682 : memref<10240x128xf32, #tpu.memory_space<vmem_shared>>) offsets(%dma_start3A_679 : memref<80xi32, #tpu.memory_space<vmem>>) semaphore(%arg16 : memref<!tpu.dma_semaphore, #tpu.memory_space<semaphore_mem>>) {add = true}
      %dma_wait3A_683 = arith.constant 19 : i32
      %dma_wait3A_684 = arith.constant 0 : i32
      %dma_wait3A_685 = tpu.memref_slice %arg8[%dma_wait3A_683, %dma_wait3A_684] : memref<25x80xi32, #tpu.memory_space<vmem>> -> memref<1x80xi32, #tpu.memory_space<vmem>>
      %dma_wait3A_686 = tpu.memref_squeeze %dma_wait3A_685 : memref<1x80xi32, #tpu.memory_space<vmem>> -> memref<80xi32, #tpu.memory_space<vmem>>
      %dma_wait3A_687 = arith.constant 0 : i32
      %dma_wait3A_688 = arith.constant 0 : i32
      %dma_wait3A_689 = tpu.memref_slice %arg2[%dma_wait3A_687, %dma_wait3A_688] : memref<10000x128xf32, #tpu.memory_space<hbm>> -> memref<10000x128xf32, #tpu.memory_space<hbm>>
      tpu.wait_indirect_dma semaphore(%arg15 : memref<!tpu.dma_semaphore, #tpu.memory_space<semaphore_mem>>) src(%dma_wait3A_689 : memref<10000x128xf32, #tpu.memory_space<hbm>>) dst(%arg12 : memref<80x128xf32, #tpu.memory_space<vmem>>)
      %dma_wait3A_690 = arith.constant 18 : i32
      %dma_wait3A_691 = arith.constant 0 : i32
      %dma_wait3A_692 = tpu.memref_slice %arg9[%dma_wait3A_690, %dma_wait3A_691] : memref<25x80xi32, #tpu.memory_space<vmem>> -> memref<1x80xi32, #tpu.memory_space<vmem>>
      %dma_wait3A_693 = tpu.memref_squeeze %dma_wait3A_692 : memref<1x80xi32, #tpu.memory_space<vmem>> -> memref<80xi32, #tpu.memory_space<vmem>>
      %dma_wait3A_694 = arith.constant 0 : i32
      %dma_wait3A_695 = arith.constant 0 : i32
      %dma_wait3A_696 = tpu.memref_slice %arg13[%dma_wait3A_694, %dma_wait3A_695] : memref<10240x128xf32, #tpu.memory_space<vmem_shared>> -> memref<10240x128xf32, #tpu.memory_space<vmem_shared>>
      tpu.wait_indirect_dma semaphore(%arg16 : memref<!tpu.dma_semaphore, #tpu.memory_space<semaphore_mem>>) src(%arg11 : memref<80x128xf32, #tpu.memory_space<vmem>>) dst(%dma_wait3A_696 : memref<10240x128xf32, #tpu.memory_space<vmem_shared>>)
      %dma_start3A_697 = arith.constant 20 : i32
      %dma_start3A_698 = arith.constant 0 : i32
      %dma_start3A_699 = tpu.memref_slice %arg8[%dma_start3A_697, %dma_start3A_698] : memref<25x80xi32, #tpu.memory_space<vmem>> -> memref<1x80xi32, #tpu.memory_space<vmem>>
      %dma_start3A_700 = tpu.memref_squeeze %dma_start3A_699 : memref<1x80xi32, #tpu.memory_space<vmem>> -> memref<80xi32, #tpu.memory_space<vmem>>
      %dma_start3A_701 = arith.constant 0 : i32
      %dma_start3A_702 = arith.constant 0 : i32
      %dma_start3A_703 = tpu.memref_slice %arg2[%dma_start3A_701, %dma_start3A_702] : memref<10000x128xf32, #tpu.memory_space<hbm>> -> memref<10000x128xf32, #tpu.memory_space<hbm>>
      tpu.enqueue_indirect_dma source(%dma_start3A_703 : memref<10000x128xf32, #tpu.memory_space<hbm>>) target(%arg11 : memref<80x128xf32, #tpu.memory_space<vmem>>) offsets(%dma_start3A_700 : memref<80xi32, #tpu.memory_space<vmem>>) semaphore(%arg14 : memref<!tpu.dma_semaphore, #tpu.memory_space<semaphore_mem>>)
      %dma_start3A_704 = arith.constant 19 : i32
      %dma_start3A_705 = arith.constant 0 : i32
      %dma_start3A_706 = tpu.memref_slice %arg9[%dma_start3A_704, %dma_start3A_705] : memref<25x80xi32, #tpu.memory_space<vmem>> -> memref<1x80xi32, #tpu.memory_space<vmem>>
      %dma_start3A_707 = tpu.memref_squeeze %dma_start3A_706 : memref<1x80xi32, #tpu.memory_space<vmem>> -> memref<80xi32, #tpu.memory_space<vmem>>
      %dma_start3A_708 = arith.constant 0 : i32
      %dma_start3A_709 = arith.constant 0 : i32
      %dma_start3A_710 = tpu.memref_slice %arg13[%dma_start3A_708, %dma_start3A_709] : memref<10240x128xf32, #tpu.memory_space<vmem_shared>> -> memref<10240x128xf32, #tpu.memory_space<vmem_shared>>
      tpu.enqueue_indirect_dma source(%arg12 : memref<80x128xf32, #tpu.memory_space<vmem>>) target(%dma_start3A_710 : memref<10240x128xf32, #tpu.memory_space<vmem_shared>>) offsets(%dma_start3A_707 : memref<80xi32, #tpu.memory_space<vmem>>) semaphore(%arg17 : memref<!tpu.dma_semaphore, #tpu.memory_space<semaphore_mem>>) {add = true}
      %dma_wait3A_711 = arith.constant 20 : i32
      %dma_wait3A_712 = arith.constant 0 : i32
      %dma_wait3A_713 = tpu.memref_slice %arg8[%dma_wait3A_711, %dma_wait3A_712] : memref<25x80xi32, #tpu.memory_space<vmem>> -> memref<1x80xi32, #tpu.memory_space<vmem>>
      %dma_wait3A_714 = tpu.memref_squeeze %dma_wait3A_713 : memref<1x80xi32, #tpu.memory_space<vmem>> -> memref<80xi32, #tpu.memory_space<vmem>>
      %dma_wait3A_715 = arith.constant 0 : i32
      %dma_wait3A_716 = arith.constant 0 : i32
      %dma_wait3A_717 = tpu.memref_slice %arg2[%dma_wait3A_715, %dma_wait3A_716] : memref<10000x128xf32, #tpu.memory_space<hbm>> -> memref<10000x128xf32, #tpu.memory_space<hbm>>
      tpu.wait_indirect_dma semaphore(%arg14 : memref<!tpu.dma_semaphore, #tpu.memory_space<semaphore_mem>>) src(%dma_wait3A_717 : memref<10000x128xf32, #tpu.memory_space<hbm>>) dst(%arg11 : memref<80x128xf32, #tpu.memory_space<vmem>>)
      %dma_wait3A_718 = arith.constant 19 : i32
      %dma_wait3A_719 = arith.constant 0 : i32
      %dma_wait3A_720 = tpu.memref_slice %arg9[%dma_wait3A_718, %dma_wait3A_719] : memref<25x80xi32, #tpu.memory_space<vmem>> -> memref<1x80xi32, #tpu.memory_space<vmem>>
      %dma_wait3A_721 = tpu.memref_squeeze %dma_wait3A_720 : memref<1x80xi32, #tpu.memory_space<vmem>> -> memref<80xi32, #tpu.memory_space<vmem>>
      %dma_wait3A_722 = arith.constant 0 : i32
      %dma_wait3A_723 = arith.constant 0 : i32
      %dma_wait3A_724 = tpu.memref_slice %arg13[%dma_wait3A_722, %dma_wait3A_723] : memref<10240x128xf32, #tpu.memory_space<vmem_shared>> -> memref<10240x128xf32, #tpu.memory_space<vmem_shared>>
      tpu.wait_indirect_dma semaphore(%arg17 : memref<!tpu.dma_semaphore, #tpu.memory_space<semaphore_mem>>) src(%arg12 : memref<80x128xf32, #tpu.memory_space<vmem>>) dst(%dma_wait3A_724 : memref<10240x128xf32, #tpu.memory_space<vmem_shared>>)
      %dma_start3A_725 = arith.constant 21 : i32
      %dma_start3A_726 = arith.constant 0 : i32
      %dma_start3A_727 = tpu.memref_slice %arg8[%dma_start3A_725, %dma_start3A_726] : memref<25x80xi32, #tpu.memory_space<vmem>> -> memref<1x80xi32, #tpu.memory_space<vmem>>
      %dma_start3A_728 = tpu.memref_squeeze %dma_start3A_727 : memref<1x80xi32, #tpu.memory_space<vmem>> -> memref<80xi32, #tpu.memory_space<vmem>>
      %dma_start3A_729 = arith.constant 0 : i32
      %dma_start3A_730 = arith.constant 0 : i32
      %dma_start3A_731 = tpu.memref_slice %arg2[%dma_start3A_729, %dma_start3A_730] : memref<10000x128xf32, #tpu.memory_space<hbm>> -> memref<10000x128xf32, #tpu.memory_space<hbm>>
      tpu.enqueue_indirect_dma source(%dma_start3A_731 : memref<10000x128xf32, #tpu.memory_space<hbm>>) target(%arg12 : memref<80x128xf32, #tpu.memory_space<vmem>>) offsets(%dma_start3A_728 : memref<80xi32, #tpu.memory_space<vmem>>) semaphore(%arg15 : memref<!tpu.dma_semaphore, #tpu.memory_space<semaphore_mem>>)
      %dma_start3A_732 = arith.constant 20 : i32
      %dma_start3A_733 = arith.constant 0 : i32
      %dma_start3A_734 = tpu.memref_slice %arg9[%dma_start3A_732, %dma_start3A_733] : memref<25x80xi32, #tpu.memory_space<vmem>> -> memref<1x80xi32, #tpu.memory_space<vmem>>
      %dma_start3A_735 = tpu.memref_squeeze %dma_start3A_734 : memref<1x80xi32, #tpu.memory_space<vmem>> -> memref<80xi32, #tpu.memory_space<vmem>>
      %dma_start3A_736 = arith.constant 0 : i32
      %dma_start3A_737 = arith.constant 0 : i32
      %dma_start3A_738 = tpu.memref_slice %arg13[%dma_start3A_736, %dma_start3A_737] : memref<10240x128xf32, #tpu.memory_space<vmem_shared>> -> memref<10240x128xf32, #tpu.memory_space<vmem_shared>>
      tpu.enqueue_indirect_dma source(%arg11 : memref<80x128xf32, #tpu.memory_space<vmem>>) target(%dma_start3A_738 : memref<10240x128xf32, #tpu.memory_space<vmem_shared>>) offsets(%dma_start3A_735 : memref<80xi32, #tpu.memory_space<vmem>>) semaphore(%arg16 : memref<!tpu.dma_semaphore, #tpu.memory_space<semaphore_mem>>) {add = true}
      %dma_wait3A_739 = arith.constant 21 : i32
      %dma_wait3A_740 = arith.constant 0 : i32
      %dma_wait3A_741 = tpu.memref_slice %arg8[%dma_wait3A_739, %dma_wait3A_740] : memref<25x80xi32, #tpu.memory_space<vmem>> -> memref<1x80xi32, #tpu.memory_space<vmem>>
      %dma_wait3A_742 = tpu.memref_squeeze %dma_wait3A_741 : memref<1x80xi32, #tpu.memory_space<vmem>> -> memref<80xi32, #tpu.memory_space<vmem>>
      %dma_wait3A_743 = arith.constant 0 : i32
      %dma_wait3A_744 = arith.constant 0 : i32
      %dma_wait3A_745 = tpu.memref_slice %arg2[%dma_wait3A_743, %dma_wait3A_744] : memref<10000x128xf32, #tpu.memory_space<hbm>> -> memref<10000x128xf32, #tpu.memory_space<hbm>>
      tpu.wait_indirect_dma semaphore(%arg15 : memref<!tpu.dma_semaphore, #tpu.memory_space<semaphore_mem>>) src(%dma_wait3A_745 : memref<10000x128xf32, #tpu.memory_space<hbm>>) dst(%arg12 : memref<80x128xf32, #tpu.memory_space<vmem>>)
      %dma_wait3A_746 = arith.constant 20 : i32
      %dma_wait3A_747 = arith.constant 0 : i32
      %dma_wait3A_748 = tpu.memref_slice %arg9[%dma_wait3A_746, %dma_wait3A_747] : memref<25x80xi32, #tpu.memory_space<vmem>> -> memref<1x80xi32, #tpu.memory_space<vmem>>
      %dma_wait3A_749 = tpu.memref_squeeze %dma_wait3A_748 : memref<1x80xi32, #tpu.memory_space<vmem>> -> memref<80xi32, #tpu.memory_space<vmem>>
      %dma_wait3A_750 = arith.constant 0 : i32
      %dma_wait3A_751 = arith.constant 0 : i32
      %dma_wait3A_752 = tpu.memref_slice %arg13[%dma_wait3A_750, %dma_wait3A_751] : memref<10240x128xf32, #tpu.memory_space<vmem_shared>> -> memref<10240x128xf32, #tpu.memory_space<vmem_shared>>
      tpu.wait_indirect_dma semaphore(%arg16 : memref<!tpu.dma_semaphore, #tpu.memory_space<semaphore_mem>>) src(%arg11 : memref<80x128xf32, #tpu.memory_space<vmem>>) dst(%dma_wait3A_752 : memref<10240x128xf32, #tpu.memory_space<vmem_shared>>)
      %dma_start3A_753 = arith.constant 22 : i32
      %dma_start3A_754 = arith.constant 0 : i32
      %dma_start3A_755 = tpu.memref_slice %arg8[%dma_start3A_753, %dma_start3A_754] : memref<25x80xi32, #tpu.memory_space<vmem>> -> memref<1x80xi32, #tpu.memory_space<vmem>>
      %dma_start3A_756 = tpu.memref_squeeze %dma_start3A_755 : memref<1x80xi32, #tpu.memory_space<vmem>> -> memref<80xi32, #tpu.memory_space<vmem>>
      %dma_start3A_757 = arith.constant 0 : i32
      %dma_start3A_758 = arith.constant 0 : i32
      %dma_start3A_759 = tpu.memref_slice %arg2[%dma_start3A_757, %dma_start3A_758] : memref<10000x128xf32, #tpu.memory_space<hbm>> -> memref<10000x128xf32, #tpu.memory_space<hbm>>
      tpu.enqueue_indirect_dma source(%dma_start3A_759 : memref<10000x128xf32, #tpu.memory_space<hbm>>) target(%arg11 : memref<80x128xf32, #tpu.memory_space<vmem>>) offsets(%dma_start3A_756 : memref<80xi32, #tpu.memory_space<vmem>>) semaphore(%arg14 : memref<!tpu.dma_semaphore, #tpu.memory_space<semaphore_mem>>)
      %dma_start3A_760 = arith.constant 21 : i32
      %dma_start3A_761 = arith.constant 0 : i32
      %dma_start3A_762 = tpu.memref_slice %arg9[%dma_start3A_760, %dma_start3A_761] : memref<25x80xi32, #tpu.memory_space<vmem>> -> memref<1x80xi32, #tpu.memory_space<vmem>>
      %dma_start3A_763 = tpu.memref_squeeze %dma_start3A_762 : memref<1x80xi32, #tpu.memory_space<vmem>> -> memref<80xi32, #tpu.memory_space<vmem>>
      %dma_start3A_764 = arith.constant 0 : i32
      %dma_start3A_765 = arith.constant 0 : i32
      %dma_start3A_766 = tpu.memref_slice %arg13[%dma_start3A_764, %dma_start3A_765] : memref<10240x128xf32, #tpu.memory_space<vmem_shared>> -> memref<10240x128xf32, #tpu.memory_space<vmem_shared>>
      tpu.enqueue_indirect_dma source(%arg12 : memref<80x128xf32, #tpu.memory_space<vmem>>) target(%dma_start3A_766 : memref<10240x128xf32, #tpu.memory_space<vmem_shared>>) offsets(%dma_start3A_763 : memref<80xi32, #tpu.memory_space<vmem>>) semaphore(%arg17 : memref<!tpu.dma_semaphore, #tpu.memory_space<semaphore_mem>>) {add = true}
      %dma_wait3A_767 = arith.constant 22 : i32
      %dma_wait3A_768 = arith.constant 0 : i32
      %dma_wait3A_769 = tpu.memref_slice %arg8[%dma_wait3A_767, %dma_wait3A_768] : memref<25x80xi32, #tpu.memory_space<vmem>> -> memref<1x80xi32, #tpu.memory_space<vmem>>
      %dma_wait3A_770 = tpu.memref_squeeze %dma_wait3A_769 : memref<1x80xi32, #tpu.memory_space<vmem>> -> memref<80xi32, #tpu.memory_space<vmem>>
      %dma_wait3A_771 = arith.constant 0 : i32
      %dma_wait3A_772 = arith.constant 0 : i32
      %dma_wait3A_773 = tpu.memref_slice %arg2[%dma_wait3A_771, %dma_wait3A_772] : memref<10000x128xf32, #tpu.memory_space<hbm>> -> memref<10000x128xf32, #tpu.memory_space<hbm>>
      tpu.wait_indirect_dma semaphore(%arg14 : memref<!tpu.dma_semaphore, #tpu.memory_space<semaphore_mem>>) src(%dma_wait3A_773 : memref<10000x128xf32, #tpu.memory_space<hbm>>) dst(%arg11 : memref<80x128xf32, #tpu.memory_space<vmem>>)
      %dma_wait3A_774 = arith.constant 21 : i32
      %dma_wait3A_775 = arith.constant 0 : i32
      %dma_wait3A_776 = tpu.memref_slice %arg9[%dma_wait3A_774, %dma_wait3A_775] : memref<25x80xi32, #tpu.memory_space<vmem>> -> memref<1x80xi32, #tpu.memory_space<vmem>>
      %dma_wait3A_777 = tpu.memref_squeeze %dma_wait3A_776 : memref<1x80xi32, #tpu.memory_space<vmem>> -> memref<80xi32, #tpu.memory_space<vmem>>
      %dma_wait3A_778 = arith.constant 0 : i32
      %dma_wait3A_779 = arith.constant 0 : i32
      %dma_wait3A_780 = tpu.memref_slice %arg13[%dma_wait3A_778, %dma_wait3A_779] : memref<10240x128xf32, #tpu.memory_space<vmem_shared>> -> memref<10240x128xf32, #tpu.memory_space<vmem_shared>>
      tpu.wait_indirect_dma semaphore(%arg17 : memref<!tpu.dma_semaphore, #tpu.memory_space<semaphore_mem>>) src(%arg12 : memref<80x128xf32, #tpu.memory_space<vmem>>) dst(%dma_wait3A_780 : memref<10240x128xf32, #tpu.memory_space<vmem_shared>>)
      %dma_start3A_781 = arith.constant 23 : i32
      %dma_start3A_782 = arith.constant 0 : i32
      %dma_start3A_783 = tpu.memref_slice %arg8[%dma_start3A_781, %dma_start3A_782] : memref<25x80xi32, #tpu.memory_space<vmem>> -> memref<1x80xi32, #tpu.memory_space<vmem>>
      %dma_start3A_784 = tpu.memref_squeeze %dma_start3A_783 : memref<1x80xi32, #tpu.memory_space<vmem>> -> memref<80xi32, #tpu.memory_space<vmem>>
      %dma_start3A_785 = arith.constant 0 : i32
      %dma_start3A_786 = arith.constant 0 : i32
      %dma_start3A_787 = tpu.memref_slice %arg2[%dma_start3A_785, %dma_start3A_786] : memref<10000x128xf32, #tpu.memory_space<hbm>> -> memref<10000x128xf32, #tpu.memory_space<hbm>>
      tpu.enqueue_indirect_dma source(%dma_start3A_787 : memref<10000x128xf32, #tpu.memory_space<hbm>>) target(%arg12 : memref<80x128xf32, #tpu.memory_space<vmem>>) offsets(%dma_start3A_784 : memref<80xi32, #tpu.memory_space<vmem>>) semaphore(%arg15 : memref<!tpu.dma_semaphore, #tpu.memory_space<semaphore_mem>>)
      %dma_start3A_788 = arith.constant 22 : i32
      %dma_start3A_789 = arith.constant 0 : i32
      %dma_start3A_790 = tpu.memref_slice %arg9[%dma_start3A_788, %dma_start3A_789] : memref<25x80xi32, #tpu.memory_space<vmem>> -> memref<1x80xi32, #tpu.memory_space<vmem>>
      %dma_start3A_791 = tpu.memref_squeeze %dma_start3A_790 : memref<1x80xi32, #tpu.memory_space<vmem>> -> memref<80xi32, #tpu.memory_space<vmem>>
      %dma_start3A_792 = arith.constant 0 : i32
      %dma_start3A_793 = arith.constant 0 : i32
      %dma_start3A_794 = tpu.memref_slice %arg13[%dma_start3A_792, %dma_start3A_793] : memref<10240x128xf32, #tpu.memory_space<vmem_shared>> -> memref<10240x128xf32, #tpu.memory_space<vmem_shared>>
      tpu.enqueue_indirect_dma source(%arg11 : memref<80x128xf32, #tpu.memory_space<vmem>>) target(%dma_start3A_794 : memref<10240x128xf32, #tpu.memory_space<vmem_shared>>) offsets(%dma_start3A_791 : memref<80xi32, #tpu.memory_space<vmem>>) semaphore(%arg16 : memref<!tpu.dma_semaphore, #tpu.memory_space<semaphore_mem>>) {add = true}
      %dma_wait3A_795 = arith.constant 23 : i32
      %dma_wait3A_796 = arith.constant 0 : i32
      %dma_wait3A_797 = tpu.memref_slice %arg8[%dma_wait3A_795, %dma_wait3A_796] : memref<25x80xi32, #tpu.memory_space<vmem>> -> memref<1x80xi32, #tpu.memory_space<vmem>>
      %dma_wait3A_798 = tpu.memref_squeeze %dma_wait3A_797 : memref<1x80xi32, #tpu.memory_space<vmem>> -> memref<80xi32, #tpu.memory_space<vmem>>
      %dma_wait3A_799 = arith.constant 0 : i32
      %dma_wait3A_800 = arith.constant 0 : i32
      %dma_wait3A_801 = tpu.memref_slice %arg2[%dma_wait3A_799, %dma_wait3A_800] : memref<10000x128xf32, #tpu.memory_space<hbm>> -> memref<10000x128xf32, #tpu.memory_space<hbm>>
      tpu.wait_indirect_dma semaphore(%arg15 : memref<!tpu.dma_semaphore, #tpu.memory_space<semaphore_mem>>) src(%dma_wait3A_801 : memref<10000x128xf32, #tpu.memory_space<hbm>>) dst(%arg12 : memref<80x128xf32, #tpu.memory_space<vmem>>)
      %dma_wait3A_802 = arith.constant 22 : i32
      %dma_wait3A_803 = arith.constant 0 : i32
      %dma_wait3A_804 = tpu.memref_slice %arg9[%dma_wait3A_802, %dma_wait3A_803] : memref<25x80xi32, #tpu.memory_space<vmem>> -> memref<1x80xi32, #tpu.memory_space<vmem>>
      %dma_wait3A_805 = tpu.memref_squeeze %dma_wait3A_804 : memref<1x80xi32, #tpu.memory_space<vmem>> -> memref<80xi32, #tpu.memory_space<vmem>>
      %dma_wait3A_806 = arith.constant 0 : i32
      %dma_wait3A_807 = arith.constant 0 : i32
      %dma_wait3A_808 = tpu.memref_slice %arg13[%dma_wait3A_806, %dma_wait3A_807] : memref<10240x128xf32, #tpu.memory_space<vmem_shared>> -> memref<10240x128xf32, #tpu.memory_space<vmem_shared>>
      tpu.wait_indirect_dma semaphore(%arg16 : memref<!tpu.dma_semaphore, #tpu.memory_space<semaphore_mem>>) src(%arg11 : memref<80x128xf32, #tpu.memory_space<vmem>>) dst(%dma_wait3A_808 : memref<10240x128xf32, #tpu.memory_space<vmem_shared>>)
      %dma_start3A_809 = arith.constant 24 : i32
      %dma_start3A_810 = arith.constant 0 : i32
      %dma_start3A_811 = tpu.memref_slice %arg8[%dma_start3A_809, %dma_start3A_810] : memref<25x80xi32, #tpu.memory_space<vmem>> -> memref<1x80xi32, #tpu.memory_space<vmem>>
      %dma_start3A_812 = tpu.memref_squeeze %dma_start3A_811 : memref<1x80xi32, #tpu.memory_space<vmem>> -> memref<80xi32, #tpu.memory_space<vmem>>
      %dma_start3A_813 = arith.constant 0 : i32
      %dma_start3A_814 = arith.constant 0 : i32
      %dma_start3A_815 = tpu.memref_slice %arg2[%dma_start3A_813, %dma_start3A_814] : memref<10000x128xf32, #tpu.memory_space<hbm>> -> memref<10000x128xf32, #tpu.memory_space<hbm>>
      tpu.enqueue_indirect_dma source(%dma_start3A_815 : memref<10000x128xf32, #tpu.memory_space<hbm>>) target(%arg11 : memref<80x128xf32, #tpu.memory_space<vmem>>) offsets(%dma_start3A_812 : memref<80xi32, #tpu.memory_space<vmem>>) semaphore(%arg14 : memref<!tpu.dma_semaphore, #tpu.memory_space<semaphore_mem>>)
      %dma_start3A_816 = arith.constant 23 : i32
      %dma_start3A_817 = arith.constant 0 : i32
      %dma_start3A_818 = tpu.memref_slice %arg9[%dma_start3A_816, %dma_start3A_817] : memref<25x80xi32, #tpu.memory_space<vmem>> -> memref<1x80xi32, #tpu.memory_space<vmem>>
      %dma_start3A_819 = tpu.memref_squeeze %dma_start3A_818 : memref<1x80xi32, #tpu.memory_space<vmem>> -> memref<80xi32, #tpu.memory_space<vmem>>
      %dma_start3A_820 = arith.constant 0 : i32
      %dma_start3A_821 = arith.constant 0 : i32
      %dma_start3A_822 = tpu.memref_slice %arg13[%dma_start3A_820, %dma_start3A_821] : memref<10240x128xf32, #tpu.memory_space<vmem_shared>> -> memref<10240x128xf32, #tpu.memory_space<vmem_shared>>
      tpu.enqueue_indirect_dma source(%arg12 : memref<80x128xf32, #tpu.memory_space<vmem>>) target(%dma_start3A_822 : memref<10240x128xf32, #tpu.memory_space<vmem_shared>>) offsets(%dma_start3A_819 : memref<80xi32, #tpu.memory_space<vmem>>) semaphore(%arg17 : memref<!tpu.dma_semaphore, #tpu.memory_space<semaphore_mem>>) {add = true}
      %dma_wait3A_823 = arith.constant 24 : i32
      %dma_wait3A_824 = arith.constant 0 : i32
      %dma_wait3A_825 = tpu.memref_slice %arg8[%dma_wait3A_823, %dma_wait3A_824] : memref<25x80xi32, #tpu.memory_space<vmem>> -> memref<1x80xi32, #tpu.memory_space<vmem>>
      %dma_wait3A_826 = tpu.memref_squeeze %dma_wait3A_825 : memref<1x80xi32, #tpu.memory_space<vmem>> -> memref<80xi32, #tpu.memory_space<vmem>>
      %dma_wait3A_827 = arith.constant 0 : i32
      %dma_wait3A_828 = arith.constant 0 : i32
      %dma_wait3A_829 = tpu.memref_slice %arg2[%dma_wait3A_827, %dma_wait3A_828] : memref<10000x128xf32, #tpu.memory_space<hbm>> -> memref<10000x128xf32, #tpu.memory_space<hbm>>
      tpu.wait_indirect_dma semaphore(%arg14 : memref<!tpu.dma_semaphore, #tpu.memory_space<semaphore_mem>>) src(%dma_wait3A_829 : memref<10000x128xf32, #tpu.memory_space<hbm>>) dst(%arg11 : memref<80x128xf32, #tpu.memory_space<vmem>>)
      %dma_start3A_830 = arith.constant 24 : i32
      %dma_start3A_831 = arith.constant 0 : i32
      %dma_start3A_832 = tpu.memref_slice %arg9[%dma_start3A_830, %dma_start3A_831] : memref<25x80xi32, #tpu.memory_space<vmem>> -> memref<1x80xi32, #tpu.memory_space<vmem>>
      %dma_start3A_833 = tpu.memref_squeeze %dma_start3A_832 : memref<1x80xi32, #tpu.memory_space<vmem>> -> memref<80xi32, #tpu.memory_space<vmem>>
      %dma_start3A_834 = arith.constant 0 : i32
      %dma_start3A_835 = arith.constant 0 : i32
      %dma_start3A_836 = tpu.memref_slice %arg13[%dma_start3A_834, %dma_start3A_835] : memref<10240x128xf32, #tpu.memory_space<vmem_shared>> -> memref<10240x128xf32, #tpu.memory_space<vmem_shared>>
      tpu.enqueue_indirect_dma source(%arg11 : memref<80x128xf32, #tpu.memory_space<vmem>>) target(%dma_start3A_836 : memref<10240x128xf32, #tpu.memory_space<vmem_shared>>) offsets(%dma_start3A_833 : memref<80xi32, #tpu.memory_space<vmem>>) semaphore(%arg16 : memref<!tpu.dma_semaphore, #tpu.memory_space<semaphore_mem>>) {add = true}
      %dma_wait3A_837 = arith.constant 24 : i32
      %dma_wait3A_838 = arith.constant 0 : i32
      %dma_wait3A_839 = tpu.memref_slice %arg9[%dma_wait3A_837, %dma_wait3A_838] : memref<25x80xi32, #tpu.memory_space<vmem>> -> memref<1x80xi32, #tpu.memory_space<vmem>>
      %dma_wait3A_840 = tpu.memref_squeeze %dma_wait3A_839 : memref<1x80xi32, #tpu.memory_space<vmem>> -> memref<80xi32, #tpu.memory_space<vmem>>
      %dma_wait3A_841 = arith.constant 0 : i32
      %dma_wait3A_842 = arith.constant 0 : i32
      %dma_wait3A_843 = tpu.memref_slice %arg13[%dma_wait3A_841, %dma_wait3A_842] : memref<10240x128xf32, #tpu.memory_space<vmem_shared>> -> memref<10240x128xf32, #tpu.memory_space<vmem_shared>>
      tpu.wait_indirect_dma semaphore(%arg16 : memref<!tpu.dma_semaphore, #tpu.memory_space<semaphore_mem>>) src(%arg11 : memref<80x128xf32, #tpu.memory_space<vmem>>) dst(%dma_wait3A_843 : memref<10240x128xf32, #tpu.memory_space<vmem_shared>>)
      %dma_wait3A_844 = arith.constant 23 : i32
      %dma_wait3A_845 = arith.constant 0 : i32
      %dma_wait3A_846 = tpu.memref_slice %arg9[%dma_wait3A_844, %dma_wait3A_845] : memref<25x80xi32, #tpu.memory_space<vmem>> -> memref<1x80xi32, #tpu.memory_space<vmem>>
      %dma_wait3A_847 = tpu.memref_squeeze %dma_wait3A_846 : memref<1x80xi32, #tpu.memory_space<vmem>> -> memref<80xi32, #tpu.memory_space<vmem>>
      %dma_wait3A_848 = arith.constant 0 : i32
      %dma_wait3A_849 = arith.constant 0 : i32
      %dma_wait3A_850 = tpu.memref_slice %arg13[%dma_wait3A_848, %dma_wait3A_849] : memref<10240x128xf32, #tpu.memory_space<vmem_shared>> -> memref<10240x128xf32, #tpu.memory_space<vmem_shared>>
      tpu.wait_indirect_dma semaphore(%arg17 : memref<!tpu.dma_semaphore, #tpu.memory_space<semaphore_mem>>) src(%arg12 : memref<80x128xf32, #tpu.memory_space<vmem>>) dst(%dma_wait3A_850 : memref<10240x128xf32, #tpu.memory_space<vmem_shared>>)
    }
    %scan3A_14 = arith.constant 5 : i32
    %barrier3A_15 = arith.constant 0 : index
    tpu.barrier barrier_id(%barrier3A_15)
    %add3A_16 = arith.constant 0 : i32
    %add3A_17 = arith.addi %multiple_of3A, %add3A_16 : i32
    %multiple_of3A_18 = tpu.assume_multiple %add3A_17, 8 : i32
    %dma_start3A = arith.constant 0 : i32
    %dma_start3A_19 = arith.constant 0 : i32
    %dma_start3A_20 = tpu.memref_slice %arg10[%dma_start3A, %dma_start3A_19] : memref<8x80xi32, #tpu.memory_space<vmem>> -> memref<1x80xi32, #tpu.memory_space<vmem>>
    %dma_start3A_21 = tpu.memref_squeeze %dma_start3A_20 : memref<1x80xi32, #tpu.memory_space<vmem>> -> memref<80xi32, #tpu.memory_space<vmem>>
    %dma_start3A_22 = arith.constant 0 : i32
    %dma_start3A_23 = arith.constant 0 : i32
    %dma_start3A_24 = tpu.memref_slice %arg13[%dma_start3A_22, %dma_start3A_23] : memref<10240x128xf32, #tpu.memory_space<vmem_shared>> -> memref<10240x128xf32, #tpu.memory_space<vmem_shared>>
    tpu.enqueue_indirect_dma source(%dma_start3A_24 : memref<10240x128xf32, #tpu.memory_space<vmem_shared>>) target(%arg11 : memref<80x128xf32, #tpu.memory_space<vmem>>) offsets(%dma_start3A_21 : memref<80xi32, #tpu.memory_space<vmem>>) semaphore(%arg14 : memref<!tpu.dma_semaphore, #tpu.memory_space<semaphore_mem>>)
    %dma_wait3A = arith.constant 0 : i32
    %dma_wait3A_25 = arith.constant 0 : i32
    %dma_wait3A_26 = tpu.memref_slice %arg10[%dma_wait3A, %dma_wait3A_25] : memref<8x80xi32, #tpu.memory_space<vmem>> -> memref<1x80xi32, #tpu.memory_space<vmem>>
    %dma_wait3A_27 = tpu.memref_squeeze %dma_wait3A_26 : memref<1x80xi32, #tpu.memory_space<vmem>> -> memref<80xi32, #tpu.memory_space<vmem>>
    %dma_wait3A_28 = arith.constant 0 : i32
    %dma_wait3A_29 = arith.constant 0 : i32
    %dma_wait3A_30 = tpu.memref_slice %arg13[%dma_wait3A_28, %dma_wait3A_29] : memref<10240x128xf32, #tpu.memory_space<vmem_shared>> -> memref<10240x128xf32, #tpu.memory_space<vmem_shared>>
    tpu.wait_indirect_dma semaphore(%arg14 : memref<!tpu.dma_semaphore, #tpu.memory_space<semaphore_mem>>) src(%dma_wait3A_30 : memref<10240x128xf32, #tpu.memory_space<vmem_shared>>) dst(%arg11 : memref<80x128xf32, #tpu.memory_space<vmem>>)
    "tpu.region"() ({
      %run_scoped3A_150 = tpu.sem_alloc : memref<!tpu.dma_semaphore, #tpu.memory_space<semaphore_mem>>
      %dma_start3A_151 = arith.constant 0 : i32
      %dma_start3A_152 = tpu.memref_slice %arg7[%arg0, %multiple_of3A_18, %dma_start3A_151] : memref<2x10240x128xf32, #tpu.memory_space<hbm>> -> memref<1x80x128xf32, #tpu.memory_space<hbm>>
      %dma_start3A_153 = tpu.memref_squeeze %dma_start3A_152 : memref<1x80x128xf32, #tpu.memory_space<hbm>> -> memref<80x128xf32, #tpu.memory_space<hbm>>
      %dma_start3A_154 = arith.constant 0 : i32
      %dma_start3A_155 = tpu.memref_slice %arg7[%arg0, %multiple_of3A_18, %dma_start3A_154] : memref<2x10240x128xf32, #tpu.memory_space<hbm>> -> memref<1x80x128xf32, #tpu.memory_space<hbm>>
      %dma_start3A_156 = tpu.memref_squeeze %dma_start3A_155 : memref<1x80x128xf32, #tpu.memory_space<hbm>> -> memref<80x128xf32, #tpu.memory_space<hbm>>
      tpu.enqueue_dma source(%arg11 : memref<80x128xf32, #tpu.memory_space<vmem>>) target(%dma_start3A_156 : memref<80x128xf32, #tpu.memory_space<hbm>>) target_semaphore(%run_scoped3A_150 : memref<!tpu.dma_semaphore, #tpu.memory_space<semaphore_mem>>)
      %dma_wait3A_157 = arith.constant 0 : i32
      %dma_wait3A_158 = tpu.memref_slice %arg7[%arg0, %multiple_of3A_18, %dma_wait3A_157] : memref<2x10240x128xf32, #tpu.memory_space<hbm>> -> memref<1x80x128xf32, #tpu.memory_space<hbm>>
      %dma_wait3A_159 = tpu.memref_squeeze %dma_wait3A_158 : memref<1x80x128xf32, #tpu.memory_space<hbm>> -> memref<80x128xf32, #tpu.memory_space<hbm>>
      %dma_wait3A_160 = arith.constant 0 : i32
      %dma_wait3A_161 = tpu.memref_slice %arg7[%arg0, %multiple_of3A_18, %dma_wait3A_160] : memref<2x10240x128xf32, #tpu.memory_space<hbm>> -> memref<1x80x128xf32, #tpu.memory_space<hbm>>
      %dma_wait3A_162 = tpu.memref_squeeze %dma_wait3A_161 : memref<1x80x128xf32, #tpu.memory_space<hbm>> -> memref<80x128xf32, #tpu.memory_space<hbm>>
      tpu.wait_dma2 semaphore(%run_scoped3A_150 : memref<!tpu.dma_semaphore, #tpu.memory_space<semaphore_mem>>) src(%arg11 : memref<80x128xf32, #tpu.memory_space<vmem>>) dst(%dma_wait3A_162 : memref<80x128xf32, #tpu.memory_space<hbm>>)
      tpu.yield
    }) : () -> ()
    %add3A_31 = arith.constant 80 : i32
    %add3A_32 = arith.addi %multiple_of3A, %add3A_31 : i32
    %multiple_of3A_33 = tpu.assume_multiple %add3A_32, 8 : i32
    %dma_start3A_34 = arith.constant 1 : i32
    %dma_start3A_35 = arith.constant 0 : i32
    %dma_start3A_36 = tpu.memref_slice %arg10[%dma_start3A_34, %dma_start3A_35] : memref<8x80xi32, #tpu.memory_space<vmem>> -> memref<1x80xi32, #tpu.memory_space<vmem>>
    %dma_start3A_37 = tpu.memref_squeeze %dma_start3A_36 : memref<1x80xi32, #tpu.memory_space<vmem>> -> memref<80xi32, #tpu.memory_space<vmem>>
    %dma_start3A_38 = arith.constant 0 : i32
    %dma_start3A_39 = arith.constant 0 : i32
    %dma_start3A_40 = tpu.memref_slice %arg13[%dma_start3A_38, %dma_start3A_39] : memref<10240x128xf32, #tpu.memory_space<vmem_shared>> -> memref<10240x128xf32, #tpu.memory_space<vmem_shared>>
    tpu.enqueue_indirect_dma source(%dma_start3A_40 : memref<10240x128xf32, #tpu.memory_space<vmem_shared>>) target(%arg11 : memref<80x128xf32, #tpu.memory_space<vmem>>) offsets(%dma_start3A_37 : memref<80xi32, #tpu.memory_space<vmem>>) semaphore(%arg14 : memref<!tpu.dma_semaphore, #tpu.memory_space<semaphore_mem>>)
    %dma_wait3A_41 = arith.constant 1 : i32
    %dma_wait3A_42 = arith.constant 0 : i32
    %dma_wait3A_43 = tpu.memref_slice %arg10[%dma_wait3A_41, %dma_wait3A_42] : memref<8x80xi32, #tpu.memory_space<vmem>> -> memref<1x80xi32, #tpu.memory_space<vmem>>
    %dma_wait3A_44 = tpu.memref_squeeze %dma_wait3A_43 : memref<1x80xi32, #tpu.memory_space<vmem>> -> memref<80xi32, #tpu.memory_space<vmem>>
    %dma_wait3A_45 = arith.constant 0 : i32
    %dma_wait3A_46 = arith.constant 0 : i32
    %dma_wait3A_47 = tpu.memref_slice %arg13[%dma_wait3A_45, %dma_wait3A_46] : memref<10240x128xf32, #tpu.memory_space<vmem_shared>> -> memref<10240x128xf32, #tpu.memory_space<vmem_shared>>
    tpu.wait_indirect_dma semaphore(%arg14 : memref<!tpu.dma_semaphore, #tpu.memory_space<semaphore_mem>>) src(%dma_wait3A_47 : memref<10240x128xf32, #tpu.memory_space<vmem_shared>>) dst(%arg11 : memref<80x128xf32, #tpu.memory_space<vmem>>)
    "tpu.region"() ({
      %run_scoped3A_150 = tpu.sem_alloc : memref<!tpu.dma_semaphore, #tpu.memory_space<semaphore_mem>>
      %dma_start3A_151 = arith.constant 0 : i32
      %dma_start3A_152 = tpu.memref_slice %arg7[%arg0, %multiple_of3A_33, %dma_start3A_151] : memref<2x10240x128xf32, #tpu.memory_space<hbm>> -> memref<1x80x128xf32, #tpu.memory_space<hbm>>
      %dma_start3A_153 = tpu.memref_squeeze %dma_start3A_152 : memref<1x80x128xf32, #tpu.memory_space<hbm>> -> memref<80x128xf32, #tpu.memory_space<hbm>>
      %dma_start3A_154 = arith.constant 0 : i32
      %dma_start3A_155 = tpu.memref_slice %arg7[%arg0, %multiple_of3A_33, %dma_start3A_154] : memref<2x10240x128xf32, #tpu.memory_space<hbm>> -> memref<1x80x128xf32, #tpu.memory_space<hbm>>
      %dma_start3A_156 = tpu.memref_squeeze %dma_start3A_155 : memref<1x80x128xf32, #tpu.memory_space<hbm>> -> memref<80x128xf32, #tpu.memory_space<hbm>>
      tpu.enqueue_dma source(%arg11 : memref<80x128xf32, #tpu.memory_space<vmem>>) target(%dma_start3A_156 : memref<80x128xf32, #tpu.memory_space<hbm>>) target_semaphore(%run_scoped3A_150 : memref<!tpu.dma_semaphore, #tpu.memory_space<semaphore_mem>>)
      %dma_wait3A_157 = arith.constant 0 : i32
      %dma_wait3A_158 = tpu.memref_slice %arg7[%arg0, %multiple_of3A_33, %dma_wait3A_157] : memref<2x10240x128xf32, #tpu.memory_space<hbm>> -> memref<1x80x128xf32, #tpu.memory_space<hbm>>
      %dma_wait3A_159 = tpu.memref_squeeze %dma_wait3A_158 : memref<1x80x128xf32, #tpu.memory_space<hbm>> -> memref<80x128xf32, #tpu.memory_space<hbm>>
      %dma_wait3A_160 = arith.constant 0 : i32
      %dma_wait3A_161 = tpu.memref_slice %arg7[%arg0, %multiple_of3A_33, %dma_wait3A_160] : memref<2x10240x128xf32, #tpu.memory_space<hbm>> -> memref<1x80x128xf32, #tpu.memory_space<hbm>>
      %dma_wait3A_162 = tpu.memref_squeeze %dma_wait3A_161 : memref<1x80x128xf32, #tpu.memory_space<hbm>> -> memref<80x128xf32, #tpu.memory_space<hbm>>
      tpu.wait_dma2 semaphore(%run_scoped3A_150 : memref<!tpu.dma_semaphore, #tpu.memory_space<semaphore_mem>>) src(%arg11 : memref<80x128xf32, #tpu.memory_space<vmem>>) dst(%dma_wait3A_162 : memref<80x128xf32, #tpu.memory_space<hbm>>)
      tpu.yield
    }) : () -> ()
    %add3A_48 = arith.constant 160 : i32
    %add3A_49 = arith.addi %multiple_of3A, %add3A_48 : i32
    %multiple_of3A_50 = tpu.assume_multiple %add3A_49, 8 : i32
    %dma_start3A_51 = arith.constant 2 : i32
    %dma_start3A_52 = arith.constant 0 : i32
    %dma_start3A_53 = tpu.memref_slice %arg10[%dma_start3A_51, %dma_start3A_52] : memref<8x80xi32, #tpu.memory_space<vmem>> -> memref<1x80xi32, #tpu.memory_space<vmem>>
    %dma_start3A_54 = tpu.memref_squeeze %dma_start3A_53 : memref<1x80xi32, #tpu.memory_space<vmem>> -> memref<80xi32, #tpu.memory_space<vmem>>
    %dma_start3A_55 = arith.constant 0 : i32
    %dma_start3A_56 = arith.constant 0 : i32
    %dma_start3A_57 = tpu.memref_slice %arg13[%dma_start3A_55, %dma_start3A_56] : memref<10240x128xf32, #tpu.memory_space<vmem_shared>> -> memref<10240x128xf32, #tpu.memory_space<vmem_shared>>
    tpu.enqueue_indirect_dma source(%dma_start3A_57 : memref<10240x128xf32, #tpu.memory_space<vmem_shared>>) target(%arg11 : memref<80x128xf32, #tpu.memory_space<vmem>>) offsets(%dma_start3A_54 : memref<80xi32, #tpu.memory_space<vmem>>) semaphore(%arg14 : memref<!tpu.dma_semaphore, #tpu.memory_space<semaphore_mem>>)
    %dma_wait3A_58 = arith.constant 2 : i32
    %dma_wait3A_59 = arith.constant 0 : i32
    %dma_wait3A_60 = tpu.memref_slice %arg10[%dma_wait3A_58, %dma_wait3A_59] : memref<8x80xi32, #tpu.memory_space<vmem>> -> memref<1x80xi32, #tpu.memory_space<vmem>>
    %dma_wait3A_61 = tpu.memref_squeeze %dma_wait3A_60 : memref<1x80xi32, #tpu.memory_space<vmem>> -> memref<80xi32, #tpu.memory_space<vmem>>
    %dma_wait3A_62 = arith.constant 0 : i32
    %dma_wait3A_63 = arith.constant 0 : i32
    %dma_wait3A_64 = tpu.memref_slice %arg13[%dma_wait3A_62, %dma_wait3A_63] : memref<10240x128xf32, #tpu.memory_space<vmem_shared>> -> memref<10240x128xf32, #tpu.memory_space<vmem_shared>>
    tpu.wait_indirect_dma semaphore(%arg14 : memref<!tpu.dma_semaphore, #tpu.memory_space<semaphore_mem>>) src(%dma_wait3A_64 : memref<10240x128xf32, #tpu.memory_space<vmem_shared>>) dst(%arg11 : memref<80x128xf32, #tpu.memory_space<vmem>>)
    "tpu.region"() ({
      %run_scoped3A_150 = tpu.sem_alloc : memref<!tpu.dma_semaphore, #tpu.memory_space<semaphore_mem>>
      %dma_start3A_151 = arith.constant 0 : i32
      %dma_start3A_152 = tpu.memref_slice %arg7[%arg0, %multiple_of3A_50, %dma_start3A_151] : memref<2x10240x128xf32, #tpu.memory_space<hbm>> -> memref<1x80x128xf32, #tpu.memory_space<hbm>>
      %dma_start3A_153 = tpu.memref_squeeze %dma_start3A_152 : memref<1x80x128xf32, #tpu.memory_space<hbm>> -> memref<80x128xf32, #tpu.memory_space<hbm>>
      %dma_start3A_154 = arith.constant 0 : i32
      %dma_start3A_155 = tpu.memref_slice %arg7[%arg0, %multiple_of3A_50, %dma_start3A_154] : memref<2x10240x128xf32, #tpu.memory_space<hbm>> -> memref<1x80x128xf32, #tpu.memory_space<hbm>>
      %dma_start3A_156 = tpu.memref_squeeze %dma_start3A_155 : memref<1x80x128xf32, #tpu.memory_space<hbm>> -> memref<80x128xf32, #tpu.memory_space<hbm>>
      tpu.enqueue_dma source(%arg11 : memref<80x128xf32, #tpu.memory_space<vmem>>) target(%dma_start3A_156 : memref<80x128xf32, #tpu.memory_space<hbm>>) target_semaphore(%run_scoped3A_150 : memref<!tpu.dma_semaphore, #tpu.memory_space<semaphore_mem>>)
      %dma_wait3A_157 = arith.constant 0 : i32
      %dma_wait3A_158 = tpu.memref_slice %arg7[%arg0, %multiple_of3A_50, %dma_wait3A_157] : memref<2x10240x128xf32, #tpu.memory_space<hbm>> -> memref<1x80x128xf32, #tpu.memory_space<hbm>>
      %dma_wait3A_159 = tpu.memref_squeeze %dma_wait3A_158 : memref<1x80x128xf32, #tpu.memory_space<hbm>> -> memref<80x128xf32, #tpu.memory_space<hbm>>
      %dma_wait3A_160 = arith.constant 0 : i32
      %dma_wait3A_161 = tpu.memref_slice %arg7[%arg0, %multiple_of3A_50, %dma_wait3A_160] : memref<2x10240x128xf32, #tpu.memory_space<hbm>> -> memref<1x80x128xf32, #tpu.memory_space<hbm>>
      %dma_wait3A_162 = tpu.memref_squeeze %dma_wait3A_161 : memref<1x80x128xf32, #tpu.memory_space<hbm>> -> memref<80x128xf32, #tpu.memory_space<hbm>>
      tpu.wait_dma2 semaphore(%run_scoped3A_150 : memref<!tpu.dma_semaphore, #tpu.memory_space<semaphore_mem>>) src(%arg11 : memref<80x128xf32, #tpu.memory_space<vmem>>) dst(%dma_wait3A_162 : memref<80x128xf32, #tpu.memory_space<hbm>>)
      tpu.yield
    }) : () -> ()
    %add3A_65 = arith.constant 240 : i32
    %add3A_66 = arith.addi %multiple_of3A, %add3A_65 : i32
    %multiple_of3A_67 = tpu.assume_multiple %add3A_66, 8 : i32
    %dma_start3A_68 = arith.constant 3 : i32
    %dma_start3A_69 = arith.constant 0 : i32
    %dma_start3A_70 = tpu.memref_slice %arg10[%dma_start3A_68, %dma_start3A_69] : memref<8x80xi32, #tpu.memory_space<vmem>> -> memref<1x80xi32, #tpu.memory_space<vmem>>
    %dma_start3A_71 = tpu.memref_squeeze %dma_start3A_70 : memref<1x80xi32, #tpu.memory_space<vmem>> -> memref<80xi32, #tpu.memory_space<vmem>>
    %dma_start3A_72 = arith.constant 0 : i32
    %dma_start3A_73 = arith.constant 0 : i32
    %dma_start3A_74 = tpu.memref_slice %arg13[%dma_start3A_72, %dma_start3A_73] : memref<10240x128xf32, #tpu.memory_space<vmem_shared>> -> memref<10240x128xf32, #tpu.memory_space<vmem_shared>>
    tpu.enqueue_indirect_dma source(%dma_start3A_74 : memref<10240x128xf32, #tpu.memory_space<vmem_shared>>) target(%arg11 : memref<80x128xf32, #tpu.memory_space<vmem>>) offsets(%dma_start3A_71 : memref<80xi32, #tpu.memory_space<vmem>>) semaphore(%arg14 : memref<!tpu.dma_semaphore, #tpu.memory_space<semaphore_mem>>)
    %dma_wait3A_75 = arith.constant 3 : i32
    %dma_wait3A_76 = arith.constant 0 : i32
    %dma_wait3A_77 = tpu.memref_slice %arg10[%dma_wait3A_75, %dma_wait3A_76] : memref<8x80xi32, #tpu.memory_space<vmem>> -> memref<1x80xi32, #tpu.memory_space<vmem>>
    %dma_wait3A_78 = tpu.memref_squeeze %dma_wait3A_77 : memref<1x80xi32, #tpu.memory_space<vmem>> -> memref<80xi32, #tpu.memory_space<vmem>>
    %dma_wait3A_79 = arith.constant 0 : i32
    %dma_wait3A_80 = arith.constant 0 : i32
    %dma_wait3A_81 = tpu.memref_slice %arg13[%dma_wait3A_79, %dma_wait3A_80] : memref<10240x128xf32, #tpu.memory_space<vmem_shared>> -> memref<10240x128xf32, #tpu.memory_space<vmem_shared>>
    tpu.wait_indirect_dma semaphore(%arg14 : memref<!tpu.dma_semaphore, #tpu.memory_space<semaphore_mem>>) src(%dma_wait3A_81 : memref<10240x128xf32, #tpu.memory_space<vmem_shared>>) dst(%arg11 : memref<80x128xf32, #tpu.memory_space<vmem>>)
    "tpu.region"() ({
      %run_scoped3A_150 = tpu.sem_alloc : memref<!tpu.dma_semaphore, #tpu.memory_space<semaphore_mem>>
      %dma_start3A_151 = arith.constant 0 : i32
      %dma_start3A_152 = tpu.memref_slice %arg7[%arg0, %multiple_of3A_67, %dma_start3A_151] : memref<2x10240x128xf32, #tpu.memory_space<hbm>> -> memref<1x80x128xf32, #tpu.memory_space<hbm>>
      %dma_start3A_153 = tpu.memref_squeeze %dma_start3A_152 : memref<1x80x128xf32, #tpu.memory_space<hbm>> -> memref<80x128xf32, #tpu.memory_space<hbm>>
      %dma_start3A_154 = arith.constant 0 : i32
      %dma_start3A_155 = tpu.memref_slice %arg7[%arg0, %multiple_of3A_67, %dma_start3A_154] : memref<2x10240x128xf32, #tpu.memory_space<hbm>> -> memref<1x80x128xf32, #tpu.memory_space<hbm>>
      %dma_start3A_156 = tpu.memref_squeeze %dma_start3A_155 : memref<1x80x128xf32, #tpu.memory_space<hbm>> -> memref<80x128xf32, #tpu.memory_space<hbm>>
      tpu.enqueue_dma source(%arg11 : memref<80x128xf32, #tpu.memory_space<vmem>>) target(%dma_start3A_156 : memref<80x128xf32, #tpu.memory_space<hbm>>) target_semaphore(%run_scoped3A_150 : memref<!tpu.dma_semaphore, #tpu.memory_space<semaphore_mem>>)
      %dma_wait3A_157 = arith.constant 0 : i32
      %dma_wait3A_158 = tpu.memref_slice %arg7[%arg0, %multiple_of3A_67, %dma_wait3A_157] : memref<2x10240x128xf32, #tpu.memory_space<hbm>> -> memref<1x80x128xf32, #tpu.memory_space<hbm>>
      %dma_wait3A_159 = tpu.memref_squeeze %dma_wait3A_158 : memref<1x80x128xf32, #tpu.memory_space<hbm>> -> memref<80x128xf32, #tpu.memory_space<hbm>>
      %dma_wait3A_160 = arith.constant 0 : i32
      %dma_wait3A_161 = tpu.memref_slice %arg7[%arg0, %multiple_of3A_67, %dma_wait3A_160] : memref<2x10240x128xf32, #tpu.memory_space<hbm>> -> memref<1x80x128xf32, #tpu.memory_space<hbm>>
      %dma_wait3A_162 = tpu.memref_squeeze %dma_wait3A_161 : memref<1x80x128xf32, #tpu.memory_space<hbm>> -> memref<80x128xf32, #tpu.memory_space<hbm>>
      tpu.wait_dma2 semaphore(%run_scoped3A_150 : memref<!tpu.dma_semaphore, #tpu.memory_space<semaphore_mem>>) src(%arg11 : memref<80x128xf32, #tpu.memory_space<vmem>>) dst(%dma_wait3A_162 : memref<80x128xf32, #tpu.memory_space<hbm>>)
      tpu.yield
    }) : () -> ()
    %add3A_82 = arith.constant 320 : i32
    %add3A_83 = arith.addi %multiple_of3A, %add3A_82 : i32
    %multiple_of3A_84 = tpu.assume_multiple %add3A_83, 8 : i32
    %dma_start3A_85 = arith.constant 4 : i32
    %dma_start3A_86 = arith.constant 0 : i32
    %dma_start3A_87 = tpu.memref_slice %arg10[%dma_start3A_85, %dma_start3A_86] : memref<8x80xi32, #tpu.memory_space<vmem>> -> memref<1x80xi32, #tpu.memory_space<vmem>>
    %dma_start3A_88 = tpu.memref_squeeze %dma_start3A_87 : memref<1x80xi32, #tpu.memory_space<vmem>> -> memref<80xi32, #tpu.memory_space<vmem>>
    %dma_start3A_89 = arith.constant 0 : i32
    %dma_start3A_90 = arith.constant 0 : i32
    %dma_start3A_91 = tpu.memref_slice %arg13[%dma_start3A_89, %dma_start3A_90] : memref<10240x128xf32, #tpu.memory_space<vmem_shared>> -> memref<10240x128xf32, #tpu.memory_space<vmem_shared>>
    tpu.enqueue_indirect_dma source(%dma_start3A_91 : memref<10240x128xf32, #tpu.memory_space<vmem_shared>>) target(%arg11 : memref<80x128xf32, #tpu.memory_space<vmem>>) offsets(%dma_start3A_88 : memref<80xi32, #tpu.memory_space<vmem>>) semaphore(%arg14 : memref<!tpu.dma_semaphore, #tpu.memory_space<semaphore_mem>>)
    %dma_wait3A_92 = arith.constant 4 : i32
    %dma_wait3A_93 = arith.constant 0 : i32
    %dma_wait3A_94 = tpu.memref_slice %arg10[%dma_wait3A_92, %dma_wait3A_93] : memref<8x80xi32, #tpu.memory_space<vmem>> -> memref<1x80xi32, #tpu.memory_space<vmem>>
    %dma_wait3A_95 = tpu.memref_squeeze %dma_wait3A_94 : memref<1x80xi32, #tpu.memory_space<vmem>> -> memref<80xi32, #tpu.memory_space<vmem>>
    %dma_wait3A_96 = arith.constant 0 : i32
    %dma_wait3A_97 = arith.constant 0 : i32
    %dma_wait3A_98 = tpu.memref_slice %arg13[%dma_wait3A_96, %dma_wait3A_97] : memref<10240x128xf32, #tpu.memory_space<vmem_shared>> -> memref<10240x128xf32, #tpu.memory_space<vmem_shared>>
    tpu.wait_indirect_dma semaphore(%arg14 : memref<!tpu.dma_semaphore, #tpu.memory_space<semaphore_mem>>) src(%dma_wait3A_98 : memref<10240x128xf32, #tpu.memory_space<vmem_shared>>) dst(%arg11 : memref<80x128xf32, #tpu.memory_space<vmem>>)
    "tpu.region"() ({
      %run_scoped3A_150 = tpu.sem_alloc : memref<!tpu.dma_semaphore, #tpu.memory_space<semaphore_mem>>
      %dma_start3A_151 = arith.constant 0 : i32
      %dma_start3A_152 = tpu.memref_slice %arg7[%arg0, %multiple_of3A_84, %dma_start3A_151] : memref<2x10240x128xf32, #tpu.memory_space<hbm>> -> memref<1x80x128xf32, #tpu.memory_space<hbm>>
      %dma_start3A_153 = tpu.memref_squeeze %dma_start3A_152 : memref<1x80x128xf32, #tpu.memory_space<hbm>> -> memref<80x128xf32, #tpu.memory_space<hbm>>
      %dma_start3A_154 = arith.constant 0 : i32
      %dma_start3A_155 = tpu.memref_slice %arg7[%arg0, %multiple_of3A_84, %dma_start3A_154] : memref<2x10240x128xf32, #tpu.memory_space<hbm>> -> memref<1x80x128xf32, #tpu.memory_space<hbm>>
      %dma_start3A_156 = tpu.memref_squeeze %dma_start3A_155 : memref<1x80x128xf32, #tpu.memory_space<hbm>> -> memref<80x128xf32, #tpu.memory_space<hbm>>
      tpu.enqueue_dma source(%arg11 : memref<80x128xf32, #tpu.memory_space<vmem>>) target(%dma_start3A_156 : memref<80x128xf32, #tpu.memory_space<hbm>>) target_semaphore(%run_scoped3A_150 : memref<!tpu.dma_semaphore, #tpu.memory_space<semaphore_mem>>)
      %dma_wait3A_157 = arith.constant 0 : i32
      %dma_wait3A_158 = tpu.memref_slice %arg7[%arg0, %multiple_of3A_84, %dma_wait3A_157] : memref<2x10240x128xf32, #tpu.memory_space<hbm>> -> memref<1x80x128xf32, #tpu.memory_space<hbm>>
      %dma_wait3A_159 = tpu.memref_squeeze %dma_wait3A_158 : memref<1x80x128xf32, #tpu.memory_space<hbm>> -> memref<80x128xf32, #tpu.memory_space<hbm>>
      %dma_wait3A_160 = arith.constant 0 : i32
      %dma_wait3A_161 = tpu.memref_slice %arg7[%arg0, %multiple_of3A_84, %dma_wait3A_160] : memref<2x10240x128xf32, #tpu.memory_space<hbm>> -> memref<1x80x128xf32, #tpu.memory_space<hbm>>
      %dma_wait3A_162 = tpu.memref_squeeze %dma_wait3A_161 : memref<1x80x128xf32, #tpu.memory_space<hbm>> -> memref<80x128xf32, #tpu.memory_space<hbm>>
      tpu.wait_dma2 semaphore(%run_scoped3A_150 : memref<!tpu.dma_semaphore, #tpu.memory_space<semaphore_mem>>) src(%arg11 : memref<80x128xf32, #tpu.memory_space<vmem>>) dst(%dma_wait3A_162 : memref<80x128xf32, #tpu.memory_space<hbm>>)
      tpu.yield
    }) : () -> ()
    %add3A_99 = arith.constant 400 : i32
    %add3A_100 = arith.addi %multiple_of3A, %add3A_99 : i32
    %multiple_of3A_101 = tpu.assume_multiple %add3A_100, 8 : i32
    %dma_start3A_102 = arith.constant 5 : i32
    %dma_start3A_103 = arith.constant 0 : i32
    %dma_start3A_104 = tpu.memref_slice %arg10[%dma_start3A_102, %dma_start3A_103] : memref<8x80xi32, #tpu.memory_space<vmem>> -> memref<1x80xi32, #tpu.memory_space<vmem>>
    %dma_start3A_105 = tpu.memref_squeeze %dma_start3A_104 : memref<1x80xi32, #tpu.memory_space<vmem>> -> memref<80xi32, #tpu.memory_space<vmem>>
    %dma_start3A_106 = arith.constant 0 : i32
    %dma_start3A_107 = arith.constant 0 : i32
    %dma_start3A_108 = tpu.memref_slice %arg13[%dma_start3A_106, %dma_start3A_107] : memref<10240x128xf32, #tpu.memory_space<vmem_shared>> -> memref<10240x128xf32, #tpu.memory_space<vmem_shared>>
    tpu.enqueue_indirect_dma source(%dma_start3A_108 : memref<10240x128xf32, #tpu.memory_space<vmem_shared>>) target(%arg11 : memref<80x128xf32, #tpu.memory_space<vmem>>) offsets(%dma_start3A_105 : memref<80xi32, #tpu.memory_space<vmem>>) semaphore(%arg14 : memref<!tpu.dma_semaphore, #tpu.memory_space<semaphore_mem>>)
    %dma_wait3A_109 = arith.constant 5 : i32
    %dma_wait3A_110 = arith.constant 0 : i32
    %dma_wait3A_111 = tpu.memref_slice %arg10[%dma_wait3A_109, %dma_wait3A_110] : memref<8x80xi32, #tpu.memory_space<vmem>> -> memref<1x80xi32, #tpu.memory_space<vmem>>
    %dma_wait3A_112 = tpu.memref_squeeze %dma_wait3A_111 : memref<1x80xi32, #tpu.memory_space<vmem>> -> memref<80xi32, #tpu.memory_space<vmem>>
    %dma_wait3A_113 = arith.constant 0 : i32
    %dma_wait3A_114 = arith.constant 0 : i32
    %dma_wait3A_115 = tpu.memref_slice %arg13[%dma_wait3A_113, %dma_wait3A_114] : memref<10240x128xf32, #tpu.memory_space<vmem_shared>> -> memref<10240x128xf32, #tpu.memory_space<vmem_shared>>
    tpu.wait_indirect_dma semaphore(%arg14 : memref<!tpu.dma_semaphore, #tpu.memory_space<semaphore_mem>>) src(%dma_wait3A_115 : memref<10240x128xf32, #tpu.memory_space<vmem_shared>>) dst(%arg11 : memref<80x128xf32, #tpu.memory_space<vmem>>)
    "tpu.region"() ({
      %run_scoped3A_150 = tpu.sem_alloc : memref<!tpu.dma_semaphore, #tpu.memory_space<semaphore_mem>>
      %dma_start3A_151 = arith.constant 0 : i32
      %dma_start3A_152 = tpu.memref_slice %arg7[%arg0, %multiple_of3A_101, %dma_start3A_151] : memref<2x10240x128xf32, #tpu.memory_space<hbm>> -> memref<1x80x128xf32, #tpu.memory_space<hbm>>
      %dma_start3A_153 = tpu.memref_squeeze %dma_start3A_152 : memref<1x80x128xf32, #tpu.memory_space<hbm>> -> memref<80x128xf32, #tpu.memory_space<hbm>>
      %dma_start3A_154 = arith.constant 0 : i32
      %dma_start3A_155 = tpu.memref_slice %arg7[%arg0, %multiple_of3A_101, %dma_start3A_154] : memref<2x10240x128xf32, #tpu.memory_space<hbm>> -> memref<1x80x128xf32, #tpu.memory_space<hbm>>
      %dma_start3A_156 = tpu.memref_squeeze %dma_start3A_155 : memref<1x80x128xf32, #tpu.memory_space<hbm>> -> memref<80x128xf32, #tpu.memory_space<hbm>>
      tpu.enqueue_dma source(%arg11 : memref<80x128xf32, #tpu.memory_space<vmem>>) target(%dma_start3A_156 : memref<80x128xf32, #tpu.memory_space<hbm>>) target_semaphore(%run_scoped3A_150 : memref<!tpu.dma_semaphore, #tpu.memory_space<semaphore_mem>>)
      %dma_wait3A_157 = arith.constant 0 : i32
      %dma_wait3A_158 = tpu.memref_slice %arg7[%arg0, %multiple_of3A_101, %dma_wait3A_157] : memref<2x10240x128xf32, #tpu.memory_space<hbm>> -> memref<1x80x128xf32, #tpu.memory_space<hbm>>
      %dma_wait3A_159 = tpu.memref_squeeze %dma_wait3A_158 : memref<1x80x128xf32, #tpu.memory_space<hbm>> -> memref<80x128xf32, #tpu.memory_space<hbm>>
      %dma_wait3A_160 = arith.constant 0 : i32
      %dma_wait3A_161 = tpu.memref_slice %arg7[%arg0, %multiple_of3A_101, %dma_wait3A_160] : memref<2x10240x128xf32, #tpu.memory_space<hbm>> -> memref<1x80x128xf32, #tpu.memory_space<hbm>>
      %dma_wait3A_162 = tpu.memref_squeeze %dma_wait3A_161 : memref<1x80x128xf32, #tpu.memory_space<hbm>> -> memref<80x128xf32, #tpu.memory_space<hbm>>
      tpu.wait_dma2 semaphore(%run_scoped3A_150 : memref<!tpu.dma_semaphore, #tpu.memory_space<semaphore_mem>>) src(%arg11 : memref<80x128xf32, #tpu.memory_space<vmem>>) dst(%dma_wait3A_162 : memref<80x128xf32, #tpu.memory_space<hbm>>)
      tpu.yield
    }) : () -> ()
    %add3A_116 = arith.constant 480 : i32
    %add3A_117 = arith.addi %multiple_of3A, %add3A_116 : i32
    %multiple_of3A_118 = tpu.assume_multiple %add3A_117, 8 : i32
    %dma_start3A_119 = arith.constant 6 : i32
    %dma_start3A_120 = arith.constant 0 : i32
    %dma_start3A_121 = tpu.memref_slice %arg10[%dma_start3A_119, %dma_start3A_120] : memref<8x80xi32, #tpu.memory_space<vmem>> -> memref<1x80xi32, #tpu.memory_space<vmem>>
    %dma_start3A_122 = tpu.memref_squeeze %dma_start3A_121 : memref<1x80xi32, #tpu.memory_space<vmem>> -> memref<80xi32, #tpu.memory_space<vmem>>
    %dma_start3A_123 = arith.constant 0 : i32
    %dma_start3A_124 = arith.constant 0 : i32
    %dma_start3A_125 = tpu.memref_slice %arg13[%dma_start3A_123, %dma_start3A_124] : memref<10240x128xf32, #tpu.memory_space<vmem_shared>> -> memref<10240x128xf32, #tpu.memory_space<vmem_shared>>
    tpu.enqueue_indirect_dma source(%dma_start3A_125 : memref<10240x128xf32, #tpu.memory_space<vmem_shared>>) target(%arg11 : memref<80x128xf32, #tpu.memory_space<vmem>>) offsets(%dma_start3A_122 : memref<80xi32, #tpu.memory_space<vmem>>) semaphore(%arg14 : memref<!tpu.dma_semaphore, #tpu.memory_space<semaphore_mem>>)
    %dma_wait3A_126 = arith.constant 6 : i32
    %dma_wait3A_127 = arith.constant 0 : i32
    %dma_wait3A_128 = tpu.memref_slice %arg10[%dma_wait3A_126, %dma_wait3A_127] : memref<8x80xi32, #tpu.memory_space<vmem>> -> memref<1x80xi32, #tpu.memory_space<vmem>>
    %dma_wait3A_129 = tpu.memref_squeeze %dma_wait3A_128 : memref<1x80xi32, #tpu.memory_space<vmem>> -> memref<80xi32, #tpu.memory_space<vmem>>
    %dma_wait3A_130 = arith.constant 0 : i32
    %dma_wait3A_131 = arith.constant 0 : i32
    %dma_wait3A_132 = tpu.memref_slice %arg13[%dma_wait3A_130, %dma_wait3A_131] : memref<10240x128xf32, #tpu.memory_space<vmem_shared>> -> memref<10240x128xf32, #tpu.memory_space<vmem_shared>>
    tpu.wait_indirect_dma semaphore(%arg14 : memref<!tpu.dma_semaphore, #tpu.memory_space<semaphore_mem>>) src(%dma_wait3A_132 : memref<10240x128xf32, #tpu.memory_space<vmem_shared>>) dst(%arg11 : memref<80x128xf32, #tpu.memory_space<vmem>>)
    "tpu.region"() ({
      %run_scoped3A_150 = tpu.sem_alloc : memref<!tpu.dma_semaphore, #tpu.memory_space<semaphore_mem>>
      %dma_start3A_151 = arith.constant 0 : i32
      %dma_start3A_152 = tpu.memref_slice %arg7[%arg0, %multiple_of3A_118, %dma_start3A_151] : memref<2x10240x128xf32, #tpu.memory_space<hbm>> -> memref<1x80x128xf32, #tpu.memory_space<hbm>>
      %dma_start3A_153 = tpu.memref_squeeze %dma_start3A_152 : memref<1x80x128xf32, #tpu.memory_space<hbm>> -> memref<80x128xf32, #tpu.memory_space<hbm>>
      %dma_start3A_154 = arith.constant 0 : i32
      %dma_start3A_155 = tpu.memref_slice %arg7[%arg0, %multiple_of3A_118, %dma_start3A_154] : memref<2x10240x128xf32, #tpu.memory_space<hbm>> -> memref<1x80x128xf32, #tpu.memory_space<hbm>>
      %dma_start3A_156 = tpu.memref_squeeze %dma_start3A_155 : memref<1x80x128xf32, #tpu.memory_space<hbm>> -> memref<80x128xf32, #tpu.memory_space<hbm>>
      tpu.enqueue_dma source(%arg11 : memref<80x128xf32, #tpu.memory_space<vmem>>) target(%dma_start3A_156 : memref<80x128xf32, #tpu.memory_space<hbm>>) target_semaphore(%run_scoped3A_150 : memref<!tpu.dma_semaphore, #tpu.memory_space<semaphore_mem>>)
      %dma_wait3A_157 = arith.constant 0 : i32
      %dma_wait3A_158 = tpu.memref_slice %arg7[%arg0, %multiple_of3A_118, %dma_wait3A_157] : memref<2x10240x128xf32, #tpu.memory_space<hbm>> -> memref<1x80x128xf32, #tpu.memory_space<hbm>>
      %dma_wait3A_159 = tpu.memref_squeeze %dma_wait3A_158 : memref<1x80x128xf32, #tpu.memory_space<hbm>> -> memref<80x128xf32, #tpu.memory_space<hbm>>
      %dma_wait3A_160 = arith.constant 0 : i32
      %dma_wait3A_161 = tpu.memref_slice %arg7[%arg0, %multiple_of3A_118, %dma_wait3A_160] : memref<2x10240x128xf32, #tpu.memory_space<hbm>> -> memref<1x80x128xf32, #tpu.memory_space<hbm>>
      %dma_wait3A_162 = tpu.memref_squeeze %dma_wait3A_161 : memref<1x80x128xf32, #tpu.memory_space<hbm>> -> memref<80x128xf32, #tpu.memory_space<hbm>>
      tpu.wait_dma2 semaphore(%run_scoped3A_150 : memref<!tpu.dma_semaphore, #tpu.memory_space<semaphore_mem>>) src(%arg11 : memref<80x128xf32, #tpu.memory_space<vmem>>) dst(%dma_wait3A_162 : memref<80x128xf32, #tpu.memory_space<hbm>>)
      tpu.yield
    }) : () -> ()
    %add3A_133 = arith.constant 560 : i32
    %add3A_134 = arith.addi %multiple_of3A, %add3A_133 : i32
    %multiple_of3A_135 = tpu.assume_multiple %add3A_134, 8 : i32
    %dma_start3A_136 = arith.constant 7 : i32
    %dma_start3A_137 = arith.constant 0 : i32
    %dma_start3A_138 = tpu.memref_slice %arg10[%dma_start3A_136, %dma_start3A_137] : memref<8x80xi32, #tpu.memory_space<vmem>> -> memref<1x80xi32, #tpu.memory_space<vmem>>
    %dma_start3A_139 = tpu.memref_squeeze %dma_start3A_138 : memref<1x80xi32, #tpu.memory_space<vmem>> -> memref<80xi32, #tpu.memory_space<vmem>>
    %dma_start3A_140 = arith.constant 0 : i32
    %dma_start3A_141 = arith.constant 0 : i32
    %dma_start3A_142 = tpu.memref_slice %arg13[%dma_start3A_140, %dma_start3A_141] : memref<10240x128xf32, #tpu.memory_space<vmem_shared>> -> memref<10240x128xf32, #tpu.memory_space<vmem_shared>>
    tpu.enqueue_indirect_dma source(%dma_start3A_142 : memref<10240x128xf32, #tpu.memory_space<vmem_shared>>) target(%arg11 : memref<80x128xf32, #tpu.memory_space<vmem>>) offsets(%dma_start3A_139 : memref<80xi32, #tpu.memory_space<vmem>>) semaphore(%arg14 : memref<!tpu.dma_semaphore, #tpu.memory_space<semaphore_mem>>)
    %dma_wait3A_143 = arith.constant 7 : i32
    %dma_wait3A_144 = arith.constant 0 : i32
    %dma_wait3A_145 = tpu.memref_slice %arg10[%dma_wait3A_143, %dma_wait3A_144] : memref<8x80xi32, #tpu.memory_space<vmem>> -> memref<1x80xi32, #tpu.memory_space<vmem>>
    %dma_wait3A_146 = tpu.memref_squeeze %dma_wait3A_145 : memref<1x80xi32, #tpu.memory_space<vmem>> -> memref<80xi32, #tpu.memory_space<vmem>>
    %dma_wait3A_147 = arith.constant 0 : i32
    %dma_wait3A_148 = arith.constant 0 : i32
    %dma_wait3A_149 = tpu.memref_slice %arg13[%dma_wait3A_147, %dma_wait3A_148] : memref<10240x128xf32, #tpu.memory_space<vmem_shared>> -> memref<10240x128xf32, #tpu.memory_space<vmem_shared>>
    tpu.wait_indirect_dma semaphore(%arg14 : memref<!tpu.dma_semaphore, #tpu.memory_space<semaphore_mem>>) src(%dma_wait3A_149 : memref<10240x128xf32, #tpu.memory_space<vmem_shared>>) dst(%arg11 : memref<80x128xf32, #tpu.memory_space<vmem>>)
    "tpu.region"() ({
      %run_scoped3A_150 = tpu.sem_alloc : memref<!tpu.dma_semaphore, #tpu.memory_space<semaphore_mem>>
      %dma_start3A_151 = arith.constant 0 : i32
      %dma_start3A_152 = tpu.memref_slice %arg7[%arg0, %multiple_of3A_135, %dma_start3A_151] : memref<2x10240x128xf32, #tpu.memory_space<hbm>> -> memref<1x80x128xf32, #tpu.memory_space<hbm>>
      %dma_start3A_153 = tpu.memref_squeeze %dma_start3A_152 : memref<1x80x128xf32, #tpu.memory_space<hbm>> -> memref<80x128xf32, #tpu.memory_space<hbm>>
      %dma_start3A_154 = arith.constant 0 : i32
      %dma_start3A_155 = tpu.memref_slice %arg7[%arg0, %multiple_of3A_135, %dma_start3A_154] : memref<2x10240x128xf32, #tpu.memory_space<hbm>> -> memref<1x80x128xf32, #tpu.memory_space<hbm>>
      %dma_start3A_156 = tpu.memref_squeeze %dma_start3A_155 : memref<1x80x128xf32, #tpu.memory_space<hbm>> -> memref<80x128xf32, #tpu.memory_space<hbm>>
      tpu.enqueue_dma source(%arg11 : memref<80x128xf32, #tpu.memory_space<vmem>>) target(%dma_start3A_156 : memref<80x128xf32, #tpu.memory_space<hbm>>) target_semaphore(%run_scoped3A_150 : memref<!tpu.dma_semaphore, #tpu.memory_space<semaphore_mem>>)
      %dma_wait3A_157 = arith.constant 0 : i32
      %dma_wait3A_158 = tpu.memref_slice %arg7[%arg0, %multiple_of3A_135, %dma_wait3A_157] : memref<2x10240x128xf32, #tpu.memory_space<hbm>> -> memref<1x80x128xf32, #tpu.memory_space<hbm>>
      %dma_wait3A_159 = tpu.memref_squeeze %dma_wait3A_158 : memref<1x80x128xf32, #tpu.memory_space<hbm>> -> memref<80x128xf32, #tpu.memory_space<hbm>>
      %dma_wait3A_160 = arith.constant 0 : i32
      %dma_wait3A_161 = tpu.memref_slice %arg7[%arg0, %multiple_of3A_135, %dma_wait3A_160] : memref<2x10240x128xf32, #tpu.memory_space<hbm>> -> memref<1x80x128xf32, #tpu.memory_space<hbm>>
      %dma_wait3A_162 = tpu.memref_squeeze %dma_wait3A_161 : memref<1x80x128xf32, #tpu.memory_space<hbm>> -> memref<80x128xf32, #tpu.memory_space<hbm>>
      tpu.wait_dma2 semaphore(%run_scoped3A_150 : memref<!tpu.dma_semaphore, #tpu.memory_space<semaphore_mem>>) src(%arg11 : memref<80x128xf32, #tpu.memory_space<vmem>>) dst(%dma_wait3A_162 : memref<80x128xf32, #tpu.memory_space<hbm>>)
      tpu.yield
    }) : () -> ()
    return
  }
}

#map = affine_map<(d0, d1) -> (0, 0, 0, 0)>
#map1 = affine_map<(d0, d1) -> (0, 0, 0)>
#map2 = affine_map<(d0, d1) -> (0, 0)>
module attributes {stable_mosaic.version = 14 : i64} {
  func.func @body(%arg0: i32, %arg1: i32, %arg2: memref<32x5x25x80xi32, #tpu.memory_space<hbm>>, %arg3: memref<16x8x80xi32, #tpu.memory_space<hbm>>, %arg4: memref<80x128xf32, #tpu.memory_space<hbm>>, %arg5: memref<80x128xf32, #tpu.memory_space<hbm>>, %arg6: memref<2x10240x128xf32, #tpu.memory_space<hbm>>, %arg7: memref<25x80xi32, #tpu.memory_space<vmem>>, %arg8: memref<8x80xi32, #tpu.memory_space<vmem>>, %arg9: memref<80x128xf32, #tpu.memory_space<vmem>>, %arg10: memref<80x128xf32, #tpu.memory_space<vmem>>, %arg11: memref<10240x128xf32, #tpu.memory_space<vmem_shared>>, %arg12: memref<!tpu.dma_semaphore, #tpu.memory_space<semaphore_mem>>) attributes {dimension_semantics = [#tpu.dimension_semantics<core_parallel>, #tpu.dimension_semantics<subcore_parallel>], iteration_bounds = array<i64: 2, 16>, scalar_prefetch = 0 : i64, scratch_operands = 6 : i64, tpu.core_type = #tpu.core_type<sc_vector_subcore>, window_params = [{transform_indices = #map}, {transform_indices = #map1}, {transform_indices = #map2}, {transform_indices = #map2}, {transform_indices = #map1}]} {
    %mul3A = arith.constant 2 : i32
    %mul3A_0 = arith.muli %arg1, %mul3A : i32
    %add3A = arith.addi %mul3A_0, %arg0 : i32
    %mul3A_1 = arith.constant 640 : i32
    %mul3A_2 = arith.muli %arg1, %mul3A_1 : i32
    %multiple_of3A = tpu.assume_multiple %mul3A_2, 8 : i32
    "tpu.region"() ({
      %run_scoped3A_150 = tpu.sem_alloc : memref<!tpu.dma_semaphore, #tpu.memory_space<semaphore_mem>>
      %dma_start3A_151 = arith.constant 0 : i32
      %dma_start3A_152 = arith.constant 0 : i32
      %dma_start3A_153 = tpu.memref_slice %arg3[%arg1, %dma_start3A_151, %dma_start3A_152] : memref<16x8x80xi32, #tpu.memory_space<hbm>> -> memref<1x8x80xi32, #tpu.memory_space<hbm>>
      %dma_start3A_154 = tpu.memref_squeeze %dma_start3A_153 : memref<1x8x80xi32, #tpu.memory_space<hbm>> -> memref<8x80xi32, #tpu.memory_space<hbm>>
      %dma_start3A_155 = arith.constant 0 : i32
      %dma_start3A_156 = arith.constant 0 : i32
      %dma_start3A_157 = tpu.memref_slice %arg3[%arg1, %dma_start3A_155, %dma_start3A_156] : memref<16x8x80xi32, #tpu.memory_space<hbm>> -> memref<1x8x80xi32, #tpu.memory_space<hbm>>
      %dma_start3A_158 = tpu.memref_squeeze %dma_start3A_157 : memref<1x8x80xi32, #tpu.memory_space<hbm>> -> memref<8x80xi32, #tpu.memory_space<hbm>>
      tpu.enqueue_dma source(%dma_start3A_158 : memref<8x80xi32, #tpu.memory_space<hbm>>) target(%arg8 : memref<8x80xi32, #tpu.memory_space<vmem>>) target_semaphore(%run_scoped3A_150 : memref<!tpu.dma_semaphore, #tpu.memory_space<semaphore_mem>>)
      %dma_wait3A_159 = arith.constant 0 : i32
      %dma_wait3A_160 = arith.constant 0 : i32
      %dma_wait3A_161 = tpu.memref_slice %arg3[%arg1, %dma_wait3A_159, %dma_wait3A_160] : memref<16x8x80xi32, #tpu.memory_space<hbm>> -> memref<1x8x80xi32, #tpu.memory_space<hbm>>
      %dma_wait3A_162 = tpu.memref_squeeze %dma_wait3A_161 : memref<1x8x80xi32, #tpu.memory_space<hbm>> -> memref<8x80xi32, #tpu.memory_space<hbm>>
      %dma_wait3A_163 = arith.constant 0 : i32
      %dma_wait3A_164 = arith.constant 0 : i32
      %dma_wait3A_165 = tpu.memref_slice %arg3[%arg1, %dma_wait3A_163, %dma_wait3A_164] : memref<16x8x80xi32, #tpu.memory_space<hbm>> -> memref<1x8x80xi32, #tpu.memory_space<hbm>>
      %dma_wait3A_166 = tpu.memref_squeeze %dma_wait3A_165 : memref<1x8x80xi32, #tpu.memory_space<hbm>> -> memref<8x80xi32, #tpu.memory_space<hbm>>
      tpu.wait_dma2 semaphore(%run_scoped3A_150 : memref<!tpu.dma_semaphore, #tpu.memory_space<semaphore_mem>>) src(%dma_wait3A_166 : memref<8x80xi32, #tpu.memory_space<hbm>>) dst(%arg8 : memref<8x80xi32, #tpu.memory_space<vmem>>)
      tpu.yield
    }) : () -> ()
    "tpu.region"() ({
      %run_scoped3A_150 = tpu.sem_alloc : memref<!tpu.dma_semaphore, #tpu.memory_space<semaphore_mem>>
      tpu.enqueue_dma source(%arg4 : memref<80x128xf32, #tpu.memory_space<hbm>>) target(%arg9 : memref<80x128xf32, #tpu.memory_space<vmem>>) target_semaphore(%run_scoped3A_150 : memref<!tpu.dma_semaphore, #tpu.memory_space<semaphore_mem>>)
      tpu.wait_dma2 semaphore(%run_scoped3A_150 : memref<!tpu.dma_semaphore, #tpu.memory_space<semaphore_mem>>) src(%arg4 : memref<80x128xf32, #tpu.memory_space<hbm>>) dst(%arg9 : memref<80x128xf32, #tpu.memory_space<vmem>>)
      tpu.yield
    }) : () -> ()
    %run_scoped3A = arith.constant 0 : i32
    "tpu.region"() ({
      %run_scoped3A_150 = tpu.sem_alloc : memref<!tpu.dma_semaphore, #tpu.memory_space<semaphore_mem>>
      %dma_start3A_151 = arith.constant 0 : i32
      %dma_start3A_152 = tpu.memref_slice %arg8[%run_scoped3A, %dma_start3A_151] : memref<8x80xi32, #tpu.memory_space<vmem>> -> memref<1x80xi32, #tpu.memory_space<vmem>>
      %dma_start3A_153 = tpu.memref_squeeze %dma_start3A_152 : memref<1x80xi32, #tpu.memory_space<vmem>> -> memref<80xi32, #tpu.memory_space<vmem>>
      %dma_start3A_154 = arith.constant 0 : i32
      %dma_start3A_155 = arith.constant 0 : i32
      %dma_start3A_156 = tpu.memref_slice %arg11[%dma_start3A_154, %dma_start3A_155] : memref<10240x128xf32, #tpu.memory_space<vmem_shared>> -> memref<10240x128xf32, #tpu.memory_space<vmem_shared>>
      tpu.enqueue_indirect_dma source(%arg9 : memref<80x128xf32, #tpu.memory_space<vmem>>) target(%dma_start3A_156 : memref<10240x128xf32, #tpu.memory_space<vmem_shared>>) offsets(%dma_start3A_153 : memref<80xi32, #tpu.memory_space<vmem>>) semaphore(%run_scoped3A_150 : memref<!tpu.dma_semaphore, #tpu.memory_space<semaphore_mem>>)
      %dma_wait3A_157 = arith.constant 0 : i32
      %dma_wait3A_158 = tpu.memref_slice %arg8[%run_scoped3A, %dma_wait3A_157] : memref<8x80xi32, #tpu.memory_space<vmem>> -> memref<1x80xi32, #tpu.memory_space<vmem>>
      %dma_wait3A_159 = tpu.memref_squeeze %dma_wait3A_158 : memref<1x80xi32, #tpu.memory_space<vmem>> -> memref<80xi32, #tpu.memory_space<vmem>>
      %dma_wait3A_160 = arith.constant 0 : i32
      %dma_wait3A_161 = arith.constant 0 : i32
      %dma_wait3A_162 = tpu.memref_slice %arg11[%dma_wait3A_160, %dma_wait3A_161] : memref<10240x128xf32, #tpu.memory_space<vmem_shared>> -> memref<10240x128xf32, #tpu.memory_space<vmem_shared>>
      tpu.wait_indirect_dma semaphore(%run_scoped3A_150 : memref<!tpu.dma_semaphore, #tpu.memory_space<semaphore_mem>>) src(%arg9 : memref<80x128xf32, #tpu.memory_space<vmem>>) dst(%dma_wait3A_162 : memref<10240x128xf32, #tpu.memory_space<vmem_shared>>)
      tpu.yield
    }) : () -> ()
    %run_scoped3A_3 = arith.constant 1 : i32
    "tpu.region"() ({
      %run_scoped3A_150 = tpu.sem_alloc : memref<!tpu.dma_semaphore, #tpu.memory_space<semaphore_mem>>
      %dma_start3A_151 = arith.constant 0 : i32
      %dma_start3A_152 = tpu.memref_slice %arg8[%run_scoped3A_3, %dma_start3A_151] : memref<8x80xi32, #tpu.memory_space<vmem>> -> memref<1x80xi32, #tpu.memory_space<vmem>>
      %dma_start3A_153 = tpu.memref_squeeze %dma_start3A_152 : memref<1x80xi32, #tpu.memory_space<vmem>> -> memref<80xi32, #tpu.memory_space<vmem>>
      %dma_start3A_154 = arith.constant 0 : i32
      %dma_start3A_155 = arith.constant 0 : i32
      %dma_start3A_156 = tpu.memref_slice %arg11[%dma_start3A_154, %dma_start3A_155] : memref<10240x128xf32, #tpu.memory_space<vmem_shared>> -> memref<10240x128xf32, #tpu.memory_space<vmem_shared>>
      tpu.enqueue_indirect_dma source(%arg9 : memref<80x128xf32, #tpu.memory_space<vmem>>) target(%dma_start3A_156 : memref<10240x128xf32, #tpu.memory_space<vmem_shared>>) offsets(%dma_start3A_153 : memref<80xi32, #tpu.memory_space<vmem>>) semaphore(%run_scoped3A_150 : memref<!tpu.dma_semaphore, #tpu.memory_space<semaphore_mem>>)
      %dma_wait3A_157 = arith.constant 0 : i32
      %dma_wait3A_158 = tpu.memref_slice %arg8[%run_scoped3A_3, %dma_wait3A_157] : memref<8x80xi32, #tpu.memory_space<vmem>> -> memref<1x80xi32, #tpu.memory_space<vmem>>
      %dma_wait3A_159 = tpu.memref_squeeze %dma_wait3A_158 : memref<1x80xi32, #tpu.memory_space<vmem>> -> memref<80xi32, #tpu.memory_space<vmem>>
      %dma_wait3A_160 = arith.constant 0 : i32
      %dma_wait3A_161 = arith.constant 0 : i32
      %dma_wait3A_162 = tpu.memref_slice %arg11[%dma_wait3A_160, %dma_wait3A_161] : memref<10240x128xf32, #tpu.memory_space<vmem_shared>> -> memref<10240x128xf32, #tpu.memory_space<vmem_shared>>
      tpu.wait_indirect_dma semaphore(%run_scoped3A_150 : memref<!tpu.dma_semaphore, #tpu.memory_space<semaphore_mem>>) src(%arg9 : memref<80x128xf32, #tpu.memory_space<vmem>>) dst(%dma_wait3A_162 : memref<10240x128xf32, #tpu.memory_space<vmem_shared>>)
      tpu.yield
    }) : () -> ()
    %run_scoped3A_4 = arith.constant 2 : i32
    "tpu.region"() ({
      %run_scoped3A_150 = tpu.sem_alloc : memref<!tpu.dma_semaphore, #tpu.memory_space<semaphore_mem>>
      %dma_start3A_151 = arith.constant 0 : i32
      %dma_start3A_152 = tpu.memref_slice %arg8[%run_scoped3A_4, %dma_start3A_151] : memref<8x80xi32, #tpu.memory_space<vmem>> -> memref<1x80xi32, #tpu.memory_space<vmem>>
      %dma_start3A_153 = tpu.memref_squeeze %dma_start3A_152 : memref<1x80xi32, #tpu.memory_space<vmem>> -> memref<80xi32, #tpu.memory_space<vmem>>
      %dma_start3A_154 = arith.constant 0 : i32
      %dma_start3A_155 = arith.constant 0 : i32
      %dma_start3A_156 = tpu.memref_slice %arg11[%dma_start3A_154, %dma_start3A_155] : memref<10240x128xf32, #tpu.memory_space<vmem_shared>> -> memref<10240x128xf32, #tpu.memory_space<vmem_shared>>
      tpu.enqueue_indirect_dma source(%arg9 : memref<80x128xf32, #tpu.memory_space<vmem>>) target(%dma_start3A_156 : memref<10240x128xf32, #tpu.memory_space<vmem_shared>>) offsets(%dma_start3A_153 : memref<80xi32, #tpu.memory_space<vmem>>) semaphore(%run_scoped3A_150 : memref<!tpu.dma_semaphore, #tpu.memory_space<semaphore_mem>>)
      %dma_wait3A_157 = arith.constant 0 : i32
      %dma_wait3A_158 = tpu.memref_slice %arg8[%run_scoped3A_4, %dma_wait3A_157] : memref<8x80xi32, #tpu.memory_space<vmem>> -> memref<1x80xi32, #tpu.memory_space<vmem>>
      %dma_wait3A_159 = tpu.memref_squeeze %dma_wait3A_158 : memref<1x80xi32, #tpu.memory_space<vmem>> -> memref<80xi32, #tpu.memory_space<vmem>>
      %dma_wait3A_160 = arith.constant 0 : i32
      %dma_wait3A_161 = arith.constant 0 : i32
      %dma_wait3A_162 = tpu.memref_slice %arg11[%dma_wait3A_160, %dma_wait3A_161] : memref<10240x128xf32, #tpu.memory_space<vmem_shared>> -> memref<10240x128xf32, #tpu.memory_space<vmem_shared>>
      tpu.wait_indirect_dma semaphore(%run_scoped3A_150 : memref<!tpu.dma_semaphore, #tpu.memory_space<semaphore_mem>>) src(%arg9 : memref<80x128xf32, #tpu.memory_space<vmem>>) dst(%dma_wait3A_162 : memref<10240x128xf32, #tpu.memory_space<vmem_shared>>)
      tpu.yield
    }) : () -> ()
    %run_scoped3A_5 = arith.constant 3 : i32
    "tpu.region"() ({
      %run_scoped3A_150 = tpu.sem_alloc : memref<!tpu.dma_semaphore, #tpu.memory_space<semaphore_mem>>
      %dma_start3A_151 = arith.constant 0 : i32
      %dma_start3A_152 = tpu.memref_slice %arg8[%run_scoped3A_5, %dma_start3A_151] : memref<8x80xi32, #tpu.memory_space<vmem>> -> memref<1x80xi32, #tpu.memory_space<vmem>>
      %dma_start3A_153 = tpu.memref_squeeze %dma_start3A_152 : memref<1x80xi32, #tpu.memory_space<vmem>> -> memref<80xi32, #tpu.memory_space<vmem>>
      %dma_start3A_154 = arith.constant 0 : i32
      %dma_start3A_155 = arith.constant 0 : i32
      %dma_start3A_156 = tpu.memref_slice %arg11[%dma_start3A_154, %dma_start3A_155] : memref<10240x128xf32, #tpu.memory_space<vmem_shared>> -> memref<10240x128xf32, #tpu.memory_space<vmem_shared>>
      tpu.enqueue_indirect_dma source(%arg9 : memref<80x128xf32, #tpu.memory_space<vmem>>) target(%dma_start3A_156 : memref<10240x128xf32, #tpu.memory_space<vmem_shared>>) offsets(%dma_start3A_153 : memref<80xi32, #tpu.memory_space<vmem>>) semaphore(%run_scoped3A_150 : memref<!tpu.dma_semaphore, #tpu.memory_space<semaphore_mem>>)
      %dma_wait3A_157 = arith.constant 0 : i32
      %dma_wait3A_158 = tpu.memref_slice %arg8[%run_scoped3A_5, %dma_wait3A_157] : memref<8x80xi32, #tpu.memory_space<vmem>> -> memref<1x80xi32, #tpu.memory_space<vmem>>
      %dma_wait3A_159 = tpu.memref_squeeze %dma_wait3A_158 : memref<1x80xi32, #tpu.memory_space<vmem>> -> memref<80xi32, #tpu.memory_space<vmem>>
      %dma_wait3A_160 = arith.constant 0 : i32
      %dma_wait3A_161 = arith.constant 0 : i32
      %dma_wait3A_162 = tpu.memref_slice %arg11[%dma_wait3A_160, %dma_wait3A_161] : memref<10240x128xf32, #tpu.memory_space<vmem_shared>> -> memref<10240x128xf32, #tpu.memory_space<vmem_shared>>
      tpu.wait_indirect_dma semaphore(%run_scoped3A_150 : memref<!tpu.dma_semaphore, #tpu.memory_space<semaphore_mem>>) src(%arg9 : memref<80x128xf32, #tpu.memory_space<vmem>>) dst(%dma_wait3A_162 : memref<10240x128xf32, #tpu.memory_space<vmem_shared>>)
      tpu.yield
    }) : () -> ()
    %run_scoped3A_6 = arith.constant 4 : i32
    "tpu.region"() ({
      %run_scoped3A_150 = tpu.sem_alloc : memref<!tpu.dma_semaphore, #tpu.memory_space<semaphore_mem>>
      %dma_start3A_151 = arith.constant 0 : i32
      %dma_start3A_152 = tpu.memref_slice %arg8[%run_scoped3A_6, %dma_start3A_151] : memref<8x80xi32, #tpu.memory_space<vmem>> -> memref<1x80xi32, #tpu.memory_space<vmem>>
      %dma_start3A_153 = tpu.memref_squeeze %dma_start3A_152 : memref<1x80xi32, #tpu.memory_space<vmem>> -> memref<80xi32, #tpu.memory_space<vmem>>
      %dma_start3A_154 = arith.constant 0 : i32
      %dma_start3A_155 = arith.constant 0 : i32
      %dma_start3A_156 = tpu.memref_slice %arg11[%dma_start3A_154, %dma_start3A_155] : memref<10240x128xf32, #tpu.memory_space<vmem_shared>> -> memref<10240x128xf32, #tpu.memory_space<vmem_shared>>
      tpu.enqueue_indirect_dma source(%arg9 : memref<80x128xf32, #tpu.memory_space<vmem>>) target(%dma_start3A_156 : memref<10240x128xf32, #tpu.memory_space<vmem_shared>>) offsets(%dma_start3A_153 : memref<80xi32, #tpu.memory_space<vmem>>) semaphore(%run_scoped3A_150 : memref<!tpu.dma_semaphore, #tpu.memory_space<semaphore_mem>>)
      %dma_wait3A_157 = arith.constant 0 : i32
      %dma_wait3A_158 = tpu.memref_slice %arg8[%run_scoped3A_6, %dma_wait3A_157] : memref<8x80xi32, #tpu.memory_space<vmem>> -> memref<1x80xi32, #tpu.memory_space<vmem>>
      %dma_wait3A_159 = tpu.memref_squeeze %dma_wait3A_158 : memref<1x80xi32, #tpu.memory_space<vmem>> -> memref<80xi32, #tpu.memory_space<vmem>>
      %dma_wait3A_160 = arith.constant 0 : i32
      %dma_wait3A_161 = arith.constant 0 : i32
      %dma_wait3A_162 = tpu.memref_slice %arg11[%dma_wait3A_160, %dma_wait3A_161] : memref<10240x128xf32, #tpu.memory_space<vmem_shared>> -> memref<10240x128xf32, #tpu.memory_space<vmem_shared>>
      tpu.wait_indirect_dma semaphore(%run_scoped3A_150 : memref<!tpu.dma_semaphore, #tpu.memory_space<semaphore_mem>>) src(%arg9 : memref<80x128xf32, #tpu.memory_space<vmem>>) dst(%dma_wait3A_162 : memref<10240x128xf32, #tpu.memory_space<vmem_shared>>)
      tpu.yield
    }) : () -> ()
    %run_scoped3A_7 = arith.constant 5 : i32
    "tpu.region"() ({
      %run_scoped3A_150 = tpu.sem_alloc : memref<!tpu.dma_semaphore, #tpu.memory_space<semaphore_mem>>
      %dma_start3A_151 = arith.constant 0 : i32
      %dma_start3A_152 = tpu.memref_slice %arg8[%run_scoped3A_7, %dma_start3A_151] : memref<8x80xi32, #tpu.memory_space<vmem>> -> memref<1x80xi32, #tpu.memory_space<vmem>>
      %dma_start3A_153 = tpu.memref_squeeze %dma_start3A_152 : memref<1x80xi32, #tpu.memory_space<vmem>> -> memref<80xi32, #tpu.memory_space<vmem>>
      %dma_start3A_154 = arith.constant 0 : i32
      %dma_start3A_155 = arith.constant 0 : i32
      %dma_start3A_156 = tpu.memref_slice %arg11[%dma_start3A_154, %dma_start3A_155] : memref<10240x128xf32, #tpu.memory_space<vmem_shared>> -> memref<10240x128xf32, #tpu.memory_space<vmem_shared>>
      tpu.enqueue_indirect_dma source(%arg9 : memref<80x128xf32, #tpu.memory_space<vmem>>) target(%dma_start3A_156 : memref<10240x128xf32, #tpu.memory_space<vmem_shared>>) offsets(%dma_start3A_153 : memref<80xi32, #tpu.memory_space<vmem>>) semaphore(%run_scoped3A_150 : memref<!tpu.dma_semaphore, #tpu.memory_space<semaphore_mem>>)
      %dma_wait3A_157 = arith.constant 0 : i32
      %dma_wait3A_158 = tpu.memref_slice %arg8[%run_scoped3A_7, %dma_wait3A_157] : memref<8x80xi32, #tpu.memory_space<vmem>> -> memref<1x80xi32, #tpu.memory_space<vmem>>
      %dma_wait3A_159 = tpu.memref_squeeze %dma_wait3A_158 : memref<1x80xi32, #tpu.memory_space<vmem>> -> memref<80xi32, #tpu.memory_space<vmem>>
      %dma_wait3A_160 = arith.constant 0 : i32
      %dma_wait3A_161 = arith.constant 0 : i32
      %dma_wait3A_162 = tpu.memref_slice %arg11[%dma_wait3A_160, %dma_wait3A_161] : memref<10240x128xf32, #tpu.memory_space<vmem_shared>> -> memref<10240x128xf32, #tpu.memory_space<vmem_shared>>
      tpu.wait_indirect_dma semaphore(%run_scoped3A_150 : memref<!tpu.dma_semaphore, #tpu.memory_space<semaphore_mem>>) src(%arg9 : memref<80x128xf32, #tpu.memory_space<vmem>>) dst(%dma_wait3A_162 : memref<10240x128xf32, #tpu.memory_space<vmem_shared>>)
      tpu.yield
    }) : () -> ()
    %run_scoped3A_8 = arith.constant 6 : i32
    "tpu.region"() ({
      %run_scoped3A_150 = tpu.sem_alloc : memref<!tpu.dma_semaphore, #tpu.memory_space<semaphore_mem>>
      %dma_start3A_151 = arith.constant 0 : i32
      %dma_start3A_152 = tpu.memref_slice %arg8[%run_scoped3A_8, %dma_start3A_151] : memref<8x80xi32, #tpu.memory_space<vmem>> -> memref<1x80xi32, #tpu.memory_space<vmem>>
      %dma_start3A_153 = tpu.memref_squeeze %dma_start3A_152 : memref<1x80xi32, #tpu.memory_space<vmem>> -> memref<80xi32, #tpu.memory_space<vmem>>
      %dma_start3A_154 = arith.constant 0 : i32
      %dma_start3A_155 = arith.constant 0 : i32
      %dma_start3A_156 = tpu.memref_slice %arg11[%dma_start3A_154, %dma_start3A_155] : memref<10240x128xf32, #tpu.memory_space<vmem_shared>> -> memref<10240x128xf32, #tpu.memory_space<vmem_shared>>
      tpu.enqueue_indirect_dma source(%arg9 : memref<80x128xf32, #tpu.memory_space<vmem>>) target(%dma_start3A_156 : memref<10240x128xf32, #tpu.memory_space<vmem_shared>>) offsets(%dma_start3A_153 : memref<80xi32, #tpu.memory_space<vmem>>) semaphore(%run_scoped3A_150 : memref<!tpu.dma_semaphore, #tpu.memory_space<semaphore_mem>>)
      %dma_wait3A_157 = arith.constant 0 : i32
      %dma_wait3A_158 = tpu.memref_slice %arg8[%run_scoped3A_8, %dma_wait3A_157] : memref<8x80xi32, #tpu.memory_space<vmem>> -> memref<1x80xi32, #tpu.memory_space<vmem>>
      %dma_wait3A_159 = tpu.memref_squeeze %dma_wait3A_158 : memref<1x80xi32, #tpu.memory_space<vmem>> -> memref<80xi32, #tpu.memory_space<vmem>>
      %dma_wait3A_160 = arith.constant 0 : i32
      %dma_wait3A_161 = arith.constant 0 : i32
      %dma_wait3A_162 = tpu.memref_slice %arg11[%dma_wait3A_160, %dma_wait3A_161] : memref<10240x128xf32, #tpu.memory_space<vmem_shared>> -> memref<10240x128xf32, #tpu.memory_space<vmem_shared>>
      tpu.wait_indirect_dma semaphore(%run_scoped3A_150 : memref<!tpu.dma_semaphore, #tpu.memory_space<semaphore_mem>>) src(%arg9 : memref<80x128xf32, #tpu.memory_space<vmem>>) dst(%dma_wait3A_162 : memref<10240x128xf32, #tpu.memory_space<vmem_shared>>)
      tpu.yield
    }) : () -> ()
    %run_scoped3A_9 = arith.constant 7 : i32
    "tpu.region"() ({
      %run_scoped3A_150 = tpu.sem_alloc : memref<!tpu.dma_semaphore, #tpu.memory_space<semaphore_mem>>
      %dma_start3A_151 = arith.constant 0 : i32
      %dma_start3A_152 = tpu.memref_slice %arg8[%run_scoped3A_9, %dma_start3A_151] : memref<8x80xi32, #tpu.memory_space<vmem>> -> memref<1x80xi32, #tpu.memory_space<vmem>>
      %dma_start3A_153 = tpu.memref_squeeze %dma_start3A_152 : memref<1x80xi32, #tpu.memory_space<vmem>> -> memref<80xi32, #tpu.memory_space<vmem>>
      %dma_start3A_154 = arith.constant 0 : i32
      %dma_start3A_155 = arith.constant 0 : i32
      %dma_start3A_156 = tpu.memref_slice %arg11[%dma_start3A_154, %dma_start3A_155] : memref<10240x128xf32, #tpu.memory_space<vmem_shared>> -> memref<10240x128xf32, #tpu.memory_space<vmem_shared>>
      tpu.enqueue_indirect_dma source(%arg9 : memref<80x128xf32, #tpu.memory_space<vmem>>) target(%dma_start3A_156 : memref<10240x128xf32, #tpu.memory_space<vmem_shared>>) offsets(%dma_start3A_153 : memref<80xi32, #tpu.memory_space<vmem>>) semaphore(%run_scoped3A_150 : memref<!tpu.dma_semaphore, #tpu.memory_space<semaphore_mem>>)
      %dma_wait3A_157 = arith.constant 0 : i32
      %dma_wait3A_158 = tpu.memref_slice %arg8[%run_scoped3A_9, %dma_wait3A_157] : memref<8x80xi32, #tpu.memory_space<vmem>> -> memref<1x80xi32, #tpu.memory_space<vmem>>
      %dma_wait3A_159 = tpu.memref_squeeze %dma_wait3A_158 : memref<1x80xi32, #tpu.memory_space<vmem>> -> memref<80xi32, #tpu.memory_space<vmem>>
      %dma_wait3A_160 = arith.constant 0 : i32
      %dma_wait3A_161 = arith.constant 0 : i32
      %dma_wait3A_162 = tpu.memref_slice %arg11[%dma_wait3A_160, %dma_wait3A_161] : memref<10240x128xf32, #tpu.memory_space<vmem_shared>> -> memref<10240x128xf32, #tpu.memory_space<vmem_shared>>
      tpu.wait_indirect_dma semaphore(%run_scoped3A_150 : memref<!tpu.dma_semaphore, #tpu.memory_space<semaphore_mem>>) src(%arg9 : memref<80x128xf32, #tpu.memory_space<vmem>>) dst(%dma_wait3A_162 : memref<10240x128xf32, #tpu.memory_space<vmem_shared>>)
      tpu.yield
    }) : () -> ()
    "tpu.region"() ({
      %run_scoped3A_150 = tpu.sem_alloc : memref<!tpu.dma_semaphore, #tpu.memory_space<semaphore_mem>>
      tpu.enqueue_dma source(%arg5 : memref<80x128xf32, #tpu.memory_space<hbm>>) target(%arg10 : memref<80x128xf32, #tpu.memory_space<vmem>>) target_semaphore(%run_scoped3A_150 : memref<!tpu.dma_semaphore, #tpu.memory_space<semaphore_mem>>)
      tpu.wait_dma2 semaphore(%run_scoped3A_150 : memref<!tpu.dma_semaphore, #tpu.memory_space<semaphore_mem>>) src(%arg5 : memref<80x128xf32, #tpu.memory_space<hbm>>) dst(%arg10 : memref<80x128xf32, #tpu.memory_space<vmem>>)
      tpu.yield
    }) : () -> ()
    %barrier3A = arith.constant 0 : index
    tpu.barrier barrier_id(%barrier3A)
    %scan3A = arith.constant 0 : i32
    %scan3A_10 = arith.constant 0 : i32
    %scan3A_11 = arith.constant 5 : i32
    %scan3A_12 = arith.addi %scan3A_10, %scan3A_11 : i32
    %scan3A_13 = arith.constant 1 : i32
    scf.for %scan3A_150 = %scan3A_10 to %scan3A_12 step %scan3A_13  : i32 {
      "tpu.region"() ({
        %run_scoped3A_501 = tpu.sem_alloc : memref<!tpu.dma_semaphore, #tpu.memory_space<semaphore_mem>>
        %dma_start3A_502 = arith.constant 0 : i32
        %dma_start3A_503 = arith.constant 0 : i32
        %dma_start3A_504 = tpu.memref_slice %arg2[%add3A, %scan3A_150, %dma_start3A_502, %dma_start3A_503] : memref<32x5x25x80xi32, #tpu.memory_space<hbm>> -> memref<1x1x25x80xi32, #tpu.memory_space<hbm>>
        %dma_start3A_505 = tpu.memref_squeeze %dma_start3A_504 : memref<1x1x25x80xi32, #tpu.memory_space<hbm>> -> memref<25x80xi32, #tpu.memory_space<hbm>>
        %dma_start3A_506 = arith.constant 0 : i32
        %dma_start3A_507 = arith.constant 0 : i32
        %dma_start3A_508 = tpu.memref_slice %arg2[%add3A, %scan3A_150, %dma_start3A_506, %dma_start3A_507] : memref<32x5x25x80xi32, #tpu.memory_space<hbm>> -> memref<1x1x25x80xi32, #tpu.memory_space<hbm>>
        %dma_start3A_509 = tpu.memref_squeeze %dma_start3A_508 : memref<1x1x25x80xi32, #tpu.memory_space<hbm>> -> memref<25x80xi32, #tpu.memory_space<hbm>>
        tpu.enqueue_dma source(%dma_start3A_509 : memref<25x80xi32, #tpu.memory_space<hbm>>) target(%arg7 : memref<25x80xi32, #tpu.memory_space<vmem>>) target_semaphore(%run_scoped3A_501 : memref<!tpu.dma_semaphore, #tpu.memory_space<semaphore_mem>>)
        %dma_wait3A_510 = arith.constant 0 : i32
        %dma_wait3A_511 = arith.constant 0 : i32
        %dma_wait3A_512 = tpu.memref_slice %arg2[%add3A, %scan3A_150, %dma_wait3A_510, %dma_wait3A_511] : memref<32x5x25x80xi32, #tpu.memory_space<hbm>> -> memref<1x1x25x80xi32, #tpu.memory_space<hbm>>
        %dma_wait3A_513 = tpu.memref_squeeze %dma_wait3A_512 : memref<1x1x25x80xi32, #tpu.memory_space<hbm>> -> memref<25x80xi32, #tpu.memory_space<hbm>>
        %dma_wait3A_514 = arith.constant 0 : i32
        %dma_wait3A_515 = arith.constant 0 : i32
        %dma_wait3A_516 = tpu.memref_slice %arg2[%add3A, %scan3A_150, %dma_wait3A_514, %dma_wait3A_515] : memref<32x5x25x80xi32, #tpu.memory_space<hbm>> -> memref<1x1x25x80xi32, #tpu.memory_space<hbm>>
        %dma_wait3A_517 = tpu.memref_squeeze %dma_wait3A_516 : memref<1x1x25x80xi32, #tpu.memory_space<hbm>> -> memref<25x80xi32, #tpu.memory_space<hbm>>
        tpu.wait_dma2 semaphore(%run_scoped3A_501 : memref<!tpu.dma_semaphore, #tpu.memory_space<semaphore_mem>>) src(%dma_wait3A_517 : memref<25x80xi32, #tpu.memory_space<hbm>>) dst(%arg7 : memref<25x80xi32, #tpu.memory_space<vmem>>)
        tpu.yield
      }) : () -> ()
      %dma_start3A_151 = arith.constant 0 : i32
      %dma_start3A_152 = arith.constant 0 : i32
      %dma_start3A_153 = tpu.memref_slice %arg7[%dma_start3A_151, %dma_start3A_152] : memref<25x80xi32, #tpu.memory_space<vmem>> -> memref<1x80xi32, #tpu.memory_space<vmem>>
      %dma_start3A_154 = tpu.memref_squeeze %dma_start3A_153 : memref<1x80xi32, #tpu.memory_space<vmem>> -> memref<80xi32, #tpu.memory_space<vmem>>
      %dma_start3A_155 = arith.constant 0 : i32
      %dma_start3A_156 = arith.constant 0 : i32
      %dma_start3A_157 = tpu.memref_slice %arg11[%dma_start3A_155, %dma_start3A_156] : memref<10240x128xf32, #tpu.memory_space<vmem_shared>> -> memref<10240x128xf32, #tpu.memory_space<vmem_shared>>
      tpu.enqueue_indirect_dma source(%arg10 : memref<80x128xf32, #tpu.memory_space<vmem>>) target(%dma_start3A_157 : memref<10240x128xf32, #tpu.memory_space<vmem_shared>>) offsets(%dma_start3A_154 : memref<80xi32, #tpu.memory_space<vmem>>) semaphore(%arg12 : memref<!tpu.dma_semaphore, #tpu.memory_space<semaphore_mem>>) {add = true}
      %dma_start3A_158 = arith.constant 1 : i32
      %dma_start3A_159 = arith.constant 0 : i32
      %dma_start3A_160 = tpu.memref_slice %arg7[%dma_start3A_158, %dma_start3A_159] : memref<25x80xi32, #tpu.memory_space<vmem>> -> memref<1x80xi32, #tpu.memory_space<vmem>>
      %dma_start3A_161 = tpu.memref_squeeze %dma_start3A_160 : memref<1x80xi32, #tpu.memory_space<vmem>> -> memref<80xi32, #tpu.memory_space<vmem>>
      %dma_start3A_162 = arith.constant 0 : i32
      %dma_start3A_163 = arith.constant 0 : i32
      %dma_start3A_164 = tpu.memref_slice %arg11[%dma_start3A_162, %dma_start3A_163] : memref<10240x128xf32, #tpu.memory_space<vmem_shared>> -> memref<10240x128xf32, #tpu.memory_space<vmem_shared>>
      tpu.enqueue_indirect_dma source(%arg10 : memref<80x128xf32, #tpu.memory_space<vmem>>) target(%dma_start3A_164 : memref<10240x128xf32, #tpu.memory_space<vmem_shared>>) offsets(%dma_start3A_161 : memref<80xi32, #tpu.memory_space<vmem>>) semaphore(%arg12 : memref<!tpu.dma_semaphore, #tpu.memory_space<semaphore_mem>>) {add = true}
      %dma_start3A_165 = arith.constant 2 : i32
      %dma_start3A_166 = arith.constant 0 : i32
      %dma_start3A_167 = tpu.memref_slice %arg7[%dma_start3A_165, %dma_start3A_166] : memref<25x80xi32, #tpu.memory_space<vmem>> -> memref<1x80xi32, #tpu.memory_space<vmem>>
      %dma_start3A_168 = tpu.memref_squeeze %dma_start3A_167 : memref<1x80xi32, #tpu.memory_space<vmem>> -> memref<80xi32, #tpu.memory_space<vmem>>
      %dma_start3A_169 = arith.constant 0 : i32
      %dma_start3A_170 = arith.constant 0 : i32
      %dma_start3A_171 = tpu.memref_slice %arg11[%dma_start3A_169, %dma_start3A_170] : memref<10240x128xf32, #tpu.memory_space<vmem_shared>> -> memref<10240x128xf32, #tpu.memory_space<vmem_shared>>
      tpu.enqueue_indirect_dma source(%arg10 : memref<80x128xf32, #tpu.memory_space<vmem>>) target(%dma_start3A_171 : memref<10240x128xf32, #tpu.memory_space<vmem_shared>>) offsets(%dma_start3A_168 : memref<80xi32, #tpu.memory_space<vmem>>) semaphore(%arg12 : memref<!tpu.dma_semaphore, #tpu.memory_space<semaphore_mem>>) {add = true}
      %dma_start3A_172 = arith.constant 3 : i32
      %dma_start3A_173 = arith.constant 0 : i32
      %dma_start3A_174 = tpu.memref_slice %arg7[%dma_start3A_172, %dma_start3A_173] : memref<25x80xi32, #tpu.memory_space<vmem>> -> memref<1x80xi32, #tpu.memory_space<vmem>>
      %dma_start3A_175 = tpu.memref_squeeze %dma_start3A_174 : memref<1x80xi32, #tpu.memory_space<vmem>> -> memref<80xi32, #tpu.memory_space<vmem>>
      %dma_start3A_176 = arith.constant 0 : i32
      %dma_start3A_177 = arith.constant 0 : i32
      %dma_start3A_178 = tpu.memref_slice %arg11[%dma_start3A_176, %dma_start3A_177] : memref<10240x128xf32, #tpu.memory_space<vmem_shared>> -> memref<10240x128xf32, #tpu.memory_space<vmem_shared>>
      tpu.enqueue_indirect_dma source(%arg10 : memref<80x128xf32, #tpu.memory_space<vmem>>) target(%dma_start3A_178 : memref<10240x128xf32, #tpu.memory_space<vmem_shared>>) offsets(%dma_start3A_175 : memref<80xi32, #tpu.memory_space<vmem>>) semaphore(%arg12 : memref<!tpu.dma_semaphore, #tpu.memory_space<semaphore_mem>>) {add = true}
      %dma_start3A_179 = arith.constant 4 : i32
      %dma_start3A_180 = arith.constant 0 : i32
      %dma_start3A_181 = tpu.memref_slice %arg7[%dma_start3A_179, %dma_start3A_180] : memref<25x80xi32, #tpu.memory_space<vmem>> -> memref<1x80xi32, #tpu.memory_space<vmem>>
      %dma_start3A_182 = tpu.memref_squeeze %dma_start3A_181 : memref<1x80xi32, #tpu.memory_space<vmem>> -> memref<80xi32, #tpu.memory_space<vmem>>
      %dma_start3A_183 = arith.constant 0 : i32
      %dma_start3A_184 = arith.constant 0 : i32
      %dma_start3A_185 = tpu.memref_slice %arg11[%dma_start3A_183, %dma_start3A_184] : memref<10240x128xf32, #tpu.memory_space<vmem_shared>> -> memref<10240x128xf32, #tpu.memory_space<vmem_shared>>
      tpu.enqueue_indirect_dma source(%arg10 : memref<80x128xf32, #tpu.memory_space<vmem>>) target(%dma_start3A_185 : memref<10240x128xf32, #tpu.memory_space<vmem_shared>>) offsets(%dma_start3A_182 : memref<80xi32, #tpu.memory_space<vmem>>) semaphore(%arg12 : memref<!tpu.dma_semaphore, #tpu.memory_space<semaphore_mem>>) {add = true}
      %dma_wait3A_186 = arith.constant 0 : i32
      %dma_wait3A_187 = arith.constant 0 : i32
      %dma_wait3A_188 = tpu.memref_slice %arg7[%dma_wait3A_186, %dma_wait3A_187] : memref<25x80xi32, #tpu.memory_space<vmem>> -> memref<1x80xi32, #tpu.memory_space<vmem>>
      %dma_wait3A_189 = tpu.memref_squeeze %dma_wait3A_188 : memref<1x80xi32, #tpu.memory_space<vmem>> -> memref<80xi32, #tpu.memory_space<vmem>>
      %dma_wait3A_190 = arith.constant 0 : i32
      %dma_wait3A_191 = arith.constant 0 : i32
      %dma_wait3A_192 = tpu.memref_slice %arg11[%dma_wait3A_190, %dma_wait3A_191] : memref<10240x128xf32, #tpu.memory_space<vmem_shared>> -> memref<10240x128xf32, #tpu.memory_space<vmem_shared>>
      tpu.wait_indirect_dma semaphore(%arg12 : memref<!tpu.dma_semaphore, #tpu.memory_space<semaphore_mem>>) src(%arg10 : memref<80x128xf32, #tpu.memory_space<vmem>>) dst(%dma_wait3A_192 : memref<10240x128xf32, #tpu.memory_space<vmem_shared>>)
      %dma_wait3A_193 = arith.constant 1 : i32
      %dma_wait3A_194 = arith.constant 0 : i32
      %dma_wait3A_195 = tpu.memref_slice %arg7[%dma_wait3A_193, %dma_wait3A_194] : memref<25x80xi32, #tpu.memory_space<vmem>> -> memref<1x80xi32, #tpu.memory_space<vmem>>
      %dma_wait3A_196 = tpu.memref_squeeze %dma_wait3A_195 : memref<1x80xi32, #tpu.memory_space<vmem>> -> memref<80xi32, #tpu.memory_space<vmem>>
      %dma_wait3A_197 = arith.constant 0 : i32
      %dma_wait3A_198 = arith.constant 0 : i32
      %dma_wait3A_199 = tpu.memref_slice %arg11[%dma_wait3A_197, %dma_wait3A_198] : memref<10240x128xf32, #tpu.memory_space<vmem_shared>> -> memref<10240x128xf32, #tpu.memory_space<vmem_shared>>
      tpu.wait_indirect_dma semaphore(%arg12 : memref<!tpu.dma_semaphore, #tpu.memory_space<semaphore_mem>>) src(%arg10 : memref<80x128xf32, #tpu.memory_space<vmem>>) dst(%dma_wait3A_199 : memref<10240x128xf32, #tpu.memory_space<vmem_shared>>)
      %dma_wait3A_200 = arith.constant 2 : i32
      %dma_wait3A_201 = arith.constant 0 : i32
      %dma_wait3A_202 = tpu.memref_slice %arg7[%dma_wait3A_200, %dma_wait3A_201] : memref<25x80xi32, #tpu.memory_space<vmem>> -> memref<1x80xi32, #tpu.memory_space<vmem>>
      %dma_wait3A_203 = tpu.memref_squeeze %dma_wait3A_202 : memref<1x80xi32, #tpu.memory_space<vmem>> -> memref<80xi32, #tpu.memory_space<vmem>>
      %dma_wait3A_204 = arith.constant 0 : i32
      %dma_wait3A_205 = arith.constant 0 : i32
      %dma_wait3A_206 = tpu.memref_slice %arg11[%dma_wait3A_204, %dma_wait3A_205] : memref<10240x128xf32, #tpu.memory_space<vmem_shared>> -> memref<10240x128xf32, #tpu.memory_space<vmem_shared>>
      tpu.wait_indirect_dma semaphore(%arg12 : memref<!tpu.dma_semaphore, #tpu.memory_space<semaphore_mem>>) src(%arg10 : memref<80x128xf32, #tpu.memory_space<vmem>>) dst(%dma_wait3A_206 : memref<10240x128xf32, #tpu.memory_space<vmem_shared>>)
      %dma_wait3A_207 = arith.constant 3 : i32
      %dma_wait3A_208 = arith.constant 0 : i32
      %dma_wait3A_209 = tpu.memref_slice %arg7[%dma_wait3A_207, %dma_wait3A_208] : memref<25x80xi32, #tpu.memory_space<vmem>> -> memref<1x80xi32, #tpu.memory_space<vmem>>
      %dma_wait3A_210 = tpu.memref_squeeze %dma_wait3A_209 : memref<1x80xi32, #tpu.memory_space<vmem>> -> memref<80xi32, #tpu.memory_space<vmem>>
      %dma_wait3A_211 = arith.constant 0 : i32
      %dma_wait3A_212 = arith.constant 0 : i32
      %dma_wait3A_213 = tpu.memref_slice %arg11[%dma_wait3A_211, %dma_wait3A_212] : memref<10240x128xf32, #tpu.memory_space<vmem_shared>> -> memref<10240x128xf32, #tpu.memory_space<vmem_shared>>
      tpu.wait_indirect_dma semaphore(%arg12 : memref<!tpu.dma_semaphore, #tpu.memory_space<semaphore_mem>>) src(%arg10 : memref<80x128xf32, #tpu.memory_space<vmem>>) dst(%dma_wait3A_213 : memref<10240x128xf32, #tpu.memory_space<vmem_shared>>)
      %dma_wait3A_214 = arith.constant 4 : i32
      %dma_wait3A_215 = arith.constant 0 : i32
      %dma_wait3A_216 = tpu.memref_slice %arg7[%dma_wait3A_214, %dma_wait3A_215] : memref<25x80xi32, #tpu.memory_space<vmem>> -> memref<1x80xi32, #tpu.memory_space<vmem>>
      %dma_wait3A_217 = tpu.memref_squeeze %dma_wait3A_216 : memref<1x80xi32, #tpu.memory_space<vmem>> -> memref<80xi32, #tpu.memory_space<vmem>>
      %dma_wait3A_218 = arith.constant 0 : i32
      %dma_wait3A_219 = arith.constant 0 : i32
      %dma_wait3A_220 = tpu.memref_slice %arg11[%dma_wait3A_218, %dma_wait3A_219] : memref<10240x128xf32, #tpu.memory_space<vmem_shared>> -> memref<10240x128xf32, #tpu.memory_space<vmem_shared>>
      tpu.wait_indirect_dma semaphore(%arg12 : memref<!tpu.dma_semaphore, #tpu.memory_space<semaphore_mem>>) src(%arg10 : memref<80x128xf32, #tpu.memory_space<vmem>>) dst(%dma_wait3A_220 : memref<10240x128xf32, #tpu.memory_space<vmem_shared>>)
      %dma_start3A_221 = arith.constant 5 : i32
      %dma_start3A_222 = arith.constant 0 : i32
      %dma_start3A_223 = tpu.memref_slice %arg7[%dma_start3A_221, %dma_start3A_222] : memref<25x80xi32, #tpu.memory_space<vmem>> -> memref<1x80xi32, #tpu.memory_space<vmem>>
      %dma_start3A_224 = tpu.memref_squeeze %dma_start3A_223 : memref<1x80xi32, #tpu.memory_space<vmem>> -> memref<80xi32, #tpu.memory_space<vmem>>
      %dma_start3A_225 = arith.constant 0 : i32
      %dma_start3A_226 = arith.constant 0 : i32
      %dma_start3A_227 = tpu.memref_slice %arg11[%dma_start3A_225, %dma_start3A_226] : memref<10240x128xf32, #tpu.memory_space<vmem_shared>> -> memref<10240x128xf32, #tpu.memory_space<vmem_shared>>
      tpu.enqueue_indirect_dma source(%arg10 : memref<80x128xf32, #tpu.memory_space<vmem>>) target(%dma_start3A_227 : memref<10240x128xf32, #tpu.memory_space<vmem_shared>>) offsets(%dma_start3A_224 : memref<80xi32, #tpu.memory_space<vmem>>) semaphore(%arg12 : memref<!tpu.dma_semaphore, #tpu.memory_space<semaphore_mem>>) {add = true}
      %dma_start3A_228 = arith.constant 6 : i32
      %dma_start3A_229 = arith.constant 0 : i32
      %dma_start3A_230 = tpu.memref_slice %arg7[%dma_start3A_228, %dma_start3A_229] : memref<25x80xi32, #tpu.memory_space<vmem>> -> memref<1x80xi32, #tpu.memory_space<vmem>>
      %dma_start3A_231 = tpu.memref_squeeze %dma_start3A_230 : memref<1x80xi32, #tpu.memory_space<vmem>> -> memref<80xi32, #tpu.memory_space<vmem>>
      %dma_start3A_232 = arith.constant 0 : i32
      %dma_start3A_233 = arith.constant 0 : i32
      %dma_start3A_234 = tpu.memref_slice %arg11[%dma_start3A_232, %dma_start3A_233] : memref<10240x128xf32, #tpu.memory_space<vmem_shared>> -> memref<10240x128xf32, #tpu.memory_space<vmem_shared>>
      tpu.enqueue_indirect_dma source(%arg10 : memref<80x128xf32, #tpu.memory_space<vmem>>) target(%dma_start3A_234 : memref<10240x128xf32, #tpu.memory_space<vmem_shared>>) offsets(%dma_start3A_231 : memref<80xi32, #tpu.memory_space<vmem>>) semaphore(%arg12 : memref<!tpu.dma_semaphore, #tpu.memory_space<semaphore_mem>>) {add = true}
      %dma_start3A_235 = arith.constant 7 : i32
      %dma_start3A_236 = arith.constant 0 : i32
      %dma_start3A_237 = tpu.memref_slice %arg7[%dma_start3A_235, %dma_start3A_236] : memref<25x80xi32, #tpu.memory_space<vmem>> -> memref<1x80xi32, #tpu.memory_space<vmem>>
      %dma_start3A_238 = tpu.memref_squeeze %dma_start3A_237 : memref<1x80xi32, #tpu.memory_space<vmem>> -> memref<80xi32, #tpu.memory_space<vmem>>
      %dma_start3A_239 = arith.constant 0 : i32
      %dma_start3A_240 = arith.constant 0 : i32
      %dma_start3A_241 = tpu.memref_slice %arg11[%dma_start3A_239, %dma_start3A_240] : memref<10240x128xf32, #tpu.memory_space<vmem_shared>> -> memref<10240x128xf32, #tpu.memory_space<vmem_shared>>
      tpu.enqueue_indirect_dma source(%arg10 : memref<80x128xf32, #tpu.memory_space<vmem>>) target(%dma_start3A_241 : memref<10240x128xf32, #tpu.memory_space<vmem_shared>>) offsets(%dma_start3A_238 : memref<80xi32, #tpu.memory_space<vmem>>) semaphore(%arg12 : memref<!tpu.dma_semaphore, #tpu.memory_space<semaphore_mem>>) {add = true}
      %dma_start3A_242 = arith.constant 8 : i32
      %dma_start3A_243 = arith.constant 0 : i32
      %dma_start3A_244 = tpu.memref_slice %arg7[%dma_start3A_242, %dma_start3A_243] : memref<25x80xi32, #tpu.memory_space<vmem>> -> memref<1x80xi32, #tpu.memory_space<vmem>>
      %dma_start3A_245 = tpu.memref_squeeze %dma_start3A_244 : memref<1x80xi32, #tpu.memory_space<vmem>> -> memref<80xi32, #tpu.memory_space<vmem>>
      %dma_start3A_246 = arith.constant 0 : i32
      %dma_start3A_247 = arith.constant 0 : i32
      %dma_start3A_248 = tpu.memref_slice %arg11[%dma_start3A_246, %dma_start3A_247] : memref<10240x128xf32, #tpu.memory_space<vmem_shared>> -> memref<10240x128xf32, #tpu.memory_space<vmem_shared>>
      tpu.enqueue_indirect_dma source(%arg10 : memref<80x128xf32, #tpu.memory_space<vmem>>) target(%dma_start3A_248 : memref<10240x128xf32, #tpu.memory_space<vmem_shared>>) offsets(%dma_start3A_245 : memref<80xi32, #tpu.memory_space<vmem>>) semaphore(%arg12 : memref<!tpu.dma_semaphore, #tpu.memory_space<semaphore_mem>>) {add = true}
      %dma_start3A_249 = arith.constant 9 : i32
      %dma_start3A_250 = arith.constant 0 : i32
      %dma_start3A_251 = tpu.memref_slice %arg7[%dma_start3A_249, %dma_start3A_250] : memref<25x80xi32, #tpu.memory_space<vmem>> -> memref<1x80xi32, #tpu.memory_space<vmem>>
      %dma_start3A_252 = tpu.memref_squeeze %dma_start3A_251 : memref<1x80xi32, #tpu.memory_space<vmem>> -> memref<80xi32, #tpu.memory_space<vmem>>
      %dma_start3A_253 = arith.constant 0 : i32
      %dma_start3A_254 = arith.constant 0 : i32
      %dma_start3A_255 = tpu.memref_slice %arg11[%dma_start3A_253, %dma_start3A_254] : memref<10240x128xf32, #tpu.memory_space<vmem_shared>> -> memref<10240x128xf32, #tpu.memory_space<vmem_shared>>
      tpu.enqueue_indirect_dma source(%arg10 : memref<80x128xf32, #tpu.memory_space<vmem>>) target(%dma_start3A_255 : memref<10240x128xf32, #tpu.memory_space<vmem_shared>>) offsets(%dma_start3A_252 : memref<80xi32, #tpu.memory_space<vmem>>) semaphore(%arg12 : memref<!tpu.dma_semaphore, #tpu.memory_space<semaphore_mem>>) {add = true}
      %dma_wait3A_256 = arith.constant 5 : i32
      %dma_wait3A_257 = arith.constant 0 : i32
      %dma_wait3A_258 = tpu.memref_slice %arg7[%dma_wait3A_256, %dma_wait3A_257] : memref<25x80xi32, #tpu.memory_space<vmem>> -> memref<1x80xi32, #tpu.memory_space<vmem>>
      %dma_wait3A_259 = tpu.memref_squeeze %dma_wait3A_258 : memref<1x80xi32, #tpu.memory_space<vmem>> -> memref<80xi32, #tpu.memory_space<vmem>>
      %dma_wait3A_260 = arith.constant 0 : i32
      %dma_wait3A_261 = arith.constant 0 : i32
      %dma_wait3A_262 = tpu.memref_slice %arg11[%dma_wait3A_260, %dma_wait3A_261] : memref<10240x128xf32, #tpu.memory_space<vmem_shared>> -> memref<10240x128xf32, #tpu.memory_space<vmem_shared>>
      tpu.wait_indirect_dma semaphore(%arg12 : memref<!tpu.dma_semaphore, #tpu.memory_space<semaphore_mem>>) src(%arg10 : memref<80x128xf32, #tpu.memory_space<vmem>>) dst(%dma_wait3A_262 : memref<10240x128xf32, #tpu.memory_space<vmem_shared>>)
      %dma_wait3A_263 = arith.constant 6 : i32
      %dma_wait3A_264 = arith.constant 0 : i32
      %dma_wait3A_265 = tpu.memref_slice %arg7[%dma_wait3A_263, %dma_wait3A_264] : memref<25x80xi32, #tpu.memory_space<vmem>> -> memref<1x80xi32, #tpu.memory_space<vmem>>
      %dma_wait3A_266 = tpu.memref_squeeze %dma_wait3A_265 : memref<1x80xi32, #tpu.memory_space<vmem>> -> memref<80xi32, #tpu.memory_space<vmem>>
      %dma_wait3A_267 = arith.constant 0 : i32
      %dma_wait3A_268 = arith.constant 0 : i32
      %dma_wait3A_269 = tpu.memref_slice %arg11[%dma_wait3A_267, %dma_wait3A_268] : memref<10240x128xf32, #tpu.memory_space<vmem_shared>> -> memref<10240x128xf32, #tpu.memory_space<vmem_shared>>
      tpu.wait_indirect_dma semaphore(%arg12 : memref<!tpu.dma_semaphore, #tpu.memory_space<semaphore_mem>>) src(%arg10 : memref<80x128xf32, #tpu.memory_space<vmem>>) dst(%dma_wait3A_269 : memref<10240x128xf32, #tpu.memory_space<vmem_shared>>)
      %dma_wait3A_270 = arith.constant 7 : i32
      %dma_wait3A_271 = arith.constant 0 : i32
      %dma_wait3A_272 = tpu.memref_slice %arg7[%dma_wait3A_270, %dma_wait3A_271] : memref<25x80xi32, #tpu.memory_space<vmem>> -> memref<1x80xi32, #tpu.memory_space<vmem>>
      %dma_wait3A_273 = tpu.memref_squeeze %dma_wait3A_272 : memref<1x80xi32, #tpu.memory_space<vmem>> -> memref<80xi32, #tpu.memory_space<vmem>>
      %dma_wait3A_274 = arith.constant 0 : i32
      %dma_wait3A_275 = arith.constant 0 : i32
      %dma_wait3A_276 = tpu.memref_slice %arg11[%dma_wait3A_274, %dma_wait3A_275] : memref<10240x128xf32, #tpu.memory_space<vmem_shared>> -> memref<10240x128xf32, #tpu.memory_space<vmem_shared>>
      tpu.wait_indirect_dma semaphore(%arg12 : memref<!tpu.dma_semaphore, #tpu.memory_space<semaphore_mem>>) src(%arg10 : memref<80x128xf32, #tpu.memory_space<vmem>>) dst(%dma_wait3A_276 : memref<10240x128xf32, #tpu.memory_space<vmem_shared>>)
      %dma_wait3A_277 = arith.constant 8 : i32
      %dma_wait3A_278 = arith.constant 0 : i32
      %dma_wait3A_279 = tpu.memref_slice %arg7[%dma_wait3A_277, %dma_wait3A_278] : memref<25x80xi32, #tpu.memory_space<vmem>> -> memref<1x80xi32, #tpu.memory_space<vmem>>
      %dma_wait3A_280 = tpu.memref_squeeze %dma_wait3A_279 : memref<1x80xi32, #tpu.memory_space<vmem>> -> memref<80xi32, #tpu.memory_space<vmem>>
      %dma_wait3A_281 = arith.constant 0 : i32
      %dma_wait3A_282 = arith.constant 0 : i32
      %dma_wait3A_283 = tpu.memref_slice %arg11[%dma_wait3A_281, %dma_wait3A_282] : memref<10240x128xf32, #tpu.memory_space<vmem_shared>> -> memref<10240x128xf32, #tpu.memory_space<vmem_shared>>
      tpu.wait_indirect_dma semaphore(%arg12 : memref<!tpu.dma_semaphore, #tpu.memory_space<semaphore_mem>>) src(%arg10 : memref<80x128xf32, #tpu.memory_space<vmem>>) dst(%dma_wait3A_283 : memref<10240x128xf32, #tpu.memory_space<vmem_shared>>)
      %dma_wait3A_284 = arith.constant 9 : i32
      %dma_wait3A_285 = arith.constant 0 : i32
      %dma_wait3A_286 = tpu.memref_slice %arg7[%dma_wait3A_284, %dma_wait3A_285] : memref<25x80xi32, #tpu.memory_space<vmem>> -> memref<1x80xi32, #tpu.memory_space<vmem>>
      %dma_wait3A_287 = tpu.memref_squeeze %dma_wait3A_286 : memref<1x80xi32, #tpu.memory_space<vmem>> -> memref<80xi32, #tpu.memory_space<vmem>>
      %dma_wait3A_288 = arith.constant 0 : i32
      %dma_wait3A_289 = arith.constant 0 : i32
      %dma_wait3A_290 = tpu.memref_slice %arg11[%dma_wait3A_288, %dma_wait3A_289] : memref<10240x128xf32, #tpu.memory_space<vmem_shared>> -> memref<10240x128xf32, #tpu.memory_space<vmem_shared>>
      tpu.wait_indirect_dma semaphore(%arg12 : memref<!tpu.dma_semaphore, #tpu.memory_space<semaphore_mem>>) src(%arg10 : memref<80x128xf32, #tpu.memory_space<vmem>>) dst(%dma_wait3A_290 : memref<10240x128xf32, #tpu.memory_space<vmem_shared>>)
      %dma_start3A_291 = arith.constant 10 : i32
      %dma_start3A_292 = arith.constant 0 : i32
      %dma_start3A_293 = tpu.memref_slice %arg7[%dma_start3A_291, %dma_start3A_292] : memref<25x80xi32, #tpu.memory_space<vmem>> -> memref<1x80xi32, #tpu.memory_space<vmem>>
      %dma_start3A_294 = tpu.memref_squeeze %dma_start3A_293 : memref<1x80xi32, #tpu.memory_space<vmem>> -> memref<80xi32, #tpu.memory_space<vmem>>
      %dma_start3A_295 = arith.constant 0 : i32
      %dma_start3A_296 = arith.constant 0 : i32
      %dma_start3A_297 = tpu.memref_slice %arg11[%dma_start3A_295, %dma_start3A_296] : memref<10240x128xf32, #tpu.memory_space<vmem_shared>> -> memref<10240x128xf32, #tpu.memory_space<vmem_shared>>
      tpu.enqueue_indirect_dma source(%arg10 : memref<80x128xf32, #tpu.memory_space<vmem>>) target(%dma_start3A_297 : memref<10240x128xf32, #tpu.memory_space<vmem_shared>>) offsets(%dma_start3A_294 : memref<80xi32, #tpu.memory_space<vmem>>) semaphore(%arg12 : memref<!tpu.dma_semaphore, #tpu.memory_space<semaphore_mem>>) {add = true}
      %dma_start3A_298 = arith.constant 11 : i32
      %dma_start3A_299 = arith.constant 0 : i32
      %dma_start3A_300 = tpu.memref_slice %arg7[%dma_start3A_298, %dma_start3A_299] : memref<25x80xi32, #tpu.memory_space<vmem>> -> memref<1x80xi32, #tpu.memory_space<vmem>>
      %dma_start3A_301 = tpu.memref_squeeze %dma_start3A_300 : memref<1x80xi32, #tpu.memory_space<vmem>> -> memref<80xi32, #tpu.memory_space<vmem>>
      %dma_start3A_302 = arith.constant 0 : i32
      %dma_start3A_303 = arith.constant 0 : i32
      %dma_start3A_304 = tpu.memref_slice %arg11[%dma_start3A_302, %dma_start3A_303] : memref<10240x128xf32, #tpu.memory_space<vmem_shared>> -> memref<10240x128xf32, #tpu.memory_space<vmem_shared>>
      tpu.enqueue_indirect_dma source(%arg10 : memref<80x128xf32, #tpu.memory_space<vmem>>) target(%dma_start3A_304 : memref<10240x128xf32, #tpu.memory_space<vmem_shared>>) offsets(%dma_start3A_301 : memref<80xi32, #tpu.memory_space<vmem>>) semaphore(%arg12 : memref<!tpu.dma_semaphore, #tpu.memory_space<semaphore_mem>>) {add = true}
      %dma_start3A_305 = arith.constant 12 : i32
      %dma_start3A_306 = arith.constant 0 : i32
      %dma_start3A_307 = tpu.memref_slice %arg7[%dma_start3A_305, %dma_start3A_306] : memref<25x80xi32, #tpu.memory_space<vmem>> -> memref<1x80xi32, #tpu.memory_space<vmem>>
      %dma_start3A_308 = tpu.memref_squeeze %dma_start3A_307 : memref<1x80xi32, #tpu.memory_space<vmem>> -> memref<80xi32, #tpu.memory_space<vmem>>
      %dma_start3A_309 = arith.constant 0 : i32
      %dma_start3A_310 = arith.constant 0 : i32
      %dma_start3A_311 = tpu.memref_slice %arg11[%dma_start3A_309, %dma_start3A_310] : memref<10240x128xf32, #tpu.memory_space<vmem_shared>> -> memref<10240x128xf32, #tpu.memory_space<vmem_shared>>
      tpu.enqueue_indirect_dma source(%arg10 : memref<80x128xf32, #tpu.memory_space<vmem>>) target(%dma_start3A_311 : memref<10240x128xf32, #tpu.memory_space<vmem_shared>>) offsets(%dma_start3A_308 : memref<80xi32, #tpu.memory_space<vmem>>) semaphore(%arg12 : memref<!tpu.dma_semaphore, #tpu.memory_space<semaphore_mem>>) {add = true}
      %dma_start3A_312 = arith.constant 13 : i32
      %dma_start3A_313 = arith.constant 0 : i32
      %dma_start3A_314 = tpu.memref_slice %arg7[%dma_start3A_312, %dma_start3A_313] : memref<25x80xi32, #tpu.memory_space<vmem>> -> memref<1x80xi32, #tpu.memory_space<vmem>>
      %dma_start3A_315 = tpu.memref_squeeze %dma_start3A_314 : memref<1x80xi32, #tpu.memory_space<vmem>> -> memref<80xi32, #tpu.memory_space<vmem>>
      %dma_start3A_316 = arith.constant 0 : i32
      %dma_start3A_317 = arith.constant 0 : i32
      %dma_start3A_318 = tpu.memref_slice %arg11[%dma_start3A_316, %dma_start3A_317] : memref<10240x128xf32, #tpu.memory_space<vmem_shared>> -> memref<10240x128xf32, #tpu.memory_space<vmem_shared>>
      tpu.enqueue_indirect_dma source(%arg10 : memref<80x128xf32, #tpu.memory_space<vmem>>) target(%dma_start3A_318 : memref<10240x128xf32, #tpu.memory_space<vmem_shared>>) offsets(%dma_start3A_315 : memref<80xi32, #tpu.memory_space<vmem>>) semaphore(%arg12 : memref<!tpu.dma_semaphore, #tpu.memory_space<semaphore_mem>>) {add = true}
      %dma_start3A_319 = arith.constant 14 : i32
      %dma_start3A_320 = arith.constant 0 : i32
      %dma_start3A_321 = tpu.memref_slice %arg7[%dma_start3A_319, %dma_start3A_320] : memref<25x80xi32, #tpu.memory_space<vmem>> -> memref<1x80xi32, #tpu.memory_space<vmem>>
      %dma_start3A_322 = tpu.memref_squeeze %dma_start3A_321 : memref<1x80xi32, #tpu.memory_space<vmem>> -> memref<80xi32, #tpu.memory_space<vmem>>
      %dma_start3A_323 = arith.constant 0 : i32
      %dma_start3A_324 = arith.constant 0 : i32
      %dma_start3A_325 = tpu.memref_slice %arg11[%dma_start3A_323, %dma_start3A_324] : memref<10240x128xf32, #tpu.memory_space<vmem_shared>> -> memref<10240x128xf32, #tpu.memory_space<vmem_shared>>
      tpu.enqueue_indirect_dma source(%arg10 : memref<80x128xf32, #tpu.memory_space<vmem>>) target(%dma_start3A_325 : memref<10240x128xf32, #tpu.memory_space<vmem_shared>>) offsets(%dma_start3A_322 : memref<80xi32, #tpu.memory_space<vmem>>) semaphore(%arg12 : memref<!tpu.dma_semaphore, #tpu.memory_space<semaphore_mem>>) {add = true}
      %dma_wait3A_326 = arith.constant 10 : i32
      %dma_wait3A_327 = arith.constant 0 : i32
      %dma_wait3A_328 = tpu.memref_slice %arg7[%dma_wait3A_326, %dma_wait3A_327] : memref<25x80xi32, #tpu.memory_space<vmem>> -> memref<1x80xi32, #tpu.memory_space<vmem>>
      %dma_wait3A_329 = tpu.memref_squeeze %dma_wait3A_328 : memref<1x80xi32, #tpu.memory_space<vmem>> -> memref<80xi32, #tpu.memory_space<vmem>>
      %dma_wait3A_330 = arith.constant 0 : i32
      %dma_wait3A_331 = arith.constant 0 : i32
      %dma_wait3A_332 = tpu.memref_slice %arg11[%dma_wait3A_330, %dma_wait3A_331] : memref<10240x128xf32, #tpu.memory_space<vmem_shared>> -> memref<10240x128xf32, #tpu.memory_space<vmem_shared>>
      tpu.wait_indirect_dma semaphore(%arg12 : memref<!tpu.dma_semaphore, #tpu.memory_space<semaphore_mem>>) src(%arg10 : memref<80x128xf32, #tpu.memory_space<vmem>>) dst(%dma_wait3A_332 : memref<10240x128xf32, #tpu.memory_space<vmem_shared>>)
      %dma_wait3A_333 = arith.constant 11 : i32
      %dma_wait3A_334 = arith.constant 0 : i32
      %dma_wait3A_335 = tpu.memref_slice %arg7[%dma_wait3A_333, %dma_wait3A_334] : memref<25x80xi32, #tpu.memory_space<vmem>> -> memref<1x80xi32, #tpu.memory_space<vmem>>
      %dma_wait3A_336 = tpu.memref_squeeze %dma_wait3A_335 : memref<1x80xi32, #tpu.memory_space<vmem>> -> memref<80xi32, #tpu.memory_space<vmem>>
      %dma_wait3A_337 = arith.constant 0 : i32
      %dma_wait3A_338 = arith.constant 0 : i32
      %dma_wait3A_339 = tpu.memref_slice %arg11[%dma_wait3A_337, %dma_wait3A_338] : memref<10240x128xf32, #tpu.memory_space<vmem_shared>> -> memref<10240x128xf32, #tpu.memory_space<vmem_shared>>
      tpu.wait_indirect_dma semaphore(%arg12 : memref<!tpu.dma_semaphore, #tpu.memory_space<semaphore_mem>>) src(%arg10 : memref<80x128xf32, #tpu.memory_space<vmem>>) dst(%dma_wait3A_339 : memref<10240x128xf32, #tpu.memory_space<vmem_shared>>)
      %dma_wait3A_340 = arith.constant 12 : i32
      %dma_wait3A_341 = arith.constant 0 : i32
      %dma_wait3A_342 = tpu.memref_slice %arg7[%dma_wait3A_340, %dma_wait3A_341] : memref<25x80xi32, #tpu.memory_space<vmem>> -> memref<1x80xi32, #tpu.memory_space<vmem>>
      %dma_wait3A_343 = tpu.memref_squeeze %dma_wait3A_342 : memref<1x80xi32, #tpu.memory_space<vmem>> -> memref<80xi32, #tpu.memory_space<vmem>>
      %dma_wait3A_344 = arith.constant 0 : i32
      %dma_wait3A_345 = arith.constant 0 : i32
      %dma_wait3A_346 = tpu.memref_slice %arg11[%dma_wait3A_344, %dma_wait3A_345] : memref<10240x128xf32, #tpu.memory_space<vmem_shared>> -> memref<10240x128xf32, #tpu.memory_space<vmem_shared>>
      tpu.wait_indirect_dma semaphore(%arg12 : memref<!tpu.dma_semaphore, #tpu.memory_space<semaphore_mem>>) src(%arg10 : memref<80x128xf32, #tpu.memory_space<vmem>>) dst(%dma_wait3A_346 : memref<10240x128xf32, #tpu.memory_space<vmem_shared>>)
      %dma_wait3A_347 = arith.constant 13 : i32
      %dma_wait3A_348 = arith.constant 0 : i32
      %dma_wait3A_349 = tpu.memref_slice %arg7[%dma_wait3A_347, %dma_wait3A_348] : memref<25x80xi32, #tpu.memory_space<vmem>> -> memref<1x80xi32, #tpu.memory_space<vmem>>
      %dma_wait3A_350 = tpu.memref_squeeze %dma_wait3A_349 : memref<1x80xi32, #tpu.memory_space<vmem>> -> memref<80xi32, #tpu.memory_space<vmem>>
      %dma_wait3A_351 = arith.constant 0 : i32
      %dma_wait3A_352 = arith.constant 0 : i32
      %dma_wait3A_353 = tpu.memref_slice %arg11[%dma_wait3A_351, %dma_wait3A_352] : memref<10240x128xf32, #tpu.memory_space<vmem_shared>> -> memref<10240x128xf32, #tpu.memory_space<vmem_shared>>
      tpu.wait_indirect_dma semaphore(%arg12 : memref<!tpu.dma_semaphore, #tpu.memory_space<semaphore_mem>>) src(%arg10 : memref<80x128xf32, #tpu.memory_space<vmem>>) dst(%dma_wait3A_353 : memref<10240x128xf32, #tpu.memory_space<vmem_shared>>)
      %dma_wait3A_354 = arith.constant 14 : i32
      %dma_wait3A_355 = arith.constant 0 : i32
      %dma_wait3A_356 = tpu.memref_slice %arg7[%dma_wait3A_354, %dma_wait3A_355] : memref<25x80xi32, #tpu.memory_space<vmem>> -> memref<1x80xi32, #tpu.memory_space<vmem>>
      %dma_wait3A_357 = tpu.memref_squeeze %dma_wait3A_356 : memref<1x80xi32, #tpu.memory_space<vmem>> -> memref<80xi32, #tpu.memory_space<vmem>>
      %dma_wait3A_358 = arith.constant 0 : i32
      %dma_wait3A_359 = arith.constant 0 : i32
      %dma_wait3A_360 = tpu.memref_slice %arg11[%dma_wait3A_358, %dma_wait3A_359] : memref<10240x128xf32, #tpu.memory_space<vmem_shared>> -> memref<10240x128xf32, #tpu.memory_space<vmem_shared>>
      tpu.wait_indirect_dma semaphore(%arg12 : memref<!tpu.dma_semaphore, #tpu.memory_space<semaphore_mem>>) src(%arg10 : memref<80x128xf32, #tpu.memory_space<vmem>>) dst(%dma_wait3A_360 : memref<10240x128xf32, #tpu.memory_space<vmem_shared>>)
      %dma_start3A_361 = arith.constant 15 : i32
      %dma_start3A_362 = arith.constant 0 : i32
      %dma_start3A_363 = tpu.memref_slice %arg7[%dma_start3A_361, %dma_start3A_362] : memref<25x80xi32, #tpu.memory_space<vmem>> -> memref<1x80xi32, #tpu.memory_space<vmem>>
      %dma_start3A_364 = tpu.memref_squeeze %dma_start3A_363 : memref<1x80xi32, #tpu.memory_space<vmem>> -> memref<80xi32, #tpu.memory_space<vmem>>
      %dma_start3A_365 = arith.constant 0 : i32
      %dma_start3A_366 = arith.constant 0 : i32
      %dma_start3A_367 = tpu.memref_slice %arg11[%dma_start3A_365, %dma_start3A_366] : memref<10240x128xf32, #tpu.memory_space<vmem_shared>> -> memref<10240x128xf32, #tpu.memory_space<vmem_shared>>
      tpu.enqueue_indirect_dma source(%arg10 : memref<80x128xf32, #tpu.memory_space<vmem>>) target(%dma_start3A_367 : memref<10240x128xf32, #tpu.memory_space<vmem_shared>>) offsets(%dma_start3A_364 : memref<80xi32, #tpu.memory_space<vmem>>) semaphore(%arg12 : memref<!tpu.dma_semaphore, #tpu.memory_space<semaphore_mem>>) {add = true}
      %dma_start3A_368 = arith.constant 16 : i32
      %dma_start3A_369 = arith.constant 0 : i32
      %dma_start3A_370 = tpu.memref_slice %arg7[%dma_start3A_368, %dma_start3A_369] : memref<25x80xi32, #tpu.memory_space<vmem>> -> memref<1x80xi32, #tpu.memory_space<vmem>>
      %dma_start3A_371 = tpu.memref_squeeze %dma_start3A_370 : memref<1x80xi32, #tpu.memory_space<vmem>> -> memref<80xi32, #tpu.memory_space<vmem>>
      %dma_start3A_372 = arith.constant 0 : i32
      %dma_start3A_373 = arith.constant 0 : i32
      %dma_start3A_374 = tpu.memref_slice %arg11[%dma_start3A_372, %dma_start3A_373] : memref<10240x128xf32, #tpu.memory_space<vmem_shared>> -> memref<10240x128xf32, #tpu.memory_space<vmem_shared>>
      tpu.enqueue_indirect_dma source(%arg10 : memref<80x128xf32, #tpu.memory_space<vmem>>) target(%dma_start3A_374 : memref<10240x128xf32, #tpu.memory_space<vmem_shared>>) offsets(%dma_start3A_371 : memref<80xi32, #tpu.memory_space<vmem>>) semaphore(%arg12 : memref<!tpu.dma_semaphore, #tpu.memory_space<semaphore_mem>>) {add = true}
      %dma_start3A_375 = arith.constant 17 : i32
      %dma_start3A_376 = arith.constant 0 : i32
      %dma_start3A_377 = tpu.memref_slice %arg7[%dma_start3A_375, %dma_start3A_376] : memref<25x80xi32, #tpu.memory_space<vmem>> -> memref<1x80xi32, #tpu.memory_space<vmem>>
      %dma_start3A_378 = tpu.memref_squeeze %dma_start3A_377 : memref<1x80xi32, #tpu.memory_space<vmem>> -> memref<80xi32, #tpu.memory_space<vmem>>
      %dma_start3A_379 = arith.constant 0 : i32
      %dma_start3A_380 = arith.constant 0 : i32
      %dma_start3A_381 = tpu.memref_slice %arg11[%dma_start3A_379, %dma_start3A_380] : memref<10240x128xf32, #tpu.memory_space<vmem_shared>> -> memref<10240x128xf32, #tpu.memory_space<vmem_shared>>
      tpu.enqueue_indirect_dma source(%arg10 : memref<80x128xf32, #tpu.memory_space<vmem>>) target(%dma_start3A_381 : memref<10240x128xf32, #tpu.memory_space<vmem_shared>>) offsets(%dma_start3A_378 : memref<80xi32, #tpu.memory_space<vmem>>) semaphore(%arg12 : memref<!tpu.dma_semaphore, #tpu.memory_space<semaphore_mem>>) {add = true}
      %dma_start3A_382 = arith.constant 18 : i32
      %dma_start3A_383 = arith.constant 0 : i32
      %dma_start3A_384 = tpu.memref_slice %arg7[%dma_start3A_382, %dma_start3A_383] : memref<25x80xi32, #tpu.memory_space<vmem>> -> memref<1x80xi32, #tpu.memory_space<vmem>>
      %dma_start3A_385 = tpu.memref_squeeze %dma_start3A_384 : memref<1x80xi32, #tpu.memory_space<vmem>> -> memref<80xi32, #tpu.memory_space<vmem>>
      %dma_start3A_386 = arith.constant 0 : i32
      %dma_start3A_387 = arith.constant 0 : i32
      %dma_start3A_388 = tpu.memref_slice %arg11[%dma_start3A_386, %dma_start3A_387] : memref<10240x128xf32, #tpu.memory_space<vmem_shared>> -> memref<10240x128xf32, #tpu.memory_space<vmem_shared>>
      tpu.enqueue_indirect_dma source(%arg10 : memref<80x128xf32, #tpu.memory_space<vmem>>) target(%dma_start3A_388 : memref<10240x128xf32, #tpu.memory_space<vmem_shared>>) offsets(%dma_start3A_385 : memref<80xi32, #tpu.memory_space<vmem>>) semaphore(%arg12 : memref<!tpu.dma_semaphore, #tpu.memory_space<semaphore_mem>>) {add = true}
      %dma_start3A_389 = arith.constant 19 : i32
      %dma_start3A_390 = arith.constant 0 : i32
      %dma_start3A_391 = tpu.memref_slice %arg7[%dma_start3A_389, %dma_start3A_390] : memref<25x80xi32, #tpu.memory_space<vmem>> -> memref<1x80xi32, #tpu.memory_space<vmem>>
      %dma_start3A_392 = tpu.memref_squeeze %dma_start3A_391 : memref<1x80xi32, #tpu.memory_space<vmem>> -> memref<80xi32, #tpu.memory_space<vmem>>
      %dma_start3A_393 = arith.constant 0 : i32
      %dma_start3A_394 = arith.constant 0 : i32
      %dma_start3A_395 = tpu.memref_slice %arg11[%dma_start3A_393, %dma_start3A_394] : memref<10240x128xf32, #tpu.memory_space<vmem_shared>> -> memref<10240x128xf32, #tpu.memory_space<vmem_shared>>
      tpu.enqueue_indirect_dma source(%arg10 : memref<80x128xf32, #tpu.memory_space<vmem>>) target(%dma_start3A_395 : memref<10240x128xf32, #tpu.memory_space<vmem_shared>>) offsets(%dma_start3A_392 : memref<80xi32, #tpu.memory_space<vmem>>) semaphore(%arg12 : memref<!tpu.dma_semaphore, #tpu.memory_space<semaphore_mem>>) {add = true}
      %dma_wait3A_396 = arith.constant 15 : i32
      %dma_wait3A_397 = arith.constant 0 : i32
      %dma_wait3A_398 = tpu.memref_slice %arg7[%dma_wait3A_396, %dma_wait3A_397] : memref<25x80xi32, #tpu.memory_space<vmem>> -> memref<1x80xi32, #tpu.memory_space<vmem>>
      %dma_wait3A_399 = tpu.memref_squeeze %dma_wait3A_398 : memref<1x80xi32, #tpu.memory_space<vmem>> -> memref<80xi32, #tpu.memory_space<vmem>>
      %dma_wait3A_400 = arith.constant 0 : i32
      %dma_wait3A_401 = arith.constant 0 : i32
      %dma_wait3A_402 = tpu.memref_slice %arg11[%dma_wait3A_400, %dma_wait3A_401] : memref<10240x128xf32, #tpu.memory_space<vmem_shared>> -> memref<10240x128xf32, #tpu.memory_space<vmem_shared>>
      tpu.wait_indirect_dma semaphore(%arg12 : memref<!tpu.dma_semaphore, #tpu.memory_space<semaphore_mem>>) src(%arg10 : memref<80x128xf32, #tpu.memory_space<vmem>>) dst(%dma_wait3A_402 : memref<10240x128xf32, #tpu.memory_space<vmem_shared>>)
      %dma_wait3A_403 = arith.constant 16 : i32
      %dma_wait3A_404 = arith.constant 0 : i32
      %dma_wait3A_405 = tpu.memref_slice %arg7[%dma_wait3A_403, %dma_wait3A_404] : memref<25x80xi32, #tpu.memory_space<vmem>> -> memref<1x80xi32, #tpu.memory_space<vmem>>
      %dma_wait3A_406 = tpu.memref_squeeze %dma_wait3A_405 : memref<1x80xi32, #tpu.memory_space<vmem>> -> memref<80xi32, #tpu.memory_space<vmem>>
      %dma_wait3A_407 = arith.constant 0 : i32
      %dma_wait3A_408 = arith.constant 0 : i32
      %dma_wait3A_409 = tpu.memref_slice %arg11[%dma_wait3A_407, %dma_wait3A_408] : memref<10240x128xf32, #tpu.memory_space<vmem_shared>> -> memref<10240x128xf32, #tpu.memory_space<vmem_shared>>
      tpu.wait_indirect_dma semaphore(%arg12 : memref<!tpu.dma_semaphore, #tpu.memory_space<semaphore_mem>>) src(%arg10 : memref<80x128xf32, #tpu.memory_space<vmem>>) dst(%dma_wait3A_409 : memref<10240x128xf32, #tpu.memory_space<vmem_shared>>)
      %dma_wait3A_410 = arith.constant 17 : i32
      %dma_wait3A_411 = arith.constant 0 : i32
      %dma_wait3A_412 = tpu.memref_slice %arg7[%dma_wait3A_410, %dma_wait3A_411] : memref<25x80xi32, #tpu.memory_space<vmem>> -> memref<1x80xi32, #tpu.memory_space<vmem>>
      %dma_wait3A_413 = tpu.memref_squeeze %dma_wait3A_412 : memref<1x80xi32, #tpu.memory_space<vmem>> -> memref<80xi32, #tpu.memory_space<vmem>>
      %dma_wait3A_414 = arith.constant 0 : i32
      %dma_wait3A_415 = arith.constant 0 : i32
      %dma_wait3A_416 = tpu.memref_slice %arg11[%dma_wait3A_414, %dma_wait3A_415] : memref<10240x128xf32, #tpu.memory_space<vmem_shared>> -> memref<10240x128xf32, #tpu.memory_space<vmem_shared>>
      tpu.wait_indirect_dma semaphore(%arg12 : memref<!tpu.dma_semaphore, #tpu.memory_space<semaphore_mem>>) src(%arg10 : memref<80x128xf32, #tpu.memory_space<vmem>>) dst(%dma_wait3A_416 : memref<10240x128xf32, #tpu.memory_space<vmem_shared>>)
      %dma_wait3A_417 = arith.constant 18 : i32
      %dma_wait3A_418 = arith.constant 0 : i32
      %dma_wait3A_419 = tpu.memref_slice %arg7[%dma_wait3A_417, %dma_wait3A_418] : memref<25x80xi32, #tpu.memory_space<vmem>> -> memref<1x80xi32, #tpu.memory_space<vmem>>
      %dma_wait3A_420 = tpu.memref_squeeze %dma_wait3A_419 : memref<1x80xi32, #tpu.memory_space<vmem>> -> memref<80xi32, #tpu.memory_space<vmem>>
      %dma_wait3A_421 = arith.constant 0 : i32
      %dma_wait3A_422 = arith.constant 0 : i32
      %dma_wait3A_423 = tpu.memref_slice %arg11[%dma_wait3A_421, %dma_wait3A_422] : memref<10240x128xf32, #tpu.memory_space<vmem_shared>> -> memref<10240x128xf32, #tpu.memory_space<vmem_shared>>
      tpu.wait_indirect_dma semaphore(%arg12 : memref<!tpu.dma_semaphore, #tpu.memory_space<semaphore_mem>>) src(%arg10 : memref<80x128xf32, #tpu.memory_space<vmem>>) dst(%dma_wait3A_423 : memref<10240x128xf32, #tpu.memory_space<vmem_shared>>)
      %dma_wait3A_424 = arith.constant 19 : i32
      %dma_wait3A_425 = arith.constant 0 : i32
      %dma_wait3A_426 = tpu.memref_slice %arg7[%dma_wait3A_424, %dma_wait3A_425] : memref<25x80xi32, #tpu.memory_space<vmem>> -> memref<1x80xi32, #tpu.memory_space<vmem>>
      %dma_wait3A_427 = tpu.memref_squeeze %dma_wait3A_426 : memref<1x80xi32, #tpu.memory_space<vmem>> -> memref<80xi32, #tpu.memory_space<vmem>>
      %dma_wait3A_428 = arith.constant 0 : i32
      %dma_wait3A_429 = arith.constant 0 : i32
      %dma_wait3A_430 = tpu.memref_slice %arg11[%dma_wait3A_428, %dma_wait3A_429] : memref<10240x128xf32, #tpu.memory_space<vmem_shared>> -> memref<10240x128xf32, #tpu.memory_space<vmem_shared>>
      tpu.wait_indirect_dma semaphore(%arg12 : memref<!tpu.dma_semaphore, #tpu.memory_space<semaphore_mem>>) src(%arg10 : memref<80x128xf32, #tpu.memory_space<vmem>>) dst(%dma_wait3A_430 : memref<10240x128xf32, #tpu.memory_space<vmem_shared>>)
      %dma_start3A_431 = arith.constant 20 : i32
      %dma_start3A_432 = arith.constant 0 : i32
      %dma_start3A_433 = tpu.memref_slice %arg7[%dma_start3A_431, %dma_start3A_432] : memref<25x80xi32, #tpu.memory_space<vmem>> -> memref<1x80xi32, #tpu.memory_space<vmem>>
      %dma_start3A_434 = tpu.memref_squeeze %dma_start3A_433 : memref<1x80xi32, #tpu.memory_space<vmem>> -> memref<80xi32, #tpu.memory_space<vmem>>
      %dma_start3A_435 = arith.constant 0 : i32
      %dma_start3A_436 = arith.constant 0 : i32
      %dma_start3A_437 = tpu.memref_slice %arg11[%dma_start3A_435, %dma_start3A_436] : memref<10240x128xf32, #tpu.memory_space<vmem_shared>> -> memref<10240x128xf32, #tpu.memory_space<vmem_shared>>
      tpu.enqueue_indirect_dma source(%arg10 : memref<80x128xf32, #tpu.memory_space<vmem>>) target(%dma_start3A_437 : memref<10240x128xf32, #tpu.memory_space<vmem_shared>>) offsets(%dma_start3A_434 : memref<80xi32, #tpu.memory_space<vmem>>) semaphore(%arg12 : memref<!tpu.dma_semaphore, #tpu.memory_space<semaphore_mem>>) {add = true}
      %dma_start3A_438 = arith.constant 21 : i32
      %dma_start3A_439 = arith.constant 0 : i32
      %dma_start3A_440 = tpu.memref_slice %arg7[%dma_start3A_438, %dma_start3A_439] : memref<25x80xi32, #tpu.memory_space<vmem>> -> memref<1x80xi32, #tpu.memory_space<vmem>>
      %dma_start3A_441 = tpu.memref_squeeze %dma_start3A_440 : memref<1x80xi32, #tpu.memory_space<vmem>> -> memref<80xi32, #tpu.memory_space<vmem>>
      %dma_start3A_442 = arith.constant 0 : i32
      %dma_start3A_443 = arith.constant 0 : i32
      %dma_start3A_444 = tpu.memref_slice %arg11[%dma_start3A_442, %dma_start3A_443] : memref<10240x128xf32, #tpu.memory_space<vmem_shared>> -> memref<10240x128xf32, #tpu.memory_space<vmem_shared>>
      tpu.enqueue_indirect_dma source(%arg10 : memref<80x128xf32, #tpu.memory_space<vmem>>) target(%dma_start3A_444 : memref<10240x128xf32, #tpu.memory_space<vmem_shared>>) offsets(%dma_start3A_441 : memref<80xi32, #tpu.memory_space<vmem>>) semaphore(%arg12 : memref<!tpu.dma_semaphore, #tpu.memory_space<semaphore_mem>>) {add = true}
      %dma_start3A_445 = arith.constant 22 : i32
      %dma_start3A_446 = arith.constant 0 : i32
      %dma_start3A_447 = tpu.memref_slice %arg7[%dma_start3A_445, %dma_start3A_446] : memref<25x80xi32, #tpu.memory_space<vmem>> -> memref<1x80xi32, #tpu.memory_space<vmem>>
      %dma_start3A_448 = tpu.memref_squeeze %dma_start3A_447 : memref<1x80xi32, #tpu.memory_space<vmem>> -> memref<80xi32, #tpu.memory_space<vmem>>
      %dma_start3A_449 = arith.constant 0 : i32
      %dma_start3A_450 = arith.constant 0 : i32
      %dma_start3A_451 = tpu.memref_slice %arg11[%dma_start3A_449, %dma_start3A_450] : memref<10240x128xf32, #tpu.memory_space<vmem_shared>> -> memref<10240x128xf32, #tpu.memory_space<vmem_shared>>
      tpu.enqueue_indirect_dma source(%arg10 : memref<80x128xf32, #tpu.memory_space<vmem>>) target(%dma_start3A_451 : memref<10240x128xf32, #tpu.memory_space<vmem_shared>>) offsets(%dma_start3A_448 : memref<80xi32, #tpu.memory_space<vmem>>) semaphore(%arg12 : memref<!tpu.dma_semaphore, #tpu.memory_space<semaphore_mem>>) {add = true}
      %dma_start3A_452 = arith.constant 23 : i32
      %dma_start3A_453 = arith.constant 0 : i32
      %dma_start3A_454 = tpu.memref_slice %arg7[%dma_start3A_452, %dma_start3A_453] : memref<25x80xi32, #tpu.memory_space<vmem>> -> memref<1x80xi32, #tpu.memory_space<vmem>>
      %dma_start3A_455 = tpu.memref_squeeze %dma_start3A_454 : memref<1x80xi32, #tpu.memory_space<vmem>> -> memref<80xi32, #tpu.memory_space<vmem>>
      %dma_start3A_456 = arith.constant 0 : i32
      %dma_start3A_457 = arith.constant 0 : i32
      %dma_start3A_458 = tpu.memref_slice %arg11[%dma_start3A_456, %dma_start3A_457] : memref<10240x128xf32, #tpu.memory_space<vmem_shared>> -> memref<10240x128xf32, #tpu.memory_space<vmem_shared>>
      tpu.enqueue_indirect_dma source(%arg10 : memref<80x128xf32, #tpu.memory_space<vmem>>) target(%dma_start3A_458 : memref<10240x128xf32, #tpu.memory_space<vmem_shared>>) offsets(%dma_start3A_455 : memref<80xi32, #tpu.memory_space<vmem>>) semaphore(%arg12 : memref<!tpu.dma_semaphore, #tpu.memory_space<semaphore_mem>>) {add = true}
      %dma_start3A_459 = arith.constant 24 : i32
      %dma_start3A_460 = arith.constant 0 : i32
      %dma_start3A_461 = tpu.memref_slice %arg7[%dma_start3A_459, %dma_start3A_460] : memref<25x80xi32, #tpu.memory_space<vmem>> -> memref<1x80xi32, #tpu.memory_space<vmem>>
      %dma_start3A_462 = tpu.memref_squeeze %dma_start3A_461 : memref<1x80xi32, #tpu.memory_space<vmem>> -> memref<80xi32, #tpu.memory_space<vmem>>
      %dma_start3A_463 = arith.constant 0 : i32
      %dma_start3A_464 = arith.constant 0 : i32
      %dma_start3A_465 = tpu.memref_slice %arg11[%dma_start3A_463, %dma_start3A_464] : memref<10240x128xf32, #tpu.memory_space<vmem_shared>> -> memref<10240x128xf32, #tpu.memory_space<vmem_shared>>
      tpu.enqueue_indirect_dma source(%arg10 : memref<80x128xf32, #tpu.memory_space<vmem>>) target(%dma_start3A_465 : memref<10240x128xf32, #tpu.memory_space<vmem_shared>>) offsets(%dma_start3A_462 : memref<80xi32, #tpu.memory_space<vmem>>) semaphore(%arg12 : memref<!tpu.dma_semaphore, #tpu.memory_space<semaphore_mem>>) {add = true}
      %dma_wait3A_466 = arith.constant 20 : i32
      %dma_wait3A_467 = arith.constant 0 : i32
      %dma_wait3A_468 = tpu.memref_slice %arg7[%dma_wait3A_466, %dma_wait3A_467] : memref<25x80xi32, #tpu.memory_space<vmem>> -> memref<1x80xi32, #tpu.memory_space<vmem>>
      %dma_wait3A_469 = tpu.memref_squeeze %dma_wait3A_468 : memref<1x80xi32, #tpu.memory_space<vmem>> -> memref<80xi32, #tpu.memory_space<vmem>>
      %dma_wait3A_470 = arith.constant 0 : i32
      %dma_wait3A_471 = arith.constant 0 : i32
      %dma_wait3A_472 = tpu.memref_slice %arg11[%dma_wait3A_470, %dma_wait3A_471] : memref<10240x128xf32, #tpu.memory_space<vmem_shared>> -> memref<10240x128xf32, #tpu.memory_space<vmem_shared>>
      tpu.wait_indirect_dma semaphore(%arg12 : memref<!tpu.dma_semaphore, #tpu.memory_space<semaphore_mem>>) src(%arg10 : memref<80x128xf32, #tpu.memory_space<vmem>>) dst(%dma_wait3A_472 : memref<10240x128xf32, #tpu.memory_space<vmem_shared>>)
      %dma_wait3A_473 = arith.constant 21 : i32
      %dma_wait3A_474 = arith.constant 0 : i32
      %dma_wait3A_475 = tpu.memref_slice %arg7[%dma_wait3A_473, %dma_wait3A_474] : memref<25x80xi32, #tpu.memory_space<vmem>> -> memref<1x80xi32, #tpu.memory_space<vmem>>
      %dma_wait3A_476 = tpu.memref_squeeze %dma_wait3A_475 : memref<1x80xi32, #tpu.memory_space<vmem>> -> memref<80xi32, #tpu.memory_space<vmem>>
      %dma_wait3A_477 = arith.constant 0 : i32
      %dma_wait3A_478 = arith.constant 0 : i32
      %dma_wait3A_479 = tpu.memref_slice %arg11[%dma_wait3A_477, %dma_wait3A_478] : memref<10240x128xf32, #tpu.memory_space<vmem_shared>> -> memref<10240x128xf32, #tpu.memory_space<vmem_shared>>
      tpu.wait_indirect_dma semaphore(%arg12 : memref<!tpu.dma_semaphore, #tpu.memory_space<semaphore_mem>>) src(%arg10 : memref<80x128xf32, #tpu.memory_space<vmem>>) dst(%dma_wait3A_479 : memref<10240x128xf32, #tpu.memory_space<vmem_shared>>)
      %dma_wait3A_480 = arith.constant 22 : i32
      %dma_wait3A_481 = arith.constant 0 : i32
      %dma_wait3A_482 = tpu.memref_slice %arg7[%dma_wait3A_480, %dma_wait3A_481] : memref<25x80xi32, #tpu.memory_space<vmem>> -> memref<1x80xi32, #tpu.memory_space<vmem>>
      %dma_wait3A_483 = tpu.memref_squeeze %dma_wait3A_482 : memref<1x80xi32, #tpu.memory_space<vmem>> -> memref<80xi32, #tpu.memory_space<vmem>>
      %dma_wait3A_484 = arith.constant 0 : i32
      %dma_wait3A_485 = arith.constant 0 : i32
      %dma_wait3A_486 = tpu.memref_slice %arg11[%dma_wait3A_484, %dma_wait3A_485] : memref<10240x128xf32, #tpu.memory_space<vmem_shared>> -> memref<10240x128xf32, #tpu.memory_space<vmem_shared>>
      tpu.wait_indirect_dma semaphore(%arg12 : memref<!tpu.dma_semaphore, #tpu.memory_space<semaphore_mem>>) src(%arg10 : memref<80x128xf32, #tpu.memory_space<vmem>>) dst(%dma_wait3A_486 : memref<10240x128xf32, #tpu.memory_space<vmem_shared>>)
      %dma_wait3A_487 = arith.constant 23 : i32
      %dma_wait3A_488 = arith.constant 0 : i32
      %dma_wait3A_489 = tpu.memref_slice %arg7[%dma_wait3A_487, %dma_wait3A_488] : memref<25x80xi32, #tpu.memory_space<vmem>> -> memref<1x80xi32, #tpu.memory_space<vmem>>
      %dma_wait3A_490 = tpu.memref_squeeze %dma_wait3A_489 : memref<1x80xi32, #tpu.memory_space<vmem>> -> memref<80xi32, #tpu.memory_space<vmem>>
      %dma_wait3A_491 = arith.constant 0 : i32
      %dma_wait3A_492 = arith.constant 0 : i32
      %dma_wait3A_493 = tpu.memref_slice %arg11[%dma_wait3A_491, %dma_wait3A_492] : memref<10240x128xf32, #tpu.memory_space<vmem_shared>> -> memref<10240x128xf32, #tpu.memory_space<vmem_shared>>
      tpu.wait_indirect_dma semaphore(%arg12 : memref<!tpu.dma_semaphore, #tpu.memory_space<semaphore_mem>>) src(%arg10 : memref<80x128xf32, #tpu.memory_space<vmem>>) dst(%dma_wait3A_493 : memref<10240x128xf32, #tpu.memory_space<vmem_shared>>)
      %dma_wait3A_494 = arith.constant 24 : i32
      %dma_wait3A_495 = arith.constant 0 : i32
      %dma_wait3A_496 = tpu.memref_slice %arg7[%dma_wait3A_494, %dma_wait3A_495] : memref<25x80xi32, #tpu.memory_space<vmem>> -> memref<1x80xi32, #tpu.memory_space<vmem>>
      %dma_wait3A_497 = tpu.memref_squeeze %dma_wait3A_496 : memref<1x80xi32, #tpu.memory_space<vmem>> -> memref<80xi32, #tpu.memory_space<vmem>>
      %dma_wait3A_498 = arith.constant 0 : i32
      %dma_wait3A_499 = arith.constant 0 : i32
      %dma_wait3A_500 = tpu.memref_slice %arg11[%dma_wait3A_498, %dma_wait3A_499] : memref<10240x128xf32, #tpu.memory_space<vmem_shared>> -> memref<10240x128xf32, #tpu.memory_space<vmem_shared>>
      tpu.wait_indirect_dma semaphore(%arg12 : memref<!tpu.dma_semaphore, #tpu.memory_space<semaphore_mem>>) src(%arg10 : memref<80x128xf32, #tpu.memory_space<vmem>>) dst(%dma_wait3A_500 : memref<10240x128xf32, #tpu.memory_space<vmem_shared>>)
    }
    %scan3A_14 = arith.constant 5 : i32
    %barrier3A_15 = arith.constant 0 : index
    tpu.barrier barrier_id(%barrier3A_15)
    %add3A_16 = arith.constant 0 : i32
    %add3A_17 = arith.addi %multiple_of3A, %add3A_16 : i32
    %multiple_of3A_18 = tpu.assume_multiple %add3A_17, 8 : i32
    %dma_start3A = arith.constant 0 : i32
    %dma_start3A_19 = arith.constant 0 : i32
    %dma_start3A_20 = tpu.memref_slice %arg8[%dma_start3A, %dma_start3A_19] : memref<8x80xi32, #tpu.memory_space<vmem>> -> memref<1x80xi32, #tpu.memory_space<vmem>>
    %dma_start3A_21 = tpu.memref_squeeze %dma_start3A_20 : memref<1x80xi32, #tpu.memory_space<vmem>> -> memref<80xi32, #tpu.memory_space<vmem>>
    %dma_start3A_22 = arith.constant 0 : i32
    %dma_start3A_23 = arith.constant 0 : i32
    %dma_start3A_24 = tpu.memref_slice %arg11[%dma_start3A_22, %dma_start3A_23] : memref<10240x128xf32, #tpu.memory_space<vmem_shared>> -> memref<10240x128xf32, #tpu.memory_space<vmem_shared>>
    tpu.enqueue_indirect_dma source(%dma_start3A_24 : memref<10240x128xf32, #tpu.memory_space<vmem_shared>>) target(%arg9 : memref<80x128xf32, #tpu.memory_space<vmem>>) offsets(%dma_start3A_21 : memref<80xi32, #tpu.memory_space<vmem>>) semaphore(%arg12 : memref<!tpu.dma_semaphore, #tpu.memory_space<semaphore_mem>>)
    %dma_wait3A = arith.constant 0 : i32
    %dma_wait3A_25 = arith.constant 0 : i32
    %dma_wait3A_26 = tpu.memref_slice %arg8[%dma_wait3A, %dma_wait3A_25] : memref<8x80xi32, #tpu.memory_space<vmem>> -> memref<1x80xi32, #tpu.memory_space<vmem>>
    %dma_wait3A_27 = tpu.memref_squeeze %dma_wait3A_26 : memref<1x80xi32, #tpu.memory_space<vmem>> -> memref<80xi32, #tpu.memory_space<vmem>>
    %dma_wait3A_28 = arith.constant 0 : i32
    %dma_wait3A_29 = arith.constant 0 : i32
    %dma_wait3A_30 = tpu.memref_slice %arg11[%dma_wait3A_28, %dma_wait3A_29] : memref<10240x128xf32, #tpu.memory_space<vmem_shared>> -> memref<10240x128xf32, #tpu.memory_space<vmem_shared>>
    tpu.wait_indirect_dma semaphore(%arg12 : memref<!tpu.dma_semaphore, #tpu.memory_space<semaphore_mem>>) src(%dma_wait3A_30 : memref<10240x128xf32, #tpu.memory_space<vmem_shared>>) dst(%arg9 : memref<80x128xf32, #tpu.memory_space<vmem>>)
    "tpu.region"() ({
      %run_scoped3A_150 = tpu.sem_alloc : memref<!tpu.dma_semaphore, #tpu.memory_space<semaphore_mem>>
      %dma_start3A_151 = arith.constant 0 : i32
      %dma_start3A_152 = tpu.memref_slice %arg6[%arg0, %multiple_of3A_18, %dma_start3A_151] : memref<2x10240x128xf32, #tpu.memory_space<hbm>> -> memref<1x80x128xf32, #tpu.memory_space<hbm>>
      %dma_start3A_153 = tpu.memref_squeeze %dma_start3A_152 : memref<1x80x128xf32, #tpu.memory_space<hbm>> -> memref<80x128xf32, #tpu.memory_space<hbm>>
      %dma_start3A_154 = arith.constant 0 : i32
      %dma_start3A_155 = tpu.memref_slice %arg6[%arg0, %multiple_of3A_18, %dma_start3A_154] : memref<2x10240x128xf32, #tpu.memory_space<hbm>> -> memref<1x80x128xf32, #tpu.memory_space<hbm>>
      %dma_start3A_156 = tpu.memref_squeeze %dma_start3A_155 : memref<1x80x128xf32, #tpu.memory_space<hbm>> -> memref<80x128xf32, #tpu.memory_space<hbm>>
      tpu.enqueue_dma source(%arg9 : memref<80x128xf32, #tpu.memory_space<vmem>>) target(%dma_start3A_156 : memref<80x128xf32, #tpu.memory_space<hbm>>) target_semaphore(%run_scoped3A_150 : memref<!tpu.dma_semaphore, #tpu.memory_space<semaphore_mem>>)
      %dma_wait3A_157 = arith.constant 0 : i32
      %dma_wait3A_158 = tpu.memref_slice %arg6[%arg0, %multiple_of3A_18, %dma_wait3A_157] : memref<2x10240x128xf32, #tpu.memory_space<hbm>> -> memref<1x80x128xf32, #tpu.memory_space<hbm>>
      %dma_wait3A_159 = tpu.memref_squeeze %dma_wait3A_158 : memref<1x80x128xf32, #tpu.memory_space<hbm>> -> memref<80x128xf32, #tpu.memory_space<hbm>>
      %dma_wait3A_160 = arith.constant 0 : i32
      %dma_wait3A_161 = tpu.memref_slice %arg6[%arg0, %multiple_of3A_18, %dma_wait3A_160] : memref<2x10240x128xf32, #tpu.memory_space<hbm>> -> memref<1x80x128xf32, #tpu.memory_space<hbm>>
      %dma_wait3A_162 = tpu.memref_squeeze %dma_wait3A_161 : memref<1x80x128xf32, #tpu.memory_space<hbm>> -> memref<80x128xf32, #tpu.memory_space<hbm>>
      tpu.wait_dma2 semaphore(%run_scoped3A_150 : memref<!tpu.dma_semaphore, #tpu.memory_space<semaphore_mem>>) src(%arg9 : memref<80x128xf32, #tpu.memory_space<vmem>>) dst(%dma_wait3A_162 : memref<80x128xf32, #tpu.memory_space<hbm>>)
      tpu.yield
    }) : () -> ()
    %add3A_31 = arith.constant 80 : i32
    %add3A_32 = arith.addi %multiple_of3A, %add3A_31 : i32
    %multiple_of3A_33 = tpu.assume_multiple %add3A_32, 8 : i32
    %dma_start3A_34 = arith.constant 1 : i32
    %dma_start3A_35 = arith.constant 0 : i32
    %dma_start3A_36 = tpu.memref_slice %arg8[%dma_start3A_34, %dma_start3A_35] : memref<8x80xi32, #tpu.memory_space<vmem>> -> memref<1x80xi32, #tpu.memory_space<vmem>>
    %dma_start3A_37 = tpu.memref_squeeze %dma_start3A_36 : memref<1x80xi32, #tpu.memory_space<vmem>> -> memref<80xi32, #tpu.memory_space<vmem>>
    %dma_start3A_38 = arith.constant 0 : i32
    %dma_start3A_39 = arith.constant 0 : i32
    %dma_start3A_40 = tpu.memref_slice %arg11[%dma_start3A_38, %dma_start3A_39] : memref<10240x128xf32, #tpu.memory_space<vmem_shared>> -> memref<10240x128xf32, #tpu.memory_space<vmem_shared>>
    tpu.enqueue_indirect_dma source(%dma_start3A_40 : memref<10240x128xf32, #tpu.memory_space<vmem_shared>>) target(%arg9 : memref<80x128xf32, #tpu.memory_space<vmem>>) offsets(%dma_start3A_37 : memref<80xi32, #tpu.memory_space<vmem>>) semaphore(%arg12 : memref<!tpu.dma_semaphore, #tpu.memory_space<semaphore_mem>>)
    %dma_wait3A_41 = arith.constant 1 : i32
    %dma_wait3A_42 = arith.constant 0 : i32
    %dma_wait3A_43 = tpu.memref_slice %arg8[%dma_wait3A_41, %dma_wait3A_42] : memref<8x80xi32, #tpu.memory_space<vmem>> -> memref<1x80xi32, #tpu.memory_space<vmem>>
    %dma_wait3A_44 = tpu.memref_squeeze %dma_wait3A_43 : memref<1x80xi32, #tpu.memory_space<vmem>> -> memref<80xi32, #tpu.memory_space<vmem>>
    %dma_wait3A_45 = arith.constant 0 : i32
    %dma_wait3A_46 = arith.constant 0 : i32
    %dma_wait3A_47 = tpu.memref_slice %arg11[%dma_wait3A_45, %dma_wait3A_46] : memref<10240x128xf32, #tpu.memory_space<vmem_shared>> -> memref<10240x128xf32, #tpu.memory_space<vmem_shared>>
    tpu.wait_indirect_dma semaphore(%arg12 : memref<!tpu.dma_semaphore, #tpu.memory_space<semaphore_mem>>) src(%dma_wait3A_47 : memref<10240x128xf32, #tpu.memory_space<vmem_shared>>) dst(%arg9 : memref<80x128xf32, #tpu.memory_space<vmem>>)
    "tpu.region"() ({
      %run_scoped3A_150 = tpu.sem_alloc : memref<!tpu.dma_semaphore, #tpu.memory_space<semaphore_mem>>
      %dma_start3A_151 = arith.constant 0 : i32
      %dma_start3A_152 = tpu.memref_slice %arg6[%arg0, %multiple_of3A_33, %dma_start3A_151] : memref<2x10240x128xf32, #tpu.memory_space<hbm>> -> memref<1x80x128xf32, #tpu.memory_space<hbm>>
      %dma_start3A_153 = tpu.memref_squeeze %dma_start3A_152 : memref<1x80x128xf32, #tpu.memory_space<hbm>> -> memref<80x128xf32, #tpu.memory_space<hbm>>
      %dma_start3A_154 = arith.constant 0 : i32
      %dma_start3A_155 = tpu.memref_slice %arg6[%arg0, %multiple_of3A_33, %dma_start3A_154] : memref<2x10240x128xf32, #tpu.memory_space<hbm>> -> memref<1x80x128xf32, #tpu.memory_space<hbm>>
      %dma_start3A_156 = tpu.memref_squeeze %dma_start3A_155 : memref<1x80x128xf32, #tpu.memory_space<hbm>> -> memref<80x128xf32, #tpu.memory_space<hbm>>
      tpu.enqueue_dma source(%arg9 : memref<80x128xf32, #tpu.memory_space<vmem>>) target(%dma_start3A_156 : memref<80x128xf32, #tpu.memory_space<hbm>>) target_semaphore(%run_scoped3A_150 : memref<!tpu.dma_semaphore, #tpu.memory_space<semaphore_mem>>)
      %dma_wait3A_157 = arith.constant 0 : i32
      %dma_wait3A_158 = tpu.memref_slice %arg6[%arg0, %multiple_of3A_33, %dma_wait3A_157] : memref<2x10240x128xf32, #tpu.memory_space<hbm>> -> memref<1x80x128xf32, #tpu.memory_space<hbm>>
      %dma_wait3A_159 = tpu.memref_squeeze %dma_wait3A_158 : memref<1x80x128xf32, #tpu.memory_space<hbm>> -> memref<80x128xf32, #tpu.memory_space<hbm>>
      %dma_wait3A_160 = arith.constant 0 : i32
      %dma_wait3A_161 = tpu.memref_slice %arg6[%arg0, %multiple_of3A_33, %dma_wait3A_160] : memref<2x10240x128xf32, #tpu.memory_space<hbm>> -> memref<1x80x128xf32, #tpu.memory_space<hbm>>
      %dma_wait3A_162 = tpu.memref_squeeze %dma_wait3A_161 : memref<1x80x128xf32, #tpu.memory_space<hbm>> -> memref<80x128xf32, #tpu.memory_space<hbm>>
      tpu.wait_dma2 semaphore(%run_scoped3A_150 : memref<!tpu.dma_semaphore, #tpu.memory_space<semaphore_mem>>) src(%arg9 : memref<80x128xf32, #tpu.memory_space<vmem>>) dst(%dma_wait3A_162 : memref<80x128xf32, #tpu.memory_space<hbm>>)
      tpu.yield
    }) : () -> ()
    %add3A_48 = arith.constant 160 : i32
    %add3A_49 = arith.addi %multiple_of3A, %add3A_48 : i32
    %multiple_of3A_50 = tpu.assume_multiple %add3A_49, 8 : i32
    %dma_start3A_51 = arith.constant 2 : i32
    %dma_start3A_52 = arith.constant 0 : i32
    %dma_start3A_53 = tpu.memref_slice %arg8[%dma_start3A_51, %dma_start3A_52] : memref<8x80xi32, #tpu.memory_space<vmem>> -> memref<1x80xi32, #tpu.memory_space<vmem>>
    %dma_start3A_54 = tpu.memref_squeeze %dma_start3A_53 : memref<1x80xi32, #tpu.memory_space<vmem>> -> memref<80xi32, #tpu.memory_space<vmem>>
    %dma_start3A_55 = arith.constant 0 : i32
    %dma_start3A_56 = arith.constant 0 : i32
    %dma_start3A_57 = tpu.memref_slice %arg11[%dma_start3A_55, %dma_start3A_56] : memref<10240x128xf32, #tpu.memory_space<vmem_shared>> -> memref<10240x128xf32, #tpu.memory_space<vmem_shared>>
    tpu.enqueue_indirect_dma source(%dma_start3A_57 : memref<10240x128xf32, #tpu.memory_space<vmem_shared>>) target(%arg9 : memref<80x128xf32, #tpu.memory_space<vmem>>) offsets(%dma_start3A_54 : memref<80xi32, #tpu.memory_space<vmem>>) semaphore(%arg12 : memref<!tpu.dma_semaphore, #tpu.memory_space<semaphore_mem>>)
    %dma_wait3A_58 = arith.constant 2 : i32
    %dma_wait3A_59 = arith.constant 0 : i32
    %dma_wait3A_60 = tpu.memref_slice %arg8[%dma_wait3A_58, %dma_wait3A_59] : memref<8x80xi32, #tpu.memory_space<vmem>> -> memref<1x80xi32, #tpu.memory_space<vmem>>
    %dma_wait3A_61 = tpu.memref_squeeze %dma_wait3A_60 : memref<1x80xi32, #tpu.memory_space<vmem>> -> memref<80xi32, #tpu.memory_space<vmem>>
    %dma_wait3A_62 = arith.constant 0 : i32
    %dma_wait3A_63 = arith.constant 0 : i32
    %dma_wait3A_64 = tpu.memref_slice %arg11[%dma_wait3A_62, %dma_wait3A_63] : memref<10240x128xf32, #tpu.memory_space<vmem_shared>> -> memref<10240x128xf32, #tpu.memory_space<vmem_shared>>
    tpu.wait_indirect_dma semaphore(%arg12 : memref<!tpu.dma_semaphore, #tpu.memory_space<semaphore_mem>>) src(%dma_wait3A_64 : memref<10240x128xf32, #tpu.memory_space<vmem_shared>>) dst(%arg9 : memref<80x128xf32, #tpu.memory_space<vmem>>)
    "tpu.region"() ({
      %run_scoped3A_150 = tpu.sem_alloc : memref<!tpu.dma_semaphore, #tpu.memory_space<semaphore_mem>>
      %dma_start3A_151 = arith.constant 0 : i32
      %dma_start3A_152 = tpu.memref_slice %arg6[%arg0, %multiple_of3A_50, %dma_start3A_151] : memref<2x10240x128xf32, #tpu.memory_space<hbm>> -> memref<1x80x128xf32, #tpu.memory_space<hbm>>
      %dma_start3A_153 = tpu.memref_squeeze %dma_start3A_152 : memref<1x80x128xf32, #tpu.memory_space<hbm>> -> memref<80x128xf32, #tpu.memory_space<hbm>>
      %dma_start3A_154 = arith.constant 0 : i32
      %dma_start3A_155 = tpu.memref_slice %arg6[%arg0, %multiple_of3A_50, %dma_start3A_154] : memref<2x10240x128xf32, #tpu.memory_space<hbm>> -> memref<1x80x128xf32, #tpu.memory_space<hbm>>
      %dma_start3A_156 = tpu.memref_squeeze %dma_start3A_155 : memref<1x80x128xf32, #tpu.memory_space<hbm>> -> memref<80x128xf32, #tpu.memory_space<hbm>>
      tpu.enqueue_dma source(%arg9 : memref<80x128xf32, #tpu.memory_space<vmem>>) target(%dma_start3A_156 : memref<80x128xf32, #tpu.memory_space<hbm>>) target_semaphore(%run_scoped3A_150 : memref<!tpu.dma_semaphore, #tpu.memory_space<semaphore_mem>>)
      %dma_wait3A_157 = arith.constant 0 : i32
      %dma_wait3A_158 = tpu.memref_slice %arg6[%arg0, %multiple_of3A_50, %dma_wait3A_157] : memref<2x10240x128xf32, #tpu.memory_space<hbm>> -> memref<1x80x128xf32, #tpu.memory_space<hbm>>
      %dma_wait3A_159 = tpu.memref_squeeze %dma_wait3A_158 : memref<1x80x128xf32, #tpu.memory_space<hbm>> -> memref<80x128xf32, #tpu.memory_space<hbm>>
      %dma_wait3A_160 = arith.constant 0 : i32
      %dma_wait3A_161 = tpu.memref_slice %arg6[%arg0, %multiple_of3A_50, %dma_wait3A_160] : memref<2x10240x128xf32, #tpu.memory_space<hbm>> -> memref<1x80x128xf32, #tpu.memory_space<hbm>>
      %dma_wait3A_162 = tpu.memref_squeeze %dma_wait3A_161 : memref<1x80x128xf32, #tpu.memory_space<hbm>> -> memref<80x128xf32, #tpu.memory_space<hbm>>
      tpu.wait_dma2 semaphore(%run_scoped3A_150 : memref<!tpu.dma_semaphore, #tpu.memory_space<semaphore_mem>>) src(%arg9 : memref<80x128xf32, #tpu.memory_space<vmem>>) dst(%dma_wait3A_162 : memref<80x128xf32, #tpu.memory_space<hbm>>)
      tpu.yield
    }) : () -> ()
    %add3A_65 = arith.constant 240 : i32
    %add3A_66 = arith.addi %multiple_of3A, %add3A_65 : i32
    %multiple_of3A_67 = tpu.assume_multiple %add3A_66, 8 : i32
    %dma_start3A_68 = arith.constant 3 : i32
    %dma_start3A_69 = arith.constant 0 : i32
    %dma_start3A_70 = tpu.memref_slice %arg8[%dma_start3A_68, %dma_start3A_69] : memref<8x80xi32, #tpu.memory_space<vmem>> -> memref<1x80xi32, #tpu.memory_space<vmem>>
    %dma_start3A_71 = tpu.memref_squeeze %dma_start3A_70 : memref<1x80xi32, #tpu.memory_space<vmem>> -> memref<80xi32, #tpu.memory_space<vmem>>
    %dma_start3A_72 = arith.constant 0 : i32
    %dma_start3A_73 = arith.constant 0 : i32
    %dma_start3A_74 = tpu.memref_slice %arg11[%dma_start3A_72, %dma_start3A_73] : memref<10240x128xf32, #tpu.memory_space<vmem_shared>> -> memref<10240x128xf32, #tpu.memory_space<vmem_shared>>
    tpu.enqueue_indirect_dma source(%dma_start3A_74 : memref<10240x128xf32, #tpu.memory_space<vmem_shared>>) target(%arg9 : memref<80x128xf32, #tpu.memory_space<vmem>>) offsets(%dma_start3A_71 : memref<80xi32, #tpu.memory_space<vmem>>) semaphore(%arg12 : memref<!tpu.dma_semaphore, #tpu.memory_space<semaphore_mem>>)
    %dma_wait3A_75 = arith.constant 3 : i32
    %dma_wait3A_76 = arith.constant 0 : i32
    %dma_wait3A_77 = tpu.memref_slice %arg8[%dma_wait3A_75, %dma_wait3A_76] : memref<8x80xi32, #tpu.memory_space<vmem>> -> memref<1x80xi32, #tpu.memory_space<vmem>>
    %dma_wait3A_78 = tpu.memref_squeeze %dma_wait3A_77 : memref<1x80xi32, #tpu.memory_space<vmem>> -> memref<80xi32, #tpu.memory_space<vmem>>
    %dma_wait3A_79 = arith.constant 0 : i32
    %dma_wait3A_80 = arith.constant 0 : i32
    %dma_wait3A_81 = tpu.memref_slice %arg11[%dma_wait3A_79, %dma_wait3A_80] : memref<10240x128xf32, #tpu.memory_space<vmem_shared>> -> memref<10240x128xf32, #tpu.memory_space<vmem_shared>>
    tpu.wait_indirect_dma semaphore(%arg12 : memref<!tpu.dma_semaphore, #tpu.memory_space<semaphore_mem>>) src(%dma_wait3A_81 : memref<10240x128xf32, #tpu.memory_space<vmem_shared>>) dst(%arg9 : memref<80x128xf32, #tpu.memory_space<vmem>>)
    "tpu.region"() ({
      %run_scoped3A_150 = tpu.sem_alloc : memref<!tpu.dma_semaphore, #tpu.memory_space<semaphore_mem>>
      %dma_start3A_151 = arith.constant 0 : i32
      %dma_start3A_152 = tpu.memref_slice %arg6[%arg0, %multiple_of3A_67, %dma_start3A_151] : memref<2x10240x128xf32, #tpu.memory_space<hbm>> -> memref<1x80x128xf32, #tpu.memory_space<hbm>>
      %dma_start3A_153 = tpu.memref_squeeze %dma_start3A_152 : memref<1x80x128xf32, #tpu.memory_space<hbm>> -> memref<80x128xf32, #tpu.memory_space<hbm>>
      %dma_start3A_154 = arith.constant 0 : i32
      %dma_start3A_155 = tpu.memref_slice %arg6[%arg0, %multiple_of3A_67, %dma_start3A_154] : memref<2x10240x128xf32, #tpu.memory_space<hbm>> -> memref<1x80x128xf32, #tpu.memory_space<hbm>>
      %dma_start3A_156 = tpu.memref_squeeze %dma_start3A_155 : memref<1x80x128xf32, #tpu.memory_space<hbm>> -> memref<80x128xf32, #tpu.memory_space<hbm>>
      tpu.enqueue_dma source(%arg9 : memref<80x128xf32, #tpu.memory_space<vmem>>) target(%dma_start3A_156 : memref<80x128xf32, #tpu.memory_space<hbm>>) target_semaphore(%run_scoped3A_150 : memref<!tpu.dma_semaphore, #tpu.memory_space<semaphore_mem>>)
      %dma_wait3A_157 = arith.constant 0 : i32
      %dma_wait3A_158 = tpu.memref_slice %arg6[%arg0, %multiple_of3A_67, %dma_wait3A_157] : memref<2x10240x128xf32, #tpu.memory_space<hbm>> -> memref<1x80x128xf32, #tpu.memory_space<hbm>>
      %dma_wait3A_159 = tpu.memref_squeeze %dma_wait3A_158 : memref<1x80x128xf32, #tpu.memory_space<hbm>> -> memref<80x128xf32, #tpu.memory_space<hbm>>
      %dma_wait3A_160 = arith.constant 0 : i32
      %dma_wait3A_161 = tpu.memref_slice %arg6[%arg0, %multiple_of3A_67, %dma_wait3A_160] : memref<2x10240x128xf32, #tpu.memory_space<hbm>> -> memref<1x80x128xf32, #tpu.memory_space<hbm>>
      %dma_wait3A_162 = tpu.memref_squeeze %dma_wait3A_161 : memref<1x80x128xf32, #tpu.memory_space<hbm>> -> memref<80x128xf32, #tpu.memory_space<hbm>>
      tpu.wait_dma2 semaphore(%run_scoped3A_150 : memref<!tpu.dma_semaphore, #tpu.memory_space<semaphore_mem>>) src(%arg9 : memref<80x128xf32, #tpu.memory_space<vmem>>) dst(%dma_wait3A_162 : memref<80x128xf32, #tpu.memory_space<hbm>>)
      tpu.yield
    }) : () -> ()
    %add3A_82 = arith.constant 320 : i32
    %add3A_83 = arith.addi %multiple_of3A, %add3A_82 : i32
    %multiple_of3A_84 = tpu.assume_multiple %add3A_83, 8 : i32
    %dma_start3A_85 = arith.constant 4 : i32
    %dma_start3A_86 = arith.constant 0 : i32
    %dma_start3A_87 = tpu.memref_slice %arg8[%dma_start3A_85, %dma_start3A_86] : memref<8x80xi32, #tpu.memory_space<vmem>> -> memref<1x80xi32, #tpu.memory_space<vmem>>
    %dma_start3A_88 = tpu.memref_squeeze %dma_start3A_87 : memref<1x80xi32, #tpu.memory_space<vmem>> -> memref<80xi32, #tpu.memory_space<vmem>>
    %dma_start3A_89 = arith.constant 0 : i32
    %dma_start3A_90 = arith.constant 0 : i32
    %dma_start3A_91 = tpu.memref_slice %arg11[%dma_start3A_89, %dma_start3A_90] : memref<10240x128xf32, #tpu.memory_space<vmem_shared>> -> memref<10240x128xf32, #tpu.memory_space<vmem_shared>>
    tpu.enqueue_indirect_dma source(%dma_start3A_91 : memref<10240x128xf32, #tpu.memory_space<vmem_shared>>) target(%arg9 : memref<80x128xf32, #tpu.memory_space<vmem>>) offsets(%dma_start3A_88 : memref<80xi32, #tpu.memory_space<vmem>>) semaphore(%arg12 : memref<!tpu.dma_semaphore, #tpu.memory_space<semaphore_mem>>)
    %dma_wait3A_92 = arith.constant 4 : i32
    %dma_wait3A_93 = arith.constant 0 : i32
    %dma_wait3A_94 = tpu.memref_slice %arg8[%dma_wait3A_92, %dma_wait3A_93] : memref<8x80xi32, #tpu.memory_space<vmem>> -> memref<1x80xi32, #tpu.memory_space<vmem>>
    %dma_wait3A_95 = tpu.memref_squeeze %dma_wait3A_94 : memref<1x80xi32, #tpu.memory_space<vmem>> -> memref<80xi32, #tpu.memory_space<vmem>>
    %dma_wait3A_96 = arith.constant 0 : i32
    %dma_wait3A_97 = arith.constant 0 : i32
    %dma_wait3A_98 = tpu.memref_slice %arg11[%dma_wait3A_96, %dma_wait3A_97] : memref<10240x128xf32, #tpu.memory_space<vmem_shared>> -> memref<10240x128xf32, #tpu.memory_space<vmem_shared>>
    tpu.wait_indirect_dma semaphore(%arg12 : memref<!tpu.dma_semaphore, #tpu.memory_space<semaphore_mem>>) src(%dma_wait3A_98 : memref<10240x128xf32, #tpu.memory_space<vmem_shared>>) dst(%arg9 : memref<80x128xf32, #tpu.memory_space<vmem>>)
    "tpu.region"() ({
      %run_scoped3A_150 = tpu.sem_alloc : memref<!tpu.dma_semaphore, #tpu.memory_space<semaphore_mem>>
      %dma_start3A_151 = arith.constant 0 : i32
      %dma_start3A_152 = tpu.memref_slice %arg6[%arg0, %multiple_of3A_84, %dma_start3A_151] : memref<2x10240x128xf32, #tpu.memory_space<hbm>> -> memref<1x80x128xf32, #tpu.memory_space<hbm>>
      %dma_start3A_153 = tpu.memref_squeeze %dma_start3A_152 : memref<1x80x128xf32, #tpu.memory_space<hbm>> -> memref<80x128xf32, #tpu.memory_space<hbm>>
      %dma_start3A_154 = arith.constant 0 : i32
      %dma_start3A_155 = tpu.memref_slice %arg6[%arg0, %multiple_of3A_84, %dma_start3A_154] : memref<2x10240x128xf32, #tpu.memory_space<hbm>> -> memref<1x80x128xf32, #tpu.memory_space<hbm>>
      %dma_start3A_156 = tpu.memref_squeeze %dma_start3A_155 : memref<1x80x128xf32, #tpu.memory_space<hbm>> -> memref<80x128xf32, #tpu.memory_space<hbm>>
      tpu.enqueue_dma source(%arg9 : memref<80x128xf32, #tpu.memory_space<vmem>>) target(%dma_start3A_156 : memref<80x128xf32, #tpu.memory_space<hbm>>) target_semaphore(%run_scoped3A_150 : memref<!tpu.dma_semaphore, #tpu.memory_space<semaphore_mem>>)
      %dma_wait3A_157 = arith.constant 0 : i32
      %dma_wait3A_158 = tpu.memref_slice %arg6[%arg0, %multiple_of3A_84, %dma_wait3A_157] : memref<2x10240x128xf32, #tpu.memory_space<hbm>> -> memref<1x80x128xf32, #tpu.memory_space<hbm>>
      %dma_wait3A_159 = tpu.memref_squeeze %dma_wait3A_158 : memref<1x80x128xf32, #tpu.memory_space<hbm>> -> memref<80x128xf32, #tpu.memory_space<hbm>>
      %dma_wait3A_160 = arith.constant 0 : i32
      %dma_wait3A_161 = tpu.memref_slice %arg6[%arg0, %multiple_of3A_84, %dma_wait3A_160] : memref<2x10240x128xf32, #tpu.memory_space<hbm>> -> memref<1x80x128xf32, #tpu.memory_space<hbm>>
      %dma_wait3A_162 = tpu.memref_squeeze %dma_wait3A_161 : memref<1x80x128xf32, #tpu.memory_space<hbm>> -> memref<80x128xf32, #tpu.memory_space<hbm>>
      tpu.wait_dma2 semaphore(%run_scoped3A_150 : memref<!tpu.dma_semaphore, #tpu.memory_space<semaphore_mem>>) src(%arg9 : memref<80x128xf32, #tpu.memory_space<vmem>>) dst(%dma_wait3A_162 : memref<80x128xf32, #tpu.memory_space<hbm>>)
      tpu.yield
    }) : () -> ()
    %add3A_99 = arith.constant 400 : i32
    %add3A_100 = arith.addi %multiple_of3A, %add3A_99 : i32
    %multiple_of3A_101 = tpu.assume_multiple %add3A_100, 8 : i32
    %dma_start3A_102 = arith.constant 5 : i32
    %dma_start3A_103 = arith.constant 0 : i32
    %dma_start3A_104 = tpu.memref_slice %arg8[%dma_start3A_102, %dma_start3A_103] : memref<8x80xi32, #tpu.memory_space<vmem>> -> memref<1x80xi32, #tpu.memory_space<vmem>>
    %dma_start3A_105 = tpu.memref_squeeze %dma_start3A_104 : memref<1x80xi32, #tpu.memory_space<vmem>> -> memref<80xi32, #tpu.memory_space<vmem>>
    %dma_start3A_106 = arith.constant 0 : i32
    %dma_start3A_107 = arith.constant 0 : i32
    %dma_start3A_108 = tpu.memref_slice %arg11[%dma_start3A_106, %dma_start3A_107] : memref<10240x128xf32, #tpu.memory_space<vmem_shared>> -> memref<10240x128xf32, #tpu.memory_space<vmem_shared>>
    tpu.enqueue_indirect_dma source(%dma_start3A_108 : memref<10240x128xf32, #tpu.memory_space<vmem_shared>>) target(%arg9 : memref<80x128xf32, #tpu.memory_space<vmem>>) offsets(%dma_start3A_105 : memref<80xi32, #tpu.memory_space<vmem>>) semaphore(%arg12 : memref<!tpu.dma_semaphore, #tpu.memory_space<semaphore_mem>>)
    %dma_wait3A_109 = arith.constant 5 : i32
    %dma_wait3A_110 = arith.constant 0 : i32
    %dma_wait3A_111 = tpu.memref_slice %arg8[%dma_wait3A_109, %dma_wait3A_110] : memref<8x80xi32, #tpu.memory_space<vmem>> -> memref<1x80xi32, #tpu.memory_space<vmem>>
    %dma_wait3A_112 = tpu.memref_squeeze %dma_wait3A_111 : memref<1x80xi32, #tpu.memory_space<vmem>> -> memref<80xi32, #tpu.memory_space<vmem>>
    %dma_wait3A_113 = arith.constant 0 : i32
    %dma_wait3A_114 = arith.constant 0 : i32
    %dma_wait3A_115 = tpu.memref_slice %arg11[%dma_wait3A_113, %dma_wait3A_114] : memref<10240x128xf32, #tpu.memory_space<vmem_shared>> -> memref<10240x128xf32, #tpu.memory_space<vmem_shared>>
    tpu.wait_indirect_dma semaphore(%arg12 : memref<!tpu.dma_semaphore, #tpu.memory_space<semaphore_mem>>) src(%dma_wait3A_115 : memref<10240x128xf32, #tpu.memory_space<vmem_shared>>) dst(%arg9 : memref<80x128xf32, #tpu.memory_space<vmem>>)
    "tpu.region"() ({
      %run_scoped3A_150 = tpu.sem_alloc : memref<!tpu.dma_semaphore, #tpu.memory_space<semaphore_mem>>
      %dma_start3A_151 = arith.constant 0 : i32
      %dma_start3A_152 = tpu.memref_slice %arg6[%arg0, %multiple_of3A_101, %dma_start3A_151] : memref<2x10240x128xf32, #tpu.memory_space<hbm>> -> memref<1x80x128xf32, #tpu.memory_space<hbm>>
      %dma_start3A_153 = tpu.memref_squeeze %dma_start3A_152 : memref<1x80x128xf32, #tpu.memory_space<hbm>> -> memref<80x128xf32, #tpu.memory_space<hbm>>
      %dma_start3A_154 = arith.constant 0 : i32
      %dma_start3A_155 = tpu.memref_slice %arg6[%arg0, %multiple_of3A_101, %dma_start3A_154] : memref<2x10240x128xf32, #tpu.memory_space<hbm>> -> memref<1x80x128xf32, #tpu.memory_space<hbm>>
      %dma_start3A_156 = tpu.memref_squeeze %dma_start3A_155 : memref<1x80x128xf32, #tpu.memory_space<hbm>> -> memref<80x128xf32, #tpu.memory_space<hbm>>
      tpu.enqueue_dma source(%arg9 : memref<80x128xf32, #tpu.memory_space<vmem>>) target(%dma_start3A_156 : memref<80x128xf32, #tpu.memory_space<hbm>>) target_semaphore(%run_scoped3A_150 : memref<!tpu.dma_semaphore, #tpu.memory_space<semaphore_mem>>)
      %dma_wait3A_157 = arith.constant 0 : i32
      %dma_wait3A_158 = tpu.memref_slice %arg6[%arg0, %multiple_of3A_101, %dma_wait3A_157] : memref<2x10240x128xf32, #tpu.memory_space<hbm>> -> memref<1x80x128xf32, #tpu.memory_space<hbm>>
      %dma_wait3A_159 = tpu.memref_squeeze %dma_wait3A_158 : memref<1x80x128xf32, #tpu.memory_space<hbm>> -> memref<80x128xf32, #tpu.memory_space<hbm>>
      %dma_wait3A_160 = arith.constant 0 : i32
      %dma_wait3A_161 = tpu.memref_slice %arg6[%arg0, %multiple_of3A_101, %dma_wait3A_160] : memref<2x10240x128xf32, #tpu.memory_space<hbm>> -> memref<1x80x128xf32, #tpu.memory_space<hbm>>
      %dma_wait3A_162 = tpu.memref_squeeze %dma_wait3A_161 : memref<1x80x128xf32, #tpu.memory_space<hbm>> -> memref<80x128xf32, #tpu.memory_space<hbm>>
      tpu.wait_dma2 semaphore(%run_scoped3A_150 : memref<!tpu.dma_semaphore, #tpu.memory_space<semaphore_mem>>) src(%arg9 : memref<80x128xf32, #tpu.memory_space<vmem>>) dst(%dma_wait3A_162 : memref<80x128xf32, #tpu.memory_space<hbm>>)
      tpu.yield
    }) : () -> ()
    %add3A_116 = arith.constant 480 : i32
    %add3A_117 = arith.addi %multiple_of3A, %add3A_116 : i32
    %multiple_of3A_118 = tpu.assume_multiple %add3A_117, 8 : i32
    %dma_start3A_119 = arith.constant 6 : i32
    %dma_start3A_120 = arith.constant 0 : i32
    %dma_start3A_121 = tpu.memref_slice %arg8[%dma_start3A_119, %dma_start3A_120] : memref<8x80xi32, #tpu.memory_space<vmem>> -> memref<1x80xi32, #tpu.memory_space<vmem>>
    %dma_start3A_122 = tpu.memref_squeeze %dma_start3A_121 : memref<1x80xi32, #tpu.memory_space<vmem>> -> memref<80xi32, #tpu.memory_space<vmem>>
    %dma_start3A_123 = arith.constant 0 : i32
    %dma_start3A_124 = arith.constant 0 : i32
    %dma_start3A_125 = tpu.memref_slice %arg11[%dma_start3A_123, %dma_start3A_124] : memref<10240x128xf32, #tpu.memory_space<vmem_shared>> -> memref<10240x128xf32, #tpu.memory_space<vmem_shared>>
    tpu.enqueue_indirect_dma source(%dma_start3A_125 : memref<10240x128xf32, #tpu.memory_space<vmem_shared>>) target(%arg9 : memref<80x128xf32, #tpu.memory_space<vmem>>) offsets(%dma_start3A_122 : memref<80xi32, #tpu.memory_space<vmem>>) semaphore(%arg12 : memref<!tpu.dma_semaphore, #tpu.memory_space<semaphore_mem>>)
    %dma_wait3A_126 = arith.constant 6 : i32
    %dma_wait3A_127 = arith.constant 0 : i32
    %dma_wait3A_128 = tpu.memref_slice %arg8[%dma_wait3A_126, %dma_wait3A_127] : memref<8x80xi32, #tpu.memory_space<vmem>> -> memref<1x80xi32, #tpu.memory_space<vmem>>
    %dma_wait3A_129 = tpu.memref_squeeze %dma_wait3A_128 : memref<1x80xi32, #tpu.memory_space<vmem>> -> memref<80xi32, #tpu.memory_space<vmem>>
    %dma_wait3A_130 = arith.constant 0 : i32
    %dma_wait3A_131 = arith.constant 0 : i32
    %dma_wait3A_132 = tpu.memref_slice %arg11[%dma_wait3A_130, %dma_wait3A_131] : memref<10240x128xf32, #tpu.memory_space<vmem_shared>> -> memref<10240x128xf32, #tpu.memory_space<vmem_shared>>
    tpu.wait_indirect_dma semaphore(%arg12 : memref<!tpu.dma_semaphore, #tpu.memory_space<semaphore_mem>>) src(%dma_wait3A_132 : memref<10240x128xf32, #tpu.memory_space<vmem_shared>>) dst(%arg9 : memref<80x128xf32, #tpu.memory_space<vmem>>)
    "tpu.region"() ({
      %run_scoped3A_150 = tpu.sem_alloc : memref<!tpu.dma_semaphore, #tpu.memory_space<semaphore_mem>>
      %dma_start3A_151 = arith.constant 0 : i32
      %dma_start3A_152 = tpu.memref_slice %arg6[%arg0, %multiple_of3A_118, %dma_start3A_151] : memref<2x10240x128xf32, #tpu.memory_space<hbm>> -> memref<1x80x128xf32, #tpu.memory_space<hbm>>
      %dma_start3A_153 = tpu.memref_squeeze %dma_start3A_152 : memref<1x80x128xf32, #tpu.memory_space<hbm>> -> memref<80x128xf32, #tpu.memory_space<hbm>>
      %dma_start3A_154 = arith.constant 0 : i32
      %dma_start3A_155 = tpu.memref_slice %arg6[%arg0, %multiple_of3A_118, %dma_start3A_154] : memref<2x10240x128xf32, #tpu.memory_space<hbm>> -> memref<1x80x128xf32, #tpu.memory_space<hbm>>
      %dma_start3A_156 = tpu.memref_squeeze %dma_start3A_155 : memref<1x80x128xf32, #tpu.memory_space<hbm>> -> memref<80x128xf32, #tpu.memory_space<hbm>>
      tpu.enqueue_dma source(%arg9 : memref<80x128xf32, #tpu.memory_space<vmem>>) target(%dma_start3A_156 : memref<80x128xf32, #tpu.memory_space<hbm>>) target_semaphore(%run_scoped3A_150 : memref<!tpu.dma_semaphore, #tpu.memory_space<semaphore_mem>>)
      %dma_wait3A_157 = arith.constant 0 : i32
      %dma_wait3A_158 = tpu.memref_slice %arg6[%arg0, %multiple_of3A_118, %dma_wait3A_157] : memref<2x10240x128xf32, #tpu.memory_space<hbm>> -> memref<1x80x128xf32, #tpu.memory_space<hbm>>
      %dma_wait3A_159 = tpu.memref_squeeze %dma_wait3A_158 : memref<1x80x128xf32, #tpu.memory_space<hbm>> -> memref<80x128xf32, #tpu.memory_space<hbm>>
      %dma_wait3A_160 = arith.constant 0 : i32
      %dma_wait3A_161 = tpu.memref_slice %arg6[%arg0, %multiple_of3A_118, %dma_wait3A_160] : memref<2x10240x128xf32, #tpu.memory_space<hbm>> -> memref<1x80x128xf32, #tpu.memory_space<hbm>>
      %dma_wait3A_162 = tpu.memref_squeeze %dma_wait3A_161 : memref<1x80x128xf32, #tpu.memory_space<hbm>> -> memref<80x128xf32, #tpu.memory_space<hbm>>
      tpu.wait_dma2 semaphore(%run_scoped3A_150 : memref<!tpu.dma_semaphore, #tpu.memory_space<semaphore_mem>>) src(%arg9 : memref<80x128xf32, #tpu.memory_space<vmem>>) dst(%dma_wait3A_162 : memref<80x128xf32, #tpu.memory_space<hbm>>)
      tpu.yield
    }) : () -> ()
    %add3A_133 = arith.constant 560 : i32
    %add3A_134 = arith.addi %multiple_of3A, %add3A_133 : i32
    %multiple_of3A_135 = tpu.assume_multiple %add3A_134, 8 : i32
    %dma_start3A_136 = arith.constant 7 : i32
    %dma_start3A_137 = arith.constant 0 : i32
    %dma_start3A_138 = tpu.memref_slice %arg8[%dma_start3A_136, %dma_start3A_137] : memref<8x80xi32, #tpu.memory_space<vmem>> -> memref<1x80xi32, #tpu.memory_space<vmem>>
    %dma_start3A_139 = tpu.memref_squeeze %dma_start3A_138 : memref<1x80xi32, #tpu.memory_space<vmem>> -> memref<80xi32, #tpu.memory_space<vmem>>
    %dma_start3A_140 = arith.constant 0 : i32
    %dma_start3A_141 = arith.constant 0 : i32
    %dma_start3A_142 = tpu.memref_slice %arg11[%dma_start3A_140, %dma_start3A_141] : memref<10240x128xf32, #tpu.memory_space<vmem_shared>> -> memref<10240x128xf32, #tpu.memory_space<vmem_shared>>
    tpu.enqueue_indirect_dma source(%dma_start3A_142 : memref<10240x128xf32, #tpu.memory_space<vmem_shared>>) target(%arg9 : memref<80x128xf32, #tpu.memory_space<vmem>>) offsets(%dma_start3A_139 : memref<80xi32, #tpu.memory_space<vmem>>) semaphore(%arg12 : memref<!tpu.dma_semaphore, #tpu.memory_space<semaphore_mem>>)
    %dma_wait3A_143 = arith.constant 7 : i32
    %dma_wait3A_144 = arith.constant 0 : i32
    %dma_wait3A_145 = tpu.memref_slice %arg8[%dma_wait3A_143, %dma_wait3A_144] : memref<8x80xi32, #tpu.memory_space<vmem>> -> memref<1x80xi32, #tpu.memory_space<vmem>>
    %dma_wait3A_146 = tpu.memref_squeeze %dma_wait3A_145 : memref<1x80xi32, #tpu.memory_space<vmem>> -> memref<80xi32, #tpu.memory_space<vmem>>
    %dma_wait3A_147 = arith.constant 0 : i32
    %dma_wait3A_148 = arith.constant 0 : i32
    %dma_wait3A_149 = tpu.memref_slice %arg11[%dma_wait3A_147, %dma_wait3A_148] : memref<10240x128xf32, #tpu.memory_space<vmem_shared>> -> memref<10240x128xf32, #tpu.memory_space<vmem_shared>>
    tpu.wait_indirect_dma semaphore(%arg12 : memref<!tpu.dma_semaphore, #tpu.memory_space<semaphore_mem>>) src(%dma_wait3A_149 : memref<10240x128xf32, #tpu.memory_space<vmem_shared>>) dst(%arg9 : memref<80x128xf32, #tpu.memory_space<vmem>>)
    "tpu.region"() ({
      %run_scoped3A_150 = tpu.sem_alloc : memref<!tpu.dma_semaphore, #tpu.memory_space<semaphore_mem>>
      %dma_start3A_151 = arith.constant 0 : i32
      %dma_start3A_152 = tpu.memref_slice %arg6[%arg0, %multiple_of3A_135, %dma_start3A_151] : memref<2x10240x128xf32, #tpu.memory_space<hbm>> -> memref<1x80x128xf32, #tpu.memory_space<hbm>>
      %dma_start3A_153 = tpu.memref_squeeze %dma_start3A_152 : memref<1x80x128xf32, #tpu.memory_space<hbm>> -> memref<80x128xf32, #tpu.memory_space<hbm>>
      %dma_start3A_154 = arith.constant 0 : i32
      %dma_start3A_155 = tpu.memref_slice %arg6[%arg0, %multiple_of3A_135, %dma_start3A_154] : memref<2x10240x128xf32, #tpu.memory_space<hbm>> -> memref<1x80x128xf32, #tpu.memory_space<hbm>>
      %dma_start3A_156 = tpu.memref_squeeze %dma_start3A_155 : memref<1x80x128xf32, #tpu.memory_space<hbm>> -> memref<80x128xf32, #tpu.memory_space<hbm>>
      tpu.enqueue_dma source(%arg9 : memref<80x128xf32, #tpu.memory_space<vmem>>) target(%dma_start3A_156 : memref<80x128xf32, #tpu.memory_space<hbm>>) target_semaphore(%run_scoped3A_150 : memref<!tpu.dma_semaphore, #tpu.memory_space<semaphore_mem>>)
      %dma_wait3A_157 = arith.constant 0 : i32
      %dma_wait3A_158 = tpu.memref_slice %arg6[%arg0, %multiple_of3A_135, %dma_wait3A_157] : memref<2x10240x128xf32, #tpu.memory_space<hbm>> -> memref<1x80x128xf32, #tpu.memory_space<hbm>>
      %dma_wait3A_159 = tpu.memref_squeeze %dma_wait3A_158 : memref<1x80x128xf32, #tpu.memory_space<hbm>> -> memref<80x128xf32, #tpu.memory_space<hbm>>
      %dma_wait3A_160 = arith.constant 0 : i32
      %dma_wait3A_161 = tpu.memref_slice %arg6[%arg0, %multiple_of3A_135, %dma_wait3A_160] : memref<2x10240x128xf32, #tpu.memory_space<hbm>> -> memref<1x80x128xf32, #tpu.memory_space<hbm>>
      %dma_wait3A_162 = tpu.memref_squeeze %dma_wait3A_161 : memref<1x80x128xf32, #tpu.memory_space<hbm>> -> memref<80x128xf32, #tpu.memory_space<hbm>>
      tpu.wait_dma2 semaphore(%run_scoped3A_150 : memref<!tpu.dma_semaphore, #tpu.memory_space<semaphore_mem>>) src(%arg9 : memref<80x128xf32, #tpu.memory_space<vmem>>) dst(%dma_wait3A_162 : memref<80x128xf32, #tpu.memory_space<hbm>>)
      tpu.yield
    }) : () -> ()
    return
  }
}

module attributes {stable_mosaic.version = 14 : i64} {
  func.func @_dense_body(%arg0: i32, %arg1: memref<1000x128xf32, #tpu.memory_space<vmem>>, %arg2: memref<2x1000x128xf32, #tpu.memory_space<vmem>>, %arg3: memref<2x1000x128xf32, #tpu.memory_space<vmem>>, %arg4: memref<128x128xf32, #tpu.memory_space<vmem>>, %arg5: memref<128x128xf32, #tpu.memory_space<vmem>>, %arg6: memref<1x128xf32, #tpu.memory_space<vmem>>, %arg7: memref<128x128xf32, #tpu.memory_space<vmem>>, %arg8: memref<1x128xf32, #tpu.memory_space<vmem>>, %arg9: memref<128x64xf32, #tpu.memory_space<vmem>>, %arg10: memref<1x64xf32, #tpu.memory_space<vmem>>, %arg11: memref<128x64xf32, #tpu.memory_space<vmem>>, %arg12: memref<1x64xf32, #tpu.memory_space<vmem>>, %arg13: memref<128x1xf32, #tpu.memory_space<vmem>>, %arg14: memref<1x1xf32, #tpu.memory_space<vmem>>, %arg15: memref<1000x64xf32, #tpu.memory_space<vmem>>, %arg16: memref<1000x64xf32, #tpu.memory_space<vmem>>, %arg17: memref<1000x1xf32, #tpu.memory_space<vmem>>) attributes {dimension_semantics = [#tpu.dimension_semantics<arbitrary>], iteration_bounds = array<i64: 10>, scalar_prefetch = 0 : i64, scratch_operands = 0 : i64, tpu.core_type = #tpu.core_type<tc>, window_params = [{transform_indices = @transform_0, window_bounds = array<i64: 1000, 128>}, {transform_indices = @transform_1, window_bounds = array<i64: 2, 1000, 128>}, {transform_indices = @transform_2, window_bounds = array<i64: 2, 1000, 128>}, {pipeline_mode = #tpu.pipeline_mode<synchronous>, transform_indices = @transform_3, window_bounds = array<i64: 128, 128>}, {pipeline_mode = #tpu.pipeline_mode<synchronous>, transform_indices = @transform_4, window_bounds = array<i64: 128, 128>}, {pipeline_mode = #tpu.pipeline_mode<synchronous>, transform_indices = @transform_5, window_bounds = array<i64: 1, 128>}, {pipeline_mode = #tpu.pipeline_mode<synchronous>, transform_indices = @transform_6, window_bounds = array<i64: 128, 128>}, {pipeline_mode = #tpu.pipeline_mode<synchronous>, transform_indices = @transform_7, window_bounds = array<i64: 1, 128>}, {pipeline_mode = #tpu.pipeline_mode<synchronous>, transform_indices = @transform_8, window_bounds = array<i64: 128, 64>}, {pipeline_mode = #tpu.pipeline_mode<synchronous>, transform_indices = @transform_9, window_bounds = array<i64: 1, 64>}, {pipeline_mode = #tpu.pipeline_mode<synchronous>, transform_indices = @transform_10, window_bounds = array<i64: 128, 64>}, {pipeline_mode = #tpu.pipeline_mode<synchronous>, transform_indices = @transform_11, window_bounds = array<i64: 1, 64>}, {pipeline_mode = #tpu.pipeline_mode<synchronous>, transform_indices = @transform_12, window_bounds = array<i64: 128, 1>}, {pipeline_mode = #tpu.pipeline_mode<synchronous>, transform_indices = @transform_13, window_bounds = array<i64: 1, 1>}, {transform_indices = @transform_14, window_bounds = array<i64: 1000, 64>}, {transform_indices = @transform_15, window_bounds = array<i64: 1000, 64>}, {transform_indices = @transform_16, window_bounds = array<i64: 1000, 1>}]} {
    %get3A = arith.constant 0 : index
    %get3A_0 = arith.constant 0 : index
    %get3A_1 = vector.load %arg1[%get3A, %get3A_0] : memref<1000x128xf32, #tpu.memory_space<vmem>>, vector<1000x128xf32>
    %get3A_2 = arith.constant 0 : index
    %get3A_3 = arith.constant 0 : index
    %get3A_4 = arith.constant 0 : index
    %get3A_5 = vector.load %arg2[%get3A_2, %get3A_3, %get3A_4] : memref<2x1000x128xf32, #tpu.memory_space<vmem>>, vector<1x1000x128xf32>
    %get3A_6 = vector.shape_cast %get3A_5 : vector<1x1000x128xf32> to vector<1000x128xf32>
    %get3A_7 = arith.constant 1 : index
    %get3A_8 = arith.constant 0 : index
    %get3A_9 = arith.constant 0 : index
    %get3A_10 = vector.load %arg2[%get3A_7, %get3A_8, %get3A_9] : memref<2x1000x128xf32, #tpu.memory_space<vmem>>, vector<1x1000x128xf32>
    %get3A_11 = vector.shape_cast %get3A_10 : vector<1x1000x128xf32> to vector<1000x128xf32>
    %add3A = arith.addf %get3A_6, %get3A_11 : vector<1000x128xf32>
    %get3A_12 = arith.constant 0 : index
    %get3A_13 = arith.constant 0 : index
    %get3A_14 = arith.constant 0 : index
    %get3A_15 = vector.load %arg3[%get3A_12, %get3A_13, %get3A_14] : memref<2x1000x128xf32, #tpu.memory_space<vmem>>, vector<1x1000x1xf32>
    %get3A_16 = vector.shape_cast %get3A_15 : vector<1x1000x1xf32> to vector<1000x1xf32>
    %get3A_17 = arith.constant 1 : index
    %get3A_18 = arith.constant 0 : index
    %get3A_19 = arith.constant 0 : index
    %get3A_20 = vector.load %arg3[%get3A_17, %get3A_18, %get3A_19] : memref<2x1000x128xf32, #tpu.memory_space<vmem>>, vector<1x1000x1xf32>
    %get3A_21 = vector.shape_cast %get3A_20 : vector<1x1000x1xf32> to vector<1000x1xf32>
    %add3A_22 = arith.addf %get3A_16, %get3A_21 : vector<1000x1xf32>
    %max3A = arith.constant 1.000000e+00 : f32
    %max3A_23 = vector.broadcast %max3A : f32 to vector<1000x1xf32>
    %max3A_24 = arith.maximumf %add3A_22, %max3A_23 : vector<1000x1xf32>
    %div3A = vector.broadcast %max3A_24 : vector<1000x1xf32> to vector<1000x128xf32>
    %div3A_25 = arith.divf %add3A, %div3A : vector<1000x128xf32>
    %get3A_26 = arith.constant 0 : index
    %get3A_27 = arith.constant 0 : index
    %get3A_28 = vector.load %arg4[%get3A_26, %get3A_27] : memref<128x128xf32, #tpu.memory_space<vmem>>, vector<128x128xf32>
    %dot_general3A = arith.constant dense<0.000000e+00> : vector<1000x128xf32>
    %dot_general3A_29 = tpu.matmul %get3A_1, %get3A_28, %dot_general3A {dimension_numbers = #tpu.dot_dimension_numbers<[1], [0], [0], [1], [0, 0, 1, 1], [], []>, transpose_lhs_hint = false} : vector<1000x128xf32>, vector<128x128xf32>, vector<1000x128xf32> -> vector<1000x128xf32>
    %get3A_30 = arith.constant 0 : index
    %get3A_31 = arith.constant 0 : index
    %get3A_32 = vector.load %arg5[%get3A_30, %get3A_31] : memref<128x128xf32, #tpu.memory_space<vmem>>, vector<128x128xf32>
    %dot_general3A_33 = arith.constant dense<0.000000e+00> : vector<1000x128xf32>
    %dot_general3A_34 = tpu.matmul %div3A_25, %get3A_32, %dot_general3A_33 {dimension_numbers = #tpu.dot_dimension_numbers<[1], [0], [0], [1], [0, 0, 1, 1], [], []>, transpose_lhs_hint = false} : vector<1000x128xf32>, vector<128x128xf32>, vector<1000x128xf32> -> vector<1000x128xf32>
    %add3A_35 = arith.addf %dot_general3A_29, %dot_general3A_34 : vector<1000x128xf32>
    %get3A_36 = arith.constant 0 : index
    %get3A_37 = arith.constant 0 : index
    %get3A_38 = vector.load %arg6[%get3A_36, %get3A_37] : memref<1x128xf32, #tpu.memory_space<vmem>>, vector<1x128xf32>
    %add3A_39 = vector.broadcast %get3A_38 : vector<1x128xf32> to vector<1000x128xf32>
    %add3A_40 = arith.addf %add3A_35, %add3A_39 : vector<1000x128xf32>
    %ge3A = arith.constant 0.000000e+00 : f32
    %ge3A_41 = vector.broadcast %ge3A : f32 to vector<1000x128xf32>
    %ge3A_42 = arith.cmpf oge, %add3A_40, %ge3A_41 : vector<1000x128xf32>
    %mul3A = arith.constant 0.00999999977 : f32
    %mul3A_43 = vector.broadcast %mul3A : f32 to vector<1000x128xf32>
    %mul3A_44 = arith.mulf %mul3A_43, %add3A_40 : vector<1000x128xf32>
    %select_n3A = arith.select %ge3A_42, %add3A_40, %mul3A_44 : vector<1000x128xi1>, vector<1000x128xf32>
    %get3A_45 = arith.constant 0 : index
    %get3A_46 = arith.constant 0 : index
    %get3A_47 = vector.load %arg7[%get3A_45, %get3A_46] : memref<128x128xf32, #tpu.memory_space<vmem>>, vector<128x128xf32>
    %dot_general3A_48 = arith.constant dense<0.000000e+00> : vector<1000x128xf32>
    %dot_general3A_49 = tpu.matmul %select_n3A, %get3A_47, %dot_general3A_48 {dimension_numbers = #tpu.dot_dimension_numbers<[1], [0], [0], [1], [0, 0, 1, 1], [], []>, transpose_lhs_hint = false} : vector<1000x128xf32>, vector<128x128xf32>, vector<1000x128xf32> -> vector<1000x128xf32>
    %get3A_50 = arith.constant 0 : index
    %get3A_51 = arith.constant 0 : index
    %get3A_52 = vector.load %arg8[%get3A_50, %get3A_51] : memref<1x128xf32, #tpu.memory_space<vmem>>, vector<1x128xf32>
    %add3A_53 = vector.broadcast %get3A_52 : vector<1x128xf32> to vector<1000x128xf32>
    %add3A_54 = arith.addf %dot_general3A_49, %add3A_53 : vector<1000x128xf32>
    %ge3A_55 = arith.constant 0.000000e+00 : f32
    %ge3A_56 = vector.broadcast %ge3A_55 : f32 to vector<1000x128xf32>
    %ge3A_57 = arith.cmpf oge, %add3A_54, %ge3A_56 : vector<1000x128xf32>
    %mul3A_58 = arith.constant 0.00999999977 : f32
    %mul3A_59 = vector.broadcast %mul3A_58 : f32 to vector<1000x128xf32>
    %mul3A_60 = arith.mulf %mul3A_59, %add3A_54 : vector<1000x128xf32>
    %select_n3A_61 = arith.select %ge3A_57, %add3A_54, %mul3A_60 : vector<1000x128xi1>, vector<1000x128xf32>
    %get3A_62 = arith.constant 0 : index
    %get3A_63 = arith.constant 0 : index
    %get3A_64 = vector.load %arg9[%get3A_62, %get3A_63] : memref<128x64xf32, #tpu.memory_space<vmem>>, vector<128x64xf32>
    %dot_general3A_65 = arith.constant dense<0.000000e+00> : vector<1000x64xf32>
    %dot_general3A_66 = tpu.matmul %select_n3A_61, %get3A_64, %dot_general3A_65 {dimension_numbers = #tpu.dot_dimension_numbers<[1], [0], [0], [1], [0, 0, 1, 1], [], []>, transpose_lhs_hint = false} : vector<1000x128xf32>, vector<128x64xf32>, vector<1000x64xf32> -> vector<1000x64xf32>
    %get3A_67 = arith.constant 0 : index
    %get3A_68 = arith.constant 0 : index
    %get3A_69 = vector.load %arg10[%get3A_67, %get3A_68] : memref<1x64xf32, #tpu.memory_space<vmem>>, vector<1x64xf32>
    %add3A_70 = vector.broadcast %get3A_69 : vector<1x64xf32> to vector<1000x64xf32>
    %add3A_71 = arith.addf %dot_general3A_66, %add3A_70 : vector<1000x64xf32>
    %swap3A = arith.constant 0 : index
    %swap3A_72 = arith.constant 0 : index
    %swap3A_73 = vector.load %arg15[%swap3A, %swap3A_72] : memref<1000x64xf32, #tpu.memory_space<vmem>>, vector<1000x64xf32>
    tpu.vector_store %arg15[%swap3A, %swap3A_72], %add3A_71 {strides = array<i32>} : memref<1000x64xf32, #tpu.memory_space<vmem>>, vector<1000x64xf32>,
    %get3A_74 = arith.constant 0 : index
    %get3A_75 = arith.constant 0 : index
    %get3A_76 = vector.load %arg11[%get3A_74, %get3A_75] : memref<128x64xf32, #tpu.memory_space<vmem>>, vector<128x64xf32>
    %dot_general3A_77 = arith.constant dense<0.000000e+00> : vector<1000x64xf32>
    %dot_general3A_78 = tpu.matmul %get3A_1, %get3A_76, %dot_general3A_77 {dimension_numbers = #tpu.dot_dimension_numbers<[1], [0], [0], [1], [0, 0, 1, 1], [], []>, transpose_lhs_hint = false} : vector<1000x128xf32>, vector<128x64xf32>, vector<1000x64xf32> -> vector<1000x64xf32>
    %get3A_79 = arith.constant 0 : index
    %get3A_80 = arith.constant 0 : index
    %get3A_81 = vector.load %arg12[%get3A_79, %get3A_80] : memref<1x64xf32, #tpu.memory_space<vmem>>, vector<1x64xf32>
    %add3A_82 = vector.broadcast %get3A_81 : vector<1x64xf32> to vector<1000x64xf32>
    %add3A_83 = arith.addf %dot_general3A_78, %add3A_82 : vector<1000x64xf32>
    %swap3A_84 = arith.constant 0 : index
    %swap3A_85 = arith.constant 0 : index
    %swap3A_86 = vector.load %arg16[%swap3A_84, %swap3A_85] : memref<1000x64xf32, #tpu.memory_space<vmem>>, vector<1000x64xf32>
    tpu.vector_store %arg16[%swap3A_84, %swap3A_85], %add3A_83 {strides = array<i32>} : memref<1000x64xf32, #tpu.memory_space<vmem>>, vector<1000x64xf32>,
    %get3A_87 = arith.constant 0 : index
    %get3A_88 = arith.constant 0 : index
    %get3A_89 = vector.load %arg13[%get3A_87, %get3A_88] : memref<128x1xf32, #tpu.memory_space<vmem>>, vector<128x1xf32>
    %dot_general3A_90 = arith.constant dense<0.000000e+00> : vector<1000x1xf32>
    %dot_general3A_91 = tpu.matmul %get3A_1, %get3A_89, %dot_general3A_90 {dimension_numbers = #tpu.dot_dimension_numbers<[1], [0], [0], [1], [0, 0, 1, 1], [], []>, transpose_lhs_hint = false} : vector<1000x128xf32>, vector<128x1xf32>, vector<1000x1xf32> -> vector<1000x1xf32>
    %get3A_92 = arith.constant 0 : index
    %get3A_93 = arith.constant 0 : index
    %get3A_94 = vector.load %arg14[%get3A_92, %get3A_93] : memref<1x1xf32, #tpu.memory_space<vmem>>, vector<1x1xf32>
    %add3A_95 = vector.broadcast %get3A_94 : vector<1x1xf32> to vector<1000x1xf32>
    %add3A_96 = arith.addf %dot_general3A_91, %add3A_95 : vector<1000x1xf32>
    %swap3A_97 = arith.constant 0 : index
    %swap3A_98 = arith.constant 0 : index
    %swap3A_99 = vector.load %arg17[%swap3A_97, %swap3A_98] : memref<1000x1xf32, #tpu.memory_space<vmem>>, vector<1000x1xf32>
    tpu.vector_store %arg17[%swap3A_97, %swap3A_98], %add3A_96 {strides = array<i32>} : memref<1000x1xf32, #tpu.memory_space<vmem>>, vector<1000x1xf32>,
    return
  }
  func.func @transform_0(%arg0: i32) -> (i32, i32) {
    %c0_i32 = arith.constant 0 : i32
    %c0_i32_0 = arith.constant 0 : i32
    return %arg0, %c0_i32 : i32, i32
  }
  func.func @transform_1(%arg0: i32) -> (i32, i32, i32) {
    %c0_i32 = arith.constant 0 : i32
    %c0_i32_0 = arith.constant 0 : i32
    %c0_i32_1 = arith.constant 0 : i32
    return %c0_i32, %arg0, %c0_i32_0 : i32, i32, i32
  }
  func.func @transform_2(%arg0: i32) -> (i32, i32, i32) {
    %c0_i32 = arith.constant 0 : i32
    %c0_i32_0 = arith.constant 0 : i32
    %c0_i32_1 = arith.constant 0 : i32
    return %c0_i32, %arg0, %c0_i32_0 : i32, i32, i32
  }
  func.func @transform_3(%arg0: i32) -> (i32, i32) {
    %c0_i32 = arith.constant 0 : i32
    %c0_i32_0 = arith.constant 0 : i32
    %c0_i32_1 = arith.constant 0 : i32
    return %c0_i32, %c0_i32_0 : i32, i32
  }
  func.func @transform_4(%arg0: i32) -> (i32, i32) {
    %c0_i32 = arith.constant 0 : i32
    %c0_i32_0 = arith.constant 0 : i32
    %c0_i32_1 = arith.constant 0 : i32
    return %c0_i32, %c0_i32_0 : i32, i32
  }
  func.func @transform_5(%arg0: i32) -> (i32, i32) {
    %c0_i32 = arith.constant 0 : i32
    %c0_i32_0 = arith.constant 0 : i32
    %c0_i32_1 = arith.constant 0 : i32
    return %c0_i32, %c0_i32_0 : i32, i32
  }
  func.func @transform_6(%arg0: i32) -> (i32, i32) {
    %c0_i32 = arith.constant 0 : i32
    %c0_i32_0 = arith.constant 0 : i32
    %c0_i32_1 = arith.constant 0 : i32
    return %c0_i32, %c0_i32_0 : i32, i32
  }
  func.func @transform_7(%arg0: i32) -> (i32, i32) {
    %c0_i32 = arith.constant 0 : i32
    %c0_i32_0 = arith.constant 0 : i32
    %c0_i32_1 = arith.constant 0 : i32
    return %c0_i32, %c0_i32_0 : i32, i32
  }
  func.func @transform_8(%arg0: i32) -> (i32, i32) {
    %c0_i32 = arith.constant 0 : i32
    %c0_i32_0 = arith.constant 0 : i32
    %c0_i32_1 = arith.constant 0 : i32
    return %c0_i32, %c0_i32_0 : i32, i32
  }
  func.func @transform_9(%arg0: i32) -> (i32, i32) {
    %c0_i32 = arith.constant 0 : i32
    %c0_i32_0 = arith.constant 0 : i32
    %c0_i32_1 = arith.constant 0 : i32
    return %c0_i32, %c0_i32_0 : i32, i32
  }
  func.func @transform_10(%arg0: i32) -> (i32, i32) {
    %c0_i32 = arith.constant 0 : i32
    %c0_i32_0 = arith.constant 0 : i32
    %c0_i32_1 = arith.constant 0 : i32
    return %c0_i32, %c0_i32_0 : i32, i32
  }
  func.func @transform_11(%arg0: i32) -> (i32, i32) {
    %c0_i32 = arith.constant 0 : i32
    %c0_i32_0 = arith.constant 0 : i32
    %c0_i32_1 = arith.constant 0 : i32
    return %c0_i32, %c0_i32_0 : i32, i32
  }
  func.func @transform_12(%arg0: i32) -> (i32, i32) {
    %c0_i32 = arith.constant 0 : i32
    %c0_i32_0 = arith.constant 0 : i32
    %c0_i32_1 = arith.constant 0 : i32
    return %c0_i32, %c0_i32_0 : i32, i32
  }
  func.func @transform_13(%arg0: i32) -> (i32, i32) {
    %c0_i32 = arith.constant 0 : i32
    %c0_i32_0 = arith.constant 0 : i32
    %c0_i32_1 = arith.constant 0 : i32
    return %c0_i32, %c0_i32_0 : i32, i32
  }
  func.func @transform_14(%arg0: i32) -> (i32, i32) {
    %c0_i32 = arith.constant 0 : i32
    %c0_i32_0 = arith.constant 0 : i32
    return %arg0, %c0_i32 : i32, i32
  }
  func.func @transform_15(%arg0: i32) -> (i32, i32) {
    %c0_i32 = arith.constant 0 : i32
    %c0_i32_0 = arith.constant 0 : i32
    return %arg0, %c0_i32 : i32, i32
  }
  func.func @transform_16(%arg0: i32) -> (i32, i32) {
    %c0_i32 = arith.constant 0 : i32
    %c0_i32_0 = arith.constant 0 : i32
    return %arg0, %c0_i32 : i32, i32
  }
}

</mosaic_0001>

<sc_bundles>
// kernel: kernel.5.cloned.1.call-start
scs
__scs_entry_jumppad:
0x0: {  	(pc) =	sbr.rel $0x88, $3  }
0x1: {  	(tag) =	ssettag $0x0;
	lr =	simm.s32 $0x1  }
0x2: {  	[smem:$0x3F94] =	sst lr;
	_ =	strace $0xD0000000  }
0x3: {  	_ = 	snop  }
0x4: {  	_ = 	snop  }
0x5: {  	_ = 	snop  }
0x6: {  	_ = 	snop  }
0x7: {  	_ = 	snop  }
__scs_overlays_trampoline_lowered:
0x8: {  	[smem:$0x3FA3] =	sst s0  }
0x9: {  	[smem:$0x3FA4] =	sst s1  }
0xa: {  	[smem:$0x3FA5] =	sst s2  }
0xb: {  	[smem:$0x3FA6] =	sst s3  }
0xc: {  	[smem:$0x3FA7] =	sst s4  }
0xd: {  	[smem:$0x3FA8] =	sst s5  }
0xe: {  	[smem:$0x3FA9] =	sst s6  }
0xf: {  	[smem:$0x3FAA] =	sst s7  }
0x10: {  	[smem:$0x3FAB] =	sst s8  }
0x11: {  	[smem:$0x3FAC] =	sst s9;
	s0 =	simm.s32 @!p0 $0x0  }
0x12: {  	s1 =	sld [smem:$0x3F92];
	s0 =	simm.s32 @p0 $0x1  }
0x13: {  	[smem:$0x3FAD] =	sst s0;
	s0 =	simm.s32 @!p1 $0x0  }
0x14: {  	s2 =	sld [smem:$0x3F91];
	s0 =	simm.s32 @p1 $0x1  }
0x15: {  	[smem:$0x3FAE] =	sst s0;
	s0 =	simm.s32 @!p2 $0x0  }
0x16: {  	s3 =	sld [smem:$0x3FDB];
	s0 =	simm.s32 @p2 $0x1  }
0x17: {  	s4 =	simm.s32 $0x1BF5;
	[smem:$0x3FB0] =	sst s0  }
0x18: {  	s0 =	sld [smem:$0x3F93];
	_ =	swait.ge [sflag:s4], $0x0  }
0x19: {  	s7 =	sld [smem:$0x3F94]  }
0x1a: {  	s8 =	sadd.s32 $0xFFFFE003, lr  }
0x1b: {  	s9 =	sadd.s32 $0xFFFFFEF7, lr;
	s5 =	simm.s32 $0xFFFFFFFF;
	p2 =	slt.u32 s8, $0xFFFFF086  }
0x1c: {  	p1 =	slt.u32 s9, $0xF7A;
	s5 =	simm.s32 @!p2 $0x0  }
0x1d: {  	s5 =	simm.s32 @p1 $0x1;
	p0 =	seq.s32 s7, s2  }
0x1e: {  	s7 =	smul.u32 @!p0 $0xF7A, s2;
	p2 =	seq.s32 @!p0 s5, $0x0  }
0x1f: {  	s9 =	smul.u32 $0xF7A, s1;
	s8 =	simm.s32 @!p0 $0x1BF5;
	p2 =	por !p2, p0  }
0x20: {  	[sflag:s8] =	ssyncset.s32 @!p0 $0xFFFFF086;
	s6 =	sadd.s32 @!p0 s3, s7;
	s7 =	simm.s32 @!p0 $0x108  }
0x21: {  	s3 =	sadd.s32 s3, s9;
	s6 =	sadd.s32 @!p0 $0x88, s6;
	s7 =	simm.s32 @p2 $0x1082  }
0x22: {  	[simem:s7], [sflag:s8] =	dma.local @!p0 [hbm:s6], $0xF7A  }
0x23: {  	s9 =	sor.u32 $0xD0000000, s2;
	s6 =	simm.s32 $0x108;
	_ =	swait.ge @!p0 [sflag:s8], $0x0  }
0x24: {  	s3 =	sadd.s32 $0x88, s3;
	s6 =	simm.s32 @!p1 $0x1082;
	[sflag:s4] =	ssyncset.s32 $0xFFFFF086  }
0x25: {  	[simem:s6], [sflag:s4] =	dma.local [hbm:s3], $0xF7A  }
0x26: {  	[smem:$0x3F94] =	sst s1;
	(tag) =	ssettag s2;
	_ =	strace s9  }
0x27: {  	s1 =	sld [smem:$0x3FA4]  }
0x28: {  	s2 =	sld [smem:$0x3FA5]  }
0x29: {  	s4 =	sld [smem:$0x3FA7]  }
0x2a: {  	p0 =	seq.s32 s5, $0x0;
	s5 =	sld [smem:$0x3FA8]  }
0x2b: {  	s6 =	sld [smem:$0x3FA9]  }
0x2c: {  	s7 =	sld [smem:$0x3FAA]  }
0x2d: {  	s3 =	simm.s32 $0x108;
	s8 =	sld [smem:$0x3FAB]  }
0x2e: {  	s3 =	simm.s32 @!p0 $0x1082;
	s9 =	sld [smem:$0x3FAC]  }
0x2f: {  	lr =	sadd.s32 s0, s3;
	s0 =	sld [smem:$0x3FA3]  }
0x30: {  	s3 =	sld [smem:$0x3FA6]  }
0x31: {  	[smem:$0x3FAF] =	sst s10  }
0x32: {  	s10 =	sld [smem:$0x3FAD];
	_ =	sdelay $0x3  }
0x33: {  	p0 =	seq.s32 s10, $0x1;
	s10 =	sld [smem:$0x3FAF];
	_ =	sdelay $0x3  }
0x34: {  	[smem:$0x3FAF] =	sst s10  }
0x35: {  	s10 =	sld [smem:$0x3FAE];
	_ =	sdelay $0x3  }
0x36: {  	p1 =	seq.s32 s10, $0x1;
	s10 =	sld [smem:$0x3FAF];
	_ =	sdelay $0x3  }
0x37: {  	[smem:$0x3FAF] =	sst s10  }
0x38: {  	s10 =	sld [smem:$0x3FB0]  }
0x39: {  	_ = 	snop;
	(pc) =	sbr.ind lr, $3  }
0x3a: {  	_ = 	snop  }
0x3b: {  	_ = 	snop  }
0x3c: {  	p2 =	seq.s32 s10, $0x1;
	s10 =	sld [smem:$0x3FAF]  }
0x3d: {  	_ =	shalt  }
0x3e: {  	_ =	shalt  }
0x3f: {  	_ =	shalt  }
0x40: {  	_ =	shalt  }
0x41: {  	_ =	shalt  }
0x42: {  	_ =	shalt  }
0x43: {  	_ =	shalt  }
0x44: {  	_ =	shalt  }
0x45: {  	_ =	shalt  }
0x46: {  	_ =	shalt  }
0x47: {  	_ =	shalt  }
0x48: {  	_ =	shalt  }
0x49: {  	_ =	shalt  }
0x4a: {  	_ =	shalt  }
0x4b: {  	_ =	shalt  }
0x4c: {  	_ =	shalt  }
0x4d: {  	_ =	shalt  }
0x4e: {  	_ =	shalt  }
0x4f: {  	_ =	shalt  }
0x50: {  	_ =	shalt  }
0x51: {  	_ =	shalt  }
0x52: {  	_ =	shalt  }
0x53: {  	_ =	shalt  }
0x54: {  	_ =	shalt  }
0x55: {  	_ =	shalt  }
0x56: {  	_ =	shalt  }
0x57: {  	_ =	shalt  }
0x58: {  	_ =	shalt  }
0x59: {  	_ =	shalt  }
0x5a: {  	_ =	shalt  }
0x5b: {  	_ =	shalt  }
0x5c: {  	_ =	shalt  }
0x5d: {  	_ =	shalt  }
0x5e: {  	_ =	shalt  }
0x5f: {  	_ =	shalt  }
0x60: {  	_ =	shalt  }
0x61: {  	_ =	shalt  }
0x62: {  	_ =	shalt  }
0x63: {  	_ =	shalt  }
0x64: {  	_ =	shalt  }
0x65: {  	_ =	shalt  }
0x66: {  	_ =	shalt  }
0x67: {  	_ =	shalt  }
0x68: {  	_ =	shalt  }
0x69: {  	_ =	shalt  }
0x6a: {  	_ =	shalt  }
0x6b: {  	_ =	shalt  }
0x6c: {  	_ =	shalt  }
0x6d: {  	_ =	shalt  }
0x6e: {  	_ =	shalt  }
0x6f: {  	_ =	shalt  }
0x70: {  	_ =	shalt  }
0x71: {  	_ =	shalt  }
0x72: {  	_ =	shalt  }
0x73: {  	_ =	shalt  }
0x74: {  	_ =	shalt  }
0x75: {  	_ =	shalt  }
0x76: {  	_ =	shalt  }
0x77: {  	_ =	shalt  }
0x78: {  	_ =	shalt  }
0x79: {  	_ =	shalt  }
0x7a: {  	_ =	shalt  }
0x7b: {  	_ =	shalt  }
0x7c: {  	_ =	shalt  }
0x7d: {  	_ =	shalt  }
0x7e: {  	_ =	shalt  }
0x7f: {  	_ =	shalt  }
0x80: {  	_ =	shalt  }
0x81: {  	_ =	shalt  }
0x82: {  	_ =	shalt  }
0x83: {  	_ =	shalt  }
0x84: {  	_ =	shalt  }
0x85: {  	_ =	shalt  }
0x86: {  	_ =	shalt  }
0x87: {  	_ =	shalt  }
.Lfunc_end0:
.L_simem_size_0:
called_computation_lowered:
.L_overlay_start_0:
0x88: {  	s2 =	sld [smem:$0x3FD9]  }
0x89: {  	s3 =	sld [smem:$0x3FFE];
	_ =	sdelay $0x1  }
0x8a: {  	s1 =	srdreg.scid  }
0x8b: {  	s0 =	sand.u32 $0x1, s1  }
0x8c: {  	s14 =	sshll.u32 s0, $0xA;
	s2 =	sadd.s32 s3, s2  }
0x8d: {  	s2 =	sadd.s32 s2, s14  }
0x8e: {  	[smem:$0x3FBB] =	sst s2  }
0x8f: {  	_ = 	snop  }
0x90: {  	s2 =	sld [smem:$0x3FD0];
	_ =	sdelay $0x2  }
0x91: {  	s4 =	simm.s32 $0xB;
	s5 =	simm.s32 $0x10;
	s15 =	sld [smem:$0x3FC9]  }
0x92: {  	[smem:s5], [sflag:s4] =	dma.local [hbm:s2], $0x1  }
0x93: {  	_ =	swait.eq [sflag:s4], $0x1  }
0x94: {  	[sflag:s4] =	ssyncset.done $0x0  }
0x95: {  	s16 =	sld [smem:$0x10];
	[sflag:s4] =	ssyncadd.s32 $0xFFFFFFFF  }
0x96: {  	s17 =	sld [smem:$0x11];
	(tm) =	ssettm $0x1  }
0x97: {  	s18 =	sld [smem:$0x3FFB];
	_ =	sdelay $0x3  }
0x98: {  	_ =	strace s18  }
0x99: {  	s5 =	sld [smem:$0x3FFC];
	_ =	sdelay $0x3  }
0x9a: {  	_ =	strace s5  }
0x9b: {  	s5 =	sld [smem:$0x3FFD];
	_ =	sdelay $0x3  }
0x9c: {  	_ =	strace s5  }
0x9d: {  	_ =	strace $0x8FFFFFFF  }
0x9e: {  	s19 =	sld [smem:$0x3FDB];
	_ =	sdelay $0x1  }
0x9f: {  	s6 =	simm.s32 $_scs_section_size  }
0xa0: {  	s7 =	simm.s32 $_size__tile_overlayer_lowered;
	s8 =	simm.s32 $_tile_overlayer_lowered  }
0xa1: {  	s22 =	simm.s32 $0x1BFF;
	s21 =	sshll.u32 s8, $0x1;
	s5 =	sadd.s32 s6, s19  }
0xa2: {  	s9 =	simm.s32 $0x0;
	s20 =	sshll.u32 s7, $0x1;
	s7 =	sadd.s32 s21, s5  }
0xa3: {  	[timem:s9], [sflag:s22] =	dma.local [hbm:s7], s20  }
0xa4: {  	_ =	swait.ge [sflag:s22], s20  }
0xa5: {  	s6 =	ssub.s32 $0x0, s20;
	[sflag:s22] =	ssyncset.done $0x0  }
0xa6: {  	[sflag:s22] =	ssyncadd.s32 s6;
	_ =	sdelay $0x1  }
0xa7: {  	s23 =	simm.s32 $0x1B8B  }
0xa8: {  	_ =	swait.ge [sflag:s23], $0x1  }
0xa9: {  	[sflag:s23] =	ssyncset.done $0x0  }
0xaa: {  	s25 =	simm.s32 $0x1B8E;
	s24 =	sld [smem:$0x3FFE];
	[sflag:s23] =	ssyncadd.s32 $0xFFFFFFFF  }
0xab: {  	s26 =	simm.s32 $execute0_lowered;
	[smem:$0x3FD2] =	sst s25  }
0xac: {  	s7 =	sshll.u32 s26, $0x1;
	_ =	strace $0x80000046;
	[dreg:$0x1] =	wrdreg $0xFFFFFFFF  }
0xad: {  	s28 =	simm.s32 $_size_execute0_lowered;
	s5 =	sadd.s32 s5, s7;
	[dreg:$0x0] =	wrdreg $0x0  }
0xae: {  	s7 =	sshll.u32 s28, $0x1;
	[dreg:$0x2] =	wrdreg s5  }
0xaf: {  	[dreg:$0x3] =	wrdreg s7  }
0xb0: {  	[dreg:$0x4] =	wrdreg $0xC0  }
0xb1: {  	_ =	task [dreg:s9], $0x5FFFF  }
0xb2: {  	[dreg:$0x1] =	wrdreg $0xFFFFFFFF  }
0xb3: {  	[dreg:$0x0] =	wrdreg $0x60  }
0xb4: {  	[dreg:$0x2] =	wrdreg s15  }
0xb5: {  	[dreg:$0x3] =	wrdreg s24  }
0xb6: {  	[dreg:$0x4] =	wrdreg s17  }
0xb7: {  	[dreg:$0x5] =	wrdreg s16  }
0xb8: {  	[dreg:$0x6] =	wrdreg $0x74000  }
0xb9: {  	[dreg:$0x7] =	wrdreg $0x9  }
0xba: {  	_ =	task.clear_ibuf [dreg:s9], $0x8FFFF;
	_ =	strace $0x90000046  }
0xbb: {  	s29 =	simm.s32 $0x9;
	_ =	strace $0x80000048  }
0xbc: {  	_ =	swait.ge [sflag:s29], $0x1  }
0xbd: {  	[sflag:s29] =	ssyncadd.s32 $0xFFFFFFFF  }
0xbe: {  	_ =	strace $0x90000048  }
0xbf: {  	_ =	sfence  }
0xc0: {  	s30 =	sld [smem:$0x0];
	_ =	sdelay $0x2  }
0xc1: {  	s31 =	sshll.u32 s1, $0xD;
	s1 =	sshrl.u32 s1, $0x2  }
0xc2: {  	s3 =	sand.u32 $0x4000, s31;
	s1 =	sadd.s32 s1, s30  }
0xc3: {  	s0 =	sor.u32 s3, s0;
	s1 =	sshll.u32 s1, $0x11  }
0xc4: {  	s0 =	sor.u32 s1, s0  }
0xc5: {  	s0 =	sadd.s32 $0x8F2B, s0  }
0xc6: {  	[sflag:s0] =	ssyncadd.remote.s32 $0x1  }
0xc7: {  	_ =	sfence.sel $0xFFFF  }
0xc8: {  	[dreg:$0x0] =	wrdreg $0xFFFFFFFF;
	(pc) =	sbr.abs _section_cstart, $3  }
0xc9: {  	[dreg:$0x1] =	wrdreg $0xFFFFFFFF  }
0xca: {  	_ =	task.clear_ibuf [dreg:s9], $0x2FFFF;
	_ =	strace $0x9FFFFFFF  }
0xcb: {  	(tm) =	ssettm $0x7FFFFFFF  }
tec
execute0_lowered:
.L_overlay_start_1:
0x0: {  	(tag) =	ssettag $0x1  }
0x1: {  	s0 =	srdreg.scid;
	s9 =	stileid.u32  }
0x2: {  	s1 =	rddreg [dreg:$0x0];
	s0 =	sand.u32 $0x1, s0;
	s3 =	smul.u32 $0xA000, s9  }
0x3: {  	s2 =	rddreg [dreg:$0x1];
	s5 =	smul.u32 $0x5000, s0  }
0x4: {  	s6 =	rddreg [dreg:$0x2]  }
0x5: {  	s4 =	rddreg [dreg:$0x4];
	s3 =	sadd.s32 s5, s3;
	s5 =	simm.s32 $0x0  }
0x6: {  	s20 =	simm.s32 $0x80;
	[smem:$0x7FF] =	sst s5  }
0x7: {  	s21 =	simm.s32 $0x100;
	_ =	strace $0x80000047;
	[dreg:$0x8] =	wrdreg s20  }
0x8: {  	s22 =	simm.s32 $0x1080;
	[dreg:$0x9] =	wrdreg s21  }
0x9: {  	s23 =	simm.s32 $0x180;
	[dreg:$0xa] =	wrdreg s22  }
0xa: {  	s24 =	simm.s32 $0x1100;
	[dreg:$0xb] =	wrdreg s23  }
0xb: {  	s25 =	simm.s32 $0x200;
	[dreg:$0xc] =	wrdreg s24  }
0xc: {  	s10 =	simm.s32 $0x1180;
	[dreg:$0xd] =	wrdreg s25  }
0xd: {  	s11 =	simm.s32 $0x280;
	[dreg:$0xe] =	wrdreg s10  }
0xe: {  	s12 =	simm.s32 $0x1200;
	[dreg:$0xf] =	wrdreg s11  }
0xf: {  	s13 =	simm.s32 $0x300;
	[dreg:$0x10] =	wrdreg s12  }
0x10: {  	s14 =	simm.s32 $0x1280;
	[dreg:$0x11] =	wrdreg s13  }
0x11: {  	s15 =	simm.s32 $0x380;
	s16 =	simm.s32 $0x1300;
	[dreg:$0x12] =	wrdreg s14  }
0x12: {  	s26 =	smul.u32 $0x140000, s0;
	s0 =	ssub.s32 $0x2, s0;
	[dreg:$0x13] =	wrdreg s15  }
0x13: {  	s18 =	simm.s32 $0x400;
	s17 =	sshrl.u32 s0, $0x1;
	[dreg:$0x14] =	wrdreg s16  }
0x14: {  	s19 =	simm.s32 $0x1380;
	s0 =	ssub.s32 s0, s17;
	[dreg:$0x15] =	wrdreg s18  }
0x15: {  	s0 =	smax.u32 s0, $0x1;
	[dreg:$0x16] =	wrdreg s19  }
0x16: {  	s17 =	simm.s32 $0x1600;
	[smem:$0x7F3] =	sst s0  }
0x17: {  	s21 =	simm.s32 $0x480;
	[smem:$0x7F4] =	sst s17  }
0x18: {  	s22 =	simm.s32 $0x1400;
	[dreg:$0x17] =	wrdreg s21  }
0x19: {  	s24 =	simm.s32 $0x500;
	[dreg:$0x18] =	wrdreg s22  }
0x1a: {  	s28 =	simm.s32 $0x1000;
	s10 =	simm.s32 $0x1500;
	[dreg:$0x19] =	wrdreg s24  }
0x1b: {  	s29 =	simm.s32 $0x1;
	s12 =	simm.s32 $0x600;
	[dreg:$0x1c] =	wrdreg s10  }
0x1c: {  	s30 =	simm.s32 $0x4C00;
	s14 =	simm.s32 $0x1580;
	[dreg:$0x1d] =	wrdreg s12  }
0x1d: {  	s31 =	simm.s32 $0x2;
	s16 =	simm.s32 $0x680;
	[dreg:$0x1e] =	wrdreg s14  }
0x1e: {  	s3 =	sshrl.u32 s3, $0x3;
	s18 =	simm.s32 $0x700;
	[dreg:$0x1f] =	wrdreg s16  }
0x1f: {  	s3 =	sadd.s32 s3, s2;
	s19 =	simm.s32 $0x1680;
	[smem:$0x7F5] =	sst s18  }
0x20: {  	s8 =	smul.u32 $0x14000, s9;
	s7 =	sadd.s32 $0x1E00, s3;
	[smem:$0x7F6] =	sst s19  }
0x21: {  	s20 =	sshll.u32 s9, $0x7;
	s3 =	sadd.s32 $0x15E00, s3;
	[dreg:$0x6] =	wrdreg s7  }
0x22: {  	s17 =	simm.s32 $0x5;
	s6 =	sadd.s32 s6, s20;
	[dreg:$0x7] =	wrdreg s3  }
0x23: {  	s0 =	simm.s32 $0x4;
	s20 =	simm.s32 $0x780;
	[smem:$0x7EA] =	sst s6  }
0x24: {  	s24 =	simm.s32 $0x2000;
	s21 =	simm.s32 $0x1700;
	[smem:$0x7F7] =	sst s20  }
0x25: {  	s18 =	simm.s32 $0x2400;
	s22 =	simm.s32 $0x800;
	[smem:$0x7F8] =	sst s21  }
0x26: {  	s19 =	simm.s32 $0x50;
	s16 =	simm.s32 $0x0;
	[smem:$0x7F9] =	sst s22  }
0x27: {  	s7 =	sadd.s32 s8, s26;
	s26 =	simm.s32 $0x1480;
	[smem:$0x7FD] =	sst s16  }
0x28: {  	s8 =	simm.s32 $0x580;
	s7 =	sshrl.u32 s7, $0x3;
	[dreg:$0x1a] =	wrdreg s26  }
0x29: {  	[dreg:$0x1b] =	wrdreg s8;
	s26 =	simm.s32 $0x1800;
	s2 =	sadd.s32 s7, s2  }
0x2a: {  	s10 =	simm.s32 $0x1980;
	[smem:$0x7FC] =	sst s26;
	s23 =	sadd.s32 $0x29E00, s2  }
0x2b: {  	s12 =	simm.s32 $0x1A00;
	s25 =	sadd.s32 $0x2A300, s2;
	[smem:$0x7EB] =	sst s23  }
0x2c: {  	s14 =	simm.s32 $0x1A80;
	s7 =	sadd.s32 $0x2A800, s2;
	[smem:$0x7EC] =	sst s25  }
0x2d: {  	s3 =	simm.s32 $0x900;
	s9 =	sadd.s32 $0x2AD00, s2;
	[smem:$0x7ED] =	sst s7  }
0x2e: {  	s6 =	simm.s32 $0x1880;
	s11 =	sadd.s32 $0x2B200, s2;
	[smem:$0x7EE] =	sst s9  }
0x2f: {  	s20 =	simm.s32 $0xB80;
	s13 =	sadd.s32 $0x2B700, s2;
	[smem:$0x7EF] =	sst s11  }
0x30: {  	s21 =	simm.s32 $0xC00;
	s15 =	sadd.s32 $0x2BC00, s2;
	[smem:$0x7F0] =	sst s13  }
0x31: {  	s22 =	simm.s32 $0x1B80;
	s2 =	sadd.s32 $0x2C100, s2;
	[smem:$0x7F1] =	sst s15  }
0x32: {  	s8 =	simm.s32 $0x1900;
	s26 =	simm.s32 $0x2380;
	[smem:$0x7F2] =	sst s2  }
0x33: {  	s23 =	simm.s32 $0x1780;
	s25 =	simm.s32 $0x880;
	s2 =	simm.s32 $0x3  }
0x34: {  	s7 =	simm.s32 $0x980;
	s9 =	simm.s32 $0xA00;
	s11 =	simm.s32 $0xA80  }
0x35: {  	s13 =	simm.s32 $0xB00;
	s15 =	simm.s32 $0x1B00;
	[smem:$0x7FA] =	sst s23  }
0x36: {  	[smem:$0x7FB] =	sst s25;
	s25 =	simm.s32 $0x2300;
	s23 =	simm.s32 $0x1C00  }
.LBB2_1:
0x37: {  	s16 =	sld [smem:$0x7EA];
	_ =	sdelay $0x2  }
0x38: {  	[tilespmem:s24], [sflag:$0x5] =	stream.linear.gather [hbm4b:s16+s5], $0x400, $0x38;
	[tilespmem:$0x1B400] =	vst v63  }
0x39: {  	_ =	swait.ge [sflag:s17], $0x400  }
0x3a: {  	[sflag:s17] =	ssyncset.done $0x0  }
0x3b: {  	[sflag:s17] =	ssyncadd.s32 $0xFFFFFC00  }
0x3c: {  	s16 =	rddreg [dreg:$0x3]  }
0x3d: {  	[tilespmem:s18], [sflag:$0x5] =	stream.linear.gather [hbm4b:s16+s5], $0x2800, $0x38;
	[tilespmem:$0x1B400] =	vst v63  }
0x3e: {  	_ =	swait.ge [sflag:s17], $0x2800  }
0x3f: {  	[sflag:s17] =	ssyncset.done $0x0  }
0x40: {  	[sflag:s17] =	ssyncadd.s32 $0xFFFFD800  }
0x41: {  	[spmem:s4] =	stream.indirect.scatter [tilespmem:s18], [sflag:$0x5], $0x80, s24, s19, $0xb8;
	[tilespmem:$0x1B400] =	vst v63  }
0x42: {  	_ =	swait.ge [sflag:s17], $0x2800  }
0x43: {  	[sflag:s17] =	ssyncset.done $0x0  }
0x44: {  	s24 =	simm.s32 $0x2080;
	[sflag:s17] =	ssyncadd.s32 $0xFFFFD800  }
0x45: {  	[spmem:s4] =	stream.indirect.scatter [tilespmem:s18], [sflag:$0x5], $0x80, s24, s19, $0xb8;
	[tilespmem:$0x1B400] =	vst v63  }
0x46: {  	_ =	swait.ge [sflag:s17], $0x2800  }
0x47: {  	[sflag:s17] =	ssyncset.done $0x0  }
0x48: {  	s24 =	simm.s32 $0x2100;
	[sflag:s17] =	ssyncadd.s32 $0xFFFFD800  }
0x49: {  	[spmem:s4] =	stream.indirect.scatter [tilespmem:s18], [sflag:$0x5], $0x80, s24, s19, $0xb8;
	[tilespmem:$0x1B400] =	vst v63  }
0x4a: {  	_ =	swait.ge [sflag:s17], $0x2800  }
0x4b: {  	[sflag:s17] =	ssyncset.done $0x0  }
0x4c: {  	s24 =	simm.s32 $0x2180;
	[sflag:s17] =	ssyncadd.s32 $0xFFFFD800  }
0x4d: {  	[spmem:s4] =	stream.indirect.scatter [tilespmem:s18], [sflag:$0x5], $0x80, s24, s19, $0xb8;
	[tilespmem:$0x1B400] =	vst v63  }
0x4e: {  	_ =	swait.ge [sflag:s17], $0x2800  }
0x4f: {  	[sflag:s17] =	ssyncset.done $0x0  }
0x50: {  	s24 =	simm.s32 $0x2200;
	[sflag:s17] =	ssyncadd.s32 $0xFFFFD800  }
0x51: {  	[spmem:s4] =	stream.indirect.scatter [tilespmem:s18], [sflag:$0x5], $0x80, s24, s19, $0xb8;
	[tilespmem:$0x1B400] =	vst v63  }
0x52: {  	_ =	swait.ge [sflag:s17], $0x2800  }
0x53: {  	[sflag:s17] =	ssyncset.done $0x0  }
0x54: {  	s24 =	simm.s32 $0x2280;
	[sflag:s17] =	ssyncadd.s32 $0xFFFFD800  }
0x55: {  	[spmem:s4] =	stream.indirect.scatter [tilespmem:s18], [sflag:$0x5], $0x80, s24, s19, $0xb8;
	[tilespmem:$0x1B400] =	vst v63  }
0x56: {  	_ =	swait.ge [sflag:s17], $0x2800  }
0x57: {  	[sflag:s17] =	ssyncset.done $0x0  }
0x58: {  	[sflag:s17] =	ssyncadd.s32 $0xFFFFD800  }
0x59: {  	[spmem:s4] =	stream.indirect.scatter [tilespmem:s18], [sflag:$0x5], $0x80, s25, s19, $0xb8;
	[tilespmem:$0x1B400] =	vst v63  }
0x5a: {  	_ =	swait.ge [sflag:s17], $0x2800  }
0x5b: {  	[sflag:s17] =	ssyncset.done $0x0  }
0x5c: {  	[sflag:s17] =	ssyncadd.s32 $0xFFFFD800  }
0x5d: {  	[spmem:s4] =	stream.indirect.scatter [tilespmem:s18], [sflag:$0x5], $0x80, s26, s19, $0xb8;
	[tilespmem:$0x1B400] =	vst v63  }
0x5e: {  	_ =	swait.ge [sflag:s17], $0x2800  }
0x5f: {  	[sflag:s17] =	ssyncset.done $0x0  }
0x60: {  	[sflag:s17] =	ssyncadd.s32 $0xFFFFD800  }
0x61: {  	[bflag:$0x0] =	sbarrier.arrive $0xFFFF  }
0x62: {  	s26 =	rddreg [dreg:$0x7]  }
0x63: {  	s16 =	sadd.s32 $0x0, s26  }
0x64: {  	[tilespmem:s5], [sflag:$0x5] =	stream.linear.gather [hbm4b:s16+s5], $0xC80, $0x38;
	[tilespmem:$0x1B400] =	vst v63  }
0x65: {  	_ =	swait.ge [sflag:s17], $0xC80  }
0x66: {  	s24 =	rddreg [dreg:$0x6];
	[sflag:s17] =	ssyncset.done $0x0  }
0x67: {  	[sflag:s17] =	ssyncadd.s32 $0xFFFFF380;
	s16 =	sadd.s32 $0x0, s24  }
0x68: {  	[tilespmem:s28], [sflag:$0x5] =	stream.linear.gather [hbm4b:s16+s5], $0xC80, $0x38;
	[tilespmem:$0x1B400] =	vst v63  }
0x69: {  	_ =	swait.ge [sflag:s17], $0xC80  }
0x6a: {  	[sflag:s17] =	ssyncset.done $0x0  }
0x6b: {  	[sflag:s17] =	ssyncadd.s32 $0xFFFFF380  }
0x6c: {  	[tilespmem:s18], [sflag:$0x1] =	stream.indirect.gather [hbm4b:s1+s19], $0x80, s5, s19, $0xb8;
	[tilespmem:$0x1B400] =	vst v63  }
0x6d: {  	_ =	swait.ge [sflag:s29], $0x2800  }
0x6e: {  	[sflag:s29] =	ssyncset.done $0x0  }
0x6f: {  	s25 =	rddreg [dreg:$0x8];
	[sflag:s29] =	ssyncadd.s32 $0xFFFFD800  }
0x70: {  	[tilespmem:s30], [sflag:$0x2] =	stream.indirect.gather [hbm4b:s1+s19], $0x80, s25, s19, $0xb8;
	[tilespmem:$0x1B400] =	vst v63  }
0x71: {  	_ = 	snop  }
0x72: {  	[spmem:s4] =	stream.indirect.scatter.add.f32 [tilespmem:s18], [sflag:$0x3], $0x80, s28, s19, $0xb8;
	[tilespmem:$0x1B400] =	vst v63  }
0x73: {  	_ =	swait.ge [sflag:s31], $0x2800  }
0x74: {  	[sflag:s31] =	ssyncset.done $0x0  }
0x75: {  	[sflag:s31] =	ssyncadd.s32 $0xFFFFD800  }
0x76: {  	_ =	swait.ge [sflag:s2], $0x2800  }
0x77: {  	[sflag:s2] =	ssyncset.done $0x0  }
0x78: {  	s26 =	rddreg [dreg:$0x9];
	[sflag:s2] =	ssyncadd.s32 $0xFFFFD800  }
0x79: {  	[tilespmem:s18], [sflag:$0x1] =	stream.indirect.gather [hbm4b:s1+s19], $0x80, s26, s19, $0xb8;
	[tilespmem:$0x1B400] =	vst v63  }
0x7a: {  	s24 =	rddreg [dreg:$0xa]  }
0x7b: {  	[spmem:s4] =	stream.indirect.scatter.add.f32 [tilespmem:s30], [sflag:$0x4], $0x80, s24, s19, $0xb8;
	[tilespmem:$0x1B400] =	vst v63  }
0x7c: {  	_ =	swait.ge [sflag:s29], $0x2800  }
0x7d: {  	[sflag:s29] =	ssyncset.done $0x0  }
0x7e: {  	[sflag:s29] =	ssyncadd.s32 $0xFFFFD800  }
0x7f: {  	_ =	swait.ge [sflag:s0], $0x2800  }
0x80: {  	[sflag:s0] =	ssyncset.done $0x0  }
0x81: {  	s26 =	rddreg [dreg:$0xb];
	[sflag:s0] =	ssyncadd.s32 $0xFFFFD800  }
0x82: {  	[tilespmem:s30], [sflag:$0x2] =	stream.indirect.gather [hbm4b:s1+s19], $0x80, s26, s19, $0xb8;
	[tilespmem:$0x1B400] =	vst v63  }
0x83: {  	s24 =	rddreg [dreg:$0xc]  }
0x84: {  	[spmem:s4] =	stream.indirect.scatter.add.f32 [tilespmem:s18], [sflag:$0x3], $0x80, s24, s19, $0xb8;
	[tilespmem:$0x1B400] =	vst v63  }
0x85: {  	_ =	swait.ge [sflag:s31], $0x2800  }
0x86: {  	[sflag:s31] =	ssyncset.done $0x0  }
0x87: {  	[sflag:s31] =	ssyncadd.s32 $0xFFFFD800  }
0x88: {  	_ =	swait.ge [sflag:s2], $0x2800  }
0x89: {  	[sflag:s2] =	ssyncset.done $0x0  }
0x8a: {  	s26 =	rddreg [dreg:$0xd];
	[sflag:s2] =	ssyncadd.s32 $0xFFFFD800  }
0x8b: {  	[tilespmem:s18], [sflag:$0x1] =	stream.indirect.gather [hbm4b:s1+s19], $0x80, s26, s19, $0xb8;
	[tilespmem:$0x1B400] =	vst v63  }
0x8c: {  	s24 =	rddreg [dreg:$0xe]  }
0x8d: {  	[spmem:s4] =	stream.indirect.scatter.add.f32 [tilespmem:s30], [sflag:$0x4], $0x80, s24, s19, $0xb8;
	[tilespmem:$0x1B400] =	vst v63  }
0x8e: {  	_ =	swait.ge [sflag:s29], $0x2800  }
0x8f: {  	[sflag:s29] =	ssyncset.done $0x0  }
0x90: {  	[sflag:s29] =	ssyncadd.s32 $0xFFFFD800  }
0x91: {  	_ =	swait.ge [sflag:s0], $0x2800  }
0x92: {  	[sflag:s0] =	ssyncset.done $0x0  }
0x93: {  	s26 =	rddreg [dreg:$0xf];
	[sflag:s0] =	ssyncadd.s32 $0xFFFFD800  }
0x94: {  	[tilespmem:s30], [sflag:$0x2] =	stream.indirect.gather [hbm4b:s1+s19], $0x80, s26, s19, $0xb8;
	[tilespmem:$0x1B400] =	vst v63  }
0x95: {  	s24 =	rddreg [dreg:$0x10]  }
0x96: {  	[spmem:s4] =	stream.indirect.scatter.add.f32 [tilespmem:s18], [sflag:$0x3], $0x80, s24, s19, $0xb8;
	[tilespmem:$0x1B400] =	vst v63  }
0x97: {  	_ =	swait.ge [sflag:s31], $0x2800  }
0x98: {  	[sflag:s31] =	ssyncset.done $0x0  }
0x99: {  	[sflag:s31] =	ssyncadd.s32 $0xFFFFD800  }
0x9a: {  	_ =	swait.ge [sflag:s2], $0x2800  }
0x9b: {  	[sflag:s2] =	ssyncset.done $0x0  }
0x9c: {  	s26 =	rddreg [dreg:$0x11];
	[sflag:s2] =	ssyncadd.s32 $0xFFFFD800  }
0x9d: {  	[tilespmem:s18], [sflag:$0x1] =	stream.indirect.gather [hbm4b:s1+s19], $0x80, s26, s19, $0xb8;
	[tilespmem:$0x1B400] =	vst v63  }
0x9e: {  	s24 =	rddreg [dreg:$0x12]  }
0x9f: {  	[spmem:s4] =	stream.indirect.scatter.add.f32 [tilespmem:s30], [sflag:$0x4], $0x80, s24, s19, $0xb8;
	[tilespmem:$0x1B400] =	vst v63  }
0xa0: {  	_ =	swait.ge [sflag:s29], $0x2800  }
0xa1: {  	[sflag:s29] =	ssyncset.done $0x0  }
0xa2: {  	[sflag:s29] =	ssyncadd.s32 $0xFFFFD800  }
0xa3: {  	_ =	swait.ge [sflag:s0], $0x2800  }
0xa4: {  	[sflag:s0] =	ssyncset.done $0x0  }
0xa5: {  	s26 =	rddreg [dreg:$0x13];
	[sflag:s0] =	ssyncadd.s32 $0xFFFFD800  }
0xa6: {  	[tilespmem:s30], [sflag:$0x2] =	stream.indirect.gather [hbm4b:s1+s19], $0x80, s26, s19, $0xb8;
	[tilespmem:$0x1B400] =	vst v63  }
0xa7: {  	s24 =	rddreg [dreg:$0x14]  }
0xa8: {  	[spmem:s4] =	stream.indirect.scatter.add.f32 [tilespmem:s18], [sflag:$0x3], $0x80, s24, s19, $0xb8;
	[tilespmem:$0x1B400] =	vst v63  }
0xa9: {  	_ =	swait.ge [sflag:s31], $0x2800  }
0xaa: {  	[sflag:s31] =	ssyncset.done $0x0  }
0xab: {  	[sflag:s31] =	ssyncadd.s32 $0xFFFFD800  }
0xac: {  	_ =	swait.ge [sflag:s2], $0x2800  }
0xad: {  	[sflag:s2] =	ssyncset.done $0x0  }
0xae: {  	s26 =	rddreg [dreg:$0x15];
	[sflag:s2] =	ssyncadd.s32 $0xFFFFD800  }
0xaf: {  	[tilespmem:s18], [sflag:$0x1] =	stream.indirect.gather [hbm4b:s1+s19], $0x80, s26, s19, $0xb8;
	[tilespmem:$0x1B400] =	vst v63  }
0xb0: {  	s24 =	rddreg [dreg:$0x16]  }
0xb1: {  	[spmem:s4] =	stream.indirect.scatter.add.f32 [tilespmem:s30], [sflag:$0x4], $0x80, s24, s19, $0xb8;
	[tilespmem:$0x1B400] =	vst v63  }
0xb2: {  	_ =	swait.ge [sflag:s29], $0x2800  }
0xb3: {  	[sflag:s29] =	ssyncset.done $0x0  }
0xb4: {  	[sflag:s29] =	ssyncadd.s32 $0xFFFFD800  }
0xb5: {  	_ =	swait.ge [sflag:s0], $0x2800  }
0xb6: {  	[sflag:s0] =	ssyncset.done $0x0  }
0xb7: {  	s26 =	rddreg [dreg:$0x17];
	[sflag:s0] =	ssyncadd.s32 $0xFFFFD800  }
0xb8: {  	[tilespmem:s30], [sflag:$0x2] =	stream.indirect.gather [hbm4b:s1+s19], $0x80, s26, s19, $0xb8;
	[tilespmem:$0x1B400] =	vst v63  }
0xb9: {  	s24 =	rddreg [dreg:$0x18]  }
0xba: {  	[spmem:s4] =	stream.indirect.scatter.add.f32 [tilespmem:s18], [sflag:$0x3], $0x80, s24, s19, $0xb8;
	[tilespmem:$0x1B400] =	vst v63  }
0xbb: {  	_ =	swait.ge [sflag:s31], $0x2800  }
0xbc: {  	[sflag:s31] =	ssyncset.done $0x0  }
0xbd: {  	[sflag:s31] =	ssyncadd.s32 $0xFFFFD800  }
0xbe: {  	_ =	swait.ge [sflag:s2], $0x2800  }
0xbf: {  	[sflag:s2] =	ssyncset.done $0x0  }
0xc0: {  	s26 =	rddreg [dreg:$0x19];
	[sflag:s2] =	ssyncadd.s32 $0xFFFFD800  }
0xc1: {  	[tilespmem:s18], [sflag:$0x1] =	stream.indirect.gather [hbm4b:s1+s19], $0x80, s26, s19, $0xb8;
	[tilespmem:$0x1B400] =	vst v63  }
0xc2: {  	s24 =	rddreg [dreg:$0x1a]  }
0xc3: {  	[spmem:s4] =	stream.indirect.scatter.add.f32 [tilespmem:s30], [sflag:$0x4], $0x80, s24, s19, $0xb8;
	[tilespmem:$0x1B400] =	vst v63  }
0xc4: {  	_ =	swait.ge [sflag:s29], $0x2800  }
0xc5: {  	[sflag:s29] =	ssyncset.done $0x0  }
0xc6: {  	[sflag:s29] =	ssyncadd.s32 $0xFFFFD800  }
0xc7: {  	_ =	swait.ge [sflag:s0], $0x2800  }
0xc8: {  	[sflag:s0] =	ssyncset.done $0x0  }
0xc9: {  	s26 =	rddreg [dreg:$0x1b];
	[sflag:s0] =	ssyncadd.s32 $0xFFFFD800  }
0xca: {  	[tilespmem:s30], [sflag:$0x2] =	stream.indirect.gather [hbm4b:s1+s19], $0x80, s26, s19, $0xb8;
	[tilespmem:$0x1B400] =	vst v63  }
0xcb: {  	s24 =	rddreg [dreg:$0x1c]  }
0xcc: {  	[spmem:s4] =	stream.indirect.scatter.add.f32 [tilespmem:s18], [sflag:$0x3], $0x80, s24, s19, $0xb8;
	[tilespmem:$0x1B400] =	vst v63  }
0xcd: {  	_ =	swait.ge [sflag:s31], $0x2800  }
0xce: {  	[sflag:s31] =	ssyncset.done $0x0  }
0xcf: {  	[sflag:s31] =	ssyncadd.s32 $0xFFFFD800  }
0xd0: {  	_ =	swait.ge [sflag:s2], $0x2800  }
0xd1: {  	[sflag:s2] =	ssyncset.done $0x0  }
0xd2: {  	s26 =	rddreg [dreg:$0x1d];
	[sflag:s2] =	ssyncadd.s32 $0xFFFFD800  }
0xd3: {  	[tilespmem:s18], [sflag:$0x1] =	stream.indirect.gather [hbm4b:s1+s19], $0x80, s26, s19, $0xb8;
	[tilespmem:$0x1B400] =	vst v63  }
0xd4: {  	s24 =	rddreg [dreg:$0x1e]  }
0xd5: {  	[spmem:s4] =	stream.indirect.scatter.add.f32 [tilespmem:s30], [sflag:$0x4], $0x80, s24, s19, $0xb8;
	[tilespmem:$0x1B400] =	vst v63  }
0xd6: {  	_ =	swait.ge [sflag:s29], $0x2800  }
0xd7: {  	[sflag:s29] =	ssyncset.done $0x0  }
0xd8: {  	[sflag:s29] =	ssyncadd.s32 $0xFFFFD800  }
0xd9: {  	_ =	swait.ge [sflag:s0], $0x2800  }
0xda: {  	s26 =	rddreg [dreg:$0x1f];
	[sflag:s0] =	ssyncset.done $0x0  }
0xdb: {  	s24 =	sld [smem:$0x7F4];
	[sflag:s0] =	ssyncadd.s32 $0xFFFFD800  }
0xdc: {  	[tilespmem:s30], [sflag:$0x2] =	stream.indirect.gather [hbm4b:s1+s19], $0x80, s26, s19, $0xb8;
	[tilespmem:$0x1B400] =	vst v63  }
0xdd: {  	_ = 	snop  }
0xde: {  	[spmem:s4] =	stream.indirect.scatter.add.f32 [tilespmem:s18], [sflag:$0x3], $0x80, s24, s19, $0xb8;
	[tilespmem:$0x1B400] =	vst v63  }
0xdf: {  	_ =	swait.ge [sflag:s31], $0x2800  }
0xe0: {  	[sflag:s31] =	ssyncset.done $0x0  }
0xe1: {  	[sflag:s31] =	ssyncadd.s32 $0xFFFFD800  }
0xe2: {  	_ =	swait.ge [sflag:s2], $0x2800  }
0xe3: {  	s26 =	sld [smem:$0x7F5]  }
0xe4: {  	[sflag:s2] =	ssyncset.done $0x0  }
0xe5: {  	s24 =	sld [smem:$0x7F6];
	[sflag:s2] =	ssyncadd.s32 $0xFFFFD800  }
0xe6: {  	[tilespmem:s18], [sflag:$0x1] =	stream.indirect.gather [hbm4b:s1+s19], $0x80, s26, s19, $0xb8;
	[tilespmem:$0x1B400] =	vst v63  }
0xe7: {  	_ = 	snop  }
0xe8: {  	[spmem:s4] =	stream.indirect.scatter.add.f32 [tilespmem:s30], [sflag:$0x4], $0x80, s24, s19, $0xb8;
	[tilespmem:$0x1B400] =	vst v63  }
0xe9: {  	_ =	swait.ge [sflag:s29], $0x2800  }
0xea: {  	[sflag:s29] =	ssyncset.done $0x0  }
0xeb: {  	[sflag:s29] =	ssyncadd.s32 $0xFFFFD800  }
0xec: {  	_ =	swait.ge [sflag:s0], $0x2800  }
0xed: {  	s26 =	sld [smem:$0x7F7]  }
0xee: {  	[sflag:s0] =	ssyncset.done $0x0  }
0xef: {  	s24 =	sld [smem:$0x7F8];
	[sflag:s0] =	ssyncadd.s32 $0xFFFFD800  }
0xf0: {  	[tilespmem:s30], [sflag:$0x2] =	stream.indirect.gather [hbm4b:s1+s19], $0x80, s26, s19, $0xb8;
	[tilespmem:$0x1B400] =	vst v63  }
0xf1: {  	_ = 	snop  }
0xf2: {  	[spmem:s4] =	stream.indirect.scatter.add.f32 [tilespmem:s18], [sflag:$0x3], $0x80, s24, s19, $0xb8;
	[tilespmem:$0x1B400] =	vst v63  }
0xf3: {  	_ =	swait.ge [sflag:s31], $0x2800  }
0xf4: {  	[sflag:s31] =	ssyncset.done $0x0  }
0xf5: {  	[sflag:s31] =	ssyncadd.s32 $0xFFFFD800  }
0xf6: {  	_ =	swait.ge [sflag:s2], $0x2800  }
0xf7: {  	s26 =	sld [smem:$0x7F9]  }
0xf8: {  	[sflag:s2] =	ssyncset.done $0x0  }
0xf9: {  	s24 =	sld [smem:$0x7FA];
	[sflag:s2] =	ssyncadd.s32 $0xFFFFD800  }
0xfa: {  	[tilespmem:s18], [sflag:$0x1] =	stream.indirect.gather [hbm4b:s1+s19], $0x80, s26, s19, $0xb8;
	[tilespmem:$0x1B400] =	vst v63  }
0xfb: {  	_ = 	snop  }
0xfc: {  	[spmem:s4] =	stream.indirect.scatter.add.f32 [tilespmem:s30], [sflag:$0x4], $0x80, s24, s19, $0xb8;
	[tilespmem:$0x1B400] =	vst v63  }
0xfd: {  	_ =	swait.ge [sflag:s29], $0x2800  }
0xfe: {  	[sflag:s29] =	ssyncset.done $0x0  }
0xff: {  	[sflag:s29] =	ssyncadd.s32 $0xFFFFD800  }
0x100: {  	_ =	swait.ge [sflag:s0], $0x2800  }
0x101: {  	s25 =	sld [smem:$0x7FB]  }
0x102: {  	[sflag:s0] =	ssyncset.done $0x0  }
0x103: {  	s26 =	sld [smem:$0x7FC];
	[sflag:s0] =	ssyncadd.s32 $0xFFFFD800  }
0x104: {  	[tilespmem:s30], [sflag:$0x2] =	stream.indirect.gather [hbm4b:s1+s19], $0x80, s25, s19, $0xb8;
	[tilespmem:$0x1B400] =	vst v63  }
0x105: {  	_ = 	snop  }
0x106: {  	[spmem:s4] =	stream.indirect.scatter.add.f32 [tilespmem:s18], [sflag:$0x3], $0x80, s26, s19, $0xb8;
	[tilespmem:$0x1B400] =	vst v63  }
0x107: {  	_ =	swait.ge [sflag:s31], $0x2800  }
0x108: {  	[sflag:s31] =	ssyncset.done $0x0  }
0x109: {  	[sflag:s31] =	ssyncadd.s32 $0xFFFFD800  }
0x10a: {  	_ =	swait.ge [sflag:s2], $0x2800  }
0x10b: {  	[sflag:s2] =	ssyncset.done $0x0  }
0x10c: {  	[sflag:s2] =	ssyncadd.s32 $0xFFFFD800  }
0x10d: {  	[tilespmem:s18], [sflag:$0x1] =	stream.indirect.gather [hbm4b:s1+s19], $0x80, s3, s19, $0xb8;
	[tilespmem:$0x1B400] =	vst v63  }
0x10e: {  	_ = 	snop  }
0x10f: {  	[spmem:s4] =	stream.indirect.scatter.add.f32 [tilespmem:s30], [sflag:$0x4], $0x80, s6, s19, $0xb8;
	[tilespmem:$0x1B400] =	vst v63  }
0x110: {  	_ =	swait.ge [sflag:s29], $0x2800  }
0x111: {  	[sflag:s29] =	ssyncset.done $0x0  }
0x112: {  	[sflag:s29] =	ssyncadd.s32 $0xFFFFD800  }
0x113: {  	_ =	swait.ge [sflag:s0], $0x2800  }
0x114: {  	[sflag:s0] =	ssyncset.done $0x0  }
0x115: {  	[sflag:s0] =	ssyncadd.s32 $0xFFFFD800  }
0x116: {  	[tilespmem:s30], [sflag:$0x2] =	stream.indirect.gather [hbm4b:s1+s19], $0x80, s7, s19, $0xb8;
	[tilespmem:$0x1B400] =	vst v63  }
0x117: {  	_ = 	snop  }
0x118: {  	[spmem:s4] =	stream.indirect.scatter.add.f32 [tilespmem:s18], [sflag:$0x3], $0x80, s8, s19, $0xb8;
	[tilespmem:$0x1B400] =	vst v63  }
0x119: {  	_ =	swait.ge [sflag:s31], $0x2800  }
0x11a: {  	[sflag:s31] =	ssyncset.done $0x0  }
0x11b: {  	[sflag:s31] =	ssyncadd.s32 $0xFFFFD800  }
0x11c: {  	_ =	swait.ge [sflag:s2], $0x2800  }
0x11d: {  	[sflag:s2] =	ssyncset.done $0x0  }
0x11e: {  	[sflag:s2] =	ssyncadd.s32 $0xFFFFD800  }
0x11f: {  	[tilespmem:s18], [sflag:$0x1] =	stream.indirect.gather [hbm4b:s1+s19], $0x80, s9, s19, $0xb8;
	[tilespmem:$0x1B400] =	vst v63  }
0x120: {  	_ = 	snop  }
0x121: {  	[spmem:s4] =	stream.indirect.scatter.add.f32 [tilespmem:s30], [sflag:$0x4], $0x80, s10, s19, $0xb8;
	[tilespmem:$0x1B400] =	vst v63  }
0x122: {  	_ =	swait.ge [sflag:s29], $0x2800  }
0x123: {  	[sflag:s29] =	ssyncset.done $0x0  }
0x124: {  	[sflag:s29] =	ssyncadd.s32 $0xFFFFD800  }
0x125: {  	_ =	swait.ge [sflag:s0], $0x2800  }
0x126: {  	[sflag:s0] =	ssyncset.done $0x0  }
0x127: {  	[sflag:s0] =	ssyncadd.s32 $0xFFFFD800  }
0x128: {  	[tilespmem:s30], [sflag:$0x2] =	stream.indirect.gather [hbm4b:s1+s19], $0x80, s11, s19, $0xb8;
	[tilespmem:$0x1B400] =	vst v63  }
0x129: {  	_ = 	snop  }
0x12a: {  	[spmem:s4] =	stream.indirect.scatter.add.f32 [tilespmem:s18], [sflag:$0x3], $0x80, s12, s19, $0xb8;
	[tilespmem:$0x1B400] =	vst v63  }
0x12b: {  	_ =	swait.ge [sflag:s31], $0x2800  }
0x12c: {  	[sflag:s31] =	ssyncset.done $0x0  }
0x12d: {  	[sflag:s31] =	ssyncadd.s32 $0xFFFFD800  }
0x12e: {  	_ =	swait.ge [sflag:s2], $0x2800  }
0x12f: {  	[sflag:s2] =	ssyncset.done $0x0  }
0x130: {  	[sflag:s2] =	ssyncadd.s32 $0xFFFFD800  }
0x131: {  	[tilespmem:s18], [sflag:$0x1] =	stream.indirect.gather [hbm4b:s1+s19], $0x80, s13, s19, $0xb8;
	[tilespmem:$0x1B400] =	vst v63  }
0x132: {  	_ = 	snop  }
0x133: {  	[spmem:s4] =	stream.indirect.scatter.add.f32 [tilespmem:s30], [sflag:$0x4], $0x80, s14, s19, $0xb8;
	[tilespmem:$0x1B400] =	vst v63  }
0x134: {  	_ =	swait.ge [sflag:s29], $0x2800  }
0x135: {  	[sflag:s29] =	ssyncset.done $0x0  }
0x136: {  	[sflag:s29] =	ssyncadd.s32 $0xFFFFD800  }
0x137: {  	_ =	swait.ge [sflag:s0], $0x2800  }
0x138: {  	[sflag:s0] =	ssyncset.done $0x0  }
0x139: {  	[sflag:s0] =	ssyncadd.s32 $0xFFFFD800  }
0x13a: {  	[tilespmem:s30], [sflag:$0x2] =	stream.indirect.gather [hbm4b:s1+s19], $0x80, s20, s19, $0xb8;
	[tilespmem:$0x1B400] =	vst v63  }
0x13b: {  	_ = 	snop  }
0x13c: {  	[spmem:s4] =	stream.indirect.scatter.add.f32 [tilespmem:s18], [sflag:$0x3], $0x80, s15, s19, $0xb8;
	[tilespmem:$0x1B400] =	vst v63  }
0x13d: {  	_ =	swait.ge [sflag:s31], $0x2800  }
0x13e: {  	[sflag:s31] =	ssyncset.done $0x0  }
0x13f: {  	[sflag:s31] =	ssyncadd.s32 $0xFFFFD800  }
0x140: {  	_ =	swait.ge [sflag:s2], $0x2800  }
0x141: {  	[sflag:s2] =	ssyncset.done $0x0  }
0x142: {  	[sflag:s2] =	ssyncadd.s32 $0xFFFFD800  }
0x143: {  	[tilespmem:s18], [sflag:$0x1] =	stream.indirect.gather [hbm4b:s1+s19], $0x80, s21, s19, $0xb8;
	[tilespmem:$0x1B400] =	vst v63  }
0x144: {  	_ = 	snop  }
0x145: {  	[spmem:s4] =	stream.indirect.scatter.add.f32 [tilespmem:s30], [sflag:$0x4], $0x80, s22, s19, $0xb8;
	[tilespmem:$0x1B400] =	vst v63  }
0x146: {  	_ =	swait.ge [sflag:s29], $0x2800  }
0x147: {  	[sflag:s29] =	ssyncset.done $0x0  }
0x148: {  	[sflag:s29] =	ssyncadd.s32 $0xFFFFD800  }
0x149: {  	[spmem:s4] =	stream.indirect.scatter.add.f32 [tilespmem:s18], [sflag:$0x3], $0x80, s23, s19, $0xb8;
	[tilespmem:$0x1B400] =	vst v63  }
0x14a: {  	_ =	swait.ge [sflag:s2], $0x2800  }
0x14b: {  	[sflag:s2] =	ssyncset.done $0x0  }
0x14c: {  	[sflag:s2] =	ssyncadd.s32 $0xFFFFD800  }
0x14d: {  	s25 =	simm.s32 $0x200;
	_ =	swait.ge [sflag:s0], $0x2800  }
0x14e: {  	s26 =	simm.s32 $0x400;
	s16 =	rddreg [dreg:$0x7];
	[sflag:s0] =	ssyncset.done $0x0  }
.LBB2_2:
0x14f: {  	[sflag:s0] =	ssyncadd.s32 $0xFFFFD800;
	s16 =	sadd.s32 s25, s16  }
0x150: {  	[tilespmem:s5], [sflag:$0x5] =	stream.linear.gather [hbm4b:s16+s5], $0xC80, $0x38;
	[tilespmem:$0x1B400] =	vst v63  }
0x151: {  	_ =	swait.ge [sflag:s17], $0xC80  }
0x152: {  	s16 =	rddreg [dreg:$0x6];
	[sflag:s17] =	ssyncset.done $0x0  }
0x153: {  	[sflag:s17] =	ssyncadd.s32 $0xFFFFF380;
	s16 =	sadd.s32 s25, s16  }
0x154: {  	[tilespmem:s28], [sflag:$0x5] =	stream.linear.gather [hbm4b:s16+s5], $0xC80, $0x38;
	[tilespmem:$0x1B400] =	vst v63  }
0x155: {  	_ =	swait.ge [sflag:s17], $0xC80  }
0x156: {  	[sflag:s17] =	ssyncset.done $0x0  }
0x157: {  	[sflag:s17] =	ssyncadd.s32 $0xFFFFF380  }
0x158: {  	[tilespmem:s18], [sflag:$0x1] =	stream.indirect.gather [hbm4b:s1+s19], $0x80, s5, s19, $0xb8;
	[tilespmem:$0x1B400] =	vst v63  }
0x159: {  	_ =	swait.ge [sflag:s29], $0x2800  }
0x15a: {  	s24 =	smov.u32 s26;
	[sflag:s29] =	ssyncset.done $0x0  }
0x15b: {  	s25 =	smov.u32 s24;
	s24 =	rddreg [dreg:$0x8];
	[sflag:s29] =	ssyncadd.s32 $0xFFFFD800  }
0x15c: {  	[tilespmem:s30], [sflag:$0x2] =	stream.indirect.gather [hbm4b:s1+s19], $0x80, s24, s19, $0xb8;
	[tilespmem:$0x1B400] =	vst v63  }
0x15d: {  	_ = 	snop  }
0x15e: {  	[spmem:s4] =	stream.indirect.scatter.add.f32 [tilespmem:s18], [sflag:$0x3], $0x80, s28, s19, $0xb8;
	[tilespmem:$0x1B400] =	vst v63  }
0x15f: {  	_ =	swait.ge [sflag:s31], $0x2800  }
0x160: {  	[sflag:s31] =	ssyncset.done $0x0  }
0x161: {  	[sflag:s31] =	ssyncadd.s32 $0xFFFFD800  }
0x162: {  	_ =	swait.ge [sflag:s2], $0x2800  }
0x163: {  	[sflag:s2] =	ssyncset.done $0x0  }
0x164: {  	s16 =	rddreg [dreg:$0x9];
	[sflag:s2] =	ssyncadd.s32 $0xFFFFD800  }
0x165: {  	[tilespmem:s18], [sflag:$0x1] =	stream.indirect.gather [hbm4b:s1+s19], $0x80, s16, s19, $0xb8;
	[tilespmem:$0x1B400] =	vst v63  }
0x166: {  	s24 =	rddreg [dreg:$0xa]  }
0x167: {  	[spmem:s4] =	stream.indirect.scatter.add.f32 [tilespmem:s30], [sflag:$0x4], $0x80, s24, s19, $0xb8;
	[tilespmem:$0x1B400] =	vst v63  }
0x168: {  	_ =	swait.ge [sflag:s29], $0x2800  }
0x169: {  	[sflag:s29] =	ssyncset.done $0x0  }
0x16a: {  	[sflag:s29] =	ssyncadd.s32 $0xFFFFD800  }
0x16b: {  	_ =	swait.ge [sflag:s0], $0x2800  }
0x16c: {  	[sflag:s0] =	ssyncset.done $0x0  }
0x16d: {  	s16 =	rddreg [dreg:$0xb];
	[sflag:s0] =	ssyncadd.s32 $0xFFFFD800  }
0x16e: {  	[tilespmem:s30], [sflag:$0x2] =	stream.indirect.gather [hbm4b:s1+s19], $0x80, s16, s19, $0xb8;
	[tilespmem:$0x1B400] =	vst v63  }
0x16f: {  	s24 =	rddreg [dreg:$0xc]  }
0x170: {  	[spmem:s4] =	stream.indirect.scatter.add.f32 [tilespmem:s18], [sflag:$0x3], $0x80, s24, s19, $0xb8;
	[tilespmem:$0x1B400] =	vst v63  }
0x171: {  	_ =	swait.ge [sflag:s31], $0x2800  }
0x172: {  	[sflag:s31] =	ssyncset.done $0x0  }
0x173: {  	[sflag:s31] =	ssyncadd.s32 $0xFFFFD800  }
0x174: {  	_ =	swait.ge [sflag:s2], $0x2800  }
0x175: {  	[sflag:s2] =	ssyncset.done $0x0  }
0x176: {  	s16 =	rddreg [dreg:$0xd];
	[sflag:s2] =	ssyncadd.s32 $0xFFFFD800  }
0x177: {  	[tilespmem:s18], [sflag:$0x1] =	stream.indirect.gather [hbm4b:s1+s19], $0x80, s16, s19, $0xb8;
	[tilespmem:$0x1B400] =	vst v63  }
0x178: {  	s24 =	rddreg [dreg:$0xe]  }
0x179: {  	[spmem:s4] =	stream.indirect.scatter.add.f32 [tilespmem:s30], [sflag:$0x4], $0x80, s24, s19, $0xb8;
	[tilespmem:$0x1B400] =	vst v63  }
0x17a: {  	_ =	swait.ge [sflag:s29], $0x2800  }
0x17b: {  	[sflag:s29] =	ssyncset.done $0x0  }
0x17c: {  	[sflag:s29] =	ssyncadd.s32 $0xFFFFD800  }
0x17d: {  	_ =	swait.ge [sflag:s0], $0x2800  }
0x17e: {  	[sflag:s0] =	ssyncset.done $0x0  }
0x17f: {  	s16 =	rddreg [dreg:$0xf];
	[sflag:s0] =	ssyncadd.s32 $0xFFFFD800  }
0x180: {  	[tilespmem:s30], [sflag:$0x2] =	stream.indirect.gather [hbm4b:s1+s19], $0x80, s16, s19, $0xb8;
	[tilespmem:$0x1B400] =	vst v63  }
0x181: {  	s24 =	rddreg [dreg:$0x10]  }
0x182: {  	[spmem:s4] =	stream.indirect.scatter.add.f32 [tilespmem:s18], [sflag:$0x3], $0x80, s24, s19, $0xb8;
	[tilespmem:$0x1B400] =	vst v63  }
0x183: {  	_ =	swait.ge [sflag:s31], $0x2800  }
0x184: {  	[sflag:s31] =	ssyncset.done $0x0  }
0x185: {  	[sflag:s31] =	ssyncadd.s32 $0xFFFFD800  }
0x186: {  	_ =	swait.ge [sflag:s2], $0x2800  }
0x187: {  	[sflag:s2] =	ssyncset.done $0x0  }
0x188: {  	s16 =	rddreg [dreg:$0x11];
	[sflag:s2] =	ssyncadd.s32 $0xFFFFD800  }
0x189: {  	[tilespmem:s18], [sflag:$0x1] =	stream.indirect.gather [hbm4b:s1+s19], $0x80, s16, s19, $0xb8;
	[tilespmem:$0x1B400] =	vst v63  }
0x18a: {  	s24 =	rddreg [dreg:$0x12]  }
0x18b: {  	[spmem:s4] =	stream.indirect.scatter.add.f32 [tilespmem:s30], [sflag:$0x4], $0x80, s24, s19, $0xb8;
	[tilespmem:$0x1B400] =	vst v63  }
0x18c: {  	_ =	swait.ge [sflag:s29], $0x2800  }
0x18d: {  	[sflag:s29] =	ssyncset.done $0x0  }
0x18e: {  	[sflag:s29] =	ssyncadd.s32 $0xFFFFD800  }
0x18f: {  	_ =	swait.ge [sflag:s0], $0x2800  }
0x190: {  	[sflag:s0] =	ssyncset.done $0x0  }
0x191: {  	s16 =	rddreg [dreg:$0x13];
	[sflag:s0] =	ssyncadd.s32 $0xFFFFD800  }
0x192: {  	[tilespmem:s30], [sflag:$0x2] =	stream.indirect.gather [hbm4b:s1+s19], $0x80, s16, s19, $0xb8;
	[tilespmem:$0x1B400] =	vst v63  }
0x193: {  	s24 =	rddreg [dreg:$0x14]  }
0x194: {  	[spmem:s4] =	stream.indirect.scatter.add.f32 [tilespmem:s18], [sflag:$0x3], $0x80, s24, s19, $0xb8;
	[tilespmem:$0x1B400] =	vst v63  }
0x195: {  	_ =	swait.ge [sflag:s31], $0x2800  }
0x196: {  	[sflag:s31] =	ssyncset.done $0x0  }
0x197: {  	[sflag:s31] =	ssyncadd.s32 $0xFFFFD800  }
0x198: {  	_ =	swait.ge [sflag:s2], $0x2800  }
0x199: {  	[sflag:s2] =	ssyncset.done $0x0  }
0x19a: {  	s16 =	rddreg [dreg:$0x15];
	[sflag:s2] =	ssyncadd.s32 $0xFFFFD800  }
0x19b: {  	[tilespmem:s18], [sflag:$0x1] =	stream.indirect.gather [hbm4b:s1+s19], $0x80, s16, s19, $0xb8;
	[tilespmem:$0x1B400] =	vst v63  }
0x19c: {  	s24 =	rddreg [dreg:$0x16]  }
0x19d: {  	[spmem:s4] =	stream.indirect.scatter.add.f32 [tilespmem:s30], [sflag:$0x4], $0x80, s24, s19, $0xb8;
	[tilespmem:$0x1B400] =	vst v63  }
0x19e: {  	_ =	swait.ge [sflag:s29], $0x2800  }
0x19f: {  	[sflag:s29] =	ssyncset.done $0x0  }
0x1a0: {  	[sflag:s29] =	ssyncadd.s32 $0xFFFFD800  }
0x1a1: {  	_ =	swait.ge [sflag:s0], $0x2800  }
0x1a2: {  	[sflag:s0] =	ssyncset.done $0x0  }
0x1a3: {  	s16 =	rddreg [dreg:$0x17];
	[sflag:s0] =	ssyncadd.s32 $0xFFFFD800  }
0x1a4: {  	[tilespmem:s30], [sflag:$0x2] =	stream.indirect.gather [hbm4b:s1+s19], $0x80, s16, s19, $0xb8;
	[tilespmem:$0x1B400] =	vst v63  }
0x1a5: {  	s24 =	rddreg [dreg:$0x18]  }
0x1a6: {  	[spmem:s4] =	stream.indirect.scatter.add.f32 [tilespmem:s18], [sflag:$0x3], $0x80, s24, s19, $0xb8;
	[tilespmem:$0x1B400] =	vst v63  }
0x1a7: {  	_ =	swait.ge [sflag:s31], $0x2800  }
0x1a8: {  	[sflag:s31] =	ssyncset.done $0x0  }
0x1a9: {  	[sflag:s31] =	ssyncadd.s32 $0xFFFFD800  }
0x1aa: {  	_ =	swait.ge [sflag:s2], $0x2800  }
0x1ab: {  	[sflag:s2] =	ssyncset.done $0x0  }
0x1ac: {  	s16 =	rddreg [dreg:$0x19];
	[sflag:s2] =	ssyncadd.s32 $0xFFFFD800  }
0x1ad: {  	[tilespmem:s18], [sflag:$0x1] =	stream.indirect.gather [hbm4b:s1+s19], $0x80, s16, s19, $0xb8;
	[tilespmem:$0x1B400] =	vst v63  }
0x1ae: {  	s24 =	rddreg [dreg:$0x1a]  }
0x1af: {  	[spmem:s4] =	stream.indirect.scatter.add.f32 [tilespmem:s30], [sflag:$0x4], $0x80, s24, s19, $0xb8;
	[tilespmem:$0x1B400] =	vst v63  }
0x1b0: {  	_ =	swait.ge [sflag:s29], $0x2800  }
0x1b1: {  	[sflag:s29] =	ssyncset.done $0x0  }
0x1b2: {  	[sflag:s29] =	ssyncadd.s32 $0xFFFFD800  }
0x1b3: {  	_ =	swait.ge [sflag:s0], $0x2800  }
0x1b4: {  	[sflag:s0] =	ssyncset.done $0x0  }
0x1b5: {  	s16 =	rddreg [dreg:$0x1b];
	[sflag:s0] =	ssyncadd.s32 $0xFFFFD800  }
0x1b6: {  	[tilespmem:s30], [sflag:$0x2] =	stream.indirect.gather [hbm4b:s1+s19], $0x80, s16, s19, $0xb8;
	[tilespmem:$0x1B400] =	vst v63  }
0x1b7: {  	s24 =	rddreg [dreg:$0x1c]  }
0x1b8: {  	[spmem:s4] =	stream.indirect.scatter.add.f32 [tilespmem:s18], [sflag:$0x3], $0x80, s24, s19, $0xb8;
	[tilespmem:$0x1B400] =	vst v63  }
0x1b9: {  	_ =	swait.ge [sflag:s31], $0x2800  }
0x1ba: {  	[sflag:s31] =	ssyncset.done $0x0  }
0x1bb: {  	[sflag:s31] =	ssyncadd.s32 $0xFFFFD800  }
0x1bc: {  	_ =	swait.ge [sflag:s2], $0x2800  }
0x1bd: {  	[sflag:s2] =	ssyncset.done $0x0  }
0x1be: {  	s16 =	rddreg [dreg:$0x1d];
	[sflag:s2] =	ssyncadd.s32 $0xFFFFD800  }
0x1bf: {  	[tilespmem:s18], [sflag:$0x1] =	stream.indirect.gather [hbm4b:s1+s19], $0x80, s16, s19, $0xb8;
	[tilespmem:$0x1B400] =	vst v63  }
0x1c0: {  	s24 =	rddreg [dreg:$0x1e]  }
0x1c1: {  	[spmem:s4] =	stream.indirect.scatter.add.f32 [tilespmem:s30], [sflag:$0x4], $0x80, s24, s19, $0xb8;
	[tilespmem:$0x1B400] =	vst v63  }
0x1c2: {  	_ =	swait.ge [sflag:s29], $0x2800  }
0x1c3: {  	[sflag:s29] =	ssyncset.done $0x0  }
0x1c4: {  	[sflag:s29] =	ssyncadd.s32 $0xFFFFD800  }
0x1c5: {  	_ =	swait.ge [sflag:s0], $0x2800  }
0x1c6: {  	s16 =	rddreg [dreg:$0x1f];
	[sflag:s0] =	ssyncset.done $0x0  }
0x1c7: {  	s24 =	sld [smem:$0x7F4];
	[sflag:s0] =	ssyncadd.s32 $0xFFFFD800  }
0x1c8: {  	[tilespmem:s30], [sflag:$0x2] =	stream.indirect.gather [hbm4b:s1+s19], $0x80, s16, s19, $0xb8;
	[tilespmem:$0x1B400] =	vst v63  }
0x1c9: {  	_ = 	snop  }
0x1ca: {  	[spmem:s4] =	stream.indirect.scatter.add.f32 [tilespmem:s18], [sflag:$0x3], $0x80, s24, s19, $0xb8;
	[tilespmem:$0x1B400] =	vst v63  }
0x1cb: {  	_ =	swait.ge [sflag:s31], $0x2800  }
0x1cc: {  	[sflag:s31] =	ssyncset.done $0x0  }
0x1cd: {  	[sflag:s31] =	ssyncadd.s32 $0xFFFFD800  }
0x1ce: {  	_ =	swait.ge [sflag:s2], $0x2800  }
0x1cf: {  	s16 =	sld [smem:$0x7F5]  }
0x1d0: {  	[sflag:s2] =	ssyncset.done $0x0  }
0x1d1: {  	s24 =	sld [smem:$0x7F6];
	[sflag:s2] =	ssyncadd.s32 $0xFFFFD800  }
0x1d2: {  	[tilespmem:s18], [sflag:$0x1] =	stream.indirect.gather [hbm4b:s1+s19], $0x80, s16, s19, $0xb8;
	[tilespmem:$0x1B400] =	vst v63  }
0x1d3: {  	_ = 	snop  }
0x1d4: {  	[spmem:s4] =	stream.indirect.scatter.add.f32 [tilespmem:s30], [sflag:$0x4], $0x80, s24, s19, $0xb8;
	[tilespmem:$0x1B400] =	vst v63  }
0x1d5: {  	_ =	swait.ge [sflag:s29], $0x2800  }
0x1d6: {  	[sflag:s29] =	ssyncset.done $0x0  }
0x1d7: {  	[sflag:s29] =	ssyncadd.s32 $0xFFFFD800  }
0x1d8: {  	_ =	swait.ge [sflag:s0], $0x2800  }
0x1d9: {  	s16 =	sld [smem:$0x7F7]  }
0x1da: {  	[sflag:s0] =	ssyncset.done $0x0  }
0x1db: {  	s24 =	sld [smem:$0x7F8];
	[sflag:s0] =	ssyncadd.s32 $0xFFFFD800  }
0x1dc: {  	[tilespmem:s30], [sflag:$0x2] =	stream.indirect.gather [hbm4b:s1+s19], $0x80, s16, s19, $0xb8;
	[tilespmem:$0x1B400] =	vst v63  }
0x1dd: {  	_ = 	snop  }
0x1de: {  	[spmem:s4] =	stream.indirect.scatter.add.f32 [tilespmem:s18], [sflag:$0x3], $0x80, s24, s19, $0xb8;
	[tilespmem:$0x1B400] =	vst v63  }
0x1df: {  	_ =	swait.ge [sflag:s31], $0x2800  }
0x1e0: {  	[sflag:s31] =	ssyncset.done $0x0  }
0x1e1: {  	[sflag:s31] =	ssyncadd.s32 $0xFFFFD800  }
0x1e2: {  	_ =	swait.ge [sflag:s2], $0x2800  }
0x1e3: {  	s16 =	sld [smem:$0x7F9]  }
0x1e4: {  	[sflag:s2] =	ssyncset.done $0x0  }
0x1e5: {  	s24 =	sld [smem:$0x7FA];
	[sflag:s2] =	ssyncadd.s32 $0xFFFFD800  }
0x1e6: {  	[tilespmem:s18], [sflag:$0x1] =	stream.indirect.gather [hbm4b:s1+s19], $0x80, s16, s19, $0xb8;
	[tilespmem:$0x1B400] =	vst v63  }
0x1e7: {  	_ = 	snop  }
0x1e8: {  	[spmem:s4] =	stream.indirect.scatter.add.f32 [tilespmem:s30], [sflag:$0x4], $0x80, s24, s19, $0xb8;
	[tilespmem:$0x1B400] =	vst v63  }
0x1e9: {  	_ =	swait.ge [sflag:s29], $0x2800  }
0x1ea: {  	[sflag:s29] =	ssyncset.done $0x0  }
0x1eb: {  	[sflag:s29] =	ssyncadd.s32 $0xFFFFD800  }
0x1ec: {  	_ =	swait.ge [sflag:s0], $0x2800  }
0x1ed: {  	s16 =	sld [smem:$0x7FB]  }
0x1ee: {  	[sflag:s0] =	ssyncset.done $0x0  }
0x1ef: {  	s24 =	sld [smem:$0x7FC];
	[sflag:s0] =	ssyncadd.s32 $0xFFFFD800  }
0x1f0: {  	[tilespmem:s30], [sflag:$0x2] =	stream.indirect.gather [hbm4b:s1+s19], $0x80, s16, s19, $0xb8;
	[tilespmem:$0x1B400] =	vst v63  }
0x1f1: {  	_ = 	snop  }
0x1f2: {  	[spmem:s4] =	stream.indirect.scatter.add.f32 [tilespmem:s18], [sflag:$0x3], $0x80, s24, s19, $0xb8;
	[tilespmem:$0x1B400] =	vst v63  }
0x1f3: {  	_ =	swait.ge [sflag:s31], $0x2800  }
0x1f4: {  	[sflag:s31] =	ssyncset.done $0x0  }
0x1f5: {  	[sflag:s31] =	ssyncadd.s32 $0xFFFFD800  }
0x1f6: {  	_ =	swait.ge [sflag:s2], $0x2800  }
0x1f7: {  	[sflag:s2] =	ssyncset.done $0x0  }
0x1f8: {  	[sflag:s2] =	ssyncadd.s32 $0xFFFFD800  }
0x1f9: {  	[tilespmem:s18], [sflag:$0x1] =	stream.indirect.gather [hbm4b:s1+s19], $0x80, s3, s19, $0xb8;
	[tilespmem:$0x1B400] =	vst v63  }
0x1fa: {  	_ = 	snop  }
0x1fb: {  	[spmem:s4] =	stream.indirect.scatter.add.f32 [tilespmem:s30], [sflag:$0x4], $0x80, s6, s19, $0xb8;
	[tilespmem:$0x1B400] =	vst v63  }
0x1fc: {  	_ =	swait.ge [sflag:s29], $0x2800  }
0x1fd: {  	[sflag:s29] =	ssyncset.done $0x0  }
0x1fe: {  	[sflag:s29] =	ssyncadd.s32 $0xFFFFD800  }
0x1ff: {  	_ =	swait.ge [sflag:s0], $0x2800  }
0x200: {  	[sflag:s0] =	ssyncset.done $0x0  }
0x201: {  	[sflag:s0] =	ssyncadd.s32 $0xFFFFD800  }
0x202: {  	[tilespmem:s30], [sflag:$0x2] =	stream.indirect.gather [hbm4b:s1+s19], $0x80, s7, s19, $0xb8;
	[tilespmem:$0x1B400] =	vst v63  }
0x203: {  	_ = 	snop  }
0x204: {  	[spmem:s4] =	stream.indirect.scatter.add.f32 [tilespmem:s18], [sflag:$0x3], $0x80, s8, s19, $0xb8;
	[tilespmem:$0x1B400] =	vst v63  }
0x205: {  	_ =	swait.ge [sflag:s31], $0x2800  }
0x206: {  	[sflag:s31] =	ssyncset.done $0x0  }
0x207: {  	[sflag:s31] =	ssyncadd.s32 $0xFFFFD800  }
0x208: {  	_ =	swait.ge [sflag:s2], $0x2800  }
0x209: {  	[sflag:s2] =	ssyncset.done $0x0  }
0x20a: {  	[sflag:s2] =	ssyncadd.s32 $0xFFFFD800  }
0x20b: {  	[tilespmem:s18], [sflag:$0x1] =	stream.indirect.gather [hbm4b:s1+s19], $0x80, s9, s19, $0xb8;
	[tilespmem:$0x1B400] =	vst v63  }
0x20c: {  	_ = 	snop  }
0x20d: {  	[spmem:s4] =	stream.indirect.scatter.add.f32 [tilespmem:s30], [sflag:$0x4], $0x80, s10, s19, $0xb8;
	[tilespmem:$0x1B400] =	vst v63  }
0x20e: {  	_ =	swait.ge [sflag:s29], $0x2800  }
0x20f: {  	[sflag:s29] =	ssyncset.done $0x0  }
0x210: {  	[sflag:s29] =	ssyncadd.s32 $0xFFFFD800  }
0x211: {  	_ =	swait.ge [sflag:s0], $0x2800  }
0x212: {  	[sflag:s0] =	ssyncset.done $0x0  }
0x213: {  	[sflag:s0] =	ssyncadd.s32 $0xFFFFD800  }
0x214: {  	[tilespmem:s30], [sflag:$0x2] =	stream.indirect.gather [hbm4b:s1+s19], $0x80, s11, s19, $0xb8;
	[tilespmem:$0x1B400] =	vst v63  }
0x215: {  	_ = 	snop  }
0x216: {  	[spmem:s4] =	stream.indirect.scatter.add.f32 [tilespmem:s18], [sflag:$0x3], $0x80, s12, s19, $0xb8;
	[tilespmem:$0x1B400] =	vst v63  }
0x217: {  	_ =	swait.ge [sflag:s31], $0x2800  }
0x218: {  	[sflag:s31] =	ssyncset.done $0x0  }
0x219: {  	[sflag:s31] =	ssyncadd.s32 $0xFFFFD800  }
0x21a: {  	_ =	swait.ge [sflag:s2], $0x2800  }
0x21b: {  	[sflag:s2] =	ssyncset.done $0x0  }
0x21c: {  	[sflag:s2] =	ssyncadd.s32 $0xFFFFD800  }
0x21d: {  	[tilespmem:s18], [sflag:$0x1] =	stream.indirect.gather [hbm4b:s1+s19], $0x80, s13, s19, $0xb8;
	[tilespmem:$0x1B400] =	vst v63  }
0x21e: {  	_ = 	snop  }
0x21f: {  	[spmem:s4] =	stream.indirect.scatter.add.f32 [tilespmem:s30], [sflag:$0x4], $0x80, s14, s19, $0xb8;
	[tilespmem:$0x1B400] =	vst v63  }
0x220: {  	_ =	swait.ge [sflag:s29], $0x2800  }
0x221: {  	[sflag:s29] =	ssyncset.done $0x0  }
0x222: {  	[sflag:s29] =	ssyncadd.s32 $0xFFFFD800  }
0x223: {  	_ =	swait.ge [sflag:s0], $0x2800  }
0x224: {  	[sflag:s0] =	ssyncset.done $0x0  }
0x225: {  	[sflag:s0] =	ssyncadd.s32 $0xFFFFD800  }
0x226: {  	[tilespmem:s30], [sflag:$0x2] =	stream.indirect.gather [hbm4b:s1+s19], $0x80, s20, s19, $0xb8;
	[tilespmem:$0x1B400] =	vst v63  }
0x227: {  	_ = 	snop  }
0x228: {  	[spmem:s4] =	stream.indirect.scatter.add.f32 [tilespmem:s18], [sflag:$0x3], $0x80, s15, s19, $0xb8;
	[tilespmem:$0x1B400] =	vst v63  }
0x229: {  	_ =	swait.ge [sflag:s31], $0x2800  }
0x22a: {  	[sflag:s31] =	ssyncset.done $0x0  }
0x22b: {  	[sflag:s31] =	ssyncadd.s32 $0xFFFFD800  }
0x22c: {  	_ =	swait.ge [sflag:s2], $0x2800  }
0x22d: {  	[sflag:s2] =	ssyncset.done $0x0  }
0x22e: {  	[sflag:s2] =	ssyncadd.s32 $0xFFFFD800  }
0x22f: {  	[tilespmem:s18], [sflag:$0x1] =	stream.indirect.gather [hbm4b:s1+s19], $0x80, s21, s19, $0xb8;
	[tilespmem:$0x1B400] =	vst v63  }
0x230: {  	_ = 	snop  }
0x231: {  	[spmem:s4] =	stream.indirect.scatter.add.f32 [tilespmem:s30], [sflag:$0x4], $0x80, s22, s19, $0xb8;
	[tilespmem:$0x1B400] =	vst v63  }
0x232: {  	_ =	swait.ge [sflag:s29], $0x2800  }
0x233: {  	[sflag:s29] =	ssyncset.done $0x0  }
0x234: {  	p0 =	sne.s32 s26, $0x800;
	[sflag:s29] =	ssyncadd.s32 $0xFFFFD800  }
0x235: {  	[spmem:s4] =	stream.indirect.scatter.add.f32 [tilespmem:s18], [sflag:$0x3], $0x80, s23, s19, $0xb8;
	[tilespmem:$0x1B400] =	vst v63  }
.Ltmp0:
0x236: {  	_ =	swait.ge [sflag:s2], $0x2800;
	(pc) =	sbr.rel @p0 .LBB2_2-.Ltmp0, $4  }
0x237: {  	[sflag:s2] =	ssyncset.done $0x0  }
0x238: {  	[sflag:s2] =	ssyncadd.s32 $0xFFFFD800  }
0x239: {  	_ =	swait.ge [sflag:s0], $0x2800  }
0x23a: {  	s26 =	sadd.s32 $0x200, s26;
	s16 =	rddreg [dreg:$0x7];
	[sflag:s0] =	ssyncset.done $0x0  }
0x23b: {  	[sflag:s0] =	ssyncadd.s32 $0xFFFFD800;
	s16 =	sadd.s32 s25, s16  }
0x23c: {  	[tilespmem:s5], [sflag:$0x5] =	stream.linear.gather [hbm4b:s16+s5], $0xC80, $0x38;
	[tilespmem:$0x1B400] =	vst v63  }
0x23d: {  	_ =	swait.ge [sflag:s17], $0xC80  }
0x23e: {  	s24 =	rddreg [dreg:$0x6];
	[sflag:s17] =	ssyncset.done $0x0  }
0x23f: {  	[sflag:s17] =	ssyncadd.s32 $0xFFFFF380;
	s16 =	sadd.s32 s25, s24  }
0x240: {  	[tilespmem:s28], [sflag:$0x5] =	stream.linear.gather [hbm4b:s16+s5], $0xC80, $0x38;
	[tilespmem:$0x1B400] =	vst v63  }
0x241: {  	_ =	swait.ge [sflag:s17], $0xC80  }
0x242: {  	[sflag:s17] =	ssyncset.done $0x0  }
0x243: {  	[sflag:s17] =	ssyncadd.s32 $0xFFFFF380  }
0x244: {  	[tilespmem:s18], [sflag:$0x1] =	stream.indirect.gather [hbm4b:s1+s19], $0x80, s5, s19, $0xb8;
	[tilespmem:$0x1B400] =	vst v63  }
0x245: {  	_ =	swait.ge [sflag:s29], $0x2800  }
0x246: {  	[sflag:s29] =	ssyncset.done $0x0  }
0x247: {  	s25 =	rddreg [dreg:$0x8];
	[sflag:s29] =	ssyncadd.s32 $0xFFFFD800  }
0x248: {  	[tilespmem:s30], [sflag:$0x2] =	stream.indirect.gather [hbm4b:s1+s19], $0x80, s25, s19, $0xb8;
	[tilespmem:$0x1B400] =	vst v63  }
0x249: {  	_ = 	snop  }
0x24a: {  	[spmem:s4] =	stream.indirect.scatter.add.f32 [tilespmem:s18], [sflag:$0x3], $0x80, s28, s19, $0xb8;
	[tilespmem:$0x1B400] =	vst v63  }
0x24b: {  	_ =	swait.ge [sflag:s31], $0x2800  }
0x24c: {  	[sflag:s31] =	ssyncset.done $0x0  }
0x24d: {  	[sflag:s31] =	ssyncadd.s32 $0xFFFFD800  }
0x24e: {  	_ =	swait.ge [sflag:s2], $0x2800  }
0x24f: {  	[sflag:s2] =	ssyncset.done $0x0  }
0x250: {  	s26 =	rddreg [dreg:$0x9];
	[sflag:s2] =	ssyncadd.s32 $0xFFFFD800  }
0x251: {  	[tilespmem:s18], [sflag:$0x1] =	stream.indirect.gather [hbm4b:s1+s19], $0x80, s26, s19, $0xb8;
	[tilespmem:$0x1B400] =	vst v63  }
0x252: {  	s24 =	rddreg [dreg:$0xa]  }
0x253: {  	[spmem:s4] =	stream.indirect.scatter.add.f32 [tilespmem:s30], [sflag:$0x4], $0x80, s24, s19, $0xb8;
	[tilespmem:$0x1B400] =	vst v63  }
0x254: {  	_ =	swait.ge [sflag:s29], $0x2800  }
0x255: {  	[sflag:s29] =	ssyncset.done $0x0  }
0x256: {  	[sflag:s29] =	ssyncadd.s32 $0xFFFFD800  }
0x257: {  	_ =	swait.ge [sflag:s0], $0x2800  }
0x258: {  	[sflag:s0] =	ssyncset.done $0x0  }
0x259: {  	s25 =	rddreg [dreg:$0xb];
	[sflag:s0] =	ssyncadd.s32 $0xFFFFD800  }
0x25a: {  	[tilespmem:s30], [sflag:$0x2] =	stream.indirect.gather [hbm4b:s1+s19], $0x80, s25, s19, $0xb8;
	[tilespmem:$0x1B400] =	vst v63  }
0x25b: {  	s26 =	rddreg [dreg:$0xc]  }
0x25c: {  	[spmem:s4] =	stream.indirect.scatter.add.f32 [tilespmem:s18], [sflag:$0x3], $0x80, s26, s19, $0xb8;
	[tilespmem:$0x1B400] =	vst v63  }
0x25d: {  	_ =	swait.ge [sflag:s31], $0x2800  }
0x25e: {  	[sflag:s31] =	ssyncset.done $0x0  }
0x25f: {  	[sflag:s31] =	ssyncadd.s32 $0xFFFFD800  }
0x260: {  	_ =	swait.ge [sflag:s2], $0x2800  }
0x261: {  	[sflag:s2] =	ssyncset.done $0x0  }
0x262: {  	s25 =	rddreg [dreg:$0xd];
	[sflag:s2] =	ssyncadd.s32 $0xFFFFD800  }
0x263: {  	[tilespmem:s18], [sflag:$0x1] =	stream.indirect.gather [hbm4b:s1+s19], $0x80, s25, s19, $0xb8;
	[tilespmem:$0x1B400] =	vst v63  }
0x264: {  	s26 =	rddreg [dreg:$0xe]  }
0x265: {  	[spmem:s4] =	stream.indirect.scatter.add.f32 [tilespmem:s30], [sflag:$0x4], $0x80, s26, s19, $0xb8;
	[tilespmem:$0x1B400] =	vst v63  }
0x266: {  	_ =	swait.ge [sflag:s29], $0x2800  }
0x267: {  	[sflag:s29] =	ssyncset.done $0x0  }
0x268: {  	[sflag:s29] =	ssyncadd.s32 $0xFFFFD800  }
0x269: {  	_ =	swait.ge [sflag:s0], $0x2800  }
0x26a: {  	[sflag:s0] =	ssyncset.done $0x0  }
0x26b: {  	s25 =	rddreg [dreg:$0xf];
	[sflag:s0] =	ssyncadd.s32 $0xFFFFD800  }
0x26c: {  	[tilespmem:s30], [sflag:$0x2] =	stream.indirect.gather [hbm4b:s1+s19], $0x80, s25, s19, $0xb8;
	[tilespmem:$0x1B400] =	vst v63  }
0x26d: {  	s26 =	rddreg [dreg:$0x10]  }
0x26e: {  	[spmem:s4] =	stream.indirect.scatter.add.f32 [tilespmem:s18], [sflag:$0x3], $0x80, s26, s19, $0xb8;
	[tilespmem:$0x1B400] =	vst v63  }
0x26f: {  	_ =	swait.ge [sflag:s31], $0x2800  }
0x270: {  	[sflag:s31] =	ssyncset.done $0x0  }
0x271: {  	[sflag:s31] =	ssyncadd.s32 $0xFFFFD800  }
0x272: {  	_ =	swait.ge [sflag:s2], $0x2800  }
0x273: {  	[sflag:s2] =	ssyncset.done $0x0  }
0x274: {  	s25 =	rddreg [dreg:$0x11];
	[sflag:s2] =	ssyncadd.s32 $0xFFFFD800  }
0x275: {  	[tilespmem:s18], [sflag:$0x1] =	stream.indirect.gather [hbm4b:s1+s19], $0x80, s25, s19, $0xb8;
	[tilespmem:$0x1B400] =	vst v63  }
0x276: {  	s26 =	rddreg [dreg:$0x12]  }
0x277: {  	[spmem:s4] =	stream.indirect.scatter.add.f32 [tilespmem:s30], [sflag:$0x4], $0x80, s26, s19, $0xb8;
	[tilespmem:$0x1B400] =	vst v63  }
0x278: {  	_ =	swait.ge [sflag:s29], $0x2800  }
0x279: {  	[sflag:s29] =	ssyncset.done $0x0  }
0x27a: {  	[sflag:s29] =	ssyncadd.s32 $0xFFFFD800  }
0x27b: {  	_ =	swait.ge [sflag:s0], $0x2800  }
0x27c: {  	[sflag:s0] =	ssyncset.done $0x0  }
0x27d: {  	s25 =	rddreg [dreg:$0x13];
	[sflag:s0] =	ssyncadd.s32 $0xFFFFD800  }
0x27e: {  	[tilespmem:s30], [sflag:$0x2] =	stream.indirect.gather [hbm4b:s1+s19], $0x80, s25, s19, $0xb8;
	[tilespmem:$0x1B400] =	vst v63  }
0x27f: {  	s26 =	rddreg [dreg:$0x14]  }
0x280: {  	[spmem:s4] =	stream.indirect.scatter.add.f32 [tilespmem:s18], [sflag:$0x3], $0x80, s26, s19, $0xb8;
	[tilespmem:$0x1B400] =	vst v63  }
0x281: {  	_ =	swait.ge [sflag:s31], $0x2800  }
0x282: {  	[sflag:s31] =	ssyncset.done $0x0  }
0x283: {  	[sflag:s31] =	ssyncadd.s32 $0xFFFFD800  }
0x284: {  	_ =	swait.ge [sflag:s2], $0x2800  }
0x285: {  	[sflag:s2] =	ssyncset.done $0x0  }
0x286: {  	s25 =	rddreg [dreg:$0x15];
	[sflag:s2] =	ssyncadd.s32 $0xFFFFD800  }
0x287: {  	[tilespmem:s18], [sflag:$0x1] =	stream.indirect.gather [hbm4b:s1+s19], $0x80, s25, s19, $0xb8;
	[tilespmem:$0x1B400] =	vst v63  }
0x288: {  	s26 =	rddreg [dreg:$0x16]  }
0x289: {  	[spmem:s4] =	stream.indirect.scatter.add.f32 [tilespmem:s30], [sflag:$0x4], $0x80, s26, s19, $0xb8;
	[tilespmem:$0x1B400] =	vst v63  }
0x28a: {  	_ =	swait.ge [sflag:s29], $0x2800  }
0x28b: {  	[sflag:s29] =	ssyncset.done $0x0  }
0x28c: {  	[sflag:s29] =	ssyncadd.s32 $0xFFFFD800  }
0x28d: {  	_ =	swait.ge [sflag:s0], $0x2800  }
0x28e: {  	[sflag:s0] =	ssyncset.done $0x0  }
0x28f: {  	s25 =	rddreg [dreg:$0x17];
	[sflag:s0] =	ssyncadd.s32 $0xFFFFD800  }
0x290: {  	[tilespmem:s30], [sflag:$0x2] =	stream.indirect.gather [hbm4b:s1+s19], $0x80, s25, s19, $0xb8;
	[tilespmem:$0x1B400] =	vst v63  }
0x291: {  	s26 =	rddreg [dreg:$0x18]  }
0x292: {  	[spmem:s4] =	stream.indirect.scatter.add.f32 [tilespmem:s18], [sflag:$0x3], $0x80, s26, s19, $0xb8;
	[tilespmem:$0x1B400] =	vst v63  }
0x293: {  	_ =	swait.ge [sflag:s31], $0x2800  }
0x294: {  	[sflag:s31] =	ssyncset.done $0x0  }
0x295: {  	[sflag:s31] =	ssyncadd.s32 $0xFFFFD800  }
0x296: {  	_ =	swait.ge [sflag:s2], $0x2800  }
0x297: {  	[sflag:s2] =	ssyncset.done $0x0  }
0x298: {  	s25 =	rddreg [dreg:$0x19];
	[sflag:s2] =	ssyncadd.s32 $0xFFFFD800  }
0x299: {  	[tilespmem:s18], [sflag:$0x1] =	stream.indirect.gather [hbm4b:s1+s19], $0x80, s25, s19, $0xb8;
	[tilespmem:$0x1B400] =	vst v63  }
0x29a: {  	s26 =	rddreg [dreg:$0x1a]  }
0x29b: {  	[spmem:s4] =	stream.indirect.scatter.add.f32 [tilespmem:s30], [sflag:$0x4], $0x80, s26, s19, $0xb8;
	[tilespmem:$0x1B400] =	vst v63  }
0x29c: {  	_ =	swait.ge [sflag:s29], $0x2800  }
0x29d: {  	[sflag:s29] =	ssyncset.done $0x0  }
0x29e: {  	[sflag:s29] =	ssyncadd.s32 $0xFFFFD800  }
0x29f: {  	_ =	swait.ge [sflag:s0], $0x2800  }
0x2a0: {  	[sflag:s0] =	ssyncset.done $0x0  }
0x2a1: {  	s25 =	rddreg [dreg:$0x1b];
	[sflag:s0] =	ssyncadd.s32 $0xFFFFD800  }
0x2a2: {  	[tilespmem:s30], [sflag:$0x2] =	stream.indirect.gather [hbm4b:s1+s19], $0x80, s25, s19, $0xb8;
	[tilespmem:$0x1B400] =	vst v63  }
0x2a3: {  	s26 =	rddreg [dreg:$0x1c]  }
0x2a4: {  	[spmem:s4] =	stream.indirect.scatter.add.f32 [tilespmem:s18], [sflag:$0x3], $0x80, s26, s19, $0xb8;
	[tilespmem:$0x1B400] =	vst v63  }
0x2a5: {  	_ =	swait.ge [sflag:s31], $0x2800  }
0x2a6: {  	[sflag:s31] =	ssyncset.done $0x0  }
0x2a7: {  	[sflag:s31] =	ssyncadd.s32 $0xFFFFD800  }
0x2a8: {  	_ =	swait.ge [sflag:s2], $0x2800  }
0x2a9: {  	[sflag:s2] =	ssyncset.done $0x0  }
0x2aa: {  	s25 =	rddreg [dreg:$0x1d];
	[sflag:s2] =	ssyncadd.s32 $0xFFFFD800  }
0x2ab: {  	[tilespmem:s18], [sflag:$0x1] =	stream.indirect.gather [hbm4b:s1+s19], $0x80, s25, s19, $0xb8;
	[tilespmem:$0x1B400] =	vst v63  }
0x2ac: {  	s26 =	rddreg [dreg:$0x1e]  }
0x2ad: {  	[spmem:s4] =	stream.indirect.scatter.add.f32 [tilespmem:s30], [sflag:$0x4], $0x80, s26, s19, $0xb8;
	[tilespmem:$0x1B400] =	vst v63  }
0x2ae: {  	_ =	swait.ge [sflag:s29], $0x2800  }
0x2af: {  	[sflag:s29] =	ssyncset.done $0x0  }
0x2b0: {  	[sflag:s29] =	ssyncadd.s32 $0xFFFFD800  }
0x2b1: {  	_ =	swait.ge [sflag:s0], $0x2800  }
0x2b2: {  	s25 =	rddreg [dreg:$0x1f];
	[sflag:s0] =	ssyncset.done $0x0  }
0x2b3: {  	s26 =	sld [smem:$0x7F4];
	[sflag:s0] =	ssyncadd.s32 $0xFFFFD800  }
0x2b4: {  	[tilespmem:s30], [sflag:$0x2] =	stream.indirect.gather [hbm4b:s1+s19], $0x80, s25, s19, $0xb8;
	[tilespmem:$0x1B400] =	vst v63  }
0x2b5: {  	_ = 	snop  }
0x2b6: {  	[spmem:s4] =	stream.indirect.scatter.add.f32 [tilespmem:s18], [sflag:$0x3], $0x80, s26, s19, $0xb8;
	[tilespmem:$0x1B400] =	vst v63  }
0x2b7: {  	_ =	swait.ge [sflag:s31], $0x2800  }
0x2b8: {  	[sflag:s31] =	ssyncset.done $0x0  }
0x2b9: {  	[sflag:s31] =	ssyncadd.s32 $0xFFFFD800  }
0x2ba: {  	_ =	swait.ge [sflag:s2], $0x2800  }
0x2bb: {  	s25 =	sld [smem:$0x7F5]  }
0x2bc: {  	[sflag:s2] =	ssyncset.done $0x0  }
0x2bd: {  	s26 =	sld [smem:$0x7F6];
	[sflag:s2] =	ssyncadd.s32 $0xFFFFD800  }
0x2be: {  	[tilespmem:s18], [sflag:$0x1] =	stream.indirect.gather [hbm4b:s1+s19], $0x80, s25, s19, $0xb8;
	[tilespmem:$0x1B400] =	vst v63  }
0x2bf: {  	_ = 	snop  }
0x2c0: {  	[spmem:s4] =	stream.indirect.scatter.add.f32 [tilespmem:s30], [sflag:$0x4], $0x80, s26, s19, $0xb8;
	[tilespmem:$0x1B400] =	vst v63  }
0x2c1: {  	_ =	swait.ge [sflag:s29], $0x2800  }
0x2c2: {  	[sflag:s29] =	ssyncset.done $0x0  }
0x2c3: {  	[sflag:s29] =	ssyncadd.s32 $0xFFFFD800  }
0x2c4: {  	_ =	swait.ge [sflag:s0], $0x2800  }
0x2c5: {  	s25 =	sld [smem:$0x7F7]  }
0x2c6: {  	[sflag:s0] =	ssyncset.done $0x0  }
0x2c7: {  	s26 =	sld [smem:$0x7F8];
	[sflag:s0] =	ssyncadd.s32 $0xFFFFD800  }
0x2c8: {  	[tilespmem:s30], [sflag:$0x2] =	stream.indirect.gather [hbm4b:s1+s19], $0x80, s25, s19, $0xb8;
	[tilespmem:$0x1B400] =	vst v63  }
0x2c9: {  	_ = 	snop  }
0x2ca: {  	[spmem:s4] =	stream.indirect.scatter.add.f32 [tilespmem:s18], [sflag:$0x3], $0x80, s26, s19, $0xb8;
	[tilespmem:$0x1B400] =	vst v63  }
0x2cb: {  	_ =	swait.ge [sflag:s31], $0x2800  }
0x2cc: {  	[sflag:s31] =	ssyncset.done $0x0  }
0x2cd: {  	[sflag:s31] =	ssyncadd.s32 $0xFFFFD800  }
0x2ce: {  	_ =	swait.ge [sflag:s2], $0x2800  }
0x2cf: {  	s25 =	sld [smem:$0x7F9]  }
0x2d0: {  	[sflag:s2] =	ssyncset.done $0x0  }
0x2d1: {  	s26 =	sld [smem:$0x7FA];
	[sflag:s2] =	ssyncadd.s32 $0xFFFFD800  }
0x2d2: {  	[tilespmem:s18], [sflag:$0x1] =	stream.indirect.gather [hbm4b:s1+s19], $0x80, s25, s19, $0xb8;
	[tilespmem:$0x1B400] =	vst v63  }
0x2d3: {  	_ = 	snop  }
0x2d4: {  	[spmem:s4] =	stream.indirect.scatter.add.f32 [tilespmem:s30], [sflag:$0x4], $0x80, s26, s19, $0xb8;
	[tilespmem:$0x1B400] =	vst v63  }
0x2d5: {  	_ =	swait.ge [sflag:s29], $0x2800  }
0x2d6: {  	[sflag:s29] =	ssyncset.done $0x0  }
0x2d7: {  	[sflag:s29] =	ssyncadd.s32 $0xFFFFD800  }
0x2d8: {  	_ =	swait.ge [sflag:s0], $0x2800  }
0x2d9: {  	s24 =	sld [smem:$0x7FB]  }
0x2da: {  	[sflag:s0] =	ssyncset.done $0x0  }
0x2db: {  	s25 =	sld [smem:$0x7FC];
	[sflag:s0] =	ssyncadd.s32 $0xFFFFD800  }
0x2dc: {  	[tilespmem:s30], [sflag:$0x2] =	stream.indirect.gather [hbm4b:s1+s19], $0x80, s24, s19, $0xb8;
	[tilespmem:$0x1B400] =	vst v63  }
0x2dd: {  	_ = 	snop  }
0x2de: {  	[spmem:s4] =	stream.indirect.scatter.add.f32 [tilespmem:s18], [sflag:$0x3], $0x80, s25, s19, $0xb8;
	[tilespmem:$0x1B400] =	vst v63  }
0x2df: {  	_ =	swait.ge [sflag:s31], $0x2800  }
0x2e0: {  	[sflag:s31] =	ssyncset.done $0x0  }
0x2e1: {  	[sflag:s31] =	ssyncadd.s32 $0xFFFFD800  }
0x2e2: {  	_ =	swait.ge [sflag:s2], $0x2800  }
0x2e3: {  	[sflag:s2] =	ssyncset.done $0x0  }
0x2e4: {  	[sflag:s2] =	ssyncadd.s32 $0xFFFFD800  }
0x2e5: {  	[tilespmem:s18], [sflag:$0x1] =	stream.indirect.gather [hbm4b:s1+s19], $0x80, s3, s19, $0xb8;
	[tilespmem:$0x1B400] =	vst v63  }
0x2e6: {  	_ = 	snop  }
0x2e7: {  	[spmem:s4] =	stream.indirect.scatter.add.f32 [tilespmem:s30], [sflag:$0x4], $0x80, s6, s19, $0xb8;
	[tilespmem:$0x1B400] =	vst v63  }
0x2e8: {  	_ =	swait.ge [sflag:s29], $0x2800  }
0x2e9: {  	[sflag:s29] =	ssyncset.done $0x0  }
0x2ea: {  	[sflag:s29] =	ssyncadd.s32 $0xFFFFD800  }
0x2eb: {  	_ =	swait.ge [sflag:s0], $0x2800  }
0x2ec: {  	[sflag:s0] =	ssyncset.done $0x0  }
0x2ed: {  	[sflag:s0] =	ssyncadd.s32 $0xFFFFD800  }
0x2ee: {  	[tilespmem:s30], [sflag:$0x2] =	stream.indirect.gather [hbm4b:s1+s19], $0x80, s7, s19, $0xb8;
	[tilespmem:$0x1B400] =	vst v63  }
0x2ef: {  	_ = 	snop  }
0x2f0: {  	[spmem:s4] =	stream.indirect.scatter.add.f32 [tilespmem:s18], [sflag:$0x3], $0x80, s8, s19, $0xb8;
	[tilespmem:$0x1B400] =	vst v63  }
0x2f1: {  	_ =	swait.ge [sflag:s31], $0x2800  }
0x2f2: {  	[sflag:s31] =	ssyncset.done $0x0  }
0x2f3: {  	[sflag:s31] =	ssyncadd.s32 $0xFFFFD800  }
0x2f4: {  	_ =	swait.ge [sflag:s2], $0x2800  }
0x2f5: {  	[sflag:s2] =	ssyncset.done $0x0  }
0x2f6: {  	[sflag:s2] =	ssyncadd.s32 $0xFFFFD800  }
0x2f7: {  	[tilespmem:s18], [sflag:$0x1] =	stream.indirect.gather [hbm4b:s1+s19], $0x80, s9, s19, $0xb8;
	[tilespmem:$0x1B400] =	vst v63  }
0x2f8: {  	_ = 	snop  }
0x2f9: {  	[spmem:s4] =	stream.indirect.scatter.add.f32 [tilespmem:s30], [sflag:$0x4], $0x80, s10, s19, $0xb8;
	[tilespmem:$0x1B400] =	vst v63  }
0x2fa: {  	_ =	swait.ge [sflag:s29], $0x2800  }
0x2fb: {  	[sflag:s29] =	ssyncset.done $0x0  }
0x2fc: {  	[sflag:s29] =	ssyncadd.s32 $0xFFFFD800  }
0x2fd: {  	_ =	swait.ge [sflag:s0], $0x2800  }
0x2fe: {  	[sflag:s0] =	ssyncset.done $0x0  }
0x2ff: {  	[sflag:s0] =	ssyncadd.s32 $0xFFFFD800  }
0x300: {  	[tilespmem:s30], [sflag:$0x2] =	stream.indirect.gather [hbm4b:s1+s19], $0x80, s11, s19, $0xb8;
	[tilespmem:$0x1B400] =	vst v63  }
0x301: {  	_ = 	snop  }
0x302: {  	[spmem:s4] =	stream.indirect.scatter.add.f32 [tilespmem:s18], [sflag:$0x3], $0x80, s12, s19, $0xb8;
	[tilespmem:$0x1B400] =	vst v63  }
0x303: {  	_ =	swait.ge [sflag:s31], $0x2800  }
0x304: {  	[sflag:s31] =	ssyncset.done $0x0  }
0x305: {  	[sflag:s31] =	ssyncadd.s32 $0xFFFFD800  }
0x306: {  	_ =	swait.ge [sflag:s2], $0x2800  }
0x307: {  	[sflag:s2] =	ssyncset.done $0x0  }
0x308: {  	[sflag:s2] =	ssyncadd.s32 $0xFFFFD800  }
0x309: {  	[tilespmem:s18], [sflag:$0x1] =	stream.indirect.gather [hbm4b:s1+s19], $0x80, s13, s19, $0xb8;
	[tilespmem:$0x1B400] =	vst v63  }
0x30a: {  	_ = 	snop  }
0x30b: {  	[spmem:s4] =	stream.indirect.scatter.add.f32 [tilespmem:s30], [sflag:$0x4], $0x80, s14, s19, $0xb8;
	[tilespmem:$0x1B400] =	vst v63  }
0x30c: {  	_ =	swait.ge [sflag:s29], $0x2800  }
0x30d: {  	[sflag:s29] =	ssyncset.done $0x0  }
0x30e: {  	[sflag:s29] =	ssyncadd.s32 $0xFFFFD800  }
0x30f: {  	_ =	swait.ge [sflag:s0], $0x2800  }
0x310: {  	[sflag:s0] =	ssyncset.done $0x0  }
0x311: {  	[sflag:s0] =	ssyncadd.s32 $0xFFFFD800  }
0x312: {  	[tilespmem:s30], [sflag:$0x2] =	stream.indirect.gather [hbm4b:s1+s19], $0x80, s20, s19, $0xb8;
	[tilespmem:$0x1B400] =	vst v63  }
0x313: {  	_ = 	snop  }
0x314: {  	[spmem:s4] =	stream.indirect.scatter.add.f32 [tilespmem:s18], [sflag:$0x3], $0x80, s15, s19, $0xb8;
	[tilespmem:$0x1B400] =	vst v63  }
0x315: {  	_ =	swait.ge [sflag:s31], $0x2800  }
0x316: {  	[sflag:s31] =	ssyncset.done $0x0  }
0x317: {  	[sflag:s31] =	ssyncadd.s32 $0xFFFFD800  }
0x318: {  	_ =	swait.ge [sflag:s2], $0x2800  }
0x319: {  	[sflag:s2] =	ssyncset.done $0x0  }
0x31a: {  	[sflag:s2] =	ssyncadd.s32 $0xFFFFD800  }
0x31b: {  	[tilespmem:s18], [sflag:$0x1] =	stream.indirect.gather [hbm4b:s1+s19], $0x80, s21, s19, $0xb8;
	[tilespmem:$0x1B400] =	vst v63  }
0x31c: {  	_ = 	snop  }
0x31d: {  	[spmem:s4] =	stream.indirect.scatter.add.f32 [tilespmem:s30], [sflag:$0x4], $0x80, s22, s19, $0xb8;
	[tilespmem:$0x1B400] =	vst v63  }
0x31e: {  	_ =	swait.ge [sflag:s29], $0x2800  }
0x31f: {  	[sflag:s29] =	ssyncset.done $0x0  }
0x320: {  	[sflag:s29] =	ssyncadd.s32 $0xFFFFD800  }
0x321: {  	[spmem:s4] =	stream.indirect.scatter.add.f32 [tilespmem:s18], [sflag:$0x3], $0x80, s23, s19, $0xb8;
	[tilespmem:$0x1B400] =	vst v63  }
0x322: {  	_ =	swait.ge [sflag:s2], $0x2800  }
0x323: {  	[sflag:s2] =	ssyncset.done $0x0  }
0x324: {  	[sflag:s2] =	ssyncadd.s32 $0xFFFFD800  }
0x325: {  	_ =	swait.ge [sflag:s0], $0x2800  }
0x326: {  	[sflag:s0] =	ssyncset.done $0x0  }
0x327: {  	[sflag:s0] =	ssyncadd.s32 $0xFFFFD800  }
0x328: {  	s26 =	simm.s32 $0x2000;
	[bflag:$0x0] =	sbarrier.arrive $0xFFFF  }
0x329: {  	[tilespmem:s18], [sflag:$0x1] =	stream.indirect.gather [spmem:s4], $0x80, s26, s19, $0xb8;
	[tilespmem:$0x1B400] =	vst v63  }
0x32a: {  	_ =	swait.ge [sflag:s29], $0x2800  }
0x32b: {  	s24 =	sld [smem:$0x7EB]  }
0x32c: {  	[sflag:s29] =	ssyncset.done $0x0  }
0x32d: {  	[sflag:s29] =	ssyncadd.s32 $0xFFFFD800  }
0x32e: {  	[hbm4b:s24+s5] =	stream.linear.scatter [tilespmem:s18], [sflag:$0x5], $0x2800, $0x38;
	[tilespmem:$0x1B400] =	vst v63  }
0x32f: {  	_ =	swait.ge [sflag:s17], $0x2800  }
0x330: {  	[sflag:s17] =	ssyncset.done $0x0  }
0x331: {  	s25 =	simm.s32 $0x2080;
	[sflag:s17] =	ssyncadd.s32 $0xFFFFD800  }
0x332: {  	[tilespmem:s18], [sflag:$0x1] =	stream.indirect.gather [spmem:s4], $0x80, s25, s19, $0xb8;
	[tilespmem:$0x1B400] =	vst v63  }
0x333: {  	_ =	swait.ge [sflag:s29], $0x2800  }
0x334: {  	s26 =	sld [smem:$0x7EC]  }
0x335: {  	[sflag:s29] =	ssyncset.done $0x0  }
0x336: {  	[sflag:s29] =	ssyncadd.s32 $0xFFFFD800  }
0x337: {  	[hbm4b:s26+s5] =	stream.linear.scatter [tilespmem:s18], [sflag:$0x5], $0x2800, $0x38;
	[tilespmem:$0x1B400] =	vst v63  }
0x338: {  	_ =	swait.ge [sflag:s17], $0x2800  }
0x339: {  	[sflag:s17] =	ssyncset.done $0x0  }
0x33a: {  	s24 =	simm.s32 $0x2100;
	[sflag:s17] =	ssyncadd.s32 $0xFFFFD800  }
0x33b: {  	[tilespmem:s18], [sflag:$0x1] =	stream.indirect.gather [spmem:s4], $0x80, s24, s19, $0xb8;
	[tilespmem:$0x1B400] =	vst v63  }
0x33c: {  	_ =	swait.ge [sflag:s29], $0x2800  }
0x33d: {  	s25 =	sld [smem:$0x7ED]  }
0x33e: {  	[sflag:s29] =	ssyncset.done $0x0  }
0x33f: {  	[sflag:s29] =	ssyncadd.s32 $0xFFFFD800  }
0x340: {  	[hbm4b:s25+s5] =	stream.linear.scatter [tilespmem:s18], [sflag:$0x5], $0x2800, $0x38;
	[tilespmem:$0x1B400] =	vst v63  }
0x341: {  	_ =	swait.ge [sflag:s17], $0x2800  }
0x342: {  	[sflag:s17] =	ssyncset.done $0x0  }
0x343: {  	s26 =	simm.s32 $0x2180;
	[sflag:s17] =	ssyncadd.s32 $0xFFFFD800  }
0x344: {  	[tilespmem:s18], [sflag:$0x1] =	stream.indirect.gather [spmem:s4], $0x80, s26, s19, $0xb8;
	[tilespmem:$0x1B400] =	vst v63  }
0x345: {  	_ =	swait.ge [sflag:s29], $0x2800  }
0x346: {  	s24 =	sld [smem:$0x7EE]  }
0x347: {  	[sflag:s29] =	ssyncset.done $0x0  }
0x348: {  	[sflag:s29] =	ssyncadd.s32 $0xFFFFD800  }
0x349: {  	[hbm4b:s24+s5] =	stream.linear.scatter [tilespmem:s18], [sflag:$0x5], $0x2800, $0x38;
	[tilespmem:$0x1B400] =	vst v63  }
0x34a: {  	_ =	swait.ge [sflag:s17], $0x2800  }
0x34b: {  	[sflag:s17] =	ssyncset.done $0x0  }
0x34c: {  	s25 =	simm.s32 $0x2200;
	[sflag:s17] =	ssyncadd.s32 $0xFFFFD800  }
0x34d: {  	[tilespmem:s18], [sflag:$0x1] =	stream.indirect.gather [spmem:s4], $0x80, s25, s19, $0xb8;
	[tilespmem:$0x1B400] =	vst v63  }
0x34e: {  	_ =	swait.ge [sflag:s29], $0x2800  }
0x34f: {  	s26 =	sld [smem:$0x7EF]  }
0x350: {  	[sflag:s29] =	ssyncset.done $0x0  }
0x351: {  	[sflag:s29] =	ssyncadd.s32 $0xFFFFD800  }
0x352: {  	[hbm4b:s26+s5] =	stream.linear.scatter [tilespmem:s18], [sflag:$0x5], $0x2800, $0x38;
	[tilespmem:$0x1B400] =	vst v63  }
0x353: {  	_ =	swait.ge [sflag:s17], $0x2800  }
0x354: {  	[sflag:s17] =	ssyncset.done $0x0  }
0x355: {  	s24 =	simm.s32 $0x2280;
	[sflag:s17] =	ssyncadd.s32 $0xFFFFD800  }
0x356: {  	[tilespmem:s18], [sflag:$0x1] =	stream.indirect.gather [spmem:s4], $0x80, s24, s19, $0xb8;
	[tilespmem:$0x1B400] =	vst v63  }
0x357: {  	_ =	swait.ge [sflag:s29], $0x2800  }
0x358: {  	s25 =	sld [smem:$0x7F0]  }
0x359: {  	[sflag:s29] =	ssyncset.done $0x0  }
0x35a: {  	[sflag:s29] =	ssyncadd.s32 $0xFFFFD800  }
0x35b: {  	[hbm4b:s25+s5] =	stream.linear.scatter [tilespmem:s18], [sflag:$0x5], $0x2800, $0x38;
	[tilespmem:$0x1B400] =	vst v63  }
0x35c: {  	_ =	swait.ge [sflag:s17], $0x2800  }
0x35d: {  	[sflag:s17] =	ssyncset.done $0x0  }
0x35e: {  	s25 =	simm.s32 $0x2300;
	[sflag:s17] =	ssyncadd.s32 $0xFFFFD800  }
0x35f: {  	[tilespmem:s18], [sflag:$0x1] =	stream.indirect.gather [spmem:s4], $0x80, s25, s19, $0xb8;
	[tilespmem:$0x1B400] =	vst v63  }
0x360: {  	_ =	swait.ge [sflag:s29], $0x2800  }
0x361: {  	s26 =	sld [smem:$0x7F1]  }
0x362: {  	[sflag:s29] =	ssyncset.done $0x0  }
0x363: {  	[sflag:s29] =	ssyncadd.s32 $0xFFFFD800  }
0x364: {  	[hbm4b:s26+s5] =	stream.linear.scatter [tilespmem:s18], [sflag:$0x5], $0x2800, $0x38;
	[tilespmem:$0x1B400] =	vst v63  }
0x365: {  	_ =	swait.ge [sflag:s17], $0x2800  }
0x366: {  	[sflag:s17] =	ssyncset.done $0x0  }
0x367: {  	s26 =	simm.s32 $0x2380;
	[sflag:s17] =	ssyncadd.s32 $0xFFFFD800  }
0x368: {  	[tilespmem:s18], [sflag:$0x1] =	stream.indirect.gather [spmem:s4], $0x80, s26, s19, $0xb8;
	[tilespmem:$0x1B400] =	vst v63  }
0x369: {  	_ =	swait.ge [sflag:s29], $0x2800  }
0x36a: {  	s24 =	sld [smem:$0x7F2]  }
0x36b: {  	[sflag:s29] =	ssyncset.done $0x0  }
0x36c: {  	[sflag:s29] =	ssyncadd.s32 $0xFFFFD800  }
0x36d: {  	[hbm4b:s24+s5] =	stream.linear.scatter [tilespmem:s18], [sflag:$0x5], $0x2800, $0x38;
	[tilespmem:$0x1B400] =	vst v63  }
0x36e: {  	_ =	swait.ge [sflag:s17], $0x2800  }
0x36f: {  	s16 =	sld [smem:$0x7FD];
	_ =	sdelay $0x2  }
0x370: {  	s24 =	sadd.s32 $0x1, s16;
	s16 =	sld [smem:$0x7F3];
	_ =	sdelay $0x2  }
0x371: {  	p0 =	sne.s32 s24, s16  }
.Ltmp1:
0x372: {  	_ = 	snop;
	(pc) =	sbr.rel @p0 .LBB2_1-.Ltmp1, $3  }
0x373: {  	_ =	sdelay $0x1  }
0x374: {  	[sflag:s17] =	ssyncset.done $0x0  }
0x375: {  	[sflag:s17] =	ssyncadd.s32 $0xFFFFD800;
	[smem:$0x7FD] =	sst s24;
	s24 =	simm.s32 $0x2000  }
0x376: {  	_ =	sfence.sel $0x180000  }
0x377: {  	[bflag:$0x0] =	sbarrier.arrive $0xFFFF  }
0x378: {  	_ =	strace $0x90000047  }
0x379: {  	s0 =	stileid.u32;
	[bflag:$0x2] =	sbarrier.arrive $0xFFFF  }
0x37a: {  	p0 =	sne.s32 s0, $0x0;
	s0 =	rddreg [dreg:$0x5]  }
0x37b: {  	s0 =	sadd.s32 @!p0 $0x100000, s0  }
0x37c: {  	[sflag:s0] =	ssyncadd.tile.s32 @!p0 $0x1;
	_ =	shalt  }
.Lfunc_end2:
_tile_overlayer_lowered:
.L_overlay_start_2:
0x37d: {  	(tag) =	ssettag $0x2  }
0x37e: {  	s0 =	rddreg [dreg:$0x0];
	s2 =	stileid.u32  }
0x37f: {  	s1 =	rddreg [dreg:$0x1];
	p0 =	sne.s32 s2, $0x0  }
0x380: {  	s3 =	rddreg [dreg:$0x2];
	[bflag:$0x3] =	sbarrier.arrive $0xFFFF;
	s2 =	simm.s32 @!p0 $0x1C05  }
0x381: {  	[timem:s3], [sflag:s2] =	dma.local @!p0 [hbm:s0], s1  }
0x382: {  	s0 =	simm.s32 @!p0 $0x5  }
0x383: {  	_ =	swait.ge @!p0 [sflag:s0], s1  }
0x384: {  	s1 =	ssub.s32 @!p0 $0x0, s1;
	[sflag:s0] =	ssyncset.done @!p0 $0x0  }
0x385: {  	[sflag:s0] =	ssyncadd.s32 @!p0 s1  }
0x386: {  	[bflag:$0x3] =	sbarrier.arrive $0xFFFF  }
0x387: {  	_ =	shalt  }

// kernel: kernel.8.cloned.1.call-start
scs
__scs_entry_jumppad:
0x0: {  	(pc) =	sbr.rel $0x88, $3  }
0x1: {  	(tag) =	ssettag $0x0;
	lr =	simm.s32 $0x1  }
0x2: {  	[smem:$0x3F94] =	sst lr;
	_ =	strace $0xD0000000  }
0x3: {  	_ = 	snop  }
0x4: {  	_ = 	snop  }
0x5: {  	_ = 	snop  }
0x6: {  	_ = 	snop  }
0x7: {  	_ = 	snop  }
__scs_overlays_trampoline_lowered:
0x8: {  	[smem:$0x3FA3] =	sst s0  }
0x9: {  	[smem:$0x3FA4] =	sst s1  }
0xa: {  	[smem:$0x3FA5] =	sst s2  }
0xb: {  	[smem:$0x3FA6] =	sst s3  }
0xc: {  	[smem:$0x3FA7] =	sst s4  }
0xd: {  	[smem:$0x3FA8] =	sst s5  }
0xe: {  	[smem:$0x3FA9] =	sst s6  }
0xf: {  	[smem:$0x3FAA] =	sst s7  }
0x10: {  	[smem:$0x3FAB] =	sst s8  }
0x11: {  	[smem:$0x3FAC] =	sst s9;
	s0 =	simm.s32 @!p0 $0x0  }
0x12: {  	s1 =	sld [smem:$0x3F92];
	s0 =	simm.s32 @p0 $0x1  }
0x13: {  	[smem:$0x3FAD] =	sst s0;
	s0 =	simm.s32 @!p1 $0x0  }
0x14: {  	s2 =	sld [smem:$0x3F91];
	s0 =	simm.s32 @p1 $0x1  }
0x15: {  	[smem:$0x3FAE] =	sst s0;
	s0 =	simm.s32 @!p2 $0x0  }
0x16: {  	s3 =	sld [smem:$0x3FDB];
	s0 =	simm.s32 @p2 $0x1  }
0x17: {  	s4 =	simm.s32 $0x1BF5;
	[smem:$0x3FB0] =	sst s0  }
0x18: {  	s0 =	sld [smem:$0x3F93];
	_ =	swait.ge [sflag:s4], $0x0  }
0x19: {  	s7 =	sld [smem:$0x3F94]  }
0x1a: {  	s8 =	sadd.s32 $0xFFFFE003, lr  }
0x1b: {  	s9 =	sadd.s32 $0xFFFFFEF7, lr;
	s5 =	simm.s32 $0xFFFFFFFF;
	p2 =	slt.u32 s8, $0xFFFFF086  }
0x1c: {  	p1 =	slt.u32 s9, $0xF7A;
	s5 =	simm.s32 @!p2 $0x0  }
0x1d: {  	s5 =	simm.s32 @p1 $0x1;
	p0 =	seq.s32 s7, s2  }
0x1e: {  	s7 =	smul.u32 @!p0 $0xF7A, s2;
	p2 =	seq.s32 @!p0 s5, $0x0  }
0x1f: {  	s9 =	smul.u32 $0xF7A, s1;
	s8 =	simm.s32 @!p0 $0x1BF5;
	p2 =	por !p2, p0  }
0x20: {  	[sflag:s8] =	ssyncset.s32 @!p0 $0xFFFFF086;
	s6 =	sadd.s32 @!p0 s3, s7;
	s7 =	simm.s32 @!p0 $0x108  }
0x21: {  	s3 =	sadd.s32 s3, s9;
	s6 =	sadd.s32 @!p0 $0x88, s6;
	s7 =	simm.s32 @p2 $0x1082  }
0x22: {  	[simem:s7], [sflag:s8] =	dma.local @!p0 [hbm:s6], $0xF7A  }
0x23: {  	s9 =	sor.u32 $0xD0000000, s2;
	s6 =	simm.s32 $0x108;
	_ =	swait.ge @!p0 [sflag:s8], $0x0  }
0x24: {  	s3 =	sadd.s32 $0x88, s3;
	s6 =	simm.s32 @!p1 $0x1082;
	[sflag:s4] =	ssyncset.s32 $0xFFFFF086  }
0x25: {  	[simem:s6], [sflag:s4] =	dma.local [hbm:s3], $0xF7A  }
0x26: {  	[smem:$0x3F94] =	sst s1;
	(tag) =	ssettag s2;
	_ =	strace s9  }
0x27: {  	s1 =	sld [smem:$0x3FA4]  }
0x28: {  	s2 =	sld [smem:$0x3FA5]  }
0x29: {  	s4 =	sld [smem:$0x3FA7]  }
0x2a: {  	p0 =	seq.s32 s5, $0x0;
	s5 =	sld [smem:$0x3FA8]  }
0x2b: {  	s6 =	sld [smem:$0x3FA9]  }
0x2c: {  	s7 =	sld [smem:$0x3FAA]  }
0x2d: {  	s3 =	simm.s32 $0x108;
	s8 =	sld [smem:$0x3FAB]  }
0x2e: {  	s3 =	simm.s32 @!p0 $0x1082;
	s9 =	sld [smem:$0x3FAC]  }
0x2f: {  	lr =	sadd.s32 s0, s3;
	s0 =	sld [smem:$0x3FA3]  }
0x30: {  	s3 =	sld [smem:$0x3FA6]  }
0x31: {  	[smem:$0x3FAF] =	sst s10  }
0x32: {  	s10 =	sld [smem:$0x3FAD];
	_ =	sdelay $0x3  }
0x33: {  	p0 =	seq.s32 s10, $0x1;
	s10 =	sld [smem:$0x3FAF];
	_ =	sdelay $0x3  }
0x34: {  	[smem:$0x3FAF] =	sst s10  }
0x35: {  	s10 =	sld [smem:$0x3FAE];
	_ =	sdelay $0x3  }
0x36: {  	p1 =	seq.s32 s10, $0x1;
	s10 =	sld [smem:$0x3FAF];
	_ =	sdelay $0x3  }
0x37: {  	[smem:$0x3FAF] =	sst s10  }
0x38: {  	s10 =	sld [smem:$0x3FB0]  }
0x39: {  	_ = 	snop;
	(pc) =	sbr.ind lr, $3  }
0x3a: {  	_ = 	snop  }
0x3b: {  	_ = 	snop  }
0x3c: {  	p2 =	seq.s32 s10, $0x1;
	s10 =	sld [smem:$0x3FAF]  }
0x3d: {  	_ =	shalt  }
0x3e: {  	_ =	shalt  }
0x3f: {  	_ =	shalt  }
0x40: {  	_ =	shalt  }
0x41: {  	_ =	shalt  }
0x42: {  	_ =	shalt  }
0x43: {  	_ =	shalt  }
0x44: {  	_ =	shalt  }
0x45: {  	_ =	shalt  }
0x46: {  	_ =	shalt  }
0x47: {  	_ =	shalt  }
0x48: {  	_ =	shalt  }
0x49: {  	_ =	shalt  }
0x4a: {  	_ =	shalt  }
0x4b: {  	_ =	shalt  }
0x4c: {  	_ =	shalt  }
0x4d: {  	_ =	shalt  }
0x4e: {  	_ =	shalt  }
0x4f: {  	_ =	shalt  }
0x50: {  	_ =	shalt  }
0x51: {  	_ =	shalt  }
0x52: {  	_ =	shalt  }
0x53: {  	_ =	shalt  }
0x54: {  	_ =	shalt  }
0x55: {  	_ =	shalt  }
0x56: {  	_ =	shalt  }
0x57: {  	_ =	shalt  }
0x58: {  	_ =	shalt  }
0x59: {  	_ =	shalt  }
0x5a: {  	_ =	shalt  }
0x5b: {  	_ =	shalt  }
0x5c: {  	_ =	shalt  }
0x5d: {  	_ =	shalt  }
0x5e: {  	_ =	shalt  }
0x5f: {  	_ =	shalt  }
0x60: {  	_ =	shalt  }
0x61: {  	_ =	shalt  }
0x62: {  	_ =	shalt  }
0x63: {  	_ =	shalt  }
0x64: {  	_ =	shalt  }
0x65: {  	_ =	shalt  }
0x66: {  	_ =	shalt  }
0x67: {  	_ =	shalt  }
0x68: {  	_ =	shalt  }
0x69: {  	_ =	shalt  }
0x6a: {  	_ =	shalt  }
0x6b: {  	_ =	shalt  }
0x6c: {  	_ =	shalt  }
0x6d: {  	_ =	shalt  }
0x6e: {  	_ =	shalt  }
0x6f: {  	_ =	shalt  }
0x70: {  	_ =	shalt  }
0x71: {  	_ =	shalt  }
0x72: {  	_ =	shalt  }
0x73: {  	_ =	shalt  }
0x74: {  	_ =	shalt  }
0x75: {  	_ =	shalt  }
0x76: {  	_ =	shalt  }
0x77: {  	_ =	shalt  }
0x78: {  	_ =	shalt  }
0x79: {  	_ =	shalt  }
0x7a: {  	_ =	shalt  }
0x7b: {  	_ =	shalt  }
0x7c: {  	_ =	shalt  }
0x7d: {  	_ =	shalt  }
0x7e: {  	_ =	shalt  }
0x7f: {  	_ =	shalt  }
0x80: {  	_ =	shalt  }
0x81: {  	_ =	shalt  }
0x82: {  	_ =	shalt  }
0x83: {  	_ =	shalt  }
0x84: {  	_ =	shalt  }
0x85: {  	_ =	shalt  }
0x86: {  	_ =	shalt  }
0x87: {  	_ =	shalt  }
.Lfunc_end0:
.L_simem_size_0:
called_computation.1_lowered:
.L_overlay_start_0:
0x88: {  	s2 =	sld [smem:$0x3FD9]  }
0x89: {  	s3 =	sld [smem:$0x3FFE];
	_ =	sdelay $0x1  }
0x8a: {  	s1 =	srdreg.scid  }
0x8b: {  	s0 =	sand.u32 $0x1, s1  }
0x8c: {  	s15 =	sshll.u32 s0, $0xA;
	s2 =	sadd.s32 s3, s2  }
0x8d: {  	s2 =	sadd.s32 s2, s15  }
0x8e: {  	[smem:$0x3FBB] =	sst s2  }
0x8f: {  	_ = 	snop  }
0x90: {  	s2 =	sld [smem:$0x3FD0];
	_ =	sdelay $0x2  }
0x91: {  	s4 =	simm.s32 $0xB;
	s16 =	simm.s32 $0x10  }
0x92: {  	[smem:s16], [sflag:s4] =	dma.local [hbm:s2], $0x1  }
0x93: {  	_ =	swait.eq [sflag:s4], $0x1  }
0x94: {  	[sflag:s4] =	ssyncset.done $0x0  }
0x95: {  	s17 =	sld [smem:$0x10];
	[sflag:s4] =	ssyncadd.s32 $0xFFFFFFFF  }
0x96: {  	s18 =	sld [smem:$0x11];
	(tm) =	ssettm $0x1  }
0x97: {  	s19 =	sld [smem:$0x3FFB];
	_ =	sdelay $0x3  }
0x98: {  	_ =	strace s19  }
0x99: {  	s2 =	sld [smem:$0x3FFC];
	_ =	sdelay $0x3  }
0x9a: {  	_ =	strace s2  }
0x9b: {  	s2 =	sld [smem:$0x3FFD];
	_ =	sdelay $0x3  }
0x9c: {  	_ =	strace s2  }
0x9d: {  	_ =	strace $0x8FFFFFFF  }
0x9e: {  	s20 =	sld [smem:$0x3FDB];
	_ =	sdelay $0x1  }
0x9f: {  	s5 =	simm.s32 $_scs_section_size  }
0xa0: {  	s6 =	simm.s32 $_size__tile_overlayer_lowered;
	s7 =	simm.s32 $_tile_overlayer_lowered  }
0xa1: {  	s8 =	simm.s32 $0x1BFF;
	s21 =	sshll.u32 s7, $0x1;
	s5 =	sadd.s32 s5, s20  }
0xa2: {  	s22 =	simm.s32 $0x0;
	s6 =	sshll.u32 s6, $0x1;
	s7 =	sadd.s32 s21, s5  }
0xa3: {  	[timem:s22], [sflag:s8] =	dma.local [hbm:s7], s6  }
0xa4: {  	_ =	swait.ge [sflag:s8], s6  }
0xa5: {  	s6 =	ssub.s32 $0x0, s6;
	[sflag:s8] =	ssyncset.done $0x0  }
0xa6: {  	[sflag:s8] =	ssyncadd.s32 s6;
	_ =	sdelay $0x1  }
0xa7: {  	s23 =	simm.s32 $0x1B8B  }
0xa8: {  	_ =	swait.ge [sflag:s23], $0x1  }
0xa9: {  	[sflag:s23] =	ssyncset.done $0x0  }
0xaa: {  	[sflag:s23] =	ssyncadd.s32 $0xFFFFFFFF  }
0xab: {  	s6 =	sld [smem:$0x0]  }
0xac: {  	s7 =	sand.u32 $0xFFFFFFFE, s1  }
0xad: {  	p0 =	sne.s32 s1, s7  }
0xae: {  	s7 =	sshll.u32 @p0 s7, $0xE  }
0xaf: {  	s7 =	sadd.s32 @p0 $0x11B8D, s7;
	s8 =	sshll.u32 @p0 s6, $0x11  }
0xb0: {  	s7 =	sor.u32 @p0 s8, s7  }
0xb1: {  	[sflag:s7] =	ssyncadd.remote.s32 @p0 $0x1;
	_ =	sdelay $0x1  }
0xb2: {  	s7 =	simm.s32 @p0 $0x1B8D  }
0xb3: {  	_ =	swait.eq @p0 [sflag:s7], $0x1  }
0xb4: {  	[sflag:s7] =	ssyncadd.s32 @p0 $0xFFFFFFFF  }
0xb5: {  	s8 =	sshll.u32 @!p0 s1, $0xE  }
0xb6: {  	s8 =	sor.u32 @!p0 $0x4000, s8;
	s7 =	simm.s32 @!p0 $0x1B8D  }
0xb7: {  	s6 =	sshll.u32 @!p0 s6, $0x11;
	s8 =	sadd.s32 @!p0 $0x11B8D, s8;
	_ =	swait.eq @!p0 [sflag:s7], $0x1  }
0xb8: {  	s6 =	sor.u32 @!p0 s6, s8;
	[sflag:s7] =	ssyncadd.s32 @!p0 $0xFFFFFFFF  }
0xb9: {  	s25 =	simm.s32 $0x1B8E;
	s24 =	sld [smem:$0x3FFE];
	[sflag:s6] =	ssyncadd.remote.s32 @!p0 $0x1  }
0xba: {  	s26 =	simm.s32 $execute0_lowered;
	[smem:$0x3FD2] =	sst s25  }
0xbb: {  	s7 =	sshll.u32 s26, $0x1;
	_ =	strace $0x80000049;
	[dreg:$0x1] =	wrdreg $0xFFFFFFFF  }
0xbc: {  	s28 =	simm.s32 $_size_execute0_lowered;
	s5 =	sadd.s32 s5, s7;
	[dreg:$0x0] =	wrdreg $0x0  }
0xbd: {  	s7 =	sshll.u32 s28, $0x1;
	[dreg:$0x2] =	wrdreg s5  }
0xbe: {  	[dreg:$0x3] =	wrdreg s7  }
0xbf: {  	[dreg:$0x4] =	wrdreg $0xC0  }
0xc0: {  	_ =	task [dreg:s22], $0x5FFFF  }
0xc1: {  	[dreg:$0x1] =	wrdreg $0xFFFFFFFF  }
0xc2: {  	[dreg:$0x0] =	wrdreg $0x60  }
0xc3: {  	[dreg:$0x2] =	wrdreg s24  }
0xc4: {  	[dreg:$0x3] =	wrdreg s18  }
0xc5: {  	[dreg:$0x4] =	wrdreg s17  }
0xc6: {  	[dreg:$0x5] =	wrdreg $0x64000  }
0xc7: {  	[dreg:$0x6] =	wrdreg $0xA  }
0xc8: {  	_ =	task.clear_ibuf [dreg:s22], $0x7FFFF;
	_ =	strace $0x90000049  }
0xc9: {  	s29 =	simm.s32 $0xA;
	_ =	strace $0x8000004B  }
0xca: {  	_ =	swait.ge [sflag:s29], $0x1  }
0xcb: {  	[sflag:s29] =	ssyncadd.s32 $0xFFFFFFFF  }
0xcc: {  	_ =	strace $0x9000004B  }
0xcd: {  	_ =	sfence  }
0xce: {  	s30 =	sld [smem:$0x0];
	_ =	sdelay $0x2  }
0xcf: {  	s31 =	sshll.u32 s1, $0xD;
	s1 =	sshrl.u32 s1, $0x2  }
0xd0: {  	s4 =	sand.u32 $0x4000, s31;
	s1 =	sadd.s32 s1, s30  }
0xd1: {  	s0 =	sor.u32 s4, s0;
	s1 =	sshll.u32 s1, $0x11  }
0xd2: {  	s0 =	sor.u32 s1, s0  }
0xd3: {  	s0 =	sadd.s32 $0x8F2B, s0  }
0xd4: {  	[sflag:s0] =	ssyncadd.remote.s32 $0x1  }
0xd5: {  	_ =	sfence.sel $0xFFFF  }
0xd6: {  	[dreg:$0x0] =	wrdreg $0xFFFFFFFF;
	(pc) =	sbr.abs _section_cstart, $3  }
0xd7: {  	[dreg:$0x1] =	wrdreg $0xFFFFFFFF  }
0xd8: {  	_ =	task.clear_ibuf [dreg:s22], $0x2FFFF;
	_ =	strace $0x9FFFFFFF  }
0xd9: {  	(tm) =	ssettm $0x7FFFFFFF  }
tec
execute0_lowered:
.L_overlay_start_1:
0x0: {  	(tag) =	ssettag $0x1  }
0x1: {  	s0 =	rddreg [dreg:$0x0]  }
0x2: {  	s1 =	rddreg [dreg:$0x1];
	s2 =	srdreg.scid  }
0x3: {  	s8 =	stileid.u32;
	s3 =	rddreg [dreg:$0x3];
	s4 =	simm.s32 $0x0  }
0x4: {  	s29 =	simm.s32 $0x1000;
	s26 =	simm.s32 $0x1400;
	s24 =	simm.s32 $0x80  }
0x5: {  	s25 =	simm.s32 $0x100;
	s28 =	simm.s32 $0x3C00;
	s30 =	simm.s32 $0x200  }
0x6: {  	s31 =	simm.s32 $0x1;
	s10 =	simm.s32 $0x680;
	s11 =	simm.s32 $0x700  }
0x7: {  	s12 =	simm.s32 $0x780;
	s2 =	sand.u32 $0x1, s2;
	s5 =	smul.u32 $0xA000, s8  }
0x8: {  	[smem:$0x7FF] =	sst s4;
	s7 =	smul.u32 $0x14000, s8;
	s9 =	sadd.s32 $0x79E00, s0  }
0x9: {  	s6 =	smul.u32 $0x5000, s2;
	_ =	strace $0x8000004A;
	[dreg:$0x8] =	wrdreg s9  }
0xa: {  	s8 =	sshll.u32 s8, $0x7;
	s13 =	smul.u32 $0x140000, s2;
	[dreg:$0x6] =	wrdreg s24  }
0xb: {  	s2 =	ssub.s32 $0x2, s2;
	s1 =	sadd.s32 s1, s8;
	[dreg:$0x7] =	wrdreg s25  }
0xc: {  	s8 =	simm.s32 $0x580;
	s9 =	simm.s32 $0x600;
	s14 =	sshrl.u32 s2, $0x1  }
0xd: {  	[dreg:$0x9] =	wrdreg s1;
	s5 =	sadd.s32 s6, s5;
	s6 =	sadd.s32 s7, s13  }
0xe: {  	s2 =	ssub.s32 s2, s14;
	s5 =	sshrl.u32 s5, $0x3;
	s6 =	sshrl.u32 s6, $0x3  }
0xf: {  	s23 =	smax.u32 s2, $0x1;
	s5 =	sadd.s32 s5, s0;
	s0 =	sadd.s32 s6, s0  }
0x10: {  	s24 =	simm.s32 $0xB80;
	[dreg:$0x12] =	wrdreg s23;
	s15 =	sadd.s32 $0x7A400, s0  }
0x11: {  	s25 =	simm.s32 $0xC00;
	s16 =	sadd.s32 $0x7A900, s0;
	[dreg:$0xa] =	wrdreg s15  }
0x12: {  	s1 =	simm.s32 $0x280;
	s17 =	sadd.s32 $0x7AE00, s0;
	[dreg:$0xb] =	wrdreg s16  }
0x13: {  	s7 =	simm.s32 $0x500;
	s18 =	sadd.s32 $0x7B300, s0;
	[dreg:$0xc] =	wrdreg s17  }
0x14: {  	s13 =	simm.s32 $0x880;
	s19 =	sadd.s32 $0x7B800, s0;
	[dreg:$0xd] =	wrdreg s18  }
0x15: {  	s14 =	simm.s32 $0x980;
	s20 =	sadd.s32 $0x7BD00, s0;
	[dreg:$0xe] =	wrdreg s19  }
0x16: {  	s2 =	simm.s32 $0x380;
	s21 =	sadd.s32 $0x7C200, s0;
	[dreg:$0xf] =	wrdreg s20  }
0x17: {  	s6 =	simm.s32 $0x480;
	s0 =	sadd.s32 $0x7C700, s0;
	[dreg:$0x10] =	wrdreg s21  }
0x18: {  	s23 =	simm.s32 $0xB00;
	s22 =	sadd.s32 $0x1E00, s5;
	[dreg:$0x11] =	wrdreg s0  }
0x19: {  	s5 =	simm.s32 $0x400;
	[dreg:$0x5] =	wrdreg s22;
	s17 =	simm.s32 $0x2  }
0x1a: {  	s19 =	simm.s32 $0x50;
	s18 =	simm.s32 $0x1380;
	s0 =	simm.s32 $0x300  }
0x1b: {  	s20 =	simm.s32 $0x800;
	s21 =	simm.s32 $0x900;
	s16 =	simm.s32 $0x0  }
0x1c: {  	s22 =	simm.s32 $0xA00;
	s15 =	simm.s32 $0xA80;
	[dreg:$0x13] =	wrdreg s16  }
.LBB2_1:
0x1d: {  	s16 =	rddreg [dreg:$0x9]  }
0x1e: {  	[tilespmem:s29], [sflag:$0x2] =	stream.linear.gather [hbm4b:s16+s4], $0x400, $0x38;
	[tilespmem:$0x1A400] =	vst v63  }
0x1f: {  	_ =	swait.ge [sflag:s17], $0x400  }
0x20: {  	[sflag:s17] =	ssyncset.done $0x0  }
0x21: {  	[sflag:s17] =	ssyncadd.s32 $0xFFFFFC00  }
0x22: {  	s16 =	rddreg [dreg:$0x2]  }
0x23: {  	[tilespmem:s26], [sflag:$0x2] =	stream.linear.gather [hbm4b:s16+s4], $0x2800, $0x38;
	[tilespmem:$0x1A400] =	vst v63  }
0x24: {  	_ =	swait.ge [sflag:s17], $0x2800  }
0x25: {  	[sflag:s17] =	ssyncset.done $0x0  }
0x26: {  	[sflag:s17] =	ssyncadd.s32 $0xFFFFD800  }
0x27: {  	[spmem:s3] =	stream.indirect.scatter [tilespmem:s26], [sflag:$0x2], $0x80, s29, s19, $0xb8;
	[tilespmem:$0x1A400] =	vst v63  }
0x28: {  	_ =	swait.ge [sflag:s17], $0x2800  }
0x29: {  	[sflag:s17] =	ssyncset.done $0x0  }
0x2a: {  	s29 =	simm.s32 $0x1080;
	[sflag:s17] =	ssyncadd.s32 $0xFFFFD800  }
0x2b: {  	[spmem:s3] =	stream.indirect.scatter [tilespmem:s26], [sflag:$0x2], $0x80, s29, s19, $0xb8;
	[tilespmem:$0x1A400] =	vst v63  }
0x2c: {  	_ =	swait.ge [sflag:s17], $0x2800  }
0x2d: {  	[sflag:s17] =	ssyncset.done $0x0  }
0x2e: {  	s29 =	simm.s32 $0x1100;
	[sflag:s17] =	ssyncadd.s32 $0xFFFFD800  }
0x2f: {  	[spmem:s3] =	stream.indirect.scatter [tilespmem:s26], [sflag:$0x2], $0x80, s29, s19, $0xb8;
	[tilespmem:$0x1A400] =	vst v63  }
0x30: {  	_ =	swait.ge [sflag:s17], $0x2800  }
0x31: {  	[sflag:s17] =	ssyncset.done $0x0  }
0x32: {  	s29 =	simm.s32 $0x1180;
	[sflag:s17] =	ssyncadd.s32 $0xFFFFD800  }
0x33: {  	[spmem:s3] =	stream.indirect.scatter [tilespmem:s26], [sflag:$0x2], $0x80, s29, s19, $0xb8;
	[tilespmem:$0x1A400] =	vst v63  }
0x34: {  	_ =	swait.ge [sflag:s17], $0x2800  }
0x35: {  	[sflag:s17] =	ssyncset.done $0x0  }
0x36: {  	s29 =	simm.s32 $0x1200;
	[sflag:s17] =	ssyncadd.s32 $0xFFFFD800  }
0x37: {  	[spmem:s3] =	stream.indirect.scatter [tilespmem:s26], [sflag:$0x2], $0x80, s29, s19, $0xb8;
	[tilespmem:$0x1A400] =	vst v63  }
0x38: {  	_ =	swait.ge [sflag:s17], $0x2800  }
0x39: {  	[sflag:s17] =	ssyncset.done $0x0  }
0x3a: {  	s29 =	simm.s32 $0x1280;
	[sflag:s17] =	ssyncadd.s32 $0xFFFFD800  }
0x3b: {  	[spmem:s3] =	stream.indirect.scatter [tilespmem:s26], [sflag:$0x2], $0x80, s29, s19, $0xb8;
	[tilespmem:$0x1A400] =	vst v63  }
0x3c: {  	_ =	swait.ge [sflag:s17], $0x2800  }
0x3d: {  	[sflag:s17] =	ssyncset.done $0x0  }
0x3e: {  	s29 =	simm.s32 $0x1300;
	[sflag:s17] =	ssyncadd.s32 $0xFFFFD800  }
0x3f: {  	[spmem:s3] =	stream.indirect.scatter [tilespmem:s26], [sflag:$0x2], $0x80, s29, s19, $0xb8;
	[tilespmem:$0x1A400] =	vst v63  }
0x40: {  	_ =	swait.ge [sflag:s17], $0x2800  }
0x41: {  	[sflag:s17] =	ssyncset.done $0x0  }
0x42: {  	[sflag:s17] =	ssyncadd.s32 $0xFFFFD800  }
0x43: {  	[spmem:s3] =	stream.indirect.scatter [tilespmem:s26], [sflag:$0x2], $0x80, s18, s19, $0xb8;
	[tilespmem:$0x1A400] =	vst v63  }
0x44: {  	_ =	swait.ge [sflag:s17], $0x2800  }
0x45: {  	[sflag:s17] =	ssyncset.done $0x0  }
0x46: {  	s26 =	rddreg [dreg:$0x8];
	[sflag:s17] =	ssyncadd.s32 $0xFFFFD800  }
0x47: {  	[tilespmem:s28], [sflag:$0x2] =	stream.linear.gather [hbm4b:s26+s4], $0x2800, $0x38;
	[tilespmem:$0x1A400] =	vst v63  }
0x48: {  	_ =	swait.ge [sflag:s17], $0x2800  }
0x49: {  	[sflag:s17] =	ssyncset.done $0x0  }
0x4a: {  	[sflag:s17] =	ssyncadd.s32 $0xFFFFD800  }
0x4b: {  	[bflag:$0x0] =	sbarrier.arrive $0xFFFF  }
0x4c: {  	s29 =	rddreg [dreg:$0x5]  }
0x4d: {  	s16 =	sadd.s32 $0x0, s29  }
0x4e: {  	[tilespmem:s4], [sflag:$0x2] =	stream.linear.gather [hbm4b:s16+s4], $0xC80, $0x38;
	[tilespmem:$0x1A400] =	vst v63  }
0x4f: {  	_ =	swait.ge [sflag:s17], $0xC80  }
0x50: {  	[sflag:s17] =	ssyncset.done $0x0  }
0x51: {  	[sflag:s17] =	ssyncadd.s32 $0xFFFFF380  }
0x52: {  	[spmem:s3] =	stream.indirect.scatter.add.f32 [tilespmem:s28], [sflag:$0x1], $0x80, s4, s19, $0xb8;
	[tilespmem:$0x1A400] =	vst v63  }
0x53: {  	s18 =	rddreg [dreg:$0x6]  }
0x54: {  	[spmem:s3] =	stream.indirect.scatter.add.f32 [tilespmem:s28], [sflag:$0x1], $0x80, s18, s19, $0xb8;
	[tilespmem:$0x1A400] =	vst v63  }
0x55: {  	s26 =	rddreg [dreg:$0x7]  }
0x56: {  	[spmem:s3] =	stream.indirect.scatter.add.f32 [tilespmem:s28], [sflag:$0x1], $0x80, s26, s19, $0xb8;
	[tilespmem:$0x1A400] =	vst v63  }
0x57: {  	s29 =	simm.s32 $0x180  }
0x58: {  	[spmem:s3] =	stream.indirect.scatter.add.f32 [tilespmem:s28], [sflag:$0x1], $0x80, s29, s19, $0xb8;
	[tilespmem:$0x1A400] =	vst v63  }
0x59: {  	_ = 	snop  }
0x5a: {  	[spmem:s3] =	stream.indirect.scatter.add.f32 [tilespmem:s28], [sflag:$0x1], $0x80, s30, s19, $0xb8;
	[tilespmem:$0x1A400] =	vst v63  }
0x5b: {  	_ =	swait.ge [sflag:s31], $0x2800  }
0x5c: {  	[sflag:s31] =	ssyncset.done $0x0  }
0x5d: {  	[sflag:s31] =	ssyncadd.s32 $0xFFFFD800  }
0x5e: {  	_ =	swait.ge [sflag:s31], $0x2800  }
0x5f: {  	[sflag:s31] =	ssyncset.done $0x0  }
0x60: {  	[sflag:s31] =	ssyncadd.s32 $0xFFFFD800  }
0x61: {  	_ =	swait.ge [sflag:s31], $0x2800  }
0x62: {  	[sflag:s31] =	ssyncset.done $0x0  }
0x63: {  	[sflag:s31] =	ssyncadd.s32 $0xFFFFD800  }
0x64: {  	_ =	swait.ge [sflag:s31], $0x2800  }
0x65: {  	[sflag:s31] =	ssyncset.done $0x0  }
0x66: {  	[sflag:s31] =	ssyncadd.s32 $0xFFFFD800  }
0x67: {  	_ =	swait.ge [sflag:s31], $0x2800  }
0x68: {  	[sflag:s31] =	ssyncset.done $0x0  }
0x69: {  	[sflag:s31] =	ssyncadd.s32 $0xFFFFD800  }
0x6a: {  	[spmem:s3] =	stream.indirect.scatter.add.f32 [tilespmem:s28], [sflag:$0x1], $0x80, s1, s19, $0xb8;
	[tilespmem:$0x1A400] =	vst v63  }
0x6b: {  	_ = 	snop  }
0x6c: {  	[spmem:s3] =	stream.indirect.scatter.add.f32 [tilespmem:s28], [sflag:$0x1], $0x80, s0, s19, $0xb8;
	[tilespmem:$0x1A400] =	vst v63  }
0x6d: {  	_ = 	snop  }
0x6e: {  	[spmem:s3] =	stream.indirect.scatter.add.f32 [tilespmem:s28], [sflag:$0x1], $0x80, s2, s19, $0xb8;
	[tilespmem:$0x1A400] =	vst v63  }
0x6f: {  	_ = 	snop  }
0x70: {  	[spmem:s3] =	stream.indirect.scatter.add.f32 [tilespmem:s28], [sflag:$0x1], $0x80, s5, s19, $0xb8;
	[tilespmem:$0x1A400] =	vst v63  }
0x71: {  	_ = 	snop  }
0x72: {  	[spmem:s3] =	stream.indirect.scatter.add.f32 [tilespmem:s28], [sflag:$0x1], $0x80, s6, s19, $0xb8;
	[tilespmem:$0x1A400] =	vst v63  }
0x73: {  	_ =	swait.ge [sflag:s31], $0x2800  }
0x74: {  	[sflag:s31] =	ssyncset.done $0x0  }
0x75: {  	[sflag:s31] =	ssyncadd.s32 $0xFFFFD800  }
0x76: {  	_ =	swait.ge [sflag:s31], $0x2800  }
0x77: {  	[sflag:s31] =	ssyncset.done $0x0  }
0x78: {  	[sflag:s31] =	ssyncadd.s32 $0xFFFFD800  }
0x79: {  	_ =	swait.ge [sflag:s31], $0x2800  }
0x7a: {  	[sflag:s31] =	ssyncset.done $0x0  }
0x7b: {  	[sflag:s31] =	ssyncadd.s32 $0xFFFFD800  }
0x7c: {  	_ =	swait.ge [sflag:s31], $0x2800  }
0x7d: {  	[sflag:s31] =	ssyncset.done $0x0  }
0x7e: {  	[sflag:s31] =	ssyncadd.s32 $0xFFFFD800  }
0x7f: {  	_ =	swait.ge [sflag:s31], $0x2800  }
0x80: {  	[sflag:s31] =	ssyncset.done $0x0  }
0x81: {  	[sflag:s31] =	ssyncadd.s32 $0xFFFFD800  }
0x82: {  	[spmem:s3] =	stream.indirect.scatter.add.f32 [tilespmem:s28], [sflag:$0x1], $0x80, s7, s19, $0xb8;
	[tilespmem:$0x1A400] =	vst v63  }
0x83: {  	_ = 	snop  }
0x84: {  	[spmem:s3] =	stream.indirect.scatter.add.f32 [tilespmem:s28], [sflag:$0x1], $0x80, s8, s19, $0xb8;
	[tilespmem:$0x1A400] =	vst v63  }
0x85: {  	_ = 	snop  }
0x86: {  	[spmem:s3] =	stream.indirect.scatter.add.f32 [tilespmem:s28], [sflag:$0x1], $0x80, s9, s19, $0xb8;
	[tilespmem:$0x1A400] =	vst v63  }
0x87: {  	_ = 	snop  }
0x88: {  	[spmem:s3] =	stream.indirect.scatter.add.f32 [tilespmem:s28], [sflag:$0x1], $0x80, s10, s19, $0xb8;
	[tilespmem:$0x1A400] =	vst v63  }
0x89: {  	_ = 	snop  }
0x8a: {  	[spmem:s3] =	stream.indirect.scatter.add.f32 [tilespmem:s28], [sflag:$0x1], $0x80, s11, s19, $0xb8;
	[tilespmem:$0x1A400] =	vst v63  }
0x8b: {  	_ =	swait.ge [sflag:s31], $0x2800  }
0x8c: {  	[sflag:s31] =	ssyncset.done $0x0  }
0x8d: {  	[sflag:s31] =	ssyncadd.s32 $0xFFFFD800  }
0x8e: {  	_ =	swait.ge [sflag:s31], $0x2800  }
0x8f: {  	[sflag:s31] =	ssyncset.done $0x0  }
0x90: {  	[sflag:s31] =	ssyncadd.s32 $0xFFFFD800  }
0x91: {  	_ =	swait.ge [sflag:s31], $0x2800  }
0x92: {  	[sflag:s31] =	ssyncset.done $0x0  }
0x93: {  	[sflag:s31] =	ssyncadd.s32 $0xFFFFD800  }
0x94: {  	_ =	swait.ge [sflag:s31], $0x2800  }
0x95: {  	[sflag:s31] =	ssyncset.done $0x0  }
0x96: {  	[sflag:s31] =	ssyncadd.s32 $0xFFFFD800  }
0x97: {  	_ =	swait.ge [sflag:s31], $0x2800  }
0x98: {  	[sflag:s31] =	ssyncset.done $0x0  }
0x99: {  	[sflag:s31] =	ssyncadd.s32 $0xFFFFD800  }
0x9a: {  	[spmem:s3] =	stream.indirect.scatter.add.f32 [tilespmem:s28], [sflag:$0x1], $0x80, s12, s19, $0xb8;
	[tilespmem:$0x1A400] =	vst v63  }
0x9b: {  	_ = 	snop  }
0x9c: {  	[spmem:s3] =	stream.indirect.scatter.add.f32 [tilespmem:s28], [sflag:$0x1], $0x80, s20, s19, $0xb8;
	[tilespmem:$0x1A400] =	vst v63  }
0x9d: {  	_ = 	snop  }
0x9e: {  	[spmem:s3] =	stream.indirect.scatter.add.f32 [tilespmem:s28], [sflag:$0x1], $0x80, s13, s19, $0xb8;
	[tilespmem:$0x1A400] =	vst v63  }
0x9f: {  	_ = 	snop  }
0xa0: {  	[spmem:s3] =	stream.indirect.scatter.add.f32 [tilespmem:s28], [sflag:$0x1], $0x80, s21, s19, $0xb8;
	[tilespmem:$0x1A400] =	vst v63  }
0xa1: {  	_ = 	snop  }
0xa2: {  	[spmem:s3] =	stream.indirect.scatter.add.f32 [tilespmem:s28], [sflag:$0x1], $0x80, s14, s19, $0xb8;
	[tilespmem:$0x1A400] =	vst v63  }
0xa3: {  	_ =	swait.ge [sflag:s31], $0x2800  }
0xa4: {  	[sflag:s31] =	ssyncset.done $0x0  }
0xa5: {  	[sflag:s31] =	ssyncadd.s32 $0xFFFFD800  }
0xa6: {  	_ =	swait.ge [sflag:s31], $0x2800  }
0xa7: {  	[sflag:s31] =	ssyncset.done $0x0  }
0xa8: {  	[sflag:s31] =	ssyncadd.s32 $0xFFFFD800  }
0xa9: {  	_ =	swait.ge [sflag:s31], $0x2800  }
0xaa: {  	[sflag:s31] =	ssyncset.done $0x0  }
0xab: {  	[sflag:s31] =	ssyncadd.s32 $0xFFFFD800  }
0xac: {  	_ =	swait.ge [sflag:s31], $0x2800  }
0xad: {  	[sflag:s31] =	ssyncset.done $0x0  }
0xae: {  	[sflag:s31] =	ssyncadd.s32 $0xFFFFD800  }
0xaf: {  	_ =	swait.ge [sflag:s31], $0x2800  }
0xb0: {  	[sflag:s31] =	ssyncset.done $0x0  }
0xb1: {  	[sflag:s31] =	ssyncadd.s32 $0xFFFFD800  }
0xb2: {  	[spmem:s3] =	stream.indirect.scatter.add.f32 [tilespmem:s28], [sflag:$0x1], $0x80, s22, s19, $0xb8;
	[tilespmem:$0x1A400] =	vst v63  }
0xb3: {  	_ = 	snop  }
0xb4: {  	[spmem:s3] =	stream.indirect.scatter.add.f32 [tilespmem:s28], [sflag:$0x1], $0x80, s15, s19, $0xb8;
	[tilespmem:$0x1A400] =	vst v63  }
0xb5: {  	_ = 	snop  }
0xb6: {  	[spmem:s3] =	stream.indirect.scatter.add.f32 [tilespmem:s28], [sflag:$0x1], $0x80, s23, s19, $0xb8;
	[tilespmem:$0x1A400] =	vst v63  }
0xb7: {  	_ = 	snop  }
0xb8: {  	[spmem:s3] =	stream.indirect.scatter.add.f32 [tilespmem:s28], [sflag:$0x1], $0x80, s24, s19, $0xb8;
	[tilespmem:$0x1A400] =	vst v63  }
0xb9: {  	_ = 	snop  }
0xba: {  	[spmem:s3] =	stream.indirect.scatter.add.f32 [tilespmem:s28], [sflag:$0x1], $0x80, s25, s19, $0xb8;
	[tilespmem:$0x1A400] =	vst v63  }
0xbb: {  	_ =	swait.ge [sflag:s31], $0x2800  }
0xbc: {  	[sflag:s31] =	ssyncset.done $0x0  }
0xbd: {  	[sflag:s31] =	ssyncadd.s32 $0xFFFFD800  }
0xbe: {  	_ =	swait.ge [sflag:s31], $0x2800  }
0xbf: {  	[sflag:s31] =	ssyncset.done $0x0  }
0xc0: {  	[sflag:s31] =	ssyncadd.s32 $0xFFFFD800  }
0xc1: {  	_ =	swait.ge [sflag:s31], $0x2800  }
0xc2: {  	[sflag:s31] =	ssyncset.done $0x0  }
0xc3: {  	[sflag:s31] =	ssyncadd.s32 $0xFFFFD800  }
0xc4: {  	_ =	swait.ge [sflag:s31], $0x2800  }
0xc5: {  	[sflag:s31] =	ssyncset.done $0x0  }
0xc6: {  	[sflag:s31] =	ssyncadd.s32 $0xFFFFD800  }
0xc7: {  	s16 =	simm.s32 $0x200;
	_ =	swait.ge [sflag:s31], $0x2800  }
0xc8: {  	s26 =	simm.s32 $0x400;
	s18 =	rddreg [dreg:$0x5];
	[sflag:s31] =	ssyncset.done $0x0  }
.LBB2_2:
0xc9: {  	[sflag:s31] =	ssyncadd.s32 $0xFFFFD800;
	s18 =	sadd.s32 s16, s18  }
0xca: {  	[tilespmem:s4], [sflag:$0x2] =	stream.linear.gather [hbm4b:s18+s4], $0xC80, $0x38;
	[tilespmem:$0x1A400] =	vst v63  }
0xcb: {  	_ =	swait.ge [sflag:s17], $0xC80  }
0xcc: {  	[sflag:s17] =	ssyncset.done $0x0  }
0xcd: {  	[sflag:s17] =	ssyncadd.s32 $0xFFFFF380  }
0xce: {  	[spmem:s3] =	stream.indirect.scatter.add.f32 [tilespmem:s28], [sflag:$0x1], $0x80, s4, s19, $0xb8;
	[tilespmem:$0x1A400] =	vst v63  }
0xcf: {  	s29 =	smov.u32 s26;
	s18 =	rddreg [dreg:$0x6]  }
0xd0: {  	[spmem:s3] =	stream.indirect.scatter.add.f32 [tilespmem:s28], [sflag:$0x1], $0x80, s18, s19, $0xb8;
	[tilespmem:$0x1A400] =	vst v63  }
0xd1: {  	s16 =	smov.u32 s29;
	s29 =	rddreg [dreg:$0x7]  }
0xd2: {  	[spmem:s3] =	stream.indirect.scatter.add.f32 [tilespmem:s28], [sflag:$0x1], $0x80, s29, s19, $0xb8;
	[tilespmem:$0x1A400] =	vst v63  }
0xd3: {  	s29 =	simm.s32 $0x180  }
0xd4: {  	[spmem:s3] =	stream.indirect.scatter.add.f32 [tilespmem:s28], [sflag:$0x1], $0x80, s29, s19, $0xb8;
	[tilespmem:$0x1A400] =	vst v63  }
0xd5: {  	_ = 	snop  }
0xd6: {  	[spmem:s3] =	stream.indirect.scatter.add.f32 [tilespmem:s28], [sflag:$0x1], $0x80, s30, s19, $0xb8;
	[tilespmem:$0x1A400] =	vst v63  }
0xd7: {  	_ =	swait.ge [sflag:s31], $0x2800  }
0xd8: {  	[sflag:s31] =	ssyncset.done $0x0  }
0xd9: {  	[sflag:s31] =	ssyncadd.s32 $0xFFFFD800  }
0xda: {  	_ =	swait.ge [sflag:s31], $0x2800  }
0xdb: {  	[sflag:s31] =	ssyncset.done $0x0  }
0xdc: {  	[sflag:s31] =	ssyncadd.s32 $0xFFFFD800  }
0xdd: {  	_ =	swait.ge [sflag:s31], $0x2800  }
0xde: {  	[sflag:s31] =	ssyncset.done $0x0  }
0xdf: {  	[sflag:s31] =	ssyncadd.s32 $0xFFFFD800  }
0xe0: {  	_ =	swait.ge [sflag:s31], $0x2800  }
0xe1: {  	[sflag:s31] =	ssyncset.done $0x0  }
0xe2: {  	[sflag:s31] =	ssyncadd.s32 $0xFFFFD800  }
0xe3: {  	_ =	swait.ge [sflag:s31], $0x2800  }
0xe4: {  	[sflag:s31] =	ssyncset.done $0x0  }
0xe5: {  	[sflag:s31] =	ssyncadd.s32 $0xFFFFD800  }
0xe6: {  	[spmem:s3] =	stream.indirect.scatter.add.f32 [tilespmem:s28], [sflag:$0x1], $0x80, s1, s19, $0xb8;
	[tilespmem:$0x1A400] =	vst v63  }
0xe7: {  	_ = 	snop  }
0xe8: {  	[spmem:s3] =	stream.indirect.scatter.add.f32 [tilespmem:s28], [sflag:$0x1], $0x80, s0, s19, $0xb8;
	[tilespmem:$0x1A400] =	vst v63  }
0xe9: {  	_ = 	snop  }
0xea: {  	[spmem:s3] =	stream.indirect.scatter.add.f32 [tilespmem:s28], [sflag:$0x1], $0x80, s2, s19, $0xb8;
	[tilespmem:$0x1A400] =	vst v63  }
0xeb: {  	_ = 	snop  }
0xec: {  	[spmem:s3] =	stream.indirect.scatter.add.f32 [tilespmem:s28], [sflag:$0x1], $0x80, s5, s19, $0xb8;
	[tilespmem:$0x1A400] =	vst v63  }
0xed: {  	_ = 	snop  }
0xee: {  	[spmem:s3] =	stream.indirect.scatter.add.f32 [tilespmem:s28], [sflag:$0x1], $0x80, s6, s19, $0xb8;
	[tilespmem:$0x1A400] =	vst v63  }
0xef: {  	_ =	swait.ge [sflag:s31], $0x2800  }
0xf0: {  	[sflag:s31] =	ssyncset.done $0x0  }
0xf1: {  	[sflag:s31] =	ssyncadd.s32 $0xFFFFD800  }
0xf2: {  	_ =	swait.ge [sflag:s31], $0x2800  }
0xf3: {  	[sflag:s31] =	ssyncset.done $0x0  }
0xf4: {  	[sflag:s31] =	ssyncadd.s32 $0xFFFFD800  }
0xf5: {  	_ =	swait.ge [sflag:s31], $0x2800  }
0xf6: {  	[sflag:s31] =	ssyncset.done $0x0  }
0xf7: {  	[sflag:s31] =	ssyncadd.s32 $0xFFFFD800  }
0xf8: {  	_ =	swait.ge [sflag:s31], $0x2800  }
0xf9: {  	[sflag:s31] =	ssyncset.done $0x0  }
0xfa: {  	[sflag:s31] =	ssyncadd.s32 $0xFFFFD800  }
0xfb: {  	_ =	swait.ge [sflag:s31], $0x2800  }
0xfc: {  	[sflag:s31] =	ssyncset.done $0x0  }
0xfd: {  	[sflag:s31] =	ssyncadd.s32 $0xFFFFD800  }
0xfe: {  	[spmem:s3] =	stream.indirect.scatter.add.f32 [tilespmem:s28], [sflag:$0x1], $0x80, s7, s19, $0xb8;
	[tilespmem:$0x1A400] =	vst v63  }
0xff: {  	_ = 	snop  }
0x100: {  	[spmem:s3] =	stream.indirect.scatter.add.f32 [tilespmem:s28], [sflag:$0x1], $0x80, s8, s19, $0xb8;
	[tilespmem:$0x1A400] =	vst v63  }
0x101: {  	_ = 	snop  }
0x102: {  	[spmem:s3] =	stream.indirect.scatter.add.f32 [tilespmem:s28], [sflag:$0x1], $0x80, s9, s19, $0xb8;
	[tilespmem:$0x1A400] =	vst v63  }
0x103: {  	_ = 	snop  }
0x104: {  	[spmem:s3] =	stream.indirect.scatter.add.f32 [tilespmem:s28], [sflag:$0x1], $0x80, s10, s19, $0xb8;
	[tilespmem:$0x1A400] =	vst v63  }
0x105: {  	_ = 	snop  }
0x106: {  	[spmem:s3] =	stream.indirect.scatter.add.f32 [tilespmem:s28], [sflag:$0x1], $0x80, s11, s19, $0xb8;
	[tilespmem:$0x1A400] =	vst v63  }
0x107: {  	_ =	swait.ge [sflag:s31], $0x2800  }
0x108: {  	[sflag:s31] =	ssyncset.done $0x0  }
0x109: {  	[sflag:s31] =	ssyncadd.s32 $0xFFFFD800  }
0x10a: {  	_ =	swait.ge [sflag:s31], $0x2800  }
0x10b: {  	[sflag:s31] =	ssyncset.done $0x0  }
0x10c: {  	[sflag:s31] =	ssyncadd.s32 $0xFFFFD800  }
0x10d: {  	_ =	swait.ge [sflag:s31], $0x2800  }
0x10e: {  	[sflag:s31] =	ssyncset.done $0x0  }
0x10f: {  	[sflag:s31] =	ssyncadd.s32 $0xFFFFD800  }
0x110: {  	_ =	swait.ge [sflag:s31], $0x2800  }
0x111: {  	[sflag:s31] =	ssyncset.done $0x0  }
0x112: {  	[sflag:s31] =	ssyncadd.s32 $0xFFFFD800  }
0x113: {  	_ =	swait.ge [sflag:s31], $0x2800  }
0x114: {  	[sflag:s31] =	ssyncset.done $0x0  }
0x115: {  	[sflag:s31] =	ssyncadd.s32 $0xFFFFD800  }
0x116: {  	[spmem:s3] =	stream.indirect.scatter.add.f32 [tilespmem:s28], [sflag:$0x1], $0x80, s12, s19, $0xb8;
	[tilespmem:$0x1A400] =	vst v63  }
0x117: {  	_ = 	snop  }
0x118: {  	[spmem:s3] =	stream.indirect.scatter.add.f32 [tilespmem:s28], [sflag:$0x1], $0x80, s20, s19, $0xb8;
	[tilespmem:$0x1A400] =	vst v63  }
0x119: {  	_ = 	snop  }
0x11a: {  	[spmem:s3] =	stream.indirect.scatter.add.f32 [tilespmem:s28], [sflag:$0x1], $0x80, s13, s19, $0xb8;
	[tilespmem:$0x1A400] =	vst v63  }
0x11b: {  	_ = 	snop  }
0x11c: {  	[spmem:s3] =	stream.indirect.scatter.add.f32 [tilespmem:s28], [sflag:$0x1], $0x80, s21, s19, $0xb8;
	[tilespmem:$0x1A400] =	vst v63  }
0x11d: {  	_ = 	snop  }
0x11e: {  	[spmem:s3] =	stream.indirect.scatter.add.f32 [tilespmem:s28], [sflag:$0x1], $0x80, s14, s19, $0xb8;
	[tilespmem:$0x1A400] =	vst v63  }
0x11f: {  	_ =	swait.ge [sflag:s31], $0x2800  }
0x120: {  	[sflag:s31] =	ssyncset.done $0x0  }
0x121: {  	[sflag:s31] =	ssyncadd.s32 $0xFFFFD800  }
0x122: {  	_ =	swait.ge [sflag:s31], $0x2800  }
0x123: {  	[sflag:s31] =	ssyncset.done $0x0  }
0x124: {  	[sflag:s31] =	ssyncadd.s32 $0xFFFFD800  }
0x125: {  	_ =	swait.ge [sflag:s31], $0x2800  }
0x126: {  	[sflag:s31] =	ssyncset.done $0x0  }
0x127: {  	[sflag:s31] =	ssyncadd.s32 $0xFFFFD800  }
0x128: {  	_ =	swait.ge [sflag:s31], $0x2800  }
0x129: {  	[sflag:s31] =	ssyncset.done $0x0  }
0x12a: {  	[sflag:s31] =	ssyncadd.s32 $0xFFFFD800  }
0x12b: {  	_ =	swait.ge [sflag:s31], $0x2800  }
0x12c: {  	[sflag:s31] =	ssyncset.done $0x0  }
0x12d: {  	[sflag:s31] =	ssyncadd.s32 $0xFFFFD800  }
0x12e: {  	[spmem:s3] =	stream.indirect.scatter.add.f32 [tilespmem:s28], [sflag:$0x1], $0x80, s22, s19, $0xb8;
	[tilespmem:$0x1A400] =	vst v63  }
0x12f: {  	_ = 	snop  }
0x130: {  	[spmem:s3] =	stream.indirect.scatter.add.f32 [tilespmem:s28], [sflag:$0x1], $0x80, s15, s19, $0xb8;
	[tilespmem:$0x1A400] =	vst v63  }
0x131: {  	_ = 	snop  }
0x132: {  	[spmem:s3] =	stream.indirect.scatter.add.f32 [tilespmem:s28], [sflag:$0x1], $0x80, s23, s19, $0xb8;
	[tilespmem:$0x1A400] =	vst v63  }
0x133: {  	_ = 	snop  }
0x134: {  	[spmem:s3] =	stream.indirect.scatter.add.f32 [tilespmem:s28], [sflag:$0x1], $0x80, s24, s19, $0xb8;
	[tilespmem:$0x1A400] =	vst v63  }
0x135: {  	_ = 	snop  }
0x136: {  	[spmem:s3] =	stream.indirect.scatter.add.f32 [tilespmem:s28], [sflag:$0x1], $0x80, s25, s19, $0xb8;
	[tilespmem:$0x1A400] =	vst v63  }
0x137: {  	_ =	swait.ge [sflag:s31], $0x2800  }
0x138: {  	[sflag:s31] =	ssyncset.done $0x0  }
0x139: {  	[sflag:s31] =	ssyncadd.s32 $0xFFFFD800  }
0x13a: {  	_ =	swait.ge [sflag:s31], $0x2800  }
0x13b: {  	[sflag:s31] =	ssyncset.done $0x0  }
0x13c: {  	[sflag:s31] =	ssyncadd.s32 $0xFFFFD800  }
0x13d: {  	_ =	swait.ge [sflag:s31], $0x2800  }
0x13e: {  	[sflag:s31] =	ssyncset.done $0x0  }
0x13f: {  	p0 =	sne.s32 s26, $0x800;
	[sflag:s31] =	ssyncadd.s32 $0xFFFFD800  }
.Ltmp0:
0x140: {  	_ =	swait.ge [sflag:s31], $0x2800;
	(pc) =	sbr.rel @p0 .LBB2_2-.Ltmp0, $4  }
0x141: {  	[sflag:s31] =	ssyncset.done $0x0  }
0x142: {  	[sflag:s31] =	ssyncadd.s32 $0xFFFFD800  }
0x143: {  	_ =	swait.ge [sflag:s31], $0x2800  }
0x144: {  	s26 =	sadd.s32 $0x200, s26;
	s18 =	rddreg [dreg:$0x5];
	[sflag:s31] =	ssyncset.done $0x0  }
0x145: {  	[sflag:s31] =	ssyncadd.s32 $0xFFFFD800;
	s16 =	sadd.s32 s16, s18  }
0x146: {  	[tilespmem:s4], [sflag:$0x2] =	stream.linear.gather [hbm4b:s16+s4], $0xC80, $0x38;
	[tilespmem:$0x1A400] =	vst v63  }
0x147: {  	_ =	swait.ge [sflag:s17], $0xC80  }
0x148: {  	[sflag:s17] =	ssyncset.done $0x0  }
0x149: {  	[sflag:s17] =	ssyncadd.s32 $0xFFFFF380  }
0x14a: {  	[spmem:s3] =	stream.indirect.scatter.add.f32 [tilespmem:s28], [sflag:$0x1], $0x80, s4, s19, $0xb8;
	[tilespmem:$0x1A400] =	vst v63  }
0x14b: {  	s18 =	rddreg [dreg:$0x6]  }
0x14c: {  	[spmem:s3] =	stream.indirect.scatter.add.f32 [tilespmem:s28], [sflag:$0x1], $0x80, s18, s19, $0xb8;
	[tilespmem:$0x1A400] =	vst v63  }
0x14d: {  	s26 =	rddreg [dreg:$0x7]  }
0x14e: {  	[spmem:s3] =	stream.indirect.scatter.add.f32 [tilespmem:s28], [sflag:$0x1], $0x80, s26, s19, $0xb8;
	[tilespmem:$0x1A400] =	vst v63  }
0x14f: {  	s26 =	simm.s32 $0x180  }
0x150: {  	[spmem:s3] =	stream.indirect.scatter.add.f32 [tilespmem:s28], [sflag:$0x1], $0x80, s26, s19, $0xb8;
	[tilespmem:$0x1A400] =	vst v63  }
0x151: {  	_ = 	snop  }
0x152: {  	[spmem:s3] =	stream.indirect.scatter.add.f32 [tilespmem:s28], [sflag:$0x1], $0x80, s30, s19, $0xb8;
	[tilespmem:$0x1A400] =	vst v63  }
0x153: {  	_ =	swait.ge [sflag:s31], $0x2800  }
0x154: {  	[sflag:s31] =	ssyncset.done $0x0  }
0x155: {  	[sflag:s31] =	ssyncadd.s32 $0xFFFFD800  }
0x156: {  	_ =	swait.ge [sflag:s31], $0x2800  }
0x157: {  	[sflag:s31] =	ssyncset.done $0x0  }
0x158: {  	[sflag:s31] =	ssyncadd.s32 $0xFFFFD800  }
0x159: {  	_ =	swait.ge [sflag:s31], $0x2800  }
0x15a: {  	[sflag:s31] =	ssyncset.done $0x0  }
0x15b: {  	[sflag:s31] =	ssyncadd.s32 $0xFFFFD800  }
0x15c: {  	_ =	swait.ge [sflag:s31], $0x2800  }
0x15d: {  	[sflag:s31] =	ssyncset.done $0x0  }
0x15e: {  	[sflag:s31] =	ssyncadd.s32 $0xFFFFD800  }
0x15f: {  	_ =	swait.ge [sflag:s31], $0x2800  }
0x160: {  	[sflag:s31] =	ssyncset.done $0x0  }
0x161: {  	[sflag:s31] =	ssyncadd.s32 $0xFFFFD800  }
0x162: {  	[spmem:s3] =	stream.indirect.scatter.add.f32 [tilespmem:s28], [sflag:$0x1], $0x80, s1, s19, $0xb8;
	[tilespmem:$0x1A400] =	vst v63  }
0x163: {  	_ = 	snop  }
0x164: {  	[spmem:s3] =	stream.indirect.scatter.add.f32 [tilespmem:s28], [sflag:$0x1], $0x80, s0, s19, $0xb8;
	[tilespmem:$0x1A400] =	vst v63  }
0x165: {  	_ = 	snop  }
0x166: {  	[spmem:s3] =	stream.indirect.scatter.add.f32 [tilespmem:s28], [sflag:$0x1], $0x80, s2, s19, $0xb8;
	[tilespmem:$0x1A400] =	vst v63  }
0x167: {  	_ = 	snop  }
0x168: {  	[spmem:s3] =	stream.indirect.scatter.add.f32 [tilespmem:s28], [sflag:$0x1], $0x80, s5, s19, $0xb8;
	[tilespmem:$0x1A400] =	vst v63  }
0x169: {  	_ = 	snop  }
0x16a: {  	[spmem:s3] =	stream.indirect.scatter.add.f32 [tilespmem:s28], [sflag:$0x1], $0x80, s6, s19, $0xb8;
	[tilespmem:$0x1A400] =	vst v63  }
0x16b: {  	_ =	swait.ge [sflag:s31], $0x2800  }
0x16c: {  	[sflag:s31] =	ssyncset.done $0x0  }
0x16d: {  	[sflag:s31] =	ssyncadd.s32 $0xFFFFD800  }
0x16e: {  	_ =	swait.ge [sflag:s31], $0x2800  }
0x16f: {  	[sflag:s31] =	ssyncset.done $0x0  }
0x170: {  	[sflag:s31] =	ssyncadd.s32 $0xFFFFD800  }
0x171: {  	_ =	swait.ge [sflag:s31], $0x2800  }
0x172: {  	[sflag:s31] =	ssyncset.done $0x0  }
0x173: {  	[sflag:s31] =	ssyncadd.s32 $0xFFFFD800  }
0x174: {  	_ =	swait.ge [sflag:s31], $0x2800  }
0x175: {  	[sflag:s31] =	ssyncset.done $0x0  }
0x176: {  	[sflag:s31] =	ssyncadd.s32 $0xFFFFD800  }
0x177: {  	_ =	swait.ge [sflag:s31], $0x2800  }
0x178: {  	[sflag:s31] =	ssyncset.done $0x0  }
0x179: {  	[sflag:s31] =	ssyncadd.s32 $0xFFFFD800  }
0x17a: {  	[spmem:s3] =	stream.indirect.scatter.add.f32 [tilespmem:s28], [sflag:$0x1], $0x80, s7, s19, $0xb8;
	[tilespmem:$0x1A400] =	vst v63  }
0x17b: {  	_ = 	snop  }
0x17c: {  	[spmem:s3] =	stream.indirect.scatter.add.f32 [tilespmem:s28], [sflag:$0x1], $0x80, s8, s19, $0xb8;
	[tilespmem:$0x1A400] =	vst v63  }
0x17d: {  	_ = 	snop  }
0x17e: {  	[spmem:s3] =	stream.indirect.scatter.add.f32 [tilespmem:s28], [sflag:$0x1], $0x80, s9, s19, $0xb8;
	[tilespmem:$0x1A400] =	vst v63  }
0x17f: {  	_ = 	snop  }
0x180: {  	[spmem:s3] =	stream.indirect.scatter.add.f32 [tilespmem:s28], [sflag:$0x1], $0x80, s10, s19, $0xb8;
	[tilespmem:$0x1A400] =	vst v63  }
0x181: {  	_ = 	snop  }
0x182: {  	[spmem:s3] =	stream.indirect.scatter.add.f32 [tilespmem:s28], [sflag:$0x1], $0x80, s11, s19, $0xb8;
	[tilespmem:$0x1A400] =	vst v63  }
0x183: {  	_ =	swait.ge [sflag:s31], $0x2800  }
0x184: {  	[sflag:s31] =	ssyncset.done $0x0  }
0x185: {  	[sflag:s31] =	ssyncadd.s32 $0xFFFFD800  }
0x186: {  	_ =	swait.ge [sflag:s31], $0x2800  }
0x187: {  	[sflag:s31] =	ssyncset.done $0x0  }
0x188: {  	[sflag:s31] =	ssyncadd.s32 $0xFFFFD800  }
0x189: {  	_ =	swait.ge [sflag:s31], $0x2800  }
0x18a: {  	[sflag:s31] =	ssyncset.done $0x0  }
0x18b: {  	[sflag:s31] =	ssyncadd.s32 $0xFFFFD800  }
0x18c: {  	_ =	swait.ge [sflag:s31], $0x2800  }
0x18d: {  	[sflag:s31] =	ssyncset.done $0x0  }
0x18e: {  	[sflag:s31] =	ssyncadd.s32 $0xFFFFD800  }
0x18f: {  	_ =	swait.ge [sflag:s31], $0x2800  }
0x190: {  	[sflag:s31] =	ssyncset.done $0x0  }
0x191: {  	[sflag:s31] =	ssyncadd.s32 $0xFFFFD800  }
0x192: {  	[spmem:s3] =	stream.indirect.scatter.add.f32 [tilespmem:s28], [sflag:$0x1], $0x80, s12, s19, $0xb8;
	[tilespmem:$0x1A400] =	vst v63  }
0x193: {  	_ = 	snop  }
0x194: {  	[spmem:s3] =	stream.indirect.scatter.add.f32 [tilespmem:s28], [sflag:$0x1], $0x80, s20, s19, $0xb8;
	[tilespmem:$0x1A400] =	vst v63  }
0x195: {  	_ = 	snop  }
0x196: {  	[spmem:s3] =	stream.indirect.scatter.add.f32 [tilespmem:s28], [sflag:$0x1], $0x80, s13, s19, $0xb8;
	[tilespmem:$0x1A400] =	vst v63  }
0x197: {  	_ = 	snop  }
0x198: {  	[spmem:s3] =	stream.indirect.scatter.add.f32 [tilespmem:s28], [sflag:$0x1], $0x80, s21, s19, $0xb8;
	[tilespmem:$0x1A400] =	vst v63  }
0x199: {  	_ = 	snop  }
0x19a: {  	[spmem:s3] =	stream.indirect.scatter.add.f32 [tilespmem:s28], [sflag:$0x1], $0x80, s14, s19, $0xb8;
	[tilespmem:$0x1A400] =	vst v63  }
0x19b: {  	_ =	swait.ge [sflag:s31], $0x2800  }
0x19c: {  	[sflag:s31] =	ssyncset.done $0x0  }
0x19d: {  	[sflag:s31] =	ssyncadd.s32 $0xFFFFD800  }
0x19e: {  	_ =	swait.ge [sflag:s31], $0x2800  }
0x19f: {  	[sflag:s31] =	ssyncset.done $0x0  }
0x1a0: {  	[sflag:s31] =	ssyncadd.s32 $0xFFFFD800  }
0x1a1: {  	_ =	swait.ge [sflag:s31], $0x2800  }
0x1a2: {  	[sflag:s31] =	ssyncset.done $0x0  }
0x1a3: {  	[sflag:s31] =	ssyncadd.s32 $0xFFFFD800  }
0x1a4: {  	_ =	swait.ge [sflag:s31], $0x2800  }
0x1a5: {  	[sflag:s31] =	ssyncset.done $0x0  }
0x1a6: {  	[sflag:s31] =	ssyncadd.s32 $0xFFFFD800  }
0x1a7: {  	_ =	swait.ge [sflag:s31], $0x2800  }
0x1a8: {  	[sflag:s31] =	ssyncset.done $0x0  }
0x1a9: {  	[sflag:s31] =	ssyncadd.s32 $0xFFFFD800  }
0x1aa: {  	[spmem:s3] =	stream.indirect.scatter.add.f32 [tilespmem:s28], [sflag:$0x1], $0x80, s22, s19, $0xb8;
	[tilespmem:$0x1A400] =	vst v63  }
0x1ab: {  	_ = 	snop  }
0x1ac: {  	[spmem:s3] =	stream.indirect.scatter.add.f32 [tilespmem:s28], [sflag:$0x1], $0x80, s15, s19, $0xb8;
	[tilespmem:$0x1A400] =	vst v63  }
0x1ad: {  	_ = 	snop  }
0x1ae: {  	[spmem:s3] =	stream.indirect.scatter.add.f32 [tilespmem:s28], [sflag:$0x1], $0x80, s23, s19, $0xb8;
	[tilespmem:$0x1A400] =	vst v63  }
0x1af: {  	_ = 	snop  }
0x1b0: {  	[spmem:s3] =	stream.indirect.scatter.add.f32 [tilespmem:s28], [sflag:$0x1], $0x80, s24, s19, $0xb8;
	[tilespmem:$0x1A400] =	vst v63  }
0x1b1: {  	_ = 	snop  }
0x1b2: {  	[spmem:s3] =	stream.indirect.scatter.add.f32 [tilespmem:s28], [sflag:$0x1], $0x80, s25, s19, $0xb8;
	[tilespmem:$0x1A400] =	vst v63  }
0x1b3: {  	_ =	swait.ge [sflag:s31], $0x2800  }
0x1b4: {  	[sflag:s31] =	ssyncset.done $0x0  }
0x1b5: {  	[sflag:s31] =	ssyncadd.s32 $0xFFFFD800  }
0x1b6: {  	_ =	swait.ge [sflag:s31], $0x2800  }
0x1b7: {  	[sflag:s31] =	ssyncset.done $0x0  }
0x1b8: {  	[sflag:s31] =	ssyncadd.s32 $0xFFFFD800  }
0x1b9: {  	_ =	swait.ge [sflag:s31], $0x2800  }
0x1ba: {  	[sflag:s31] =	ssyncset.done $0x0  }
0x1bb: {  	[sflag:s31] =	ssyncadd.s32 $0xFFFFD800  }
0x1bc: {  	_ =	swait.ge [sflag:s31], $0x2800  }
0x1bd: {  	[sflag:s31] =	ssyncset.done $0x0  }
0x1be: {  	[sflag:s31] =	ssyncadd.s32 $0xFFFFD800  }
0x1bf: {  	_ =	swait.ge [sflag:s31], $0x2800  }
0x1c0: {  	[sflag:s31] =	ssyncset.done $0x0  }
0x1c1: {  	[sflag:s31] =	ssyncadd.s32 $0xFFFFD800  }
0x1c2: {  	s18 =	simm.s32 $0x1000;
	s26 =	simm.s32 $0x1400;
	[bflag:$0x0] =	sbarrier.arrive $0xFFFF  }
0x1c3: {  	[tilespmem:s26], [sflag:$0x1] =	stream.indirect.gather [spmem:s3], $0x80, s18, s19, $0xb8;
	[tilespmem:$0x1A400] =	vst v63  }
0x1c4: {  	_ =	swait.ge [sflag:s31], $0x2800  }
0x1c5: {  	[sflag:s31] =	ssyncset.done $0x0  }
0x1c6: {  	s18 =	rddreg [dreg:$0xa];
	[sflag:s31] =	ssyncadd.s32 $0xFFFFD800  }
0x1c7: {  	[hbm4b:s18+s4] =	stream.linear.scatter [tilespmem:s26], [sflag:$0x2], $0x2800, $0x38;
	[tilespmem:$0x1A400] =	vst v63  }
0x1c8: {  	_ =	swait.ge [sflag:s17], $0x2800  }
0x1c9: {  	[sflag:s17] =	ssyncset.done $0x0  }
0x1ca: {  	s18 =	simm.s32 $0x1080;
	[sflag:s17] =	ssyncadd.s32 $0xFFFFD800  }
0x1cb: {  	[tilespmem:s26], [sflag:$0x1] =	stream.indirect.gather [spmem:s3], $0x80, s18, s19, $0xb8;
	[tilespmem:$0x1A400] =	vst v63  }
0x1cc: {  	_ =	swait.ge [sflag:s31], $0x2800  }
0x1cd: {  	[sflag:s31] =	ssyncset.done $0x0  }
0x1ce: {  	s18 =	rddreg [dreg:$0xb];
	[sflag:s31] =	ssyncadd.s32 $0xFFFFD800  }
0x1cf: {  	[hbm4b:s18+s4] =	stream.linear.scatter [tilespmem:s26], [sflag:$0x2], $0x2800, $0x38;
	[tilespmem:$0x1A400] =	vst v63  }
0x1d0: {  	_ =	swait.ge [sflag:s17], $0x2800  }
0x1d1: {  	[sflag:s17] =	ssyncset.done $0x0  }
0x1d2: {  	s18 =	simm.s32 $0x1100;
	[sflag:s17] =	ssyncadd.s32 $0xFFFFD800  }
0x1d3: {  	[tilespmem:s26], [sflag:$0x1] =	stream.indirect.gather [spmem:s3], $0x80, s18, s19, $0xb8;
	[tilespmem:$0x1A400] =	vst v63  }
0x1d4: {  	_ =	swait.ge [sflag:s31], $0x2800  }
0x1d5: {  	[sflag:s31] =	ssyncset.done $0x0  }
0x1d6: {  	s18 =	rddreg [dreg:$0xc];
	[sflag:s31] =	ssyncadd.s32 $0xFFFFD800  }
0x1d7: {  	[hbm4b:s18+s4] =	stream.linear.scatter [tilespmem:s26], [sflag:$0x2], $0x2800, $0x38;
	[tilespmem:$0x1A400] =	vst v63  }
0x1d8: {  	_ =	swait.ge [sflag:s17], $0x2800  }
0x1d9: {  	[sflag:s17] =	ssyncset.done $0x0  }
0x1da: {  	s18 =	simm.s32 $0x1180;
	[sflag:s17] =	ssyncadd.s32 $0xFFFFD800  }
0x1db: {  	[tilespmem:s26], [sflag:$0x1] =	stream.indirect.gather [spmem:s3], $0x80, s18, s19, $0xb8;
	[tilespmem:$0x1A400] =	vst v63  }
0x1dc: {  	_ =	swait.ge [sflag:s31], $0x2800  }
0x1dd: {  	[sflag:s31] =	ssyncset.done $0x0  }
0x1de: {  	s18 =	rddreg [dreg:$0xd];
	[sflag:s31] =	ssyncadd.s32 $0xFFFFD800  }
0x1df: {  	[hbm4b:s18+s4] =	stream.linear.scatter [tilespmem:s26], [sflag:$0x2], $0x2800, $0x38;
	[tilespmem:$0x1A400] =	vst v63  }
0x1e0: {  	_ =	swait.ge [sflag:s17], $0x2800  }
0x1e1: {  	[sflag:s17] =	ssyncset.done $0x0  }
0x1e2: {  	s18 =	simm.s32 $0x1200;
	[sflag:s17] =	ssyncadd.s32 $0xFFFFD800  }
0x1e3: {  	[tilespmem:s26], [sflag:$0x1] =	stream.indirect.gather [spmem:s3], $0x80, s18, s19, $0xb8;
	[tilespmem:$0x1A400] =	vst v63  }
0x1e4: {  	_ =	swait.ge [sflag:s31], $0x2800  }
0x1e5: {  	[sflag:s31] =	ssyncset.done $0x0  }
0x1e6: {  	s18 =	rddreg [dreg:$0xe];
	[sflag:s31] =	ssyncadd.s32 $0xFFFFD800  }
0x1e7: {  	[hbm4b:s18+s4] =	stream.linear.scatter [tilespmem:s26], [sflag:$0x2], $0x2800, $0x38;
	[tilespmem:$0x1A400] =	vst v63  }
0x1e8: {  	_ =	swait.ge [sflag:s17], $0x2800  }
0x1e9: {  	[sflag:s17] =	ssyncset.done $0x0  }
0x1ea: {  	s18 =	simm.s32 $0x1280;
	[sflag:s17] =	ssyncadd.s32 $0xFFFFD800  }
0x1eb: {  	[tilespmem:s26], [sflag:$0x1] =	stream.indirect.gather [spmem:s3], $0x80, s18, s19, $0xb8;
	[tilespmem:$0x1A400] =	vst v63  }
0x1ec: {  	_ =	swait.ge [sflag:s31], $0x2800  }
0x1ed: {  	[sflag:s31] =	ssyncset.done $0x0  }
0x1ee: {  	s18 =	rddreg [dreg:$0xf];
	[sflag:s31] =	ssyncadd.s32 $0xFFFFD800  }
0x1ef: {  	[hbm4b:s18+s4] =	stream.linear.scatter [tilespmem:s26], [sflag:$0x2], $0x2800, $0x38;
	[tilespmem:$0x1A400] =	vst v63  }
0x1f0: {  	_ =	swait.ge [sflag:s17], $0x2800  }
0x1f1: {  	[sflag:s17] =	ssyncset.done $0x0  }
0x1f2: {  	s18 =	simm.s32 $0x1300;
	[sflag:s17] =	ssyncadd.s32 $0xFFFFD800  }
0x1f3: {  	[tilespmem:s26], [sflag:$0x1] =	stream.indirect.gather [spmem:s3], $0x80, s18, s19, $0xb8;
	[tilespmem:$0x1A400] =	vst v63  }
0x1f4: {  	_ =	swait.ge [sflag:s31], $0x2800  }
0x1f5: {  	[sflag:s31] =	ssyncset.done $0x0  }
0x1f6: {  	s18 =	rddreg [dreg:$0x10];
	[sflag:s31] =	ssyncadd.s32 $0xFFFFD800  }
0x1f7: {  	[hbm4b:s18+s4] =	stream.linear.scatter [tilespmem:s26], [sflag:$0x2], $0x2800, $0x38;
	[tilespmem:$0x1A400] =	vst v63  }
0x1f8: {  	_ =	swait.ge [sflag:s17], $0x2800  }
0x1f9: {  	[sflag:s17] =	ssyncset.done $0x0  }
0x1fa: {  	s18 =	simm.s32 $0x1380;
	[sflag:s17] =	ssyncadd.s32 $0xFFFFD800  }
0x1fb: {  	[tilespmem:s26], [sflag:$0x1] =	stream.indirect.gather [spmem:s3], $0x80, s18, s19, $0xb8;
	[tilespmem:$0x1A400] =	vst v63  }
0x1fc: {  	_ =	swait.ge [sflag:s31], $0x2800  }
0x1fd: {  	[sflag:s31] =	ssyncset.done $0x0  }
0x1fe: {  	s16 =	rddreg [dreg:$0x11];
	[sflag:s31] =	ssyncadd.s32 $0xFFFFD800  }
0x1ff: {  	[hbm4b:s16+s4] =	stream.linear.scatter [tilespmem:s26], [sflag:$0x2], $0x2800, $0x38;
	[tilespmem:$0x1A400] =	vst v63  }
0x200: {  	_ =	swait.ge [sflag:s17], $0x2800  }
0x201: {  	s29 =	rddreg [dreg:$0x13]  }
0x202: {  	s16 =	rddreg [dreg:$0x12];
	s29 =	sadd.s32 $0x1, s29  }
0x203: {  	p0 =	sne.s32 s29, s16  }
.Ltmp1:
0x204: {  	_ = 	snop;
	(pc) =	sbr.rel @p0 .LBB2_1-.Ltmp1, $3  }
0x205: {  	_ =	sdelay $0x1  }
0x206: {  	[sflag:s17] =	ssyncset.done $0x0  }
0x207: {  	[sflag:s17] =	ssyncadd.s32 $0xFFFFD800;
	[dreg:$0x13] =	wrdreg s29;
	s29 =	simm.s32 $0x1000  }
0x208: {  	_ =	sfence.sel $0x180000  }
0x209: {  	[bflag:$0x0] =	sbarrier.arrive $0xFFFF  }
0x20a: {  	_ =	strace $0x9000004A  }
0x20b: {  	s0 =	stileid.u32;
	[bflag:$0x2] =	sbarrier.arrive $0xFFFF  }
0x20c: {  	p0 =	sne.s32 s0, $0x0;
	s0 =	rddreg [dreg:$0x4]  }
0x20d: {  	s0 =	sadd.s32 @!p0 $0x100000, s0  }
0x20e: {  	[sflag:s0] =	ssyncadd.tile.s32 @!p0 $0x1;
	_ =	shalt  }
.Lfunc_end2:
_tile_overlayer_lowered:
.L_overlay_start_2:
0x20f: {  	(tag) =	ssettag $0x2  }
0x210: {  	s0 =	rddreg [dreg:$0x0];
	s2 =	stileid.u32  }
0x211: {  	s1 =	rddreg [dreg:$0x1];
	p0 =	sne.s32 s2, $0x0  }
0x212: {  	s3 =	rddreg [dreg:$0x2];
	[bflag:$0x3] =	sbarrier.arrive $0xFFFF;
	s2 =	simm.s32 @!p0 $0x1C02  }
0x213: {  	[timem:s3], [sflag:s2] =	dma.local @!p0 [hbm:s0], s1  }
0x214: {  	s0 =	simm.s32 @!p0 $0x2  }
0x215: {  	_ =	swait.ge @!p0 [sflag:s0], s1  }
0x216: {  	s1 =	ssub.s32 @!p0 $0x0, s1;
	[sflag:s0] =	ssyncset.done @!p0 $0x0  }
0x217: {  	[sflag:s0] =	ssyncadd.s32 @!p0 s1  }
0x218: {  	[bflag:$0x3] =	sbarrier.arrive $0xFFFF  }
0x219: {  	_ =	shalt  }

</sc_bundles>
